<compile_context>
chip_gen: v7x
topology: tpu7x:2x2x1
jax: 0.10.2.dev20260603
libtpu: 0.0.44.dev20260713+nightly
codegen_flags: <defaults>
</compile_context>

<pallas_src>
import functools

import jax
import jax.numpy as jnp
from jax.experimental import pallas as pl
from jax.experimental.pallas import tpu as pltpu
from jax.experimental.pallas import tpu_sc as plsc

REQ_VEC = 256
EMBED_K = 64
BATCH = 16384
STD = 0.1
L_W = 0.01
COEF_U = 0.1
COEF_I = 0.1

_GATHER_W = 128
_NW = 32


def _sc_gather(user_vec, item_vec, u, up, un, p, n, pp, pn):
    per = BATCH // _NW
    bu = 3 * per
    bi = 4 * per
    _sc_mesh = plsc.VectorSubcoreMesh(core_axis_name="c", subcore_axis_name="s")

    @functools.partial(
        pl.kernel,
        out_type=(
            jax.ShapeDtypeStruct((3 * BATCH, REQ_VEC), jnp.float32),
            jax.ShapeDtypeStruct((4 * BATCH, REQ_VEC), jnp.float32),
        ),
        mesh=_sc_mesh,
        scratch_types=[
            pltpu.VMEM((bu,), jnp.int32),
            pltpu.VMEM((bi,), jnp.int32),
            pltpu.VMEM((_GATHER_W, REQ_VEC), jnp.float32),
            pltpu.VMEM((_GATHER_W, REQ_VEC), jnp.float32),
            pltpu.VMEM((_GATHER_W, REQ_VEC), jnp.float32),
            pltpu.SemaphoreType.DMA,
            pltpu.SemaphoreType.DMA,
            pltpu.SemaphoreType.DMA,
        ],
    )
    def k(uv_hbm, iv_hbm, u_h, up_h, un_h, p_h, n_h, pp_h, pn_h,
          gu_hbm, gi_hbm, idxu_v, idxi_v, b0, b1, b2, gsem, osem, isem):
        wid = jax.lax.axis_index("s") * 2 + jax.lax.axis_index("c")
        base = wid * per
        idx_loads = [
            pltpu.async_copy(ref.at[pl.ds(base, per)],
                             idxu_v.at[pl.ds(s * per, per)], isem)
            for s, ref in enumerate((u_h, up_h, un_h))
        ] + [
            pltpu.async_copy(ref.at[pl.ds(base, per)],
                             idxi_v.at[pl.ds(s * per, per)], isem)
            for s, ref in enumerate((p_h, n_h, pp_h, pn_h))
        ]
        for ld in idx_loads[:3]:
            ld.wait()
        chunks = []
        for s in range(3):
            for c in range(per // _GATHER_W):
                off = s * per + c * _GATHER_W
                chunks.append((uv_hbm, idxu_v, gu_hbm,
                               s * BATCH + base + c * _GATHER_W, off))
        for s in range(4):
            for c in range(per // _GATHER_W):
                off = s * per + c * _GATHER_W
                chunks.append((iv_hbm, idxi_v, gi_hbm,
                               s * BATCH + base + c * _GATHER_W, off))
        bufs = (b0, b1, b2)
        n_ch = len(chunks)
        gathers = [None] * n_ch
        outs = [None] * n_ch
        first_item = 3 * (per // _GATHER_W)
        for j in range(n_ch + 1):
            if j < n_ch:
                if j == first_item:
                    for ld in idx_loads[3:]:
                        ld.wait()
                if j >= 3:
                    outs[j - 3].wait()
                src, idx_v, _, _, off = chunks[j]
                gathers[j] = pltpu.async_copy(
                    src.at[idx_v.at[pl.ds(off, _GATHER_W)]], bufs[j % 3], gsem
                )
            if j >= 1:
                gathers[j - 1].wait()
                _, _, dst, dst_off, _ = chunks[j - 1]
                outs[j - 1] = pltpu.async_copy(
                    bufs[(j - 1) % 3], dst.at[pl.ds(dst_off, _GATHER_W)], osem
                )
        outs[n_ch - 3].wait()
        outs[n_ch - 2].wait()
        outs[n_ch - 1].wait()

    return k(user_vec, item_vec, u, up, un, p, n, pp, pn)


_CHUNK = 2048


def _tc_body(gu_ref, gi_ref, fs_ref, out_ref):
    c = _CHUNK
    pltpu.prng_seed(pl.program_id(0))
    bits = pltpu.prng_random_bits((7 * c, REQ_VEC))
    nz = bits.astype(jnp.float32) * (STD * 3.4641016151377544 / 4294967296.0)
    xu = gu_ref[...].reshape(3 * c, REQ_VEC) + nz[: 3 * c]
    xi = gi_ref[...].reshape(4 * c, REQ_VEC) + nz[3 * c :]
    f1 = jnp.dot(xu, fs_ref[...], preferred_element_type=jnp.float32)
    f2 = jnp.dot(xi, fs_ref[...], preferred_element_type=jnp.float32)
    f1 = f1.reshape(3, c, EMBED_K)
    f2 = f2.reshape(4, c, EMBED_K)
    fu, fup, fun = (f1[j] for j in range(3))
    fp, fn_, fpp, fpn = (f2[j] for j in range(4))
    s_up = jnp.sum(fu * fp, axis=1)
    s_un = jnp.sum(fu * fn_, axis=1)
    s_uup = jnp.sum(fu * fup, axis=1)
    s_uun = jnp.sum(fu * fun, axis=1)
    s_ppp = jnp.sum(fp * fpp, axis=1)
    s_ppn = jnp.sum(fp * fpn, axis=1)
    part = (
        -jnp.sum(jnp.log(jax.nn.sigmoid(s_up - s_un) + 1e-08))
        - COEF_U * jnp.sum(jnp.log(jax.nn.sigmoid(s_uup - s_uun)))
        - COEF_I * jnp.sum(jnp.log(jax.nn.sigmoid(s_ppp - s_ppn)))
        + L_W * (jnp.sum(f1 * f1) + jnp.sum(f2 * f2))
    )

    i = pl.program_id(0)

    @pl.when(i == 0)
    def _():
        out_ref[...] = jnp.zeros_like(out_ref)

    out_ref[...] += part.reshape(1, 1)

    @pl.when(i == pl.num_programs(0) - 1)
    def _():
        out_ref[...] = out_ref[...] * (1.0 / BATCH)


def _tc_loss(gu3, gi4, fs):
    out = pl.pallas_call(
        _tc_body,
        grid=(BATCH // _CHUNK,),
        in_specs=[
            pl.BlockSpec((3, _CHUNK, REQ_VEC), lambda i: (0, i, 0)),
            pl.BlockSpec((4, _CHUNK, REQ_VEC), lambda i: (0, i, 0)),
            pl.BlockSpec((REQ_VEC, EMBED_K), lambda i: (0, 0)),
        ],
        out_specs=pl.BlockSpec((1, 1), lambda i: (0, 0)),
        out_shape=jax.ShapeDtypeStruct((1, 1), jnp.float32),
    )(gu3, gi4, fs)
    return out[0, 0]


def kernel(u, p, n, up, un, pp, pn, user_vector, item_vector, FS):
    gu, gi = _sc_gather(
        user_vector, item_vector,
        u.astype(jnp.int32), up.astype(jnp.int32), un.astype(jnp.int32),
        p.astype(jnp.int32), n.astype(jnp.int32),
        pp.astype(jnp.int32), pn.astype(jnp.int32),
    )
    gu3 = gu.reshape(3, BATCH, REQ_VEC)
    gi4 = gi.reshape(4, BATCH, REQ_VEC)
    return _tc_loss(gu3, gi4, FS)

# --- scband reference (transcript-rebuilt; emitter-appended) ---
"""Pipeline reference for scband-csgdemodel-15805479649968 (READ-ONLY COPY).

The authoritative reference and input builder live on the scoring server;
editing this copy changes nothing except your own understanding.
"""

import jax, jax.numpy as jnp
import numpy as np

N_USERS = 100000
N_ITEMS = 100000
REQ_VEC = 256
EMBED_K = 64
BATCH = 16384
STD = 0.1
BETA = 2.0
L_W = 0.01
COEF_U = 0.1
COEF_I = 0.1


def setup_inputs(seed: int = 0):
    key = jax.random.key(seed)
    ks = jax.random.split(key, 12)
    u = jax.random.randint(ks[0], (BATCH,), 0, N_USERS, dtype=jnp.int64) if jax.config.read('jax_enable_x64') else jax.random.randint(ks[0], (BATCH,), 0, N_USERS)
    p = jax.random.randint(ks[1], (BATCH,), 0, N_ITEMS)
    n = jax.random.randint(ks[2], (BATCH,), 0, N_ITEMS)
    up = jax.random.randint(ks[3], (BATCH,), 0, N_USERS)
    un = jax.random.randint(ks[4], (BATCH,), 0, N_USERS)
    pp = jax.random.randint(ks[5], (BATCH,), 0, N_ITEMS)
    pn = jax.random.randint(ks[6], (BATCH,), 0, N_ITEMS)
    # SVD factors U, V and singular values (init-time tensors u/v/value in torch __init__)
    U = jax.random.normal(ks[7], (N_USERS, REQ_VEC), dtype=jnp.float32) * 0.01
    V = jax.random.normal(ks[8], (N_ITEMS, REQ_VEC), dtype=jnp.float32) * 0.01
    value = jnp.sort(jax.random.uniform(ks[9], (REQ_VEC,), dtype=jnp.float32))[::-1]
    svd_filter = jnp.exp(BETA * value)  # weight_func
    user_vector = U * svd_filter
    item_vector = V * svd_filter
    limit = float(np.sqrt(6.0 / (REQ_VEC + EMBED_K)))
    FS = jax.random.uniform(ks[10], (REQ_VEC, EMBED_K), minval=-limit, maxval=limit, dtype=jnp.float32)
    return {"u": u, "p": p, "n": n, "up": up, "un": un, "pp": pp, "pn": pn,
            "user_vector": user_vector, "item_vector": item_vector, "FS": FS}


def reference(u, p, n, up, un, pp, pn, user_vector, item_vector, FS):
    nkey = jax.random.key(12345)
    nks = jax.random.split(nkey, 7)

    def noisy_gather(table, idx, k):
        g = jnp.take(table, idx, axis=0)
        return g + STD * jax.random.normal(k, g.shape, dtype=g.dtype)

    final_user = noisy_gather(user_vector, u, nks[0]) @ FS
    final_pos = noisy_gather(item_vector, p, nks[1]) @ FS
    final_nega = noisy_gather(item_vector, n, nks[2]) @ FS
    final_user_p = noisy_gather(user_vector, up, nks[3]) @ FS
    final_user_n = noisy_gather(user_vector, un, nks[4]) @ FS
    final_pos_p = noisy_gather(item_vector, pp, nks[5]) @ FS
    final_pos_n = noisy_gather(item_vector, pn, nks[6]) @ FS

    out = jax.nn.sigmoid((final_user * final_pos).sum(1) - (final_user * final_nega).sum(1))
    self_loss_u = jnp.log(jax.nn.sigmoid((final_user * final_user_p).sum(1) - (final_user * final_user_n).sum(1))).sum()
    self_loss_i = jnp.log(jax.nn.sigmoid((final_pos * final_pos_p).sum(1) - (final_pos * final_pos_n).sum(1))).sum()
    regu_term = L_W * (final_user ** 2 + final_pos ** 2 + final_nega ** 2 + final_user_p ** 2 + final_user_n ** 2 + final_pos_p ** 2 + final_pos_n ** 2).sum()
    loss = (-jnp.log(out + 1e-08).sum() - COEF_U * self_loss_u - COEF_I * self_loss_i + regu_term) / u.shape[0]
    return loss

if __name__ == "__main__":
    import jax
    _d = setup_inputs()
    print(jax.jit(kernel)(*tuple(_d.values())))

</pallas_src>

<mosaic_0001>
#map = affine_map<(d0, d1) -> (0, 0)>
#map1 = affine_map<(d0, d1) -> (0)>
module attributes {stable_mosaic.version = 14 : i64} {
  func.func @k(%arg0: i32, %arg1: i32, %arg2: memref<100000x256xf32, #tpu.memory_space<hbm>>, %arg3: memref<100000x256xf32, #tpu.memory_space<hbm>>, %arg4: memref<16384xi32, #tpu.memory_space<hbm>>, %arg5: memref<16384xi32, #tpu.memory_space<hbm>>, %arg6: memref<16384xi32, #tpu.memory_space<hbm>>, %arg7: memref<16384xi32, #tpu.memory_space<hbm>>, %arg8: memref<16384xi32, #tpu.memory_space<hbm>>, %arg9: memref<16384xi32, #tpu.memory_space<hbm>>, %arg10: memref<16384xi32, #tpu.memory_space<hbm>>, %arg11: memref<49152x256xf32, #tpu.memory_space<hbm>>, %arg12: memref<65536x256xf32, #tpu.memory_space<hbm>>, %arg13: memref<1536xi32, #tpu.memory_space<vmem>>, %arg14: memref<2048xi32, #tpu.memory_space<vmem>>, %arg15: memref<128x256xf32, #tpu.memory_space<vmem>>, %arg16: memref<128x256xf32, #tpu.memory_space<vmem>>, %arg17: memref<128x256xf32, #tpu.memory_space<vmem>>, %arg18: memref<!tpu.dma_semaphore, #tpu.memory_space<semaphore_mem>>, %arg19: memref<!tpu.dma_semaphore, #tpu.memory_space<semaphore_mem>>, %arg20: memref<!tpu.dma_semaphore, #tpu.memory_space<semaphore_mem>>) attributes {dimension_semantics = [#tpu.dimension_semantics<core_parallel>, #tpu.dimension_semantics<subcore_parallel>], iteration_bounds = array<i64: 2, 16>, scalar_prefetch = 0 : i64, scratch_operands = 8 : i64, tpu.core_type = #tpu.core_type<sc_vector_subcore>, window_params = [{transform_indices = #map}, {transform_indices = #map}, {transform_indices = #map1}, {transform_indices = #map1}, {transform_indices = #map1}, {transform_indices = #map1}, {transform_indices = #map1}, {transform_indices = #map1}, {transform_indices = #map1}, {transform_indices = #map}, {transform_indices = #map}]} {
    %mul3A = arith.constant 2 : i32
    %mul3A_0 = arith.muli %arg1, %mul3A : i32
    %add3A = arith.addi %mul3A_0, %arg0 : i32
    %mul3A_1 = arith.constant 512 : i32
    %mul3A_2 = arith.muli %add3A, %mul3A_1 : i32
    %dma_start3A = arith.constant 0 : i32
    %dma_start3A_3 = tpu.memref_slice %arg13[%dma_start3A] : memref<1536xi32, #tpu.memory_space<vmem>> -> memref<512xi32, #tpu.memory_space<vmem>>
    %dma_start3A_4 = tpu.memref_slice %arg4[%mul3A_2] : memref<16384xi32, #tpu.memory_space<hbm>> -> memref<512xi32, #tpu.memory_space<hbm>>
    %dma_start3A_5 = arith.constant 0 : i32
    %dma_start3A_6 = tpu.memref_slice %arg13[%dma_start3A_5] : memref<1536xi32, #tpu.memory_space<vmem>> -> memref<512xi32, #tpu.memory_space<vmem>>
    %dma_start3A_7 = tpu.memref_slice %arg4[%mul3A_2] : memref<16384xi32, #tpu.memory_space<hbm>> -> memref<512xi32, #tpu.memory_space<hbm>>
    tpu.enqueue_dma source(%dma_start3A_7 : memref<512xi32, #tpu.memory_space<hbm>>) target(%dma_start3A_6 : memref<512xi32, #tpu.memory_space<vmem>>) target_semaphore(%arg20 : memref<!tpu.dma_semaphore, #tpu.memory_space<semaphore_mem>>)
    %dma_start3A_8 = arith.constant 512 : i32
    %dma_start3A_9 = tpu.memref_slice %arg13[%dma_start3A_8] : memref<1536xi32, #tpu.memory_space<vmem>> -> memref<512xi32, #tpu.memory_space<vmem>>
    %dma_start3A_10 = tpu.memref_slice %arg5[%mul3A_2] : memref<16384xi32, #tpu.memory_space<hbm>> -> memref<512xi32, #tpu.memory_space<hbm>>
    %dma_start3A_11 = arith.constant 512 : i32
    %dma_start3A_12 = tpu.memref_slice %arg13[%dma_start3A_11] : memref<1536xi32, #tpu.memory_space<vmem>> -> memref<512xi32, #tpu.memory_space<vmem>>
    %dma_start3A_13 = tpu.memref_slice %arg5[%mul3A_2] : memref<16384xi32, #tpu.memory_space<hbm>> -> memref<512xi32, #tpu.memory_space<hbm>>
    tpu.enqueue_dma source(%dma_start3A_13 : memref<512xi32, #tpu.memory_space<hbm>>) target(%dma_start3A_12 : memref<512xi32, #tpu.memory_space<vmem>>) target_semaphore(%arg20 : memref<!tpu.dma_semaphore, #tpu.memory_space<semaphore_mem>>)
    %dma_start3A_14 = arith.constant 1024 : i32
    %dma_start3A_15 = tpu.memref_slice %arg13[%dma_start3A_14] : memref<1536xi32, #tpu.memory_space<vmem>> -> memref<512xi32, #tpu.memory_space<vmem>>
    %dma_start3A_16 = tpu.memref_slice %arg6[%mul3A_2] : memref<16384xi32, #tpu.memory_space<hbm>> -> memref<512xi32, #tpu.memory_space<hbm>>
    %dma_start3A_17 = arith.constant 1024 : i32
    %dma_start3A_18 = tpu.memref_slice %arg13[%dma_start3A_17] : memref<1536xi32, #tpu.memory_space<vmem>> -> memref<512xi32, #tpu.memory_space<vmem>>
    %dma_start3A_19 = tpu.memref_slice %arg6[%mul3A_2] : memref<16384xi32, #tpu.memory_space<hbm>> -> memref<512xi32, #tpu.memory_space<hbm>>
    tpu.enqueue_dma source(%dma_start3A_19 : memref<512xi32, #tpu.memory_space<hbm>>) target(%dma_start3A_18 : memref<512xi32, #tpu.memory_space<vmem>>) target_semaphore(%arg20 : memref<!tpu.dma_semaphore, #tpu.memory_space<semaphore_mem>>)
    %dma_start3A_20 = arith.constant 0 : i32
    %dma_start3A_21 = tpu.memref_slice %arg14[%dma_start3A_20] : memref<2048xi32, #tpu.memory_space<vmem>> -> memref<512xi32, #tpu.memory_space<vmem>>
    %dma_start3A_22 = tpu.memref_slice %arg7[%mul3A_2] : memref<16384xi32, #tpu.memory_space<hbm>> -> memref<512xi32, #tpu.memory_space<hbm>>
    %dma_start3A_23 = arith.constant 0 : i32
    %dma_start3A_24 = tpu.memref_slice %arg14[%dma_start3A_23] : memref<2048xi32, #tpu.memory_space<vmem>> -> memref<512xi32, #tpu.memory_space<vmem>>
    %dma_start3A_25 = tpu.memref_slice %arg7[%mul3A_2] : memref<16384xi32, #tpu.memory_space<hbm>> -> memref<512xi32, #tpu.memory_space<hbm>>
    tpu.enqueue_dma source(%dma_start3A_25 : memref<512xi32, #tpu.memory_space<hbm>>) target(%dma_start3A_24 : memref<512xi32, #tpu.memory_space<vmem>>) target_semaphore(%arg20 : memref<!tpu.dma_semaphore, #tpu.memory_space<semaphore_mem>>)
    %dma_start3A_26 = arith.constant 512 : i32
    %dma_start3A_27 = tpu.memref_slice %arg14[%dma_start3A_26] : memref<2048xi32, #tpu.memory_space<vmem>> -> memref<512xi32, #tpu.memory_space<vmem>>
    %dma_start3A_28 = tpu.memref_slice %arg8[%mul3A_2] : memref<16384xi32, #tpu.memory_space<hbm>> -> memref<512xi32, #tpu.memory_space<hbm>>
    %dma_start3A_29 = arith.constant 512 : i32
    %dma_start3A_30 = tpu.memref_slice %arg14[%dma_start3A_29] : memref<2048xi32, #tpu.memory_space<vmem>> -> memref<512xi32, #tpu.memory_space<vmem>>
    %dma_start3A_31 = tpu.memref_slice %arg8[%mul3A_2] : memref<16384xi32, #tpu.memory_space<hbm>> -> memref<512xi32, #tpu.memory_space<hbm>>
    tpu.enqueue_dma source(%dma_start3A_31 : memref<512xi32, #tpu.memory_space<hbm>>) target(%dma_start3A_30 : memref<512xi32, #tpu.memory_space<vmem>>) target_semaphore(%arg20 : memref<!tpu.dma_semaphore, #tpu.memory_space<semaphore_mem>>)
    %dma_start3A_32 = arith.constant 1024 : i32
    %dma_start3A_33 = tpu.memref_slice %arg14[%dma_start3A_32] : memref<2048xi32, #tpu.memory_space<vmem>> -> memref<512xi32, #tpu.memory_space<vmem>>
    %dma_start3A_34 = tpu.memref_slice %arg9[%mul3A_2] : memref<16384xi32, #tpu.memory_space<hbm>> -> memref<512xi32, #tpu.memory_space<hbm>>
    %dma_start3A_35 = arith.constant 1024 : i32
    %dma_start3A_36 = tpu.memref_slice %arg14[%dma_start3A_35] : memref<2048xi32, #tpu.memory_space<vmem>> -> memref<512xi32, #tpu.memory_space<vmem>>
    %dma_start3A_37 = tpu.memref_slice %arg9[%mul3A_2] : memref<16384xi32, #tpu.memory_space<hbm>> -> memref<512xi32, #tpu.memory_space<hbm>>
    tpu.enqueue_dma source(%dma_start3A_37 : memref<512xi32, #tpu.memory_space<hbm>>) target(%dma_start3A_36 : memref<512xi32, #tpu.memory_space<vmem>>) target_semaphore(%arg20 : memref<!tpu.dma_semaphore, #tpu.memory_space<semaphore_mem>>)
    %dma_start3A_38 = arith.constant 1536 : i32
    %dma_start3A_39 = tpu.memref_slice %arg14[%dma_start3A_38] : memref<2048xi32, #tpu.memory_space<vmem>> -> memref<512xi32, #tpu.memory_space<vmem>>
    %dma_start3A_40 = tpu.memref_slice %arg10[%mul3A_2] : memref<16384xi32, #tpu.memory_space<hbm>> -> memref<512xi32, #tpu.memory_space<hbm>>
    %dma_start3A_41 = arith.constant 1536 : i32
    %dma_start3A_42 = tpu.memref_slice %arg14[%dma_start3A_41] : memref<2048xi32, #tpu.memory_space<vmem>> -> memref<512xi32, #tpu.memory_space<vmem>>
    %dma_start3A_43 = tpu.memref_slice %arg10[%mul3A_2] : memref<16384xi32, #tpu.memory_space<hbm>> -> memref<512xi32, #tpu.memory_space<hbm>>
    tpu.enqueue_dma source(%dma_start3A_43 : memref<512xi32, #tpu.memory_space<hbm>>) target(%dma_start3A_42 : memref<512xi32, #tpu.memory_space<vmem>>) target_semaphore(%arg20 : memref<!tpu.dma_semaphore, #tpu.memory_space<semaphore_mem>>)
    %dma_wait3A = arith.constant 0 : i32
    %dma_wait3A_44 = tpu.memref_slice %arg13[%dma_wait3A] : memref<1536xi32, #tpu.memory_space<vmem>> -> memref<512xi32, #tpu.memory_space<vmem>>
    %dma_wait3A_45 = tpu.memref_slice %arg4[%mul3A_2] : memref<16384xi32, #tpu.memory_space<hbm>> -> memref<512xi32, #tpu.memory_space<hbm>>
    %dma_wait3A_46 = arith.constant 0 : i32
    %dma_wait3A_47 = tpu.memref_slice %arg13[%dma_wait3A_46] : memref<1536xi32, #tpu.memory_space<vmem>> -> memref<512xi32, #tpu.memory_space<vmem>>
    %dma_wait3A_48 = tpu.memref_slice %arg4[%mul3A_2] : memref<16384xi32, #tpu.memory_space<hbm>> -> memref<512xi32, #tpu.memory_space<hbm>>
    tpu.wait_dma2 semaphore(%arg20 : memref<!tpu.dma_semaphore, #tpu.memory_space<semaphore_mem>>) src(%dma_wait3A_48 : memref<512xi32, #tpu.memory_space<hbm>>) dst(%dma_wait3A_47 : memref<512xi32, #tpu.memory_space<vmem>>)
    %dma_wait3A_49 = arith.constant 512 : i32
    %dma_wait3A_50 = tpu.memref_slice %arg13[%dma_wait3A_49] : memref<1536xi32, #tpu.memory_space<vmem>> -> memref<512xi32, #tpu.memory_space<vmem>>
    %dma_wait3A_51 = tpu.memref_slice %arg5[%mul3A_2] : memref<16384xi32, #tpu.memory_space<hbm>> -> memref<512xi32, #tpu.memory_space<hbm>>
    %dma_wait3A_52 = arith.constant 512 : i32
    %dma_wait3A_53 = tpu.memref_slice %arg13[%dma_wait3A_52] : memref<1536xi32, #tpu.memory_space<vmem>> -> memref<512xi32, #tpu.memory_space<vmem>>
    %dma_wait3A_54 = tpu.memref_slice %arg5[%mul3A_2] : memref<16384xi32, #tpu.memory_space<hbm>> -> memref<512xi32, #tpu.memory_space<hbm>>
    tpu.wait_dma2 semaphore(%arg20 : memref<!tpu.dma_semaphore, #tpu.memory_space<semaphore_mem>>) src(%dma_wait3A_54 : memref<512xi32, #tpu.memory_space<hbm>>) dst(%dma_wait3A_53 : memref<512xi32, #tpu.memory_space<vmem>>)
    %dma_wait3A_55 = arith.constant 1024 : i32
    %dma_wait3A_56 = tpu.memref_slice %arg13[%dma_wait3A_55] : memref<1536xi32, #tpu.memory_space<vmem>> -> memref<512xi32, #tpu.memory_space<vmem>>
    %dma_wait3A_57 = tpu.memref_slice %arg6[%mul3A_2] : memref<16384xi32, #tpu.memory_space<hbm>> -> memref<512xi32, #tpu.memory_space<hbm>>
    %dma_wait3A_58 = arith.constant 1024 : i32
    %dma_wait3A_59 = tpu.memref_slice %arg13[%dma_wait3A_58] : memref<1536xi32, #tpu.memory_space<vmem>> -> memref<512xi32, #tpu.memory_space<vmem>>
    %dma_wait3A_60 = tpu.memref_slice %arg6[%mul3A_2] : memref<16384xi32, #tpu.memory_space<hbm>> -> memref<512xi32, #tpu.memory_space<hbm>>
    tpu.wait_dma2 semaphore(%arg20 : memref<!tpu.dma_semaphore, #tpu.memory_space<semaphore_mem>>) src(%dma_wait3A_60 : memref<512xi32, #tpu.memory_space<hbm>>) dst(%dma_wait3A_59 : memref<512xi32, #tpu.memory_space<vmem>>)
    %add3A_61 = arith.constant 0 : i32
    %add3A_62 = arith.addi %add3A_61, %mul3A_2 : i32
    %add3A_63 = arith.constant 0 : i32
    %add3A_64 = arith.addi %add3A_62, %add3A_63 : i32
    %add3A_65 = arith.constant 0 : i32
    %add3A_66 = arith.addi %add3A_65, %mul3A_2 : i32
    %add3A_67 = arith.constant 128 : i32
    %add3A_68 = arith.addi %add3A_66, %add3A_67 : i32
    %add3A_69 = arith.constant 0 : i32
    %add3A_70 = arith.addi %add3A_69, %mul3A_2 : i32
    %add3A_71 = arith.constant 256 : i32
    %add3A_72 = arith.addi %add3A_70, %add3A_71 : i32
    %add3A_73 = arith.constant 0 : i32
    %add3A_74 = arith.addi %add3A_73, %mul3A_2 : i32
    %add3A_75 = arith.constant 384 : i32
    %add3A_76 = arith.addi %add3A_74, %add3A_75 : i32
    %add3A_77 = arith.constant 16384 : i32
    %add3A_78 = arith.addi %add3A_77, %mul3A_2 : i32
    %add3A_79 = arith.constant 0 : i32
    %add3A_80 = arith.addi %add3A_78, %add3A_79 : i32
    %add3A_81 = arith.constant 16384 : i32
    %add3A_82 = arith.addi %add3A_81, %mul3A_2 : i32
    %add3A_83 = arith.constant 128 : i32
    %add3A_84 = arith.addi %add3A_82, %add3A_83 : i32
    %add3A_85 = arith.constant 16384 : i32
    %add3A_86 = arith.addi %add3A_85, %mul3A_2 : i32
    %add3A_87 = arith.constant 256 : i32
    %add3A_88 = arith.addi %add3A_86, %add3A_87 : i32
    %add3A_89 = arith.constant 16384 : i32
    %add3A_90 = arith.addi %add3A_89, %mul3A_2 : i32
    %add3A_91 = arith.constant 384 : i32
    %add3A_92 = arith.addi %add3A_90, %add3A_91 : i32
    %add3A_93 = arith.constant 32768 : i32
    %add3A_94 = arith.addi %add3A_93, %mul3A_2 : i32
    %add3A_95 = arith.constant 0 : i32
    %add3A_96 = arith.addi %add3A_94, %add3A_95 : i32
    %add3A_97 = arith.constant 32768 : i32
    %add3A_98 = arith.addi %add3A_97, %mul3A_2 : i32
    %add3A_99 = arith.constant 128 : i32
    %add3A_100 = arith.addi %add3A_98, %add3A_99 : i32
    %add3A_101 = arith.constant 32768 : i32
    %add3A_102 = arith.addi %add3A_101, %mul3A_2 : i32
    %add3A_103 = arith.constant 256 : i32
    %add3A_104 = arith.addi %add3A_102, %add3A_103 : i32
    %add3A_105 = arith.constant 32768 : i32
    %add3A_106 = arith.addi %add3A_105, %mul3A_2 : i32
    %add3A_107 = arith.constant 384 : i32
    %add3A_108 = arith.addi %add3A_106, %add3A_107 : i32
    %add3A_109 = arith.constant 0 : i32
    %add3A_110 = arith.addi %add3A_109, %mul3A_2 : i32
    %add3A_111 = arith.constant 0 : i32
    %add3A_112 = arith.addi %add3A_110, %add3A_111 : i32
    %add3A_113 = arith.constant 0 : i32
    %add3A_114 = arith.addi %add3A_113, %mul3A_2 : i32
    %add3A_115 = arith.constant 128 : i32
    %add3A_116 = arith.addi %add3A_114, %add3A_115 : i32
    %add3A_117 = arith.constant 0 : i32
    %add3A_118 = arith.addi %add3A_117, %mul3A_2 : i32
    %add3A_119 = arith.constant 256 : i32
    %add3A_120 = arith.addi %add3A_118, %add3A_119 : i32
    %add3A_121 = arith.constant 0 : i32
    %add3A_122 = arith.addi %add3A_121, %mul3A_2 : i32
    %add3A_123 = arith.constant 384 : i32
    %add3A_124 = arith.addi %add3A_122, %add3A_123 : i32
    %add3A_125 = arith.constant 16384 : i32
    %add3A_126 = arith.addi %add3A_125, %mul3A_2 : i32
    %add3A_127 = arith.constant 0 : i32
    %add3A_128 = arith.addi %add3A_126, %add3A_127 : i32
    %add3A_129 = arith.constant 16384 : i32
    %add3A_130 = arith.addi %add3A_129, %mul3A_2 : i32
    %add3A_131 = arith.constant 128 : i32
    %add3A_132 = arith.addi %add3A_130, %add3A_131 : i32
    %add3A_133 = arith.constant 16384 : i32
    %add3A_134 = arith.addi %add3A_133, %mul3A_2 : i32
    %add3A_135 = arith.constant 256 : i32
    %add3A_136 = arith.addi %add3A_134, %add3A_135 : i32
    %add3A_137 = arith.constant 16384 : i32
    %add3A_138 = arith.addi %add3A_137, %mul3A_2 : i32
    %add3A_139 = arith.constant 384 : i32
    %add3A_140 = arith.addi %add3A_138, %add3A_139 : i32
    %add3A_141 = arith.constant 32768 : i32
    %add3A_142 = arith.addi %add3A_141, %mul3A_2 : i32
    %add3A_143 = arith.constant 0 : i32
    %add3A_144 = arith.addi %add3A_142, %add3A_143 : i32
    %add3A_145 = arith.constant 32768 : i32
    %add3A_146 = arith.addi %add3A_145, %mul3A_2 : i32
    %add3A_147 = arith.constant 128 : i32
    %add3A_148 = arith.addi %add3A_146, %add3A_147 : i32
    %add3A_149 = arith.constant 32768 : i32
    %add3A_150 = arith.addi %add3A_149, %mul3A_2 : i32
    %add3A_151 = arith.constant 256 : i32
    %add3A_152 = arith.addi %add3A_150, %add3A_151 : i32
    %add3A_153 = arith.constant 32768 : i32
    %add3A_154 = arith.addi %add3A_153, %mul3A_2 : i32
    %add3A_155 = arith.constant 384 : i32
    %add3A_156 = arith.addi %add3A_154, %add3A_155 : i32
    %add3A_157 = arith.constant 49152 : i32
    %add3A_158 = arith.addi %add3A_157, %mul3A_2 : i32
    %add3A_159 = arith.constant 0 : i32
    %add3A_160 = arith.addi %add3A_158, %add3A_159 : i32
    %add3A_161 = arith.constant 49152 : i32
    %add3A_162 = arith.addi %add3A_161, %mul3A_2 : i32
    %add3A_163 = arith.constant 128 : i32
    %add3A_164 = arith.addi %add3A_162, %add3A_163 : i32
    %add3A_165 = arith.constant 49152 : i32
    %add3A_166 = arith.addi %add3A_165, %mul3A_2 : i32
    %add3A_167 = arith.constant 256 : i32
    %add3A_168 = arith.addi %add3A_166, %add3A_167 : i32
    %add3A_169 = arith.constant 49152 : i32
    %add3A_170 = arith.addi %add3A_169, %mul3A_2 : i32
    %add3A_171 = arith.constant 384 : i32
    %add3A_172 = arith.addi %add3A_170, %add3A_171 : i32
    %dma_start3A_173 = arith.constant 0 : i32
    %dma_start3A_174 = tpu.memref_slice %arg13[%dma_start3A_173] : memref<1536xi32, #tpu.memory_space<vmem>> -> memref<128xi32, #tpu.memory_space<vmem>>
    %dma_start3A_175 = arith.constant 0 : i32
    %dma_start3A_176 = arith.constant 0 : i32
    %dma_start3A_177 = tpu.memref_slice %arg2[%dma_start3A_175, %dma_start3A_176] : memref<100000x256xf32, #tpu.memory_space<hbm>> -> memref<100000x256xf32, #tpu.memory_space<hbm>>
    tpu.enqueue_indirect_dma source(%dma_start3A_177 : memref<100000x256xf32, #tpu.memory_space<hbm>>) target(%arg15 : memref<128x256xf32, #tpu.memory_space<vmem>>) offsets(%dma_start3A_174 : memref<128xi32, #tpu.memory_space<vmem>>) semaphore(%arg18 : memref<!tpu.dma_semaphore, #tpu.memory_space<semaphore_mem>>)
    %dma_start3A_178 = arith.constant 128 : i32
    %dma_start3A_179 = tpu.memref_slice %arg13[%dma_start3A_178] : memref<1536xi32, #tpu.memory_space<vmem>> -> memref<128xi32, #tpu.memory_space<vmem>>
    %dma_start3A_180 = arith.constant 0 : i32
    %dma_start3A_181 = arith.constant 0 : i32
    %dma_start3A_182 = tpu.memref_slice %arg2[%dma_start3A_180, %dma_start3A_181] : memref<100000x256xf32, #tpu.memory_space<hbm>> -> memref<100000x256xf32, #tpu.memory_space<hbm>>
    tpu.enqueue_indirect_dma source(%dma_start3A_182 : memref<100000x256xf32, #tpu.memory_space<hbm>>) target(%arg16 : memref<128x256xf32, #tpu.memory_space<vmem>>) offsets(%dma_start3A_179 : memref<128xi32, #tpu.memory_space<vmem>>) semaphore(%arg18 : memref<!tpu.dma_semaphore, #tpu.memory_space<semaphore_mem>>)
    %dma_wait3A_183 = arith.constant 0 : i32
    %dma_wait3A_184 = tpu.memref_slice %arg13[%dma_wait3A_183] : memref<1536xi32, #tpu.memory_space<vmem>> -> memref<128xi32, #tpu.memory_space<vmem>>
    %dma_wait3A_185 = arith.constant 0 : i32
    %dma_wait3A_186 = arith.constant 0 : i32
    %dma_wait3A_187 = tpu.memref_slice %arg2[%dma_wait3A_185, %dma_wait3A_186] : memref<100000x256xf32, #tpu.memory_space<hbm>> -> memref<100000x256xf32, #tpu.memory_space<hbm>>
    tpu.wait_indirect_dma semaphore(%arg18 : memref<!tpu.dma_semaphore, #tpu.memory_space<semaphore_mem>>) src(%dma_wait3A_187 : memref<100000x256xf32, #tpu.memory_space<hbm>>) dst(%arg15 : memref<128x256xf32, #tpu.memory_space<vmem>>)
    %dma_start3A_188 = arith.constant 0 : i32
    %dma_start3A_189 = tpu.memref_slice %arg11[%add3A_64, %dma_start3A_188] : memref<49152x256xf32, #tpu.memory_space<hbm>> -> memref<128x256xf32, #tpu.memory_space<hbm>>
    %dma_start3A_190 = arith.constant 0 : i32
    %dma_start3A_191 = tpu.memref_slice %arg11[%add3A_64, %dma_start3A_190] : memref<49152x256xf32, #tpu.memory_space<hbm>> -> memref<128x256xf32, #tpu.memory_space<hbm>>
    tpu.enqueue_dma source(%arg15 : memref<128x256xf32, #tpu.memory_space<vmem>>) target(%dma_start3A_191 : memref<128x256xf32, #tpu.memory_space<hbm>>) target_semaphore(%arg19 : memref<!tpu.dma_semaphore, #tpu.memory_space<semaphore_mem>>)
    %dma_start3A_192 = arith.constant 256 : i32
    %dma_start3A_193 = tpu.memref_slice %arg13[%dma_start3A_192] : memref<1536xi32, #tpu.memory_space<vmem>> -> memref<128xi32, #tpu.memory_space<vmem>>
    %dma_start3A_194 = arith.constant 0 : i32
    %dma_start3A_195 = arith.constant 0 : i32
    %dma_start3A_196 = tpu.memref_slice %arg2[%dma_start3A_194, %dma_start3A_195] : memref<100000x256xf32, #tpu.memory_space<hbm>> -> memref<100000x256xf32, #tpu.memory_space<hbm>>
    tpu.enqueue_indirect_dma source(%dma_start3A_196 : memref<100000x256xf32, #tpu.memory_space<hbm>>) target(%arg17 : memref<128x256xf32, #tpu.memory_space<vmem>>) offsets(%dma_start3A_193 : memref<128xi32, #tpu.memory_space<vmem>>) semaphore(%arg18 : memref<!tpu.dma_semaphore, #tpu.memory_space<semaphore_mem>>)
    %dma_wait3A_197 = arith.constant 128 : i32
    %dma_wait3A_198 = tpu.memref_slice %arg13[%dma_wait3A_197] : memref<1536xi32, #tpu.memory_space<vmem>> -> memref<128xi32, #tpu.memory_space<vmem>>
    %dma_wait3A_199 = arith.constant 0 : i32
    %dma_wait3A_200 = arith.constant 0 : i32
    %dma_wait3A_201 = tpu.memref_slice %arg2[%dma_wait3A_199, %dma_wait3A_200] : memref<100000x256xf32, #tpu.memory_space<hbm>> -> memref<100000x256xf32, #tpu.memory_space<hbm>>
    tpu.wait_indirect_dma semaphore(%arg18 : memref<!tpu.dma_semaphore, #tpu.memory_space<semaphore_mem>>) src(%dma_wait3A_201 : memref<100000x256xf32, #tpu.memory_space<hbm>>) dst(%arg16 : memref<128x256xf32, #tpu.memory_space<vmem>>)
    %dma_start3A_202 = arith.constant 0 : i32
    %dma_start3A_203 = tpu.memref_slice %arg11[%add3A_68, %dma_start3A_202] : memref<49152x256xf32, #tpu.memory_space<hbm>> -> memref<128x256xf32, #tpu.memory_space<hbm>>
    %dma_start3A_204 = arith.constant 0 : i32
    %dma_start3A_205 = tpu.memref_slice %arg11[%add3A_68, %dma_start3A_204] : memref<49152x256xf32, #tpu.memory_space<hbm>> -> memref<128x256xf32, #tpu.memory_space<hbm>>
    tpu.enqueue_dma source(%arg16 : memref<128x256xf32, #tpu.memory_space<vmem>>) target(%dma_start3A_205 : memref<128x256xf32, #tpu.memory_space<hbm>>) target_semaphore(%arg19 : memref<!tpu.dma_semaphore, #tpu.memory_space<semaphore_mem>>)
    %dma_wait3A_206 = arith.constant 0 : i32
    %dma_wait3A_207 = tpu.memref_slice %arg11[%add3A_64, %dma_wait3A_206] : memref<49152x256xf32, #tpu.memory_space<hbm>> -> memref<128x256xf32, #tpu.memory_space<hbm>>
    %dma_wait3A_208 = arith.constant 0 : i32
    %dma_wait3A_209 = tpu.memref_slice %arg11[%add3A_64, %dma_wait3A_208] : memref<49152x256xf32, #tpu.memory_space<hbm>> -> memref<128x256xf32, #tpu.memory_space<hbm>>
    tpu.wait_dma2 semaphore(%arg19 : memref<!tpu.dma_semaphore, #tpu.memory_space<semaphore_mem>>) src(%arg15 : memref<128x256xf32, #tpu.memory_space<vmem>>) dst(%dma_wait3A_209 : memref<128x256xf32, #tpu.memory_space<hbm>>)
    %dma_start3A_210 = arith.constant 384 : i32
    %dma_start3A_211 = tpu.memref_slice %arg13[%dma_start3A_210] : memref<1536xi32, #tpu.memory_space<vmem>> -> memref<128xi32, #tpu.memory_space<vmem>>
    %dma_start3A_212 = arith.constant 0 : i32
    %dma_start3A_213 = arith.constant 0 : i32
    %dma_start3A_214 = tpu.memref_slice %arg2[%dma_start3A_212, %dma_start3A_213] : memref<100000x256xf32, #tpu.memory_space<hbm>> -> memref<100000x256xf32, #tpu.memory_space<hbm>>
    tpu.enqueue_indirect_dma source(%dma_start3A_214 : memref<100000x256xf32, #tpu.memory_space<hbm>>) target(%arg15 : memref<128x256xf32, #tpu.memory_space<vmem>>) offsets(%dma_start3A_211 : memref<128xi32, #tpu.memory_space<vmem>>) semaphore(%arg18 : memref<!tpu.dma_semaphore, #tpu.memory_space<semaphore_mem>>)
    %dma_wait3A_215 = arith.constant 256 : i32
    %dma_wait3A_216 = tpu.memref_slice %arg13[%dma_wait3A_215] : memref<1536xi32, #tpu.memory_space<vmem>> -> memref<128xi32, #tpu.memory_space<vmem>>
    %dma_wait3A_217 = arith.constant 0 : i32
    %dma_wait3A_218 = arith.constant 0 : i32
    %dma_wait3A_219 = tpu.memref_slice %arg2[%dma_wait3A_217, %dma_wait3A_218] : memref<100000x256xf32, #tpu.memory_space<hbm>> -> memref<100000x256xf32, #tpu.memory_space<hbm>>
    tpu.wait_indirect_dma semaphore(%arg18 : memref<!tpu.dma_semaphore, #tpu.memory_space<semaphore_mem>>) src(%dma_wait3A_219 : memref<100000x256xf32, #tpu.memory_space<hbm>>) dst(%arg17 : memref<128x256xf32, #tpu.memory_space<vmem>>)
    %dma_start3A_220 = arith.constant 0 : i32
    %dma_start3A_221 = tpu.memref_slice %arg11[%add3A_72, %dma_start3A_220] : memref<49152x256xf32, #tpu.memory_space<hbm>> -> memref<128x256xf32, #tpu.memory_space<hbm>>
    %dma_start3A_222 = arith.constant 0 : i32
    %dma_start3A_223 = tpu.memref_slice %arg11[%add3A_72, %dma_start3A_222] : memref<49152x256xf32, #tpu.memory_space<hbm>> -> memref<128x256xf32, #tpu.memory_space<hbm>>
    tpu.enqueue_dma source(%arg17 : memref<128x256xf32, #tpu.memory_space<vmem>>) target(%dma_start3A_223 : memref<128x256xf32, #tpu.memory_space<hbm>>) target_semaphore(%arg19 : memref<!tpu.dma_semaphore, #tpu.memory_space<semaphore_mem>>)
    %dma_wait3A_224 = arith.constant 0 : i32
    %dma_wait3A_225 = tpu.memref_slice %arg11[%add3A_68, %dma_wait3A_224] : memref<49152x256xf32, #tpu.memory_space<hbm>> -> memref<128x256xf32, #tpu.memory_space<hbm>>
    %dma_wait3A_226 = arith.constant 0 : i32
    %dma_wait3A_227 = tpu.memref_slice %arg11[%add3A_68, %dma_wait3A_226] : memref<49152x256xf32, #tpu.memory_space<hbm>> -> memref<128x256xf32, #tpu.memory_space<hbm>>
    tpu.wait_dma2 semaphore(%arg19 : memref<!tpu.dma_semaphore, #tpu.memory_space<semaphore_mem>>) src(%arg16 : memref<128x256xf32, #tpu.memory_space<vmem>>) dst(%dma_wait3A_227 : memref<128x256xf32, #tpu.memory_space<hbm>>)
    %dma_start3A_228 = arith.constant 512 : i32
    %dma_start3A_229 = tpu.memref_slice %arg13[%dma_start3A_228] : memref<1536xi32, #tpu.memory_space<vmem>> -> memref<128xi32, #tpu.memory_space<vmem>>
    %dma_start3A_230 = arith.constant 0 : i32
    %dma_start3A_231 = arith.constant 0 : i32
    %dma_start3A_232 = tpu.memref_slice %arg2[%dma_start3A_230, %dma_start3A_231] : memref<100000x256xf32, #tpu.memory_space<hbm>> -> memref<100000x256xf32, #tpu.memory_space<hbm>>
    tpu.enqueue_indirect_dma source(%dma_start3A_232 : memref<100000x256xf32, #tpu.memory_space<hbm>>) target(%arg16 : memref<128x256xf32, #tpu.memory_space<vmem>>) offsets(%dma_start3A_229 : memref<128xi32, #tpu.memory_space<vmem>>) semaphore(%arg18 : memref<!tpu.dma_semaphore, #tpu.memory_space<semaphore_mem>>)
    %dma_wait3A_233 = arith.constant 384 : i32
    %dma_wait3A_234 = tpu.memref_slice %arg13[%dma_wait3A_233] : memref<1536xi32, #tpu.memory_space<vmem>> -> memref<128xi32, #tpu.memory_space<vmem>>
    %dma_wait3A_235 = arith.constant 0 : i32
    %dma_wait3A_236 = arith.constant 0 : i32
    %dma_wait3A_237 = tpu.memref_slice %arg2[%dma_wait3A_235, %dma_wait3A_236] : memref<100000x256xf32, #tpu.memory_space<hbm>> -> memref<100000x256xf32, #tpu.memory_space<hbm>>
    tpu.wait_indirect_dma semaphore(%arg18 : memref<!tpu.dma_semaphore, #tpu.memory_space<semaphore_mem>>) src(%dma_wait3A_237 : memref<100000x256xf32, #tpu.memory_space<hbm>>) dst(%arg15 : memref<128x256xf32, #tpu.memory_space<vmem>>)
    %dma_start3A_238 = arith.constant 0 : i32
    %dma_start3A_239 = tpu.memref_slice %arg11[%add3A_76, %dma_start3A_238] : memref<49152x256xf32, #tpu.memory_space<hbm>> -> memref<128x256xf32, #tpu.memory_space<hbm>>
    %dma_start3A_240 = arith.constant 0 : i32
    %dma_start3A_241 = tpu.memref_slice %arg11[%add3A_76, %dma_start3A_240] : memref<49152x256xf32, #tpu.memory_space<hbm>> -> memref<128x256xf32, #tpu.memory_space<hbm>>
    tpu.enqueue_dma source(%arg15 : memref<128x256xf32, #tpu.memory_space<vmem>>) target(%dma_start3A_241 : memref<128x256xf32, #tpu.memory_space<hbm>>) target_semaphore(%arg19 : memref<!tpu.dma_semaphore, #tpu.memory_space<semaphore_mem>>)
    %dma_wait3A_242 = arith.constant 0 : i32
    %dma_wait3A_243 = tpu.memref_slice %arg11[%add3A_72, %dma_wait3A_242] : memref<49152x256xf32, #tpu.memory_space<hbm>> -> memref<128x256xf32, #tpu.memory_space<hbm>>
    %dma_wait3A_244 = arith.constant 0 : i32
    %dma_wait3A_245 = tpu.memref_slice %arg11[%add3A_72, %dma_wait3A_244] : memref<49152x256xf32, #tpu.memory_space<hbm>> -> memref<128x256xf32, #tpu.memory_space<hbm>>
    tpu.wait_dma2 semaphore(%arg19 : memref<!tpu.dma_semaphore, #tpu.memory_space<semaphore_mem>>) src(%arg17 : memref<128x256xf32, #tpu.memory_space<vmem>>) dst(%dma_wait3A_245 : memref<128x256xf32, #tpu.memory_space<hbm>>)
    %dma_start3A_246 = arith.constant 640 : i32
    %dma_start3A_247 = tpu.memref_slice %arg13[%dma_start3A_246] : memref<1536xi32, #tpu.memory_space<vmem>> -> memref<128xi32, #tpu.memory_space<vmem>>
    %dma_start3A_248 = arith.constant 0 : i32
    %dma_start3A_249 = arith.constant 0 : i32
    %dma_start3A_250 = tpu.memref_slice %arg2[%dma_start3A_248, %dma_start3A_249] : memref<100000x256xf32, #tpu.memory_space<hbm>> -> memref<100000x256xf32, #tpu.memory_space<hbm>>
    tpu.enqueue_indirect_dma source(%dma_start3A_250 : memref<100000x256xf32, #tpu.memory_space<hbm>>) target(%arg17 : memref<128x256xf32, #tpu.memory_space<vmem>>) offsets(%dma_start3A_247 : memref<128xi32, #tpu.memory_space<vmem>>) semaphore(%arg18 : memref<!tpu.dma_semaphore, #tpu.memory_space<semaphore_mem>>)
    %dma_wait3A_251 = arith.constant 512 : i32
    %dma_wait3A_252 = tpu.memref_slice %arg13[%dma_wait3A_251] : memref<1536xi32, #tpu.memory_space<vmem>> -> memref<128xi32, #tpu.memory_space<vmem>>
    %dma_wait3A_253 = arith.constant 0 : i32
    %dma_wait3A_254 = arith.constant 0 : i32
    %dma_wait3A_255 = tpu.memref_slice %arg2[%dma_wait3A_253, %dma_wait3A_254] : memref<100000x256xf32, #tpu.memory_space<hbm>> -> memref<100000x256xf32, #tpu.memory_space<hbm>>
    tpu.wait_indirect_dma semaphore(%arg18 : memref<!tpu.dma_semaphore, #tpu.memory_space<semaphore_mem>>) src(%dma_wait3A_255 : memref<100000x256xf32, #tpu.memory_space<hbm>>) dst(%arg16 : memref<128x256xf32, #tpu.memory_space<vmem>>)
    %dma_start3A_256 = arith.constant 0 : i32
    %dma_start3A_257 = tpu.memref_slice %arg11[%add3A_80, %dma_start3A_256] : memref<49152x256xf32, #tpu.memory_space<hbm>> -> memref<128x256xf32, #tpu.memory_space<hbm>>
    %dma_start3A_258 = arith.constant 0 : i32
    %dma_start3A_259 = tpu.memref_slice %arg11[%add3A_80, %dma_start3A_258] : memref<49152x256xf32, #tpu.memory_space<hbm>> -> memref<128x256xf32, #tpu.memory_space<hbm>>
    tpu.enqueue_dma source(%arg16 : memref<128x256xf32, #tpu.memory_space<vmem>>) target(%dma_start3A_259 : memref<128x256xf32, #tpu.memory_space<hbm>>) target_semaphore(%arg19 : memref<!tpu.dma_semaphore, #tpu.memory_space<semaphore_mem>>)
    %dma_wait3A_260 = arith.constant 0 : i32
    %dma_wait3A_261 = tpu.memref_slice %arg11[%add3A_76, %dma_wait3A_260] : memref<49152x256xf32, #tpu.memory_space<hbm>> -> memref<128x256xf32, #tpu.memory_space<hbm>>
    %dma_wait3A_262 = arith.constant 0 : i32
    %dma_wait3A_263 = tpu.memref_slice %arg11[%add3A_76, %dma_wait3A_262] : memref<49152x256xf32, #tpu.memory_space<hbm>> -> memref<128x256xf32, #tpu.memory_space<hbm>>
    tpu.wait_dma2 semaphore(%arg19 : memref<!tpu.dma_semaphore, #tpu.memory_space<semaphore_mem>>) src(%arg15 : memref<128x256xf32, #tpu.memory_space<vmem>>) dst(%dma_wait3A_263 : memref<128x256xf32, #tpu.memory_space<hbm>>)
    %dma_start3A_264 = arith.constant 768 : i32
    %dma_start3A_265 = tpu.memref_slice %arg13[%dma_start3A_264] : memref<1536xi32, #tpu.memory_space<vmem>> -> memref<128xi32, #tpu.memory_space<vmem>>
    %dma_start3A_266 = arith.constant 0 : i32
    %dma_start3A_267 = arith.constant 0 : i32
    %dma_start3A_268 = tpu.memref_slice %arg2[%dma_start3A_266, %dma_start3A_267] : memref<100000x256xf32, #tpu.memory_space<hbm>> -> memref<100000x256xf32, #tpu.memory_space<hbm>>
    tpu.enqueue_indirect_dma source(%dma_start3A_268 : memref<100000x256xf32, #tpu.memory_space<hbm>>) target(%arg15 : memref<128x256xf32, #tpu.memory_space<vmem>>) offsets(%dma_start3A_265 : memref<128xi32, #tpu.memory_space<vmem>>) semaphore(%arg18 : memref<!tpu.dma_semaphore, #tpu.memory_space<semaphore_mem>>)
    %dma_wait3A_269 = arith.constant 640 : i32
    %dma_wait3A_270 = tpu.memref_slice %arg13[%dma_wait3A_269] : memref<1536xi32, #tpu.memory_space<vmem>> -> memref<128xi32, #tpu.memory_space<vmem>>
    %dma_wait3A_271 = arith.constant 0 : i32
    %dma_wait3A_272 = arith.constant 0 : i32
    %dma_wait3A_273 = tpu.memref_slice %arg2[%dma_wait3A_271, %dma_wait3A_272] : memref<100000x256xf32, #tpu.memory_space<hbm>> -> memref<100000x256xf32, #tpu.memory_space<hbm>>
    tpu.wait_indirect_dma semaphore(%arg18 : memref<!tpu.dma_semaphore, #tpu.memory_space<semaphore_mem>>) src(%dma_wait3A_273 : memref<100000x256xf32, #tpu.memory_space<hbm>>) dst(%arg17 : memref<128x256xf32, #tpu.memory_space<vmem>>)
    %dma_start3A_274 = arith.constant 0 : i32
    %dma_start3A_275 = tpu.memref_slice %arg11[%add3A_84, %dma_start3A_274] : memref<49152x256xf32, #tpu.memory_space<hbm>> -> memref<128x256xf32, #tpu.memory_space<hbm>>
    %dma_start3A_276 = arith.constant 0 : i32
    %dma_start3A_277 = tpu.memref_slice %arg11[%add3A_84, %dma_start3A_276] : memref<49152x256xf32, #tpu.memory_space<hbm>> -> memref<128x256xf32, #tpu.memory_space<hbm>>
    tpu.enqueue_dma source(%arg17 : memref<128x256xf32, #tpu.memory_space<vmem>>) target(%dma_start3A_277 : memref<128x256xf32, #tpu.memory_space<hbm>>) target_semaphore(%arg19 : memref<!tpu.dma_semaphore, #tpu.memory_space<semaphore_mem>>)
    %dma_wait3A_278 = arith.constant 0 : i32
    %dma_wait3A_279 = tpu.memref_slice %arg11[%add3A_80, %dma_wait3A_278] : memref<49152x256xf32, #tpu.memory_space<hbm>> -> memref<128x256xf32, #tpu.memory_space<hbm>>
    %dma_wait3A_280 = arith.constant 0 : i32
    %dma_wait3A_281 = tpu.memref_slice %arg11[%add3A_80, %dma_wait3A_280] : memref<49152x256xf32, #tpu.memory_space<hbm>> -> memref<128x256xf32, #tpu.memory_space<hbm>>
    tpu.wait_dma2 semaphore(%arg19 : memref<!tpu.dma_semaphore, #tpu.memory_space<semaphore_mem>>) src(%arg16 : memref<128x256xf32, #tpu.memory_space<vmem>>) dst(%dma_wait3A_281 : memref<128x256xf32, #tpu.memory_space<hbm>>)
    %dma_start3A_282 = arith.constant 896 : i32
    %dma_start3A_283 = tpu.memref_slice %arg13[%dma_start3A_282] : memref<1536xi32, #tpu.memory_space<vmem>> -> memref<128xi32, #tpu.memory_space<vmem>>
    %dma_start3A_284 = arith.constant 0 : i32
    %dma_start3A_285 = arith.constant 0 : i32
    %dma_start3A_286 = tpu.memref_slice %arg2[%dma_start3A_284, %dma_start3A_285] : memref<100000x256xf32, #tpu.memory_space<hbm>> -> memref<100000x256xf32, #tpu.memory_space<hbm>>
    tpu.enqueue_indirect_dma source(%dma_start3A_286 : memref<100000x256xf32, #tpu.memory_space<hbm>>) target(%arg16 : memref<128x256xf32, #tpu.memory_space<vmem>>) offsets(%dma_start3A_283 : memref<128xi32, #tpu.memory_space<vmem>>) semaphore(%arg18 : memref<!tpu.dma_semaphore, #tpu.memory_space<semaphore_mem>>)
    %dma_wait3A_287 = arith.constant 768 : i32
    %dma_wait3A_288 = tpu.memref_slice %arg13[%dma_wait3A_287] : memref<1536xi32, #tpu.memory_space<vmem>> -> memref<128xi32, #tpu.memory_space<vmem>>
    %dma_wait3A_289 = arith.constant 0 : i32
    %dma_wait3A_290 = arith.constant 0 : i32
    %dma_wait3A_291 = tpu.memref_slice %arg2[%dma_wait3A_289, %dma_wait3A_290] : memref<100000x256xf32, #tpu.memory_space<hbm>> -> memref<100000x256xf32, #tpu.memory_space<hbm>>
    tpu.wait_indirect_dma semaphore(%arg18 : memref<!tpu.dma_semaphore, #tpu.memory_space<semaphore_mem>>) src(%dma_wait3A_291 : memref<100000x256xf32, #tpu.memory_space<hbm>>) dst(%arg15 : memref<128x256xf32, #tpu.memory_space<vmem>>)
    %dma_start3A_292 = arith.constant 0 : i32
    %dma_start3A_293 = tpu.memref_slice %arg11[%add3A_88, %dma_start3A_292] : memref<49152x256xf32, #tpu.memory_space<hbm>> -> memref<128x256xf32, #tpu.memory_space<hbm>>
    %dma_start3A_294 = arith.constant 0 : i32
    %dma_start3A_295 = tpu.memref_slice %arg11[%add3A_88, %dma_start3A_294] : memref<49152x256xf32, #tpu.memory_space<hbm>> -> memref<128x256xf32, #tpu.memory_space<hbm>>
    tpu.enqueue_dma source(%arg15 : memref<128x256xf32, #tpu.memory_space<vmem>>) target(%dma_start3A_295 : memref<128x256xf32, #tpu.memory_space<hbm>>) target_semaphore(%arg19 : memref<!tpu.dma_semaphore, #tpu.memory_space<semaphore_mem>>)
    %dma_wait3A_296 = arith.constant 0 : i32
    %dma_wait3A_297 = tpu.memref_slice %arg11[%add3A_84, %dma_wait3A_296] : memref<49152x256xf32, #tpu.memory_space<hbm>> -> memref<128x256xf32, #tpu.memory_space<hbm>>
    %dma_wait3A_298 = arith.constant 0 : i32
    %dma_wait3A_299 = tpu.memref_slice %arg11[%add3A_84, %dma_wait3A_298] : memref<49152x256xf32, #tpu.memory_space<hbm>> -> memref<128x256xf32, #tpu.memory_space<hbm>>
    tpu.wait_dma2 semaphore(%arg19 : memref<!tpu.dma_semaphore, #tpu.memory_space<semaphore_mem>>) src(%arg17 : memref<128x256xf32, #tpu.memory_space<vmem>>) dst(%dma_wait3A_299 : memref<128x256xf32, #tpu.memory_space<hbm>>)
    %dma_start3A_300 = arith.constant 1024 : i32
    %dma_start3A_301 = tpu.memref_slice %arg13[%dma_start3A_300] : memref<1536xi32, #tpu.memory_space<vmem>> -> memref<128xi32, #tpu.memory_space<vmem>>
    %dma_start3A_302 = arith.constant 0 : i32
    %dma_start3A_303 = arith.constant 0 : i32
    %dma_start3A_304 = tpu.memref_slice %arg2[%dma_start3A_302, %dma_start3A_303] : memref<100000x256xf32, #tpu.memory_space<hbm>> -> memref<100000x256xf32, #tpu.memory_space<hbm>>
    tpu.enqueue_indirect_dma source(%dma_start3A_304 : memref<100000x256xf32, #tpu.memory_space<hbm>>) target(%arg17 : memref<128x256xf32, #tpu.memory_space<vmem>>) offsets(%dma_start3A_301 : memref<128xi32, #tpu.memory_space<vmem>>) semaphore(%arg18 : memref<!tpu.dma_semaphore, #tpu.memory_space<semaphore_mem>>)
    %dma_wait3A_305 = arith.constant 896 : i32
    %dma_wait3A_306 = tpu.memref_slice %arg13[%dma_wait3A_305] : memref<1536xi32, #tpu.memory_space<vmem>> -> memref<128xi32, #tpu.memory_space<vmem>>
    %dma_wait3A_307 = arith.constant 0 : i32
    %dma_wait3A_308 = arith.constant 0 : i32
    %dma_wait3A_309 = tpu.memref_slice %arg2[%dma_wait3A_307, %dma_wait3A_308] : memref<100000x256xf32, #tpu.memory_space<hbm>> -> memref<100000x256xf32, #tpu.memory_space<hbm>>
    tpu.wait_indirect_dma semaphore(%arg18 : memref<!tpu.dma_semaphore, #tpu.memory_space<semaphore_mem>>) src(%dma_wait3A_309 : memref<100000x256xf32, #tpu.memory_space<hbm>>) dst(%arg16 : memref<128x256xf32, #tpu.memory_space<vmem>>)
    %dma_start3A_310 = arith.constant 0 : i32
    %dma_start3A_311 = tpu.memref_slice %arg11[%add3A_92, %dma_start3A_310] : memref<49152x256xf32, #tpu.memory_space<hbm>> -> memref<128x256xf32, #tpu.memory_space<hbm>>
    %dma_start3A_312 = arith.constant 0 : i32
    %dma_start3A_313 = tpu.memref_slice %arg11[%add3A_92, %dma_start3A_312] : memref<49152x256xf32, #tpu.memory_space<hbm>> -> memref<128x256xf32, #tpu.memory_space<hbm>>
    tpu.enqueue_dma source(%arg16 : memref<128x256xf32, #tpu.memory_space<vmem>>) target(%dma_start3A_313 : memref<128x256xf32, #tpu.memory_space<hbm>>) target_semaphore(%arg19 : memref<!tpu.dma_semaphore, #tpu.memory_space<semaphore_mem>>)
    %dma_wait3A_314 = arith.constant 0 : i32
    %dma_wait3A_315 = tpu.memref_slice %arg11[%add3A_88, %dma_wait3A_314] : memref<49152x256xf32, #tpu.memory_space<hbm>> -> memref<128x256xf32, #tpu.memory_space<hbm>>
    %dma_wait3A_316 = arith.constant 0 : i32
    %dma_wait3A_317 = tpu.memref_slice %arg11[%add3A_88, %dma_wait3A_316] : memref<49152x256xf32, #tpu.memory_space<hbm>> -> memref<128x256xf32, #tpu.memory_space<hbm>>
    tpu.wait_dma2 semaphore(%arg19 : memref<!tpu.dma_semaphore, #tpu.memory_space<semaphore_mem>>) src(%arg15 : memref<128x256xf32, #tpu.memory_space<vmem>>) dst(%dma_wait3A_317 : memref<128x256xf32, #tpu.memory_space<hbm>>)
    %dma_start3A_318 = arith.constant 1152 : i32
    %dma_start3A_319 = tpu.memref_slice %arg13[%dma_start3A_318] : memref<1536xi32, #tpu.memory_space<vmem>> -> memref<128xi32, #tpu.memory_space<vmem>>
    %dma_start3A_320 = arith.constant 0 : i32
    %dma_start3A_321 = arith.constant 0 : i32
    %dma_start3A_322 = tpu.memref_slice %arg2[%dma_start3A_320, %dma_start3A_321] : memref<100000x256xf32, #tpu.memory_space<hbm>> -> memref<100000x256xf32, #tpu.memory_space<hbm>>
    tpu.enqueue_indirect_dma source(%dma_start3A_322 : memref<100000x256xf32, #tpu.memory_space<hbm>>) target(%arg15 : memref<128x256xf32, #tpu.memory_space<vmem>>) offsets(%dma_start3A_319 : memref<128xi32, #tpu.memory_space<vmem>>) semaphore(%arg18 : memref<!tpu.dma_semaphore, #tpu.memory_space<semaphore_mem>>)
    %dma_wait3A_323 = arith.constant 1024 : i32
    %dma_wait3A_324 = tpu.memref_slice %arg13[%dma_wait3A_323] : memref<1536xi32, #tpu.memory_space<vmem>> -> memref<128xi32, #tpu.memory_space<vmem>>
    %dma_wait3A_325 = arith.constant 0 : i32
    %dma_wait3A_326 = arith.constant 0 : i32
    %dma_wait3A_327 = tpu.memref_slice %arg2[%dma_wait3A_325, %dma_wait3A_326] : memref<100000x256xf32, #tpu.memory_space<hbm>> -> memref<100000x256xf32, #tpu.memory_space<hbm>>
    tpu.wait_indirect_dma semaphore(%arg18 : memref<!tpu.dma_semaphore, #tpu.memory_space<semaphore_mem>>) src(%dma_wait3A_327 : memref<100000x256xf32, #tpu.memory_space<hbm>>) dst(%arg17 : memref<128x256xf32, #tpu.memory_space<vmem>>)
    %dma_start3A_328 = arith.constant 0 : i32
    %dma_start3A_329 = tpu.memref_slice %arg11[%add3A_96, %dma_start3A_328] : memref<49152x256xf32, #tpu.memory_space<hbm>> -> memref<128x256xf32, #tpu.memory_space<hbm>>
    %dma_start3A_330 = arith.constant 0 : i32
    %dma_start3A_331 = tpu.memref_slice %arg11[%add3A_96, %dma_start3A_330] : memref<49152x256xf32, #tpu.memory_space<hbm>> -> memref<128x256xf32, #tpu.memory_space<hbm>>
    tpu.enqueue_dma source(%arg17 : memref<128x256xf32, #tpu.memory_space<vmem>>) target(%dma_start3A_331 : memref<128x256xf32, #tpu.memory_space<hbm>>) target_semaphore(%arg19 : memref<!tpu.dma_semaphore, #tpu.memory_space<semaphore_mem>>)
    %dma_wait3A_332 = arith.constant 0 : i32
    %dma_wait3A_333 = tpu.memref_slice %arg11[%add3A_92, %dma_wait3A_332] : memref<49152x256xf32, #tpu.memory_space<hbm>> -> memref<128x256xf32, #tpu.memory_space<hbm>>
    %dma_wait3A_334 = arith.constant 0 : i32
    %dma_wait3A_335 = tpu.memref_slice %arg11[%add3A_92, %dma_wait3A_334] : memref<49152x256xf32, #tpu.memory_space<hbm>> -> memref<128x256xf32, #tpu.memory_space<hbm>>
    tpu.wait_dma2 semaphore(%arg19 : memref<!tpu.dma_semaphore, #tpu.memory_space<semaphore_mem>>) src(%arg16 : memref<128x256xf32, #tpu.memory_space<vmem>>) dst(%dma_wait3A_335 : memref<128x256xf32, #tpu.memory_space<hbm>>)
    %dma_start3A_336 = arith.constant 1280 : i32
    %dma_start3A_337 = tpu.memref_slice %arg13[%dma_start3A_336] : memref<1536xi32, #tpu.memory_space<vmem>> -> memref<128xi32, #tpu.memory_space<vmem>>
    %dma_start3A_338 = arith.constant 0 : i32
    %dma_start3A_339 = arith.constant 0 : i32
    %dma_start3A_340 = tpu.memref_slice %arg2[%dma_start3A_338, %dma_start3A_339] : memref<100000x256xf32, #tpu.memory_space<hbm>> -> memref<100000x256xf32, #tpu.memory_space<hbm>>
    tpu.enqueue_indirect_dma source(%dma_start3A_340 : memref<100000x256xf32, #tpu.memory_space<hbm>>) target(%arg16 : memref<128x256xf32, #tpu.memory_space<vmem>>) offsets(%dma_start3A_337 : memref<128xi32, #tpu.memory_space<vmem>>) semaphore(%arg18 : memref<!tpu.dma_semaphore, #tpu.memory_space<semaphore_mem>>)
    %dma_wait3A_341 = arith.constant 1152 : i32
    %dma_wait3A_342 = tpu.memref_slice %arg13[%dma_wait3A_341] : memref<1536xi32, #tpu.memory_space<vmem>> -> memref<128xi32, #tpu.memory_space<vmem>>
    %dma_wait3A_343 = arith.constant 0 : i32
    %dma_wait3A_344 = arith.constant 0 : i32
    %dma_wait3A_345 = tpu.memref_slice %arg2[%dma_wait3A_343, %dma_wait3A_344] : memref<100000x256xf32, #tpu.memory_space<hbm>> -> memref<100000x256xf32, #tpu.memory_space<hbm>>
    tpu.wait_indirect_dma semaphore(%arg18 : memref<!tpu.dma_semaphore, #tpu.memory_space<semaphore_mem>>) src(%dma_wait3A_345 : memref<100000x256xf32, #tpu.memory_space<hbm>>) dst(%arg15 : memref<128x256xf32, #tpu.memory_space<vmem>>)
    %dma_start3A_346 = arith.constant 0 : i32
    %dma_start3A_347 = tpu.memref_slice %arg11[%add3A_100, %dma_start3A_346] : memref<49152x256xf32, #tpu.memory_space<hbm>> -> memref<128x256xf32, #tpu.memory_space<hbm>>
    %dma_start3A_348 = arith.constant 0 : i32
    %dma_start3A_349 = tpu.memref_slice %arg11[%add3A_100, %dma_start3A_348] : memref<49152x256xf32, #tpu.memory_space<hbm>> -> memref<128x256xf32, #tpu.memory_space<hbm>>
    tpu.enqueue_dma source(%arg15 : memref<128x256xf32, #tpu.memory_space<vmem>>) target(%dma_start3A_349 : memref<128x256xf32, #tpu.memory_space<hbm>>) target_semaphore(%arg19 : memref<!tpu.dma_semaphore, #tpu.memory_space<semaphore_mem>>)
    %dma_wait3A_350 = arith.constant 0 : i32
    %dma_wait3A_351 = tpu.memref_slice %arg11[%add3A_96, %dma_wait3A_350] : memref<49152x256xf32, #tpu.memory_space<hbm>> -> memref<128x256xf32, #tpu.memory_space<hbm>>
    %dma_wait3A_352 = arith.constant 0 : i32
    %dma_wait3A_353 = tpu.memref_slice %arg11[%add3A_96, %dma_wait3A_352] : memref<49152x256xf32, #tpu.memory_space<hbm>> -> memref<128x256xf32, #tpu.memory_space<hbm>>
    tpu.wait_dma2 semaphore(%arg19 : memref<!tpu.dma_semaphore, #tpu.memory_space<semaphore_mem>>) src(%arg17 : memref<128x256xf32, #tpu.memory_space<vmem>>) dst(%dma_wait3A_353 : memref<128x256xf32, #tpu.memory_space<hbm>>)
    %dma_start3A_354 = arith.constant 1408 : i32
    %dma_start3A_355 = tpu.memref_slice %arg13[%dma_start3A_354] : memref<1536xi32, #tpu.memory_space<vmem>> -> memref<128xi32, #tpu.memory_space<vmem>>
    %dma_start3A_356 = arith.constant 0 : i32
    %dma_start3A_357 = arith.constant 0 : i32
    %dma_start3A_358 = tpu.memref_slice %arg2[%dma_start3A_356, %dma_start3A_357] : memref<100000x256xf32, #tpu.memory_space<hbm>> -> memref<100000x256xf32, #tpu.memory_space<hbm>>
    tpu.enqueue_indirect_dma source(%dma_start3A_358 : memref<100000x256xf32, #tpu.memory_space<hbm>>) target(%arg17 : memref<128x256xf32, #tpu.memory_space<vmem>>) offsets(%dma_start3A_355 : memref<128xi32, #tpu.memory_space<vmem>>) semaphore(%arg18 : memref<!tpu.dma_semaphore, #tpu.memory_space<semaphore_mem>>)
    %dma_wait3A_359 = arith.constant 1280 : i32
    %dma_wait3A_360 = tpu.memref_slice %arg13[%dma_wait3A_359] : memref<1536xi32, #tpu.memory_space<vmem>> -> memref<128xi32, #tpu.memory_space<vmem>>
    %dma_wait3A_361 = arith.constant 0 : i32
    %dma_wait3A_362 = arith.constant 0 : i32
    %dma_wait3A_363 = tpu.memref_slice %arg2[%dma_wait3A_361, %dma_wait3A_362] : memref<100000x256xf32, #tpu.memory_space<hbm>> -> memref<100000x256xf32, #tpu.memory_space<hbm>>
    tpu.wait_indirect_dma semaphore(%arg18 : memref<!tpu.dma_semaphore, #tpu.memory_space<semaphore_mem>>) src(%dma_wait3A_363 : memref<100000x256xf32, #tpu.memory_space<hbm>>) dst(%arg16 : memref<128x256xf32, #tpu.memory_space<vmem>>)
    %dma_start3A_364 = arith.constant 0 : i32
    %dma_start3A_365 = tpu.memref_slice %arg11[%add3A_104, %dma_start3A_364] : memref<49152x256xf32, #tpu.memory_space<hbm>> -> memref<128x256xf32, #tpu.memory_space<hbm>>
    %dma_start3A_366 = arith.constant 0 : i32
    %dma_start3A_367 = tpu.memref_slice %arg11[%add3A_104, %dma_start3A_366] : memref<49152x256xf32, #tpu.memory_space<hbm>> -> memref<128x256xf32, #tpu.memory_space<hbm>>
    tpu.enqueue_dma source(%arg16 : memref<128x256xf32, #tpu.memory_space<vmem>>) target(%dma_start3A_367 : memref<128x256xf32, #tpu.memory_space<hbm>>) target_semaphore(%arg19 : memref<!tpu.dma_semaphore, #tpu.memory_space<semaphore_mem>>)
    %dma_wait3A_368 = arith.constant 0 : i32
    %dma_wait3A_369 = tpu.memref_slice %arg14[%dma_wait3A_368] : memref<2048xi32, #tpu.memory_space<vmem>> -> memref<512xi32, #tpu.memory_space<vmem>>
    %dma_wait3A_370 = tpu.memref_slice %arg7[%mul3A_2] : memref<16384xi32, #tpu.memory_space<hbm>> -> memref<512xi32, #tpu.memory_space<hbm>>
    %dma_wait3A_371 = arith.constant 0 : i32
    %dma_wait3A_372 = tpu.memref_slice %arg14[%dma_wait3A_371] : memref<2048xi32, #tpu.memory_space<vmem>> -> memref<512xi32, #tpu.memory_space<vmem>>
    %dma_wait3A_373 = tpu.memref_slice %arg7[%mul3A_2] : memref<16384xi32, #tpu.memory_space<hbm>> -> memref<512xi32, #tpu.memory_space<hbm>>
    tpu.wait_dma2 semaphore(%arg20 : memref<!tpu.dma_semaphore, #tpu.memory_space<semaphore_mem>>) src(%dma_wait3A_373 : memref<512xi32, #tpu.memory_space<hbm>>) dst(%dma_wait3A_372 : memref<512xi32, #tpu.memory_space<vmem>>)
    %dma_wait3A_374 = arith.constant 512 : i32
    %dma_wait3A_375 = tpu.memref_slice %arg14[%dma_wait3A_374] : memref<2048xi32, #tpu.memory_space<vmem>> -> memref<512xi32, #tpu.memory_space<vmem>>
    %dma_wait3A_376 = tpu.memref_slice %arg8[%mul3A_2] : memref<16384xi32, #tpu.memory_space<hbm>> -> memref<512xi32, #tpu.memory_space<hbm>>
    %dma_wait3A_377 = arith.constant 512 : i32
    %dma_wait3A_378 = tpu.memref_slice %arg14[%dma_wait3A_377] : memref<2048xi32, #tpu.memory_space<vmem>> -> memref<512xi32, #tpu.memory_space<vmem>>
    %dma_wait3A_379 = tpu.memref_slice %arg8[%mul3A_2] : memref<16384xi32, #tpu.memory_space<hbm>> -> memref<512xi32, #tpu.memory_space<hbm>>
    tpu.wait_dma2 semaphore(%arg20 : memref<!tpu.dma_semaphore, #tpu.memory_space<semaphore_mem>>) src(%dma_wait3A_379 : memref<512xi32, #tpu.memory_space<hbm>>) dst(%dma_wait3A_378 : memref<512xi32, #tpu.memory_space<vmem>>)
    %dma_wait3A_380 = arith.constant 1024 : i32
    %dma_wait3A_381 = tpu.memref_slice %arg14[%dma_wait3A_380] : memref<2048xi32, #tpu.memory_space<vmem>> -> memref<512xi32, #tpu.memory_space<vmem>>
    %dma_wait3A_382 = tpu.memref_slice %arg9[%mul3A_2] : memref<16384xi32, #tpu.memory_space<hbm>> -> memref<512xi32, #tpu.memory_space<hbm>>
    %dma_wait3A_383 = arith.constant 1024 : i32
    %dma_wait3A_384 = tpu.memref_slice %arg14[%dma_wait3A_383] : memref<2048xi32, #tpu.memory_space<vmem>> -> memref<512xi32, #tpu.memory_space<vmem>>
    %dma_wait3A_385 = tpu.memref_slice %arg9[%mul3A_2] : memref<16384xi32, #tpu.memory_space<hbm>> -> memref<512xi32, #tpu.memory_space<hbm>>
    tpu.wait_dma2 semaphore(%arg20 : memref<!tpu.dma_semaphore, #tpu.memory_space<semaphore_mem>>) src(%dma_wait3A_385 : memref<512xi32, #tpu.memory_space<hbm>>) dst(%dma_wait3A_384 : memref<512xi32, #tpu.memory_space<vmem>>)
    %dma_wait3A_386 = arith.constant 1536 : i32
    %dma_wait3A_387 = tpu.memref_slice %arg14[%dma_wait3A_386] : memref<2048xi32, #tpu.memory_space<vmem>> -> memref<512xi32, #tpu.memory_space<vmem>>
    %dma_wait3A_388 = tpu.memref_slice %arg10[%mul3A_2] : memref<16384xi32, #tpu.memory_space<hbm>> -> memref<512xi32, #tpu.memory_space<hbm>>
    %dma_wait3A_389 = arith.constant 1536 : i32
    %dma_wait3A_390 = tpu.memref_slice %arg14[%dma_wait3A_389] : memref<2048xi32, #tpu.memory_space<vmem>> -> memref<512xi32, #tpu.memory_space<vmem>>
    %dma_wait3A_391 = tpu.memref_slice %arg10[%mul3A_2] : memref<16384xi32, #tpu.memory_space<hbm>> -> memref<512xi32, #tpu.memory_space<hbm>>
    tpu.wait_dma2 semaphore(%arg20 : memref<!tpu.dma_semaphore, #tpu.memory_space<semaphore_mem>>) src(%dma_wait3A_391 : memref<512xi32, #tpu.memory_space<hbm>>) dst(%dma_wait3A_390 : memref<512xi32, #tpu.memory_space<vmem>>)
    %dma_wait3A_392 = arith.constant 0 : i32
    %dma_wait3A_393 = tpu.memref_slice %arg11[%add3A_100, %dma_wait3A_392] : memref<49152x256xf32, #tpu.memory_space<hbm>> -> memref<128x256xf32, #tpu.memory_space<hbm>>
    %dma_wait3A_394 = arith.constant 0 : i32
    %dma_wait3A_395 = tpu.memref_slice %arg11[%add3A_100, %dma_wait3A_394] : memref<49152x256xf32, #tpu.memory_space<hbm>> -> memref<128x256xf32, #tpu.memory_space<hbm>>
    tpu.wait_dma2 semaphore(%arg19 : memref<!tpu.dma_semaphore, #tpu.memory_space<semaphore_mem>>) src(%arg15 : memref<128x256xf32, #tpu.memory_space<vmem>>) dst(%dma_wait3A_395 : memref<128x256xf32, #tpu.memory_space<hbm>>)
    %dma_start3A_396 = arith.constant 0 : i32
    %dma_start3A_397 = tpu.memref_slice %arg14[%dma_start3A_396] : memref<2048xi32, #tpu.memory_space<vmem>> -> memref<128xi32, #tpu.memory_space<vmem>>
    %dma_start3A_398 = arith.constant 0 : i32
    %dma_start3A_399 = arith.constant 0 : i32
    %dma_start3A_400 = tpu.memref_slice %arg3[%dma_start3A_398, %dma_start3A_399] : memref<100000x256xf32, #tpu.memory_space<hbm>> -> memref<100000x256xf32, #tpu.memory_space<hbm>>
    tpu.enqueue_indirect_dma source(%dma_start3A_400 : memref<100000x256xf32, #tpu.memory_space<hbm>>) target(%arg15 : memref<128x256xf32, #tpu.memory_space<vmem>>) offsets(%dma_start3A_397 : memref<128xi32, #tpu.memory_space<vmem>>) semaphore(%arg18 : memref<!tpu.dma_semaphore, #tpu.memory_space<semaphore_mem>>)
    %dma_wait3A_401 = arith.constant 1408 : i32
    %dma_wait3A_402 = tpu.memref_slice %arg13[%dma_wait3A_401] : memref<1536xi32, #tpu.memory_space<vmem>> -> memref<128xi32, #tpu.memory_space<vmem>>
    %dma_wait3A_403 = arith.constant 0 : i32
    %dma_wait3A_404 = arith.constant 0 : i32
    %dma_wait3A_405 = tpu.memref_slice %arg2[%dma_wait3A_403, %dma_wait3A_404] : memref<100000x256xf32, #tpu.memory_space<hbm>> -> memref<100000x256xf32, #tpu.memory_space<hbm>>
    tpu.wait_indirect_dma semaphore(%arg18 : memref<!tpu.dma_semaphore, #tpu.memory_space<semaphore_mem>>) src(%dma_wait3A_405 : memref<100000x256xf32, #tpu.memory_space<hbm>>) dst(%arg17 : memref<128x256xf32, #tpu.memory_space<vmem>>)
    %dma_start3A_406 = arith.constant 0 : i32
    %dma_start3A_407 = tpu.memref_slice %arg11[%add3A_108, %dma_start3A_406] : memref<49152x256xf32, #tpu.memory_space<hbm>> -> memref<128x256xf32, #tpu.memory_space<hbm>>
    %dma_start3A_408 = arith.constant 0 : i32
    %dma_start3A_409 = tpu.memref_slice %arg11[%add3A_108, %dma_start3A_408] : memref<49152x256xf32, #tpu.memory_space<hbm>> -> memref<128x256xf32, #tpu.memory_space<hbm>>
    tpu.enqueue_dma source(%arg17 : memref<128x256xf32, #tpu.memory_space<vmem>>) target(%dma_start3A_409 : memref<128x256xf32, #tpu.memory_space<hbm>>) target_semaphore(%arg19 : memref<!tpu.dma_semaphore, #tpu.memory_space<semaphore_mem>>)
    %dma_wait3A_410 = arith.constant 0 : i32
    %dma_wait3A_411 = tpu.memref_slice %arg11[%add3A_104, %dma_wait3A_410] : memref<49152x256xf32, #tpu.memory_space<hbm>> -> memref<128x256xf32, #tpu.memory_space<hbm>>
    %dma_wait3A_412 = arith.constant 0 : i32
    %dma_wait3A_413 = tpu.memref_slice %arg11[%add3A_104, %dma_wait3A_412] : memref<49152x256xf32, #tpu.memory_space<hbm>> -> memref<128x256xf32, #tpu.memory_space<hbm>>
    tpu.wait_dma2 semaphore(%arg19 : memref<!tpu.dma_semaphore, #tpu.memory_space<semaphore_mem>>) src(%arg16 : memref<128x256xf32, #tpu.memory_space<vmem>>) dst(%dma_wait3A_413 : memref<128x256xf32, #tpu.memory_space<hbm>>)
    %dma_start3A_414 = arith.constant 128 : i32
    %dma_start3A_415 = tpu.memref_slice %arg14[%dma_start3A_414] : memref<2048xi32, #tpu.memory_space<vmem>> -> memref<128xi32, #tpu.memory_space<vmem>>
    %dma_start3A_416 = arith.constant 0 : i32
    %dma_start3A_417 = arith.constant 0 : i32
    %dma_start3A_418 = tpu.memref_slice %arg3[%dma_start3A_416, %dma_start3A_417] : memref<100000x256xf32, #tpu.memory_space<hbm>> -> memref<100000x256xf32, #tpu.memory_space<hbm>>
    tpu.enqueue_indirect_dma source(%dma_start3A_418 : memref<100000x256xf32, #tpu.memory_space<hbm>>) target(%arg16 : memref<128x256xf32, #tpu.memory_space<vmem>>) offsets(%dma_start3A_415 : memref<128xi32, #tpu.memory_space<vmem>>) semaphore(%arg18 : memref<!tpu.dma_semaphore, #tpu.memory_space<semaphore_mem>>)
    %dma_wait3A_419 = arith.constant 0 : i32
    %dma_wait3A_420 = tpu.memref_slice %arg14[%dma_wait3A_419] : memref<2048xi32, #tpu.memory_space<vmem>> -> memref<128xi32, #tpu.memory_space<vmem>>
    %dma_wait3A_421 = arith.constant 0 : i32
    %dma_wait3A_422 = arith.constant 0 : i32
    %dma_wait3A_423 = tpu.memref_slice %arg3[%dma_wait3A_421, %dma_wait3A_422] : memref<100000x256xf32, #tpu.memory_space<hbm>> -> memref<100000x256xf32, #tpu.memory_space<hbm>>
    tpu.wait_indirect_dma semaphore(%arg18 : memref<!tpu.dma_semaphore, #tpu.memory_space<semaphore_mem>>) src(%dma_wait3A_423 : memref<100000x256xf32, #tpu.memory_space<hbm>>) dst(%arg15 : memref<128x256xf32, #tpu.memory_space<vmem>>)
    %dma_start3A_424 = arith.constant 0 : i32
    %dma_start3A_425 = tpu.memref_slice %arg12[%add3A_112, %dma_start3A_424] : memref<65536x256xf32, #tpu.memory_space<hbm>> -> memref<128x256xf32, #tpu.memory_space<hbm>>
    %dma_start3A_426 = arith.constant 0 : i32
    %dma_start3A_427 = tpu.memref_slice %arg12[%add3A_112, %dma_start3A_426] : memref<65536x256xf32, #tpu.memory_space<hbm>> -> memref<128x256xf32, #tpu.memory_space<hbm>>
    tpu.enqueue_dma source(%arg15 : memref<128x256xf32, #tpu.memory_space<vmem>>) target(%dma_start3A_427 : memref<128x256xf32, #tpu.memory_space<hbm>>) target_semaphore(%arg19 : memref<!tpu.dma_semaphore, #tpu.memory_space<semaphore_mem>>)
    %dma_wait3A_428 = arith.constant 0 : i32
    %dma_wait3A_429 = tpu.memref_slice %arg11[%add3A_108, %dma_wait3A_428] : memref<49152x256xf32, #tpu.memory_space<hbm>> -> memref<128x256xf32, #tpu.memory_space<hbm>>
    %dma_wait3A_430 = arith.constant 0 : i32
    %dma_wait3A_431 = tpu.memref_slice %arg11[%add3A_108, %dma_wait3A_430] : memref<49152x256xf32, #tpu.memory_space<hbm>> -> memref<128x256xf32, #tpu.memory_space<hbm>>
    tpu.wait_dma2 semaphore(%arg19 : memref<!tpu.dma_semaphore, #tpu.memory_space<semaphore_mem>>) src(%arg17 : memref<128x256xf32, #tpu.memory_space<vmem>>) dst(%dma_wait3A_431 : memref<128x256xf32, #tpu.memory_space<hbm>>)
    %dma_start3A_432 = arith.constant 256 : i32
    %dma_start3A_433 = tpu.memref_slice %arg14[%dma_start3A_432] : memref<2048xi32, #tpu.memory_space<vmem>> -> memref<128xi32, #tpu.memory_space<vmem>>
    %dma_start3A_434 = arith.constant 0 : i32
    %dma_start3A_435 = arith.constant 0 : i32
    %dma_start3A_436 = tpu.memref_slice %arg3[%dma_start3A_434, %dma_start3A_435] : memref<100000x256xf32, #tpu.memory_space<hbm>> -> memref<100000x256xf32, #tpu.memory_space<hbm>>
    tpu.enqueue_indirect_dma source(%dma_start3A_436 : memref<100000x256xf32, #tpu.memory_space<hbm>>) target(%arg17 : memref<128x256xf32, #tpu.memory_space<vmem>>) offsets(%dma_start3A_433 : memref<128xi32, #tpu.memory_space<vmem>>) semaphore(%arg18 : memref<!tpu.dma_semaphore, #tpu.memory_space<semaphore_mem>>)
    %dma_wait3A_437 = arith.constant 128 : i32
    %dma_wait3A_438 = tpu.memref_slice %arg14[%dma_wait3A_437] : memref<2048xi32, #tpu.memory_space<vmem>> -> memref<128xi32, #tpu.memory_space<vmem>>
    %dma_wait3A_439 = arith.constant 0 : i32
    %dma_wait3A_440 = arith.constant 0 : i32
    %dma_wait3A_441 = tpu.memref_slice %arg3[%dma_wait3A_439, %dma_wait3A_440] : memref<100000x256xf32, #tpu.memory_space<hbm>> -> memref<100000x256xf32, #tpu.memory_space<hbm>>
    tpu.wait_indirect_dma semaphore(%arg18 : memref<!tpu.dma_semaphore, #tpu.memory_space<semaphore_mem>>) src(%dma_wait3A_441 : memref<100000x256xf32, #tpu.memory_space<hbm>>) dst(%arg16 : memref<128x256xf32, #tpu.memory_space<vmem>>)
    %dma_start3A_442 = arith.constant 0 : i32
    %dma_start3A_443 = tpu.memref_slice %arg12[%add3A_116, %dma_start3A_442] : memref<65536x256xf32, #tpu.memory_space<hbm>> -> memref<128x256xf32, #tpu.memory_space<hbm>>
    %dma_start3A_444 = arith.constant 0 : i32
    %dma_start3A_445 = tpu.memref_slice %arg12[%add3A_116, %dma_start3A_444] : memref<65536x256xf32, #tpu.memory_space<hbm>> -> memref<128x256xf32, #tpu.memory_space<hbm>>
    tpu.enqueue_dma source(%arg16 : memref<128x256xf32, #tpu.memory_space<vmem>>) target(%dma_start3A_445 : memref<128x256xf32, #tpu.memory_space<hbm>>) target_semaphore(%arg19 : memref<!tpu.dma_semaphore, #tpu.memory_space<semaphore_mem>>)
    %dma_wait3A_446 = arith.constant 0 : i32
    %dma_wait3A_447 = tpu.memref_slice %arg12[%add3A_112, %dma_wait3A_446] : memref<65536x256xf32, #tpu.memory_space<hbm>> -> memref<128x256xf32, #tpu.memory_space<hbm>>
    %dma_wait3A_448 = arith.constant 0 : i32
    %dma_wait3A_449 = tpu.memref_slice %arg12[%add3A_112, %dma_wait3A_448] : memref<65536x256xf32, #tpu.memory_space<hbm>> -> memref<128x256xf32, #tpu.memory_space<hbm>>
    tpu.wait_dma2 semaphore(%arg19 : memref<!tpu.dma_semaphore, #tpu.memory_space<semaphore_mem>>) src(%arg15 : memref<128x256xf32, #tpu.memory_space<vmem>>) dst(%dma_wait3A_449 : memref<128x256xf32, #tpu.memory_space<hbm>>)
    %dma_start3A_450 = arith.constant 384 : i32
    %dma_start3A_451 = tpu.memref_slice %arg14[%dma_start3A_450] : memref<2048xi32, #tpu.memory_space<vmem>> -> memref<128xi32, #tpu.memory_space<vmem>>
    %dma_start3A_452 = arith.constant 0 : i32
    %dma_start3A_453 = arith.constant 0 : i32
    %dma_start3A_454 = tpu.memref_slice %arg3[%dma_start3A_452, %dma_start3A_453] : memref<100000x256xf32, #tpu.memory_space<hbm>> -> memref<100000x256xf32, #tpu.memory_space<hbm>>
    tpu.enqueue_indirect_dma source(%dma_start3A_454 : memref<100000x256xf32, #tpu.memory_space<hbm>>) target(%arg15 : memref<128x256xf32, #tpu.memory_space<vmem>>) offsets(%dma_start3A_451 : memref<128xi32, #tpu.memory_space<vmem>>) semaphore(%arg18 : memref<!tpu.dma_semaphore, #tpu.memory_space<semaphore_mem>>)
    %dma_wait3A_455 = arith.constant 256 : i32
    %dma_wait3A_456 = tpu.memref_slice %arg14[%dma_wait3A_455] : memref<2048xi32, #tpu.memory_space<vmem>> -> memref<128xi32, #tpu.memory_space<vmem>>
    %dma_wait3A_457 = arith.constant 0 : i32
    %dma_wait3A_458 = arith.constant 0 : i32
    %dma_wait3A_459 = tpu.memref_slice %arg3[%dma_wait3A_457, %dma_wait3A_458] : memref<100000x256xf32, #tpu.memory_space<hbm>> -> memref<100000x256xf32, #tpu.memory_space<hbm>>
    tpu.wait_indirect_dma semaphore(%arg18 : memref<!tpu.dma_semaphore, #tpu.memory_space<semaphore_mem>>) src(%dma_wait3A_459 : memref<100000x256xf32, #tpu.memory_space<hbm>>) dst(%arg17 : memref<128x256xf32, #tpu.memory_space<vmem>>)
    %dma_start3A_460 = arith.constant 0 : i32
    %dma_start3A_461 = tpu.memref_slice %arg12[%add3A_120, %dma_start3A_460] : memref<65536x256xf32, #tpu.memory_space<hbm>> -> memref<128x256xf32, #tpu.memory_space<hbm>>
    %dma_start3A_462 = arith.constant 0 : i32
    %dma_start3A_463 = tpu.memref_slice %arg12[%add3A_120, %dma_start3A_462] : memref<65536x256xf32, #tpu.memory_space<hbm>> -> memref<128x256xf32, #tpu.memory_space<hbm>>
    tpu.enqueue_dma source(%arg17 : memref<128x256xf32, #tpu.memory_space<vmem>>) target(%dma_start3A_463 : memref<128x256xf32, #tpu.memory_space<hbm>>) target_semaphore(%arg19 : memref<!tpu.dma_semaphore, #tpu.memory_space<semaphore_mem>>)
    %dma_wait3A_464 = arith.constant 0 : i32
    %dma_wait3A_465 = tpu.memref_slice %arg12[%add3A_116, %dma_wait3A_464] : memref<65536x256xf32, #tpu.memory_space<hbm>> -> memref<128x256xf32, #tpu.memory_space<hbm>>
    %dma_wait3A_466 = arith.constant 0 : i32
    %dma_wait3A_467 = tpu.memref_slice %arg12[%add3A_116, %dma_wait3A_466] : memref<65536x256xf32, #tpu.memory_space<hbm>> -> memref<128x256xf32, #tpu.memory_space<hbm>>
    tpu.wait_dma2 semaphore(%arg19 : memref<!tpu.dma_semaphore, #tpu.memory_space<semaphore_mem>>) src(%arg16 : memref<128x256xf32, #tpu.memory_space<vmem>>) dst(%dma_wait3A_467 : memref<128x256xf32, #tpu.memory_space<hbm>>)
    %dma_start3A_468 = arith.constant 512 : i32
    %dma_start3A_469 = tpu.memref_slice %arg14[%dma_start3A_468] : memref<2048xi32, #tpu.memory_space<vmem>> -> memref<128xi32, #tpu.memory_space<vmem>>
    %dma_start3A_470 = arith.constant 0 : i32
    %dma_start3A_471 = arith.constant 0 : i32
    %dma_start3A_472 = tpu.memref_slice %arg3[%dma_start3A_470, %dma_start3A_471] : memref<100000x256xf32, #tpu.memory_space<hbm>> -> memref<100000x256xf32, #tpu.memory_space<hbm>>
    tpu.enqueue_indirect_dma source(%dma_start3A_472 : memref<100000x256xf32, #tpu.memory_space<hbm>>) target(%arg16 : memref<128x256xf32, #tpu.memory_space<vmem>>) offsets(%dma_start3A_469 : memref<128xi32, #tpu.memory_space<vmem>>) semaphore(%arg18 : memref<!tpu.dma_semaphore, #tpu.memory_space<semaphore_mem>>)
    %dma_wait3A_473 = arith.constant 384 : i32
    %dma_wait3A_474 = tpu.memref_slice %arg14[%dma_wait3A_473] : memref<2048xi32, #tpu.memory_space<vmem>> -> memref<128xi32, #tpu.memory_space<vmem>>
    %dma_wait3A_475 = arith.constant 0 : i32
    %dma_wait3A_476 = arith.constant 0 : i32
    %dma_wait3A_477 = tpu.memref_slice %arg3[%dma_wait3A_475, %dma_wait3A_476] : memref<100000x256xf32, #tpu.memory_space<hbm>> -> memref<100000x256xf32, #tpu.memory_space<hbm>>
    tpu.wait_indirect_dma semaphore(%arg18 : memref<!tpu.dma_semaphore, #tpu.memory_space<semaphore_mem>>) src(%dma_wait3A_477 : memref<100000x256xf32, #tpu.memory_space<hbm>>) dst(%arg15 : memref<128x256xf32, #tpu.memory_space<vmem>>)
    %dma_start3A_478 = arith.constant 0 : i32
    %dma_start3A_479 = tpu.memref_slice %arg12[%add3A_124, %dma_start3A_478] : memref<65536x256xf32, #tpu.memory_space<hbm>> -> memref<128x256xf32, #tpu.memory_space<hbm>>
    %dma_start3A_480 = arith.constant 0 : i32
    %dma_start3A_481 = tpu.memref_slice %arg12[%add3A_124, %dma_start3A_480] : memref<65536x256xf32, #tpu.memory_space<hbm>> -> memref<128x256xf32, #tpu.memory_space<hbm>>
    tpu.enqueue_dma source(%arg15 : memref<128x256xf32, #tpu.memory_space<vmem>>) target(%dma_start3A_481 : memref<128x256xf32, #tpu.memory_space<hbm>>) target_semaphore(%arg19 : memref<!tpu.dma_semaphore, #tpu.memory_space<semaphore_mem>>)
    %dma_wait3A_482 = arith.constant 0 : i32
    %dma_wait3A_483 = tpu.memref_slice %arg12[%add3A_120, %dma_wait3A_482] : memref<65536x256xf32, #tpu.memory_space<hbm>> -> memref<128x256xf32, #tpu.memory_space<hbm>>
    %dma_wait3A_484 = arith.constant 0 : i32
    %dma_wait3A_485 = tpu.memref_slice %arg12[%add3A_120, %dma_wait3A_484] : memref<65536x256xf32, #tpu.memory_space<hbm>> -> memref<128x256xf32, #tpu.memory_space<hbm>>
    tpu.wait_dma2 semaphore(%arg19 : memref<!tpu.dma_semaphore, #tpu.memory_space<semaphore_mem>>) src(%arg17 : memref<128x256xf32, #tpu.memory_space<vmem>>) dst(%dma_wait3A_485 : memref<128x256xf32, #tpu.memory_space<hbm>>)
    %dma_start3A_486 = arith.constant 640 : i32
    %dma_start3A_487 = tpu.memref_slice %arg14[%dma_start3A_486] : memref<2048xi32, #tpu.memory_space<vmem>> -> memref<128xi32, #tpu.memory_space<vmem>>
    %dma_start3A_488 = arith.constant 0 : i32
    %dma_start3A_489 = arith.constant 0 : i32
    %dma_start3A_490 = tpu.memref_slice %arg3[%dma_start3A_488, %dma_start3A_489] : memref<100000x256xf32, #tpu.memory_space<hbm>> -> memref<100000x256xf32, #tpu.memory_space<hbm>>
    tpu.enqueue_indirect_dma source(%dma_start3A_490 : memref<100000x256xf32, #tpu.memory_space<hbm>>) target(%arg17 : memref<128x256xf32, #tpu.memory_space<vmem>>) offsets(%dma_start3A_487 : memref<128xi32, #tpu.memory_space<vmem>>) semaphore(%arg18 : memref<!tpu.dma_semaphore, #tpu.memory_space<semaphore_mem>>)
    %dma_wait3A_491 = arith.constant 512 : i32
    %dma_wait3A_492 = tpu.memref_slice %arg14[%dma_wait3A_491] : memref<2048xi32, #tpu.memory_space<vmem>> -> memref<128xi32, #tpu.memory_space<vmem>>
    %dma_wait3A_493 = arith.constant 0 : i32
    %dma_wait3A_494 = arith.constant 0 : i32
    %dma_wait3A_495 = tpu.memref_slice %arg3[%dma_wait3A_493, %dma_wait3A_494] : memref<100000x256xf32, #tpu.memory_space<hbm>> -> memref<100000x256xf32, #tpu.memory_space<hbm>>
    tpu.wait_indirect_dma semaphore(%arg18 : memref<!tpu.dma_semaphore, #tpu.memory_space<semaphore_mem>>) src(%dma_wait3A_495 : memref<100000x256xf32, #tpu.memory_space<hbm>>) dst(%arg16 : memref<128x256xf32, #tpu.memory_space<vmem>>)
    %dma_start3A_496 = arith.constant 0 : i32
    %dma_start3A_497 = tpu.memref_slice %arg12[%add3A_128, %dma_start3A_496] : memref<65536x256xf32, #tpu.memory_space<hbm>> -> memref<128x256xf32, #tpu.memory_space<hbm>>
    %dma_start3A_498 = arith.constant 0 : i32
    %dma_start3A_499 = tpu.memref_slice %arg12[%add3A_128, %dma_start3A_498] : memref<65536x256xf32, #tpu.memory_space<hbm>> -> memref<128x256xf32, #tpu.memory_space<hbm>>
    tpu.enqueue_dma source(%arg16 : memref<128x256xf32, #tpu.memory_space<vmem>>) target(%dma_start3A_499 : memref<128x256xf32, #tpu.memory_space<hbm>>) target_semaphore(%arg19 : memref<!tpu.dma_semaphore, #tpu.memory_space<semaphore_mem>>)
    %dma_wait3A_500 = arith.constant 0 : i32
    %dma_wait3A_501 = tpu.memref_slice %arg12[%add3A_124, %dma_wait3A_500] : memref<65536x256xf32, #tpu.memory_space<hbm>> -> memref<128x256xf32, #tpu.memory_space<hbm>>
    %dma_wait3A_502 = arith.constant 0 : i32
    %dma_wait3A_503 = tpu.memref_slice %arg12[%add3A_124, %dma_wait3A_502] : memref<65536x256xf32, #tpu.memory_space<hbm>> -> memref<128x256xf32, #tpu.memory_space<hbm>>
    tpu.wait_dma2 semaphore(%arg19 : memref<!tpu.dma_semaphore, #tpu.memory_space<semaphore_mem>>) src(%arg15 : memref<128x256xf32, #tpu.memory_space<vmem>>) dst(%dma_wait3A_503 : memref<128x256xf32, #tpu.memory_space<hbm>>)
    %dma_start3A_504 = arith.constant 768 : i32
    %dma_start3A_505 = tpu.memref_slice %arg14[%dma_start3A_504] : memref<2048xi32, #tpu.memory_space<vmem>> -> memref<128xi32, #tpu.memory_space<vmem>>
    %dma_start3A_506 = arith.constant 0 : i32
    %dma_start3A_507 = arith.constant 0 : i32
    %dma_start3A_508 = tpu.memref_slice %arg3[%dma_start3A_506, %dma_start3A_507] : memref<100000x256xf32, #tpu.memory_space<hbm>> -> memref<100000x256xf32, #tpu.memory_space<hbm>>
    tpu.enqueue_indirect_dma source(%dma_start3A_508 : memref<100000x256xf32, #tpu.memory_space<hbm>>) target(%arg15 : memref<128x256xf32, #tpu.memory_space<vmem>>) offsets(%dma_start3A_505 : memref<128xi32, #tpu.memory_space<vmem>>) semaphore(%arg18 : memref<!tpu.dma_semaphore, #tpu.memory_space<semaphore_mem>>)
    %dma_wait3A_509 = arith.constant 640 : i32
    %dma_wait3A_510 = tpu.memref_slice %arg14[%dma_wait3A_509] : memref<2048xi32, #tpu.memory_space<vmem>> -> memref<128xi32, #tpu.memory_space<vmem>>
    %dma_wait3A_511 = arith.constant 0 : i32
    %dma_wait3A_512 = arith.constant 0 : i32
    %dma_wait3A_513 = tpu.memref_slice %arg3[%dma_wait3A_511, %dma_wait3A_512] : memref<100000x256xf32, #tpu.memory_space<hbm>> -> memref<100000x256xf32, #tpu.memory_space<hbm>>
    tpu.wait_indirect_dma semaphore(%arg18 : memref<!tpu.dma_semaphore, #tpu.memory_space<semaphore_mem>>) src(%dma_wait3A_513 : memref<100000x256xf32, #tpu.memory_space<hbm>>) dst(%arg17 : memref<128x256xf32, #tpu.memory_space<vmem>>)
    %dma_start3A_514 = arith.constant 0 : i32
    %dma_start3A_515 = tpu.memref_slice %arg12[%add3A_132, %dma_start3A_514] : memref<65536x256xf32, #tpu.memory_space<hbm>> -> memref<128x256xf32, #tpu.memory_space<hbm>>
    %dma_start3A_516 = arith.constant 0 : i32
    %dma_start3A_517 = tpu.memref_slice %arg12[%add3A_132, %dma_start3A_516] : memref<65536x256xf32, #tpu.memory_space<hbm>> -> memref<128x256xf32, #tpu.memory_space<hbm>>
    tpu.enqueue_dma source(%arg17 : memref<128x256xf32, #tpu.memory_space<vmem>>) target(%dma_start3A_517 : memref<128x256xf32, #tpu.memory_space<hbm>>) target_semaphore(%arg19 : memref<!tpu.dma_semaphore, #tpu.memory_space<semaphore_mem>>)
    %dma_wait3A_518 = arith.constant 0 : i32
    %dma_wait3A_519 = tpu.memref_slice %arg12[%add3A_128, %dma_wait3A_518] : memref<65536x256xf32, #tpu.memory_space<hbm>> -> memref<128x256xf32, #tpu.memory_space<hbm>>
    %dma_wait3A_520 = arith.constant 0 : i32
    %dma_wait3A_521 = tpu.memref_slice %arg12[%add3A_128, %dma_wait3A_520] : memref<65536x256xf32, #tpu.memory_space<hbm>> -> memref<128x256xf32, #tpu.memory_space<hbm>>
    tpu.wait_dma2 semaphore(%arg19 : memref<!tpu.dma_semaphore, #tpu.memory_space<semaphore_mem>>) src(%arg16 : memref<128x256xf32, #tpu.memory_space<vmem>>) dst(%dma_wait3A_521 : memref<128x256xf32, #tpu.memory_space<hbm>>)
    %dma_start3A_522 = arith.constant 896 : i32
    %dma_start3A_523 = tpu.memref_slice %arg14[%dma_start3A_522] : memref<2048xi32, #tpu.memory_space<vmem>> -> memref<128xi32, #tpu.memory_space<vmem>>
    %dma_start3A_524 = arith.constant 0 : i32
    %dma_start3A_525 = arith.constant 0 : i32
    %dma_start3A_526 = tpu.memref_slice %arg3[%dma_start3A_524, %dma_start3A_525] : memref<100000x256xf32, #tpu.memory_space<hbm>> -> memref<100000x256xf32, #tpu.memory_space<hbm>>
    tpu.enqueue_indirect_dma source(%dma_start3A_526 : memref<100000x256xf32, #tpu.memory_space<hbm>>) target(%arg16 : memref<128x256xf32, #tpu.memory_space<vmem>>) offsets(%dma_start3A_523 : memref<128xi32, #tpu.memory_space<vmem>>) semaphore(%arg18 : memref<!tpu.dma_semaphore, #tpu.memory_space<semaphore_mem>>)
    %dma_wait3A_527 = arith.constant 768 : i32
    %dma_wait3A_528 = tpu.memref_slice %arg14[%dma_wait3A_527] : memref<2048xi32, #tpu.memory_space<vmem>> -> memref<128xi32, #tpu.memory_space<vmem>>
    %dma_wait3A_529 = arith.constant 0 : i32
    %dma_wait3A_530 = arith.constant 0 : i32
    %dma_wait3A_531 = tpu.memref_slice %arg3[%dma_wait3A_529, %dma_wait3A_530] : memref<100000x256xf32, #tpu.memory_space<hbm>> -> memref<100000x256xf32, #tpu.memory_space<hbm>>
    tpu.wait_indirect_dma semaphore(%arg18 : memref<!tpu.dma_semaphore, #tpu.memory_space<semaphore_mem>>) src(%dma_wait3A_531 : memref<100000x256xf32, #tpu.memory_space<hbm>>) dst(%arg15 : memref<128x256xf32, #tpu.memory_space<vmem>>)
    %dma_start3A_532 = arith.constant 0 : i32
    %dma_start3A_533 = tpu.memref_slice %arg12[%add3A_136, %dma_start3A_532] : memref<65536x256xf32, #tpu.memory_space<hbm>> -> memref<128x256xf32, #tpu.memory_space<hbm>>
    %dma_start3A_534 = arith.constant 0 : i32
    %dma_start3A_535 = tpu.memref_slice %arg12[%add3A_136, %dma_start3A_534] : memref<65536x256xf32, #tpu.memory_space<hbm>> -> memref<128x256xf32, #tpu.memory_space<hbm>>
    tpu.enqueue_dma source(%arg15 : memref<128x256xf32, #tpu.memory_space<vmem>>) target(%dma_start3A_535 : memref<128x256xf32, #tpu.memory_space<hbm>>) target_semaphore(%arg19 : memref<!tpu.dma_semaphore, #tpu.memory_space<semaphore_mem>>)
    %dma_wait3A_536 = arith.constant 0 : i32
    %dma_wait3A_537 = tpu.memref_slice %arg12[%add3A_132, %dma_wait3A_536] : memref<65536x256xf32, #tpu.memory_space<hbm>> -> memref<128x256xf32, #tpu.memory_space<hbm>>
    %dma_wait3A_538 = arith.constant 0 : i32
    %dma_wait3A_539 = tpu.memref_slice %arg12[%add3A_132, %dma_wait3A_538] : memref<65536x256xf32, #tpu.memory_space<hbm>> -> memref<128x256xf32, #tpu.memory_space<hbm>>
    tpu.wait_dma2 semaphore(%arg19 : memref<!tpu.dma_semaphore, #tpu.memory_space<semaphore_mem>>) src(%arg17 : memref<128x256xf32, #tpu.memory_space<vmem>>) dst(%dma_wait3A_539 : memref<128x256xf32, #tpu.memory_space<hbm>>)
    %dma_start3A_540 = arith.constant 1024 : i32
    %dma_start3A_541 = tpu.memref_slice %arg14[%dma_start3A_540] : memref<2048xi32, #tpu.memory_space<vmem>> -> memref<128xi32, #tpu.memory_space<vmem>>
    %dma_start3A_542 = arith.constant 0 : i32
    %dma_start3A_543 = arith.constant 0 : i32
    %dma_start3A_544 = tpu.memref_slice %arg3[%dma_start3A_542, %dma_start3A_543] : memref<100000x256xf32, #tpu.memory_space<hbm>> -> memref<100000x256xf32, #tpu.memory_space<hbm>>
    tpu.enqueue_indirect_dma source(%dma_start3A_544 : memref<100000x256xf32, #tpu.memory_space<hbm>>) target(%arg17 : memref<128x256xf32, #tpu.memory_space<vmem>>) offsets(%dma_start3A_541 : memref<128xi32, #tpu.memory_space<vmem>>) semaphore(%arg18 : memref<!tpu.dma_semaphore, #tpu.memory_space<semaphore_mem>>)
    %dma_wait3A_545 = arith.constant 896 : i32
    %dma_wait3A_546 = tpu.memref_slice %arg14[%dma_wait3A_545] : memref<2048xi32, #tpu.memory_space<vmem>> -> memref<128xi32, #tpu.memory_space<vmem>>
    %dma_wait3A_547 = arith.constant 0 : i32
    %dma_wait3A_548 = arith.constant 0 : i32
    %dma_wait3A_549 = tpu.memref_slice %arg3[%dma_wait3A_547, %dma_wait3A_548] : memref<100000x256xf32, #tpu.memory_space<hbm>> -> memref<100000x256xf32, #tpu.memory_space<hbm>>
    tpu.wait_indirect_dma semaphore(%arg18 : memref<!tpu.dma_semaphore, #tpu.memory_space<semaphore_mem>>) src(%dma_wait3A_549 : memref<100000x256xf32, #tpu.memory_space<hbm>>) dst(%arg16 : memref<128x256xf32, #tpu.memory_space<vmem>>)
    %dma_start3A_550 = arith.constant 0 : i32
    %dma_start3A_551 = tpu.memref_slice %arg12[%add3A_140, %dma_start3A_550] : memref<65536x256xf32, #tpu.memory_space<hbm>> -> memref<128x256xf32, #tpu.memory_space<hbm>>
    %dma_start3A_552 = arith.constant 0 : i32
    %dma_start3A_553 = tpu.memref_slice %arg12[%add3A_140, %dma_start3A_552] : memref<65536x256xf32, #tpu.memory_space<hbm>> -> memref<128x256xf32, #tpu.memory_space<hbm>>
    tpu.enqueue_dma source(%arg16 : memref<128x256xf32, #tpu.memory_space<vmem>>) target(%dma_start3A_553 : memref<128x256xf32, #tpu.memory_space<hbm>>) target_semaphore(%arg19 : memref<!tpu.dma_semaphore, #tpu.memory_space<semaphore_mem>>)
    %dma_wait3A_554 = arith.constant 0 : i32
    %dma_wait3A_555 = tpu.memref_slice %arg12[%add3A_136, %dma_wait3A_554] : memref<65536x256xf32, #tpu.memory_space<hbm>> -> memref<128x256xf32, #tpu.memory_space<hbm>>
    %dma_wait3A_556 = arith.constant 0 : i32
    %dma_wait3A_557 = tpu.memref_slice %arg12[%add3A_136, %dma_wait3A_556] : memref<65536x256xf32, #tpu.memory_space<hbm>> -> memref<128x256xf32, #tpu.memory_space<hbm>>
    tpu.wait_dma2 semaphore(%arg19 : memref<!tpu.dma_semaphore, #tpu.memory_space<semaphore_mem>>) src(%arg15 : memref<128x256xf32, #tpu.memory_space<vmem>>) dst(%dma_wait3A_557 : memref<128x256xf32, #tpu.memory_space<hbm>>)
    %dma_start3A_558 = arith.constant 1152 : i32
    %dma_start3A_559 = tpu.memref_slice %arg14[%dma_start3A_558] : memref<2048xi32, #tpu.memory_space<vmem>> -> memref<128xi32, #tpu.memory_space<vmem>>
    %dma_start3A_560 = arith.constant 0 : i32
    %dma_start3A_561 = arith.constant 0 : i32
    %dma_start3A_562 = tpu.memref_slice %arg3[%dma_start3A_560, %dma_start3A_561] : memref<100000x256xf32, #tpu.memory_space<hbm>> -> memref<100000x256xf32, #tpu.memory_space<hbm>>
    tpu.enqueue_indirect_dma source(%dma_start3A_562 : memref<100000x256xf32, #tpu.memory_space<hbm>>) target(%arg15 : memref<128x256xf32, #tpu.memory_space<vmem>>) offsets(%dma_start3A_559 : memref<128xi32, #tpu.memory_space<vmem>>) semaphore(%arg18 : memref<!tpu.dma_semaphore, #tpu.memory_space<semaphore_mem>>)
    %dma_wait3A_563 = arith.constant 1024 : i32
    %dma_wait3A_564 = tpu.memref_slice %arg14[%dma_wait3A_563] : memref<2048xi32, #tpu.memory_space<vmem>> -> memref<128xi32, #tpu.memory_space<vmem>>
    %dma_wait3A_565 = arith.constant 0 : i32
    %dma_wait3A_566 = arith.constant 0 : i32
    %dma_wait3A_567 = tpu.memref_slice %arg3[%dma_wait3A_565, %dma_wait3A_566] : memref<100000x256xf32, #tpu.memory_space<hbm>> -> memref<100000x256xf32, #tpu.memory_space<hbm>>
    tpu.wait_indirect_dma semaphore(%arg18 : memref<!tpu.dma_semaphore, #tpu.memory_space<semaphore_mem>>) src(%dma_wait3A_567 : memref<100000x256xf32, #tpu.memory_space<hbm>>) dst(%arg17 : memref<128x256xf32, #tpu.memory_space<vmem>>)
    %dma_start3A_568 = arith.constant 0 : i32
    %dma_start3A_569 = tpu.memref_slice %arg12[%add3A_144, %dma_start3A_568] : memref<65536x256xf32, #tpu.memory_space<hbm>> -> memref<128x256xf32, #tpu.memory_space<hbm>>
    %dma_start3A_570 = arith.constant 0 : i32
    %dma_start3A_571 = tpu.memref_slice %arg12[%add3A_144, %dma_start3A_570] : memref<65536x256xf32, #tpu.memory_space<hbm>> -> memref<128x256xf32, #tpu.memory_space<hbm>>
    tpu.enqueue_dma source(%arg17 : memref<128x256xf32, #tpu.memory_space<vmem>>) target(%dma_start3A_571 : memref<128x256xf32, #tpu.memory_space<hbm>>) target_semaphore(%arg19 : memref<!tpu.dma_semaphore, #tpu.memory_space<semaphore_mem>>)
    %dma_wait3A_572 = arith.constant 0 : i32
    %dma_wait3A_573 = tpu.memref_slice %arg12[%add3A_140, %dma_wait3A_572] : memref<65536x256xf32, #tpu.memory_space<hbm>> -> memref<128x256xf32, #tpu.memory_space<hbm>>
    %dma_wait3A_574 = arith.constant 0 : i32
    %dma_wait3A_575 = tpu.memref_slice %arg12[%add3A_140, %dma_wait3A_574] : memref<65536x256xf32, #tpu.memory_space<hbm>> -> memref<128x256xf32, #tpu.memory_space<hbm>>
    tpu.wait_dma2 semaphore(%arg19 : memref<!tpu.dma_semaphore, #tpu.memory_space<semaphore_mem>>) src(%arg16 : memref<128x256xf32, #tpu.memory_space<vmem>>) dst(%dma_wait3A_575 : memref<128x256xf32, #tpu.memory_space<hbm>>)
    %dma_start3A_576 = arith.constant 1280 : i32
    %dma_start3A_577 = tpu.memref_slice %arg14[%dma_start3A_576] : memref<2048xi32, #tpu.memory_space<vmem>> -> memref<128xi32, #tpu.memory_space<vmem>>
    %dma_start3A_578 = arith.constant 0 : i32
    %dma_start3A_579 = arith.constant 0 : i32
    %dma_start3A_580 = tpu.memref_slice %arg3[%dma_start3A_578, %dma_start3A_579] : memref<100000x256xf32, #tpu.memory_space<hbm>> -> memref<100000x256xf32, #tpu.memory_space<hbm>>
    tpu.enqueue_indirect_dma source(%dma_start3A_580 : memref<100000x256xf32, #tpu.memory_space<hbm>>) target(%arg16 : memref<128x256xf32, #tpu.memory_space<vmem>>) offsets(%dma_start3A_577 : memref<128xi32, #tpu.memory_space<vmem>>) semaphore(%arg18 : memref<!tpu.dma_semaphore, #tpu.memory_space<semaphore_mem>>)
    %dma_wait3A_581 = arith.constant 1152 : i32
    %dma_wait3A_582 = tpu.memref_slice %arg14[%dma_wait3A_581] : memref<2048xi32, #tpu.memory_space<vmem>> -> memref<128xi32, #tpu.memory_space<vmem>>
    %dma_wait3A_583 = arith.constant 0 : i32
    %dma_wait3A_584 = arith.constant 0 : i32
    %dma_wait3A_585 = tpu.memref_slice %arg3[%dma_wait3A_583, %dma_wait3A_584] : memref<100000x256xf32, #tpu.memory_space<hbm>> -> memref<100000x256xf32, #tpu.memory_space<hbm>>
    tpu.wait_indirect_dma semaphore(%arg18 : memref<!tpu.dma_semaphore, #tpu.memory_space<semaphore_mem>>) src(%dma_wait3A_585 : memref<100000x256xf32, #tpu.memory_space<hbm>>) dst(%arg15 : memref<128x256xf32, #tpu.memory_space<vmem>>)
    %dma_start3A_586 = arith.constant 0 : i32
    %dma_start3A_587 = tpu.memref_slice %arg12[%add3A_148, %dma_start3A_586] : memref<65536x256xf32, #tpu.memory_space<hbm>> -> memref<128x256xf32, #tpu.memory_space<hbm>>
    %dma_start3A_588 = arith.constant 0 : i32
    %dma_start3A_589 = tpu.memref_slice %arg12[%add3A_148, %dma_start3A_588] : memref<65536x256xf32, #tpu.memory_space<hbm>> -> memref<128x256xf32, #tpu.memory_space<hbm>>
    tpu.enqueue_dma source(%arg15 : memref<128x256xf32, #tpu.memory_space<vmem>>) target(%dma_start3A_589 : memref<128x256xf32, #tpu.memory_space<hbm>>) target_semaphore(%arg19 : memref<!tpu.dma_semaphore, #tpu.memory_space<semaphore_mem>>)
    %dma_wait3A_590 = arith.constant 0 : i32
    %dma_wait3A_591 = tpu.memref_slice %arg12[%add3A_144, %dma_wait3A_590] : memref<65536x256xf32, #tpu.memory_space<hbm>> -> memref<128x256xf32, #tpu.memory_space<hbm>>
    %dma_wait3A_592 = arith.constant 0 : i32
    %dma_wait3A_593 = tpu.memref_slice %arg12[%add3A_144, %dma_wait3A_592] : memref<65536x256xf32, #tpu.memory_space<hbm>> -> memref<128x256xf32, #tpu.memory_space<hbm>>
    tpu.wait_dma2 semaphore(%arg19 : memref<!tpu.dma_semaphore, #tpu.memory_space<semaphore_mem>>) src(%arg17 : memref<128x256xf32, #tpu.memory_space<vmem>>) dst(%dma_wait3A_593 : memref<128x256xf32, #tpu.memory_space<hbm>>)
    %dma_start3A_594 = arith.constant 1408 : i32
    %dma_start3A_595 = tpu.memref_slice %arg14[%dma_start3A_594] : memref<2048xi32, #tpu.memory_space<vmem>> -> memref<128xi32, #tpu.memory_space<vmem>>
    %dma_start3A_596 = arith.constant 0 : i32
    %dma_start3A_597 = arith.constant 0 : i32
    %dma_start3A_598 = tpu.memref_slice %arg3[%dma_start3A_596, %dma_start3A_597] : memref<100000x256xf32, #tpu.memory_space<hbm>> -> memref<100000x256xf32, #tpu.memory_space<hbm>>
    tpu.enqueue_indirect_dma source(%dma_start3A_598 : memref<100000x256xf32, #tpu.memory_space<hbm>>) target(%arg17 : memref<128x256xf32, #tpu.memory_space<vmem>>) offsets(%dma_start3A_595 : memref<128xi32, #tpu.memory_space<vmem>>) semaphore(%arg18 : memref<!tpu.dma_semaphore, #tpu.memory_space<semaphore_mem>>)
    %dma_wait3A_599 = arith.constant 1280 : i32
    %dma_wait3A_600 = tpu.memref_slice %arg14[%dma_wait3A_599] : memref<2048xi32, #tpu.memory_space<vmem>> -> memref<128xi32, #tpu.memory_space<vmem>>
    %dma_wait3A_601 = arith.constant 0 : i32
    %dma_wait3A_602 = arith.constant 0 : i32
    %dma_wait3A_603 = tpu.memref_slice %arg3[%dma_wait3A_601, %dma_wait3A_602] : memref<100000x256xf32, #tpu.memory_space<hbm>> -> memref<100000x256xf32, #tpu.memory_space<hbm>>
    tpu.wait_indirect_dma semaphore(%arg18 : memref<!tpu.dma_semaphore, #tpu.memory_space<semaphore_mem>>) src(%dma_wait3A_603 : memref<100000x256xf32, #tpu.memory_space<hbm>>) dst(%arg16 : memref<128x256xf32, #tpu.memory_space<vmem>>)
    %dma_start3A_604 = arith.constant 0 : i32
    %dma_start3A_605 = tpu.memref_slice %arg12[%add3A_152, %dma_start3A_604] : memref<65536x256xf32, #tpu.memory_space<hbm>> -> memref<128x256xf32, #tpu.memory_space<hbm>>
    %dma_start3A_606 = arith.constant 0 : i32
    %dma_start3A_607 = tpu.memref_slice %arg12[%add3A_152, %dma_start3A_606] : memref<65536x256xf32, #tpu.memory_space<hbm>> -> memref<128x256xf32, #tpu.memory_space<hbm>>
    tpu.enqueue_dma source(%arg16 : memref<128x256xf32, #tpu.memory_space<vmem>>) target(%dma_start3A_607 : memref<128x256xf32, #tpu.memory_space<hbm>>) target_semaphore(%arg19 : memref<!tpu.dma_semaphore, #tpu.memory_space<semaphore_mem>>)
    %dma_wait3A_608 = arith.constant 0 : i32
    %dma_wait3A_609 = tpu.memref_slice %arg12[%add3A_148, %dma_wait3A_608] : memref<65536x256xf32, #tpu.memory_space<hbm>> -> memref<128x256xf32, #tpu.memory_space<hbm>>
    %dma_wait3A_610 = arith.constant 0 : i32
    %dma_wait3A_611 = tpu.memref_slice %arg12[%add3A_148, %dma_wait3A_610] : memref<65536x256xf32, #tpu.memory_space<hbm>> -> memref<128x256xf32, #tpu.memory_space<hbm>>
    tpu.wait_dma2 semaphore(%arg19 : memref<!tpu.dma_semaphore, #tpu.memory_space<semaphore_mem>>) src(%arg15 : memref<128x256xf32, #tpu.memory_space<vmem>>) dst(%dma_wait3A_611 : memref<128x256xf32, #tpu.memory_space<hbm>>)
    %dma_start3A_612 = arith.constant 1536 : i32
    %dma_start3A_613 = tpu.memref_slice %arg14[%dma_start3A_612] : memref<2048xi32, #tpu.memory_space<vmem>> -> memref<128xi32, #tpu.memory_space<vmem>>
    %dma_start3A_614 = arith.constant 0 : i32
    %dma_start3A_615 = arith.constant 0 : i32
    %dma_start3A_616 = tpu.memref_slice %arg3[%dma_start3A_614, %dma_start3A_615] : memref<100000x256xf32, #tpu.memory_space<hbm>> -> memref<100000x256xf32, #tpu.memory_space<hbm>>
    tpu.enqueue_indirect_dma source(%dma_start3A_616 : memref<100000x256xf32, #tpu.memory_space<hbm>>) target(%arg15 : memref<128x256xf32, #tpu.memory_space<vmem>>) offsets(%dma_start3A_613 : memref<128xi32, #tpu.memory_space<vmem>>) semaphore(%arg18 : memref<!tpu.dma_semaphore, #tpu.memory_space<semaphore_mem>>)
    %dma_wait3A_617 = arith.constant 1408 : i32
    %dma_wait3A_618 = tpu.memref_slice %arg14[%dma_wait3A_617] : memref<2048xi32, #tpu.memory_space<vmem>> -> memref<128xi32, #tpu.memory_space<vmem>>
    %dma_wait3A_619 = arith.constant 0 : i32
    %dma_wait3A_620 = arith.constant 0 : i32
    %dma_wait3A_621 = tpu.memref_slice %arg3[%dma_wait3A_619, %dma_wait3A_620] : memref<100000x256xf32, #tpu.memory_space<hbm>> -> memref<100000x256xf32, #tpu.memory_space<hbm>>
    tpu.wait_indirect_dma semaphore(%arg18 : memref<!tpu.dma_semaphore, #tpu.memory_space<semaphore_mem>>) src(%dma_wait3A_621 : memref<100000x256xf32, #tpu.memory_space<hbm>>) dst(%arg17 : memref<128x256xf32, #tpu.memory_space<vmem>>)
    %dma_start3A_622 = arith.constant 0 : i32
    %dma_start3A_623 = tpu.memref_slice %arg12[%add3A_156, %dma_start3A_622] : memref<65536x256xf32, #tpu.memory_space<hbm>> -> memref<128x256xf32, #tpu.memory_space<hbm>>
    %dma_start3A_624 = arith.constant 0 : i32
    %dma_start3A_625 = tpu.memref_slice %arg12[%add3A_156, %dma_start3A_624] : memref<65536x256xf32, #tpu.memory_space<hbm>> -> memref<128x256xf32, #tpu.memory_space<hbm>>
    tpu.enqueue_dma source(%arg17 : memref<128x256xf32, #tpu.memory_space<vmem>>) target(%dma_start3A_625 : memref<128x256xf32, #tpu.memory_space<hbm>>) target_semaphore(%arg19 : memref<!tpu.dma_semaphore, #tpu.memory_space<semaphore_mem>>)
    %dma_wait3A_626 = arith.constant 0 : i32
    %dma_wait3A_627 = tpu.memref_slice %arg12[%add3A_152, %dma_wait3A_626] : memref<65536x256xf32, #tpu.memory_space<hbm>> -> memref<128x256xf32, #tpu.memory_space<hbm>>
    %dma_wait3A_628 = arith.constant 0 : i32
    %dma_wait3A_629 = tpu.memref_slice %arg12[%add3A_152, %dma_wait3A_628] : memref<65536x256xf32, #tpu.memory_space<hbm>> -> memref<128x256xf32, #tpu.memory_space<hbm>>
    tpu.wait_dma2 semaphore(%arg19 : memref<!tpu.dma_semaphore, #tpu.memory_space<semaphore_mem>>) src(%arg16 : memref<128x256xf32, #tpu.memory_space<vmem>>) dst(%dma_wait3A_629 : memref<128x256xf32, #tpu.memory_space<hbm>>)
    %dma_start3A_630 = arith.constant 1664 : i32
    %dma_start3A_631 = tpu.memref_slice %arg14[%dma_start3A_630] : memref<2048xi32, #tpu.memory_space<vmem>> -> memref<128xi32, #tpu.memory_space<vmem>>
    %dma_start3A_632 = arith.constant 0 : i32
    %dma_start3A_633 = arith.constant 0 : i32
    %dma_start3A_634 = tpu.memref_slice %arg3[%dma_start3A_632, %dma_start3A_633] : memref<100000x256xf32, #tpu.memory_space<hbm>> -> memref<100000x256xf32, #tpu.memory_space<hbm>>
    tpu.enqueue_indirect_dma source(%dma_start3A_634 : memref<100000x256xf32, #tpu.memory_space<hbm>>) target(%arg16 : memref<128x256xf32, #tpu.memory_space<vmem>>) offsets(%dma_start3A_631 : memref<128xi32, #tpu.memory_space<vmem>>) semaphore(%arg18 : memref<!tpu.dma_semaphore, #tpu.memory_space<semaphore_mem>>)
    %dma_wait3A_635 = arith.constant 1536 : i32
    %dma_wait3A_636 = tpu.memref_slice %arg14[%dma_wait3A_635] : memref<2048xi32, #tpu.memory_space<vmem>> -> memref<128xi32, #tpu.memory_space<vmem>>
    %dma_wait3A_637 = arith.constant 0 : i32
    %dma_wait3A_638 = arith.constant 0 : i32
    %dma_wait3A_639 = tpu.memref_slice %arg3[%dma_wait3A_637, %dma_wait3A_638] : memref<100000x256xf32, #tpu.memory_space<hbm>> -> memref<100000x256xf32, #tpu.memory_space<hbm>>
    tpu.wait_indirect_dma semaphore(%arg18 : memref<!tpu.dma_semaphore, #tpu.memory_space<semaphore_mem>>) src(%dma_wait3A_639 : memref<100000x256xf32, #tpu.memory_space<hbm>>) dst(%arg15 : memref<128x256xf32, #tpu.memory_space<vmem>>)
    %dma_start3A_640 = arith.constant 0 : i32
    %dma_start3A_641 = tpu.memref_slice %arg12[%add3A_160, %dma_start3A_640] : memref<65536x256xf32, #tpu.memory_space<hbm>> -> memref<128x256xf32, #tpu.memory_space<hbm>>
    %dma_start3A_642 = arith.constant 0 : i32
    %dma_start3A_643 = tpu.memref_slice %arg12[%add3A_160, %dma_start3A_642] : memref<65536x256xf32, #tpu.memory_space<hbm>> -> memref<128x256xf32, #tpu.memory_space<hbm>>
    tpu.enqueue_dma source(%arg15 : memref<128x256xf32, #tpu.memory_space<vmem>>) target(%dma_start3A_643 : memref<128x256xf32, #tpu.memory_space<hbm>>) target_semaphore(%arg19 : memref<!tpu.dma_semaphore, #tpu.memory_space<semaphore_mem>>)
    %dma_wait3A_644 = arith.constant 0 : i32
    %dma_wait3A_645 = tpu.memref_slice %arg12[%add3A_156, %dma_wait3A_644] : memref<65536x256xf32, #tpu.memory_space<hbm>> -> memref<128x256xf32, #tpu.memory_space<hbm>>
    %dma_wait3A_646 = arith.constant 0 : i32
    %dma_wait3A_647 = tpu.memref_slice %arg12[%add3A_156, %dma_wait3A_646] : memref<65536x256xf32, #tpu.memory_space<hbm>> -> memref<128x256xf32, #tpu.memory_space<hbm>>
    tpu.wait_dma2 semaphore(%arg19 : memref<!tpu.dma_semaphore, #tpu.memory_space<semaphore_mem>>) src(%arg17 : memref<128x256xf32, #tpu.memory_space<vmem>>) dst(%dma_wait3A_647 : memref<128x256xf32, #tpu.memory_space<hbm>>)
    %dma_start3A_648 = arith.constant 1792 : i32
    %dma_start3A_649 = tpu.memref_slice %arg14[%dma_start3A_648] : memref<2048xi32, #tpu.memory_space<vmem>> -> memref<128xi32, #tpu.memory_space<vmem>>
    %dma_start3A_650 = arith.constant 0 : i32
    %dma_start3A_651 = arith.constant 0 : i32
    %dma_start3A_652 = tpu.memref_slice %arg3[%dma_start3A_650, %dma_start3A_651] : memref<100000x256xf32, #tpu.memory_space<hbm>> -> memref<100000x256xf32, #tpu.memory_space<hbm>>
    tpu.enqueue_indirect_dma source(%dma_start3A_652 : memref<100000x256xf32, #tpu.memory_space<hbm>>) target(%arg17 : memref<128x256xf32, #tpu.memory_space<vmem>>) offsets(%dma_start3A_649 : memref<128xi32, #tpu.memory_space<vmem>>) semaphore(%arg18 : memref<!tpu.dma_semaphore, #tpu.memory_space<semaphore_mem>>)
    %dma_wait3A_653 = arith.constant 1664 : i32
    %dma_wait3A_654 = tpu.memref_slice %arg14[%dma_wait3A_653] : memref<2048xi32, #tpu.memory_space<vmem>> -> memref<128xi32, #tpu.memory_space<vmem>>
    %dma_wait3A_655 = arith.constant 0 : i32
    %dma_wait3A_656 = arith.constant 0 : i32
    %dma_wait3A_657 = tpu.memref_slice %arg3[%dma_wait3A_655, %dma_wait3A_656] : memref<100000x256xf32, #tpu.memory_space<hbm>> -> memref<100000x256xf32, #tpu.memory_space<hbm>>
    tpu.wait_indirect_dma semaphore(%arg18 : memref<!tpu.dma_semaphore, #tpu.memory_space<semaphore_mem>>) src(%dma_wait3A_657 : memref<100000x256xf32, #tpu.memory_space<hbm>>) dst(%arg16 : memref<128x256xf32, #tpu.memory_space<vmem>>)
    %dma_start3A_658 = arith.constant 0 : i32
    %dma_start3A_659 = tpu.memref_slice %arg12[%add3A_164, %dma_start3A_658] : memref<65536x256xf32, #tpu.memory_space<hbm>> -> memref<128x256xf32, #tpu.memory_space<hbm>>
    %dma_start3A_660 = arith.constant 0 : i32
    %dma_start3A_661 = tpu.memref_slice %arg12[%add3A_164, %dma_start3A_660] : memref<65536x256xf32, #tpu.memory_space<hbm>> -> memref<128x256xf32, #tpu.memory_space<hbm>>
    tpu.enqueue_dma source(%arg16 : memref<128x256xf32, #tpu.memory_space<vmem>>) target(%dma_start3A_661 : memref<128x256xf32, #tpu.memory_space<hbm>>) target_semaphore(%arg19 : memref<!tpu.dma_semaphore, #tpu.memory_space<semaphore_mem>>)
    %dma_wait3A_662 = arith.constant 0 : i32
    %dma_wait3A_663 = tpu.memref_slice %arg12[%add3A_160, %dma_wait3A_662] : memref<65536x256xf32, #tpu.memory_space<hbm>> -> memref<128x256xf32, #tpu.memory_space<hbm>>
    %dma_wait3A_664 = arith.constant 0 : i32
    %dma_wait3A_665 = tpu.memref_slice %arg12[%add3A_160, %dma_wait3A_664] : memref<65536x256xf32, #tpu.memory_space<hbm>> -> memref<128x256xf32, #tpu.memory_space<hbm>>
    tpu.wait_dma2 semaphore(%arg19 : memref<!tpu.dma_semaphore, #tpu.memory_space<semaphore_mem>>) src(%arg15 : memref<128x256xf32, #tpu.memory_space<vmem>>) dst(%dma_wait3A_665 : memref<128x256xf32, #tpu.memory_space<hbm>>)
    %dma_start3A_666 = arith.constant 1920 : i32
    %dma_start3A_667 = tpu.memref_slice %arg14[%dma_start3A_666] : memref<2048xi32, #tpu.memory_space<vmem>> -> memref<128xi32, #tpu.memory_space<vmem>>
    %dma_start3A_668 = arith.constant 0 : i32
    %dma_start3A_669 = arith.constant 0 : i32
    %dma_start3A_670 = tpu.memref_slice %arg3[%dma_start3A_668, %dma_start3A_669] : memref<100000x256xf32, #tpu.memory_space<hbm>> -> memref<100000x256xf32, #tpu.memory_space<hbm>>
    tpu.enqueue_indirect_dma source(%dma_start3A_670 : memref<100000x256xf32, #tpu.memory_space<hbm>>) target(%arg15 : memref<128x256xf32, #tpu.memory_space<vmem>>) offsets(%dma_start3A_667 : memref<128xi32, #tpu.memory_space<vmem>>) semaphore(%arg18 : memref<!tpu.dma_semaphore, #tpu.memory_space<semaphore_mem>>)
    %dma_wait3A_671 = arith.constant 1792 : i32
    %dma_wait3A_672 = tpu.memref_slice %arg14[%dma_wait3A_671] : memref<2048xi32, #tpu.memory_space<vmem>> -> memref<128xi32, #tpu.memory_space<vmem>>
    %dma_wait3A_673 = arith.constant 0 : i32
    %dma_wait3A_674 = arith.constant 0 : i32
    %dma_wait3A_675 = tpu.memref_slice %arg3[%dma_wait3A_673, %dma_wait3A_674] : memref<100000x256xf32, #tpu.memory_space<hbm>> -> memref<100000x256xf32, #tpu.memory_space<hbm>>
    tpu.wait_indirect_dma semaphore(%arg18 : memref<!tpu.dma_semaphore, #tpu.memory_space<semaphore_mem>>) src(%dma_wait3A_675 : memref<100000x256xf32, #tpu.memory_space<hbm>>) dst(%arg17 : memref<128x256xf32, #tpu.memory_space<vmem>>)
    %dma_start3A_676 = arith.constant 0 : i32
    %dma_start3A_677 = tpu.memref_slice %arg12[%add3A_168, %dma_start3A_676] : memref<65536x256xf32, #tpu.memory_space<hbm>> -> memref<128x256xf32, #tpu.memory_space<hbm>>
    %dma_start3A_678 = arith.constant 0 : i32
    %dma_start3A_679 = tpu.memref_slice %arg12[%add3A_168, %dma_start3A_678] : memref<65536x256xf32, #tpu.memory_space<hbm>> -> memref<128x256xf32, #tpu.memory_space<hbm>>
    tpu.enqueue_dma source(%arg17 : memref<128x256xf32, #tpu.memory_space<vmem>>) target(%dma_start3A_679 : memref<128x256xf32, #tpu.memory_space<hbm>>) target_semaphore(%arg19 : memref<!tpu.dma_semaphore, #tpu.memory_space<semaphore_mem>>)
    %dma_wait3A_680 = arith.constant 1920 : i32
    %dma_wait3A_681 = tpu.memref_slice %arg14[%dma_wait3A_680] : memref<2048xi32, #tpu.memory_space<vmem>> -> memref<128xi32, #tpu.memory_space<vmem>>
    %dma_wait3A_682 = arith.constant 0 : i32
    %dma_wait3A_683 = arith.constant 0 : i32
    %dma_wait3A_684 = tpu.memref_slice %arg3[%dma_wait3A_682, %dma_wait3A_683] : memref<100000x256xf32, #tpu.memory_space<hbm>> -> memref<100000x256xf32, #tpu.memory_space<hbm>>
    tpu.wait_indirect_dma semaphore(%arg18 : memref<!tpu.dma_semaphore, #tpu.memory_space<semaphore_mem>>) src(%dma_wait3A_684 : memref<100000x256xf32, #tpu.memory_space<hbm>>) dst(%arg15 : memref<128x256xf32, #tpu.memory_space<vmem>>)
    %dma_start3A_685 = arith.constant 0 : i32
    %dma_start3A_686 = tpu.memref_slice %arg12[%add3A_172, %dma_start3A_685] : memref<65536x256xf32, #tpu.memory_space<hbm>> -> memref<128x256xf32, #tpu.memory_space<hbm>>
    %dma_start3A_687 = arith.constant 0 : i32
    %dma_start3A_688 = tpu.memref_slice %arg12[%add3A_172, %dma_start3A_687] : memref<65536x256xf32, #tpu.memory_space<hbm>> -> memref<128x256xf32, #tpu.memory_space<hbm>>
    tpu.enqueue_dma source(%arg15 : memref<128x256xf32, #tpu.memory_space<vmem>>) target(%dma_start3A_688 : memref<128x256xf32, #tpu.memory_space<hbm>>) target_semaphore(%arg19 : memref<!tpu.dma_semaphore, #tpu.memory_space<semaphore_mem>>)
    %dma_wait3A_689 = arith.constant 0 : i32
    %dma_wait3A_690 = tpu.memref_slice %arg12[%add3A_164, %dma_wait3A_689] : memref<65536x256xf32, #tpu.memory_space<hbm>> -> memref<128x256xf32, #tpu.memory_space<hbm>>
    %dma_wait3A_691 = arith.constant 0 : i32
    %dma_wait3A_692 = tpu.memref_slice %arg12[%add3A_164, %dma_wait3A_691] : memref<65536x256xf32, #tpu.memory_space<hbm>> -> memref<128x256xf32, #tpu.memory_space<hbm>>
    tpu.wait_dma2 semaphore(%arg19 : memref<!tpu.dma_semaphore, #tpu.memory_space<semaphore_mem>>) src(%arg16 : memref<128x256xf32, #tpu.memory_space<vmem>>) dst(%dma_wait3A_692 : memref<128x256xf32, #tpu.memory_space<hbm>>)
    %dma_wait3A_693 = arith.constant 0 : i32
    %dma_wait3A_694 = tpu.memref_slice %arg12[%add3A_168, %dma_wait3A_693] : memref<65536x256xf32, #tpu.memory_space<hbm>> -> memref<128x256xf32, #tpu.memory_space<hbm>>
    %dma_wait3A_695 = arith.constant 0 : i32
    %dma_wait3A_696 = tpu.memref_slice %arg12[%add3A_168, %dma_wait3A_695] : memref<65536x256xf32, #tpu.memory_space<hbm>> -> memref<128x256xf32, #tpu.memory_space<hbm>>
    tpu.wait_dma2 semaphore(%arg19 : memref<!tpu.dma_semaphore, #tpu.memory_space<semaphore_mem>>) src(%arg17 : memref<128x256xf32, #tpu.memory_space<vmem>>) dst(%dma_wait3A_696 : memref<128x256xf32, #tpu.memory_space<hbm>>)
    %dma_wait3A_697 = arith.constant 0 : i32
    %dma_wait3A_698 = tpu.memref_slice %arg12[%add3A_172, %dma_wait3A_697] : memref<65536x256xf32, #tpu.memory_space<hbm>> -> memref<128x256xf32, #tpu.memory_space<hbm>>
    %dma_wait3A_699 = arith.constant 0 : i32
    %dma_wait3A_700 = tpu.memref_slice %arg12[%add3A_172, %dma_wait3A_699] : memref<65536x256xf32, #tpu.memory_space<hbm>> -> memref<128x256xf32, #tpu.memory_space<hbm>>
    tpu.wait_dma2 semaphore(%arg19 : memref<!tpu.dma_semaphore, #tpu.memory_space<semaphore_mem>>) src(%arg15 : memref<128x256xf32, #tpu.memory_space<vmem>>) dst(%dma_wait3A_700 : memref<128x256xf32, #tpu.memory_space<hbm>>)
    return
  }
}

module attributes {stable_mosaic.version = 14 : i64} {
  func.func @_tc_body(%arg0: i32, %arg1: memref<3x2048x256xf32, #tpu.memory_space<vmem>>, %arg2: memref<4x2048x256xf32, #tpu.memory_space<vmem>>, %arg3: memref<256x64xf32, #tpu.memory_space<vmem>>, %arg4: memref<1x1xf32, #tpu.memory_space<vmem>>) attributes {dimension_semantics = [#tpu.dimension_semantics<arbitrary>], iteration_bounds = array<i64: 8>, scalar_prefetch = 0 : i64, scratch_operands = 0 : i64, tpu.core_type = #tpu.core_type<tc>, window_params = [{transform_indices = @transform_0, window_bounds = array<i64: 3, 2048, 256>}, {transform_indices = @transform_1, window_bounds = array<i64: 4, 2048, 256>}, {pipeline_mode = #tpu.pipeline_mode<synchronous>, transform_indices = @transform_2, window_bounds = array<i64: 256, 64>}, {pipeline_mode = #tpu.pipeline_mode<synchronous>, transform_indices = @transform_3, window_bounds = array<i64: 1, 1>}]} {
    "tpu.prng_set_seed_32"(%arg0) : (i32) -> ()
    %prng_random_bits3A = "tpu.prng_random_bits"() : () -> vector<14336x256xi32>
    %convert_element_type3A = arith.sitofp %prng_random_bits3A : vector<14336x256xi32> to vector<14336x256xf32>
    %mul3A = arith.constant 8.06548994E-11 : f32
    %mul3A_0 = vector.broadcast %mul3A : f32 to vector<14336x256xf32>
    %mul3A_1 = arith.mulf %convert_element_type3A, %mul3A_0 : vector<14336x256xf32>
    %get3A = arith.constant 0 : index
    %get3A_2 = arith.constant 0 : index
    %get3A_3 = arith.constant 0 : index
    %get3A_4 = vector.load %arg1[%get3A, %get3A_2, %get3A_3] : memref<3x2048x256xf32, #tpu.memory_space<vmem>>, vector<3x2048x256xf32>
    %reshape3A = vector.shape_cast %get3A_4 : vector<3x2048x256xf32> to vector<6144x256xf32>
    %slice3A = vector.extract_strided_slice %mul3A_1 {offsets = [0, 0], sizes = [6144, 256], strides = [1, 1]} : vector<14336x256xf32> to vector<6144x256xf32>
    %add3A = arith.addf %reshape3A, %slice3A : vector<6144x256xf32>
    %get3A_5 = arith.constant 0 : index
    %get3A_6 = arith.constant 0 : index
    %get3A_7 = arith.constant 0 : index
    %get3A_8 = vector.load %arg2[%get3A_5, %get3A_6, %get3A_7] : memref<4x2048x256xf32, #tpu.memory_space<vmem>>, vector<4x2048x256xf32>
    %reshape3A_9 = vector.shape_cast %get3A_8 : vector<4x2048x256xf32> to vector<8192x256xf32>
    %slice3A_10 = vector.extract_strided_slice %mul3A_1 {offsets = [6144, 0], sizes = [8192, 256], strides = [1, 1]} : vector<14336x256xf32> to vector<8192x256xf32>
    %add3A_11 = arith.addf %reshape3A_9, %slice3A_10 : vector<8192x256xf32>
    %get3A_12 = arith.constant 0 : index
    %get3A_13 = arith.constant 0 : index
    %get3A_14 = vector.load %arg3[%get3A_12, %get3A_13] : memref<256x64xf32, #tpu.memory_space<vmem>>, vector<256x64xf32>
    %dot_general3A = arith.constant dense<0.000000e+00> : vector<6144x64xf32>
    %dot_general3A_15 = tpu.matmul %add3A, %get3A_14, %dot_general3A {dimension_numbers = #tpu.dot_dimension_numbers<[1], [0], [0], [1], [0, 0, 1, 1], [], []>, transpose_lhs_hint = false} : vector<6144x256xf32>, vector<256x64xf32>, vector<6144x64xf32> -> vector<6144x64xf32>
    %get3A_16 = arith.constant 0 : index
    %get3A_17 = arith.constant 0 : index
    %get3A_18 = vector.load %arg3[%get3A_16, %get3A_17] : memref<256x64xf32, #tpu.memory_space<vmem>>, vector<256x64xf32>
    %dot_general3A_19 = arith.constant dense<0.000000e+00> : vector<8192x64xf32>
    %dot_general3A_20 = tpu.matmul %add3A_11, %get3A_18, %dot_general3A_19 {dimension_numbers = #tpu.dot_dimension_numbers<[1], [0], [0], [1], [0, 0, 1, 1], [], []>, transpose_lhs_hint = false} : vector<8192x256xf32>, vector<256x64xf32>, vector<8192x64xf32> -> vector<8192x64xf32>
    %reshape3A_21 = vector.shape_cast %dot_general3A_15 : vector<6144x64xf32> to vector<3x2048x64xf32>
    %reshape3A_22 = vector.shape_cast %dot_general3A_20 : vector<8192x64xf32> to vector<4x2048x64xf32>
    %slice3A_23 = vector.extract_strided_slice %reshape3A_21 {offsets = [0, 0, 0], sizes = [1, 2048, 64], strides = [1, 1, 1]} : vector<3x2048x64xf32> to vector<1x2048x64xf32>
    %squeeze3A = vector.shape_cast %slice3A_23 : vector<1x2048x64xf32> to vector<2048x64xf32>
    %slice3A_24 = vector.extract_strided_slice %reshape3A_21 {offsets = [1, 0, 0], sizes = [1, 2048, 64], strides = [1, 1, 1]} : vector<3x2048x64xf32> to vector<1x2048x64xf32>
    %squeeze3A_25 = vector.shape_cast %slice3A_24 : vector<1x2048x64xf32> to vector<2048x64xf32>
    %slice3A_26 = vector.extract_strided_slice %reshape3A_21 {offsets = [2, 0, 0], sizes = [1, 2048, 64], strides = [1, 1, 1]} : vector<3x2048x64xf32> to vector<1x2048x64xf32>
    %squeeze3A_27 = vector.shape_cast %slice3A_26 : vector<1x2048x64xf32> to vector<2048x64xf32>
    %slice3A_28 = vector.extract_strided_slice %reshape3A_22 {offsets = [0, 0, 0], sizes = [1, 2048, 64], strides = [1, 1, 1]} : vector<4x2048x64xf32> to vector<1x2048x64xf32>
    %squeeze3A_29 = vector.shape_cast %slice3A_28 : vector<1x2048x64xf32> to vector<2048x64xf32>
    %slice3A_30 = vector.extract_strided_slice %reshape3A_22 {offsets = [1, 0, 0], sizes = [1, 2048, 64], strides = [1, 1, 1]} : vector<4x2048x64xf32> to vector<1x2048x64xf32>
    %squeeze3A_31 = vector.shape_cast %slice3A_30 : vector<1x2048x64xf32> to vector<2048x64xf32>
    %slice3A_32 = vector.extract_strided_slice %reshape3A_22 {offsets = [2, 0, 0], sizes = [1, 2048, 64], strides = [1, 1, 1]} : vector<4x2048x64xf32> to vector<1x2048x64xf32>
    %squeeze3A_33 = vector.shape_cast %slice3A_32 : vector<1x2048x64xf32> to vector<2048x64xf32>
    %slice3A_34 = vector.extract_strided_slice %reshape3A_22 {offsets = [3, 0, 0], sizes = [1, 2048, 64], strides = [1, 1, 1]} : vector<4x2048x64xf32> to vector<1x2048x64xf32>
    %squeeze3A_35 = vector.shape_cast %slice3A_34 : vector<1x2048x64xf32> to vector<2048x64xf32>
    %mul3A_36 = arith.mulf %squeeze3A, %squeeze3A_29 : vector<2048x64xf32>
    %reduce_sum3A = arith.constant dense<0.000000e+00> : vector<2048xf32>
    %reduce_sum3A_37 = vector.multi_reduction <add>, %mul3A_36, %reduce_sum3A [1] : vector<2048x64xf32> to vector<2048xf32>
    %mul3A_38 = arith.mulf %squeeze3A, %squeeze3A_31 : vector<2048x64xf32>
    %reduce_sum3A_39 = arith.constant dense<0.000000e+00> : vector<2048xf32>
    %reduce_sum3A_40 = vector.multi_reduction <add>, %mul3A_38, %reduce_sum3A_39 [1] : vector<2048x64xf32> to vector<2048xf32>
    %mul3A_41 = arith.mulf %squeeze3A, %squeeze3A_25 : vector<2048x64xf32>
    %reduce_sum3A_42 = arith.constant dense<0.000000e+00> : vector<2048xf32>
    %reduce_sum3A_43 = vector.multi_reduction <add>, %mul3A_41, %reduce_sum3A_42 [1] : vector<2048x64xf32> to vector<2048xf32>
    %mul3A_44 = arith.mulf %squeeze3A, %squeeze3A_27 : vector<2048x64xf32>
    %reduce_sum3A_45 = arith.constant dense<0.000000e+00> : vector<2048xf32>
    %reduce_sum3A_46 = vector.multi_reduction <add>, %mul3A_44, %reduce_sum3A_45 [1] : vector<2048x64xf32> to vector<2048xf32>
    %mul3A_47 = arith.mulf %squeeze3A_29, %squeeze3A_33 : vector<2048x64xf32>
    %reduce_sum3A_48 = arith.constant dense<0.000000e+00> : vector<2048xf32>
    %reduce_sum3A_49 = vector.multi_reduction <add>, %mul3A_47, %reduce_sum3A_48 [1] : vector<2048x64xf32> to vector<2048xf32>
    %mul3A_50 = arith.mulf %squeeze3A_29, %squeeze3A_35 : vector<2048x64xf32>
    %reduce_sum3A_51 = arith.constant dense<0.000000e+00> : vector<2048xf32>
    %reduce_sum3A_52 = vector.multi_reduction <add>, %mul3A_50, %reduce_sum3A_51 [1] : vector<2048x64xf32> to vector<2048xf32>
    %sub3A = arith.subf %reduce_sum3A_37, %reduce_sum3A_40 : vector<2048xf32>
    %logistic3A = arith.negf %sub3A : vector<2048xf32>
    %logistic3A_53 = math.exp %logistic3A : vector<2048xf32>
    %logistic3A_54 = arith.constant 1.000000e+00 : f32
    %logistic3A_55 = vector.broadcast %logistic3A_54 : f32 to vector<2048xf32>
    %logistic3A_56 = arith.addf %logistic3A_55, %logistic3A_53 : vector<2048xf32>
    %logistic3A_57 = arith.divf %logistic3A_55, %logistic3A_56 : vector<2048xf32>
    %add3A_58 = arith.constant 9.99999993E-9 : f32
    %add3A_59 = vector.broadcast %add3A_58 : f32 to vector<2048xf32>
    %add3A_60 = arith.addf %logistic3A_57, %add3A_59 : vector<2048xf32>
    %log3A = math.log %add3A_60 : vector<2048xf32>
    %reduce_sum3A_61 = vector.shape_cast %log3A : vector<2048xf32> to vector<1x2048xf32>
    %reduce_sum3A_62 = arith.constant dense<0.000000e+00> : vector<1xf32>
    %reduce_sum3A_63 = vector.multi_reduction <add>, %reduce_sum3A_61, %reduce_sum3A_62 [1] : vector<1x2048xf32> to vector<1xf32>
    %reduce_sum3A_64 = vector.shape_cast %reduce_sum3A_63 : vector<1xf32> to vector<1x1xf32>
    %reduce_sum3A_65 = vector.extract %reduce_sum3A_64[0, 0] : f32 from vector<1x1xf32>
    %neg3A = arith.constant 0.000000e+00 : f32
    %neg3A_66 = arith.subf %neg3A, %reduce_sum3A_65 : f32
    %sub3A_67 = arith.subf %reduce_sum3A_43, %reduce_sum3A_46 : vector<2048xf32>
    %logistic3A_68 = arith.negf %sub3A_67 : vector<2048xf32>
    %logistic3A_69 = math.exp %logistic3A_68 : vector<2048xf32>
    %logistic3A_70 = arith.constant 1.000000e+00 : f32
    %logistic3A_71 = vector.broadcast %logistic3A_70 : f32 to vector<2048xf32>
    %logistic3A_72 = arith.addf %logistic3A_71, %logistic3A_69 : vector<2048xf32>
    %logistic3A_73 = arith.divf %logistic3A_71, %logistic3A_72 : vector<2048xf32>
    %log3A_74 = math.log %logistic3A_73 : vector<2048xf32>
    %reduce_sum3A_75 = vector.shape_cast %log3A_74 : vector<2048xf32> to vector<1x2048xf32>
    %reduce_sum3A_76 = arith.constant dense<0.000000e+00> : vector<1xf32>
    %reduce_sum3A_77 = vector.multi_reduction <add>, %reduce_sum3A_75, %reduce_sum3A_76 [1] : vector<1x2048xf32> to vector<1xf32>
    %reduce_sum3A_78 = vector.shape_cast %reduce_sum3A_77 : vector<1xf32> to vector<1x1xf32>
    %reduce_sum3A_79 = vector.extract %reduce_sum3A_78[0, 0] : f32 from vector<1x1xf32>
    %mul3A_80 = arith.constant 1.000000e-01 : f32
    %mul3A_81 = arith.mulf %mul3A_80, %reduce_sum3A_79 : f32
    %sub3A_82 = arith.subf %neg3A_66, %mul3A_81 : f32
    %sub3A_83 = arith.subf %reduce_sum3A_49, %reduce_sum3A_52 : vector<2048xf32>
    %logistic3A_84 = arith.negf %sub3A_83 : vector<2048xf32>
    %logistic3A_85 = math.exp %logistic3A_84 : vector<2048xf32>
    %logistic3A_86 = arith.constant 1.000000e+00 : f32
    %logistic3A_87 = vector.broadcast %logistic3A_86 : f32 to vector<2048xf32>
    %logistic3A_88 = arith.addf %logistic3A_87, %logistic3A_85 : vector<2048xf32>
    %logistic3A_89 = arith.divf %logistic3A_87, %logistic3A_88 : vector<2048xf32>
    %log3A_90 = math.log %logistic3A_89 : vector<2048xf32>
    %reduce_sum3A_91 = vector.shape_cast %log3A_90 : vector<2048xf32> to vector<1x2048xf32>
    %reduce_sum3A_92 = arith.constant dense<0.000000e+00> : vector<1xf32>
    %reduce_sum3A_93 = vector.multi_reduction <add>, %reduce_sum3A_91, %reduce_sum3A_92 [1] : vector<1x2048xf32> to vector<1xf32>
    %reduce_sum3A_94 = vector.shape_cast %reduce_sum3A_93 : vector<1xf32> to vector<1x1xf32>
    %reduce_sum3A_95 = vector.extract %reduce_sum3A_94[0, 0] : f32 from vector<1x1xf32>
    %mul3A_96 = arith.constant 1.000000e-01 : f32
    %mul3A_97 = arith.mulf %mul3A_96, %reduce_sum3A_95 : f32
    %sub3A_98 = arith.subf %sub3A_82, %mul3A_97 : f32
    %mul3A_99 = arith.mulf %reshape3A_21, %reshape3A_21 : vector<3x2048x64xf32>
    %reduce_sum3A_100 = vector.shape_cast %mul3A_99 : vector<3x2048x64xf32> to vector<1x3x2048x64xf32>
    %reduce_sum3A_101 = arith.constant dense<0.000000e+00> : vector<1xf32>
    %reduce_sum3A_102 = vector.multi_reduction <add>, %reduce_sum3A_100, %reduce_sum3A_101 [1, 2, 3] : vector<1x3x2048x64xf32> to vector<1xf32>
    %reduce_sum3A_103 = vector.shape_cast %reduce_sum3A_102 : vector<1xf32> to vector<1x1x1x1xf32>
    %reduce_sum3A_104 = vector.extract %reduce_sum3A_103[0, 0, 0, 0] : f32 from vector<1x1x1x1xf32>
    %mul3A_105 = arith.mulf %reshape3A_22, %reshape3A_22 : vector<4x2048x64xf32>
    %reduce_sum3A_106 = vector.shape_cast %mul3A_105 : vector<4x2048x64xf32> to vector<1x4x2048x64xf32>
    %reduce_sum3A_107 = arith.constant dense<0.000000e+00> : vector<1xf32>
    %reduce_sum3A_108 = vector.multi_reduction <add>, %reduce_sum3A_106, %reduce_sum3A_107 [1, 2, 3] : vector<1x4x2048x64xf32> to vector<1xf32>
    %reduce_sum3A_109 = vector.shape_cast %reduce_sum3A_108 : vector<1xf32> to vector<1x1x1x1xf32>
    %reduce_sum3A_110 = vector.extract %reduce_sum3A_109[0, 0, 0, 0] : f32 from vector<1x1x1x1xf32>
    %add3A_111 = arith.addf %reduce_sum3A_104, %reduce_sum3A_110 : f32
    %mul3A_112 = arith.constant 0.00999999977 : f32
    %mul3A_113 = arith.mulf %mul3A_112, %add3A_111 : f32
    %add3A_114 = arith.addf %sub3A_98, %mul3A_113 : f32
    %eq3A = arith.constant 0 : i32
    %eq3A_115 = arith.cmpi eq, %arg0, %eq3A : i32
    %convert_element_type3A_116 = arith.extui %eq3A_115 : i1 to i32
    %cond3A = arith.constant 0 : i32
    %cond3A_117 = arith.cmpi ne, %convert_element_type3A_116, %cond3A : i32
    scf.if %cond3A_117 {
      %broadcast_in_dim3A = arith.constant 0.000000e+00 : f32
      %broadcast_in_dim3A_130 = vector.broadcast %broadcast_in_dim3A : f32 to vector<1x1xf32>
      %swap3A_131 = arith.constant 0 : index
      %swap3A_132 = arith.constant 0 : index
      %swap3A_133 = vector.load %arg4[%swap3A_131, %swap3A_132] : memref<1x1xf32, #tpu.memory_space<vmem>>, vector<1x1xf32>
      tpu.vector_store %arg4[%swap3A_131, %swap3A_132], %broadcast_in_dim3A_130 {strides = array<i32>} : memref<1x1xf32, #tpu.memory_space<vmem>>, vector<1x1xf32>,
    } else {
    }
    %get3A_118 = arith.constant 0 : index
    %get3A_119 = arith.constant 0 : index
    %get3A_120 = vector.load %arg4[%get3A_118, %get3A_119] : memref<1x1xf32, #tpu.memory_space<vmem>>, vector<1x1xf32>
    %reshape3A_121 = vector.broadcast %add3A_114 : f32 to vector<1x1xf32>
    %add3A_122 = arith.addf %get3A_120, %reshape3A_121 : vector<1x1xf32>
    %swap3A = arith.constant 0 : index
    %swap3A_123 = arith.constant 0 : index
    %swap3A_124 = vector.load %arg4[%swap3A, %swap3A_123] : memref<1x1xf32, #tpu.memory_space<vmem>>, vector<1x1xf32>
    tpu.vector_store %arg4[%swap3A, %swap3A_123], %add3A_122 {strides = array<i32>} : memref<1x1xf32, #tpu.memory_space<vmem>>, vector<1x1xf32>,
    %eq3A_125 = arith.constant 7 : i32
    %eq3A_126 = arith.cmpi eq, %arg0, %eq3A_125 : i32
    %convert_element_type3A_127 = arith.extui %eq3A_126 : i1 to i32
    %cond3A_128 = arith.constant 0 : i32
    %cond3A_129 = arith.cmpi ne, %convert_element_type3A_127, %cond3A_128 : i32
    scf.if %cond3A_129 {
      %get3A_130 = arith.constant 0 : index
      %get3A_131 = arith.constant 0 : index
      %get3A_132 = vector.load %arg4[%get3A_130, %get3A_131] : memref<1x1xf32, #tpu.memory_space<vmem>>, vector<1x1xf32>
      %mul3A_133 = arith.constant 6.10351563E-5 : f32
      %mul3A_134 = vector.broadcast %mul3A_133 : f32 to vector<1x1xf32>
      %mul3A_135 = arith.mulf %get3A_132, %mul3A_134 : vector<1x1xf32>
      %swap3A_136 = arith.constant 0 : index
      %swap3A_137 = arith.constant 0 : index
      %swap3A_138 = vector.load %arg4[%swap3A_136, %swap3A_137] : memref<1x1xf32, #tpu.memory_space<vmem>>, vector<1x1xf32>
      tpu.vector_store %arg4[%swap3A_136, %swap3A_137], %mul3A_135 {strides = array<i32>} : memref<1x1xf32, #tpu.memory_space<vmem>>, vector<1x1xf32>,
    } else {
    }
    return
  }
  func.func @transform_0(%arg0: i32) -> (i32, i32, i32) {
    %c0_i32 = arith.constant 0 : i32
    %c0_i32_0 = arith.constant 0 : i32
    %c0_i32_1 = arith.constant 0 : i32
    return %c0_i32, %arg0, %c0_i32_0 : i32, i32, i32
  }
  func.func @transform_1(%arg0: i32) -> (i32, i32, i32) {
    %c0_i32 = arith.constant 0 : i32
    %c0_i32_0 = arith.constant 0 : i32
    %c0_i32_1 = arith.constant 0 : i32
    return %c0_i32, %arg0, %c0_i32_0 : i32, i32, i32
  }
  func.func @transform_2(%arg0: i32) -> (i32, i32) {
    %c0_i32 = arith.constant 0 : i32
    %c0_i32_0 = arith.constant 0 : i32
    %c0_i32_1 = arith.constant 0 : i32
    return %c0_i32, %c0_i32_0 : i32, i32
  }
  func.func @transform_3(%arg0: i32) -> (i32, i32) {
    %c0_i32 = arith.constant 0 : i32
    %c0_i32_0 = arith.constant 0 : i32
    %c0_i32_1 = arith.constant 0 : i32
    return %c0_i32, %c0_i32_0 : i32, i32
  }
}

</mosaic_0001>

<sc_bundles>
// kernel: kernel.4.cloned.1.call-start
scs
__scs_entry_jumppad:
0x0: {  	(pc) =	sbr.rel $0x88, $3  }
0x1: {  	(tag) =	ssettag $0x0;
	lr =	simm.s32 $0x1  }
0x2: {  	[smem:$0x3F97] =	sst lr;
	_ =	strace $0xD0000000  }
0x3: {  	_ = 	snop  }
0x4: {  	_ = 	snop  }
0x5: {  	_ = 	snop  }
0x6: {  	_ = 	snop  }
0x7: {  	_ = 	snop  }
__scs_overlays_trampoline_lowered:
0x8: {  	[smem:$0x3FA6] =	sst s0  }
0x9: {  	[smem:$0x3FA7] =	sst s1  }
0xa: {  	[smem:$0x3FA8] =	sst s2  }
0xb: {  	[smem:$0x3FA9] =	sst s3  }
0xc: {  	[smem:$0x3FAA] =	sst s4  }
0xd: {  	[smem:$0x3FAB] =	sst s5  }
0xe: {  	[smem:$0x3FAC] =	sst s6  }
0xf: {  	[smem:$0x3FAD] =	sst s7  }
0x10: {  	[smem:$0x3FAE] =	sst s8  }
0x11: {  	[smem:$0x3FAF] =	sst s9;
	s0 =	simm.s32 @!p0 $0x0  }
0x12: {  	s1 =	sld [smem:$0x3F95];
	s0 =	simm.s32 @p0 $0x1  }
0x13: {  	[smem:$0x3FB0] =	sst s0;
	s0 =	simm.s32 @!p1 $0x0  }
0x14: {  	s2 =	sld [smem:$0x3F94];
	s0 =	simm.s32 @p1 $0x1  }
0x15: {  	[smem:$0x3FB1] =	sst s0;
	s0 =	simm.s32 @!p2 $0x0  }
0x16: {  	s3 =	sld [smem:$0x3FDB];
	s0 =	simm.s32 @p2 $0x1  }
0x17: {  	s4 =	simm.s32 $0x1BF5;
	[smem:$0x3FB3] =	sst s0  }
0x18: {  	s0 =	sld [smem:$0x3F96];
	_ =	swait.ge [sflag:s4], $0x0  }
0x19: {  	s7 =	sld [smem:$0x3F97]  }
0x1a: {  	s8 =	sadd.s32 $0xFFFFE003, lr  }
0x1b: {  	s9 =	sadd.s32 $0xFFFFFEF7, lr;
	s5 =	simm.s32 $0xFFFFFFFF;
	p2 =	slt.u32 s8, $0xFFFFF086  }
0x1c: {  	p1 =	slt.u32 s9, $0xF7A;
	s5 =	simm.s32 @!p2 $0x0  }
0x1d: {  	s5 =	simm.s32 @p1 $0x1;
	p0 =	seq.s32 s7, s2  }
0x1e: {  	s7 =	smul.u32 @!p0 $0xF7A, s2;
	p2 =	seq.s32 @!p0 s5, $0x0  }
0x1f: {  	s9 =	smul.u32 $0xF7A, s1;
	s8 =	simm.s32 @!p0 $0x1BF5;
	p2 =	por !p2, p0  }
0x20: {  	[sflag:s8] =	ssyncset.s32 @!p0 $0xFFFFF086;
	s6 =	sadd.s32 @!p0 s3, s7;
	s7 =	simm.s32 @!p0 $0x108  }
0x21: {  	s3 =	sadd.s32 s3, s9;
	s6 =	sadd.s32 @!p0 $0x88, s6;
	s7 =	simm.s32 @p2 $0x1082  }
0x22: {  	[simem:s7], [sflag:s8] =	dma.local @!p0 [hbm:s6], $0xF7A  }
0x23: {  	s9 =	sor.u32 $0xD0000000, s2;
	s6 =	simm.s32 $0x108;
	_ =	swait.ge @!p0 [sflag:s8], $0x0  }
0x24: {  	s3 =	sadd.s32 $0x88, s3;
	s6 =	simm.s32 @!p1 $0x1082;
	[sflag:s4] =	ssyncset.s32 $0xFFFFF086  }
0x25: {  	[simem:s6], [sflag:s4] =	dma.local [hbm:s3], $0xF7A  }
0x26: {  	[smem:$0x3F97] =	sst s1;
	(tag) =	ssettag s2;
	_ =	strace s9  }
0x27: {  	s1 =	sld [smem:$0x3FA7]  }
0x28: {  	s2 =	sld [smem:$0x3FA8]  }
0x29: {  	s4 =	sld [smem:$0x3FAA]  }
0x2a: {  	p0 =	seq.s32 s5, $0x0;
	s5 =	sld [smem:$0x3FAB]  }
0x2b: {  	s6 =	sld [smem:$0x3FAC]  }
0x2c: {  	s7 =	sld [smem:$0x3FAD]  }
0x2d: {  	s3 =	simm.s32 $0x108;
	s8 =	sld [smem:$0x3FAE]  }
0x2e: {  	s3 =	simm.s32 @!p0 $0x1082;
	s9 =	sld [smem:$0x3FAF]  }
0x2f: {  	lr =	sadd.s32 s0, s3;
	s0 =	sld [smem:$0x3FA6]  }
0x30: {  	s3 =	sld [smem:$0x3FA9]  }
0x31: {  	[smem:$0x3FB2] =	sst s10  }
0x32: {  	s10 =	sld [smem:$0x3FB0];
	_ =	sdelay $0x3  }
0x33: {  	p0 =	seq.s32 s10, $0x1;
	s10 =	sld [smem:$0x3FB2];
	_ =	sdelay $0x3  }
0x34: {  	[smem:$0x3FB2] =	sst s10  }
0x35: {  	s10 =	sld [smem:$0x3FB1];
	_ =	sdelay $0x3  }
0x36: {  	p1 =	seq.s32 s10, $0x1;
	s10 =	sld [smem:$0x3FB2];
	_ =	sdelay $0x3  }
0x37: {  	[smem:$0x3FB2] =	sst s10  }
0x38: {  	s10 =	sld [smem:$0x3FB3]  }
0x39: {  	_ = 	snop;
	(pc) =	sbr.ind lr, $3  }
0x3a: {  	_ = 	snop  }
0x3b: {  	_ = 	snop  }
0x3c: {  	p2 =	seq.s32 s10, $0x1;
	s10 =	sld [smem:$0x3FB2]  }
0x3d: {  	_ =	shalt  }
0x3e: {  	_ =	shalt  }
0x3f: {  	_ =	shalt  }
0x40: {  	_ =	shalt  }
0x41: {  	_ =	shalt  }
0x42: {  	_ =	shalt  }
0x43: {  	_ =	shalt  }
0x44: {  	_ =	shalt  }
0x45: {  	_ =	shalt  }
0x46: {  	_ =	shalt  }
0x47: {  	_ =	shalt  }
0x48: {  	_ =	shalt  }
0x49: {  	_ =	shalt  }
0x4a: {  	_ =	shalt  }
0x4b: {  	_ =	shalt  }
0x4c: {  	_ =	shalt  }
0x4d: {  	_ =	shalt  }
0x4e: {  	_ =	shalt  }
0x4f: {  	_ =	shalt  }
0x50: {  	_ =	shalt  }
0x51: {  	_ =	shalt  }
0x52: {  	_ =	shalt  }
0x53: {  	_ =	shalt  }
0x54: {  	_ =	shalt  }
0x55: {  	_ =	shalt  }
0x56: {  	_ =	shalt  }
0x57: {  	_ =	shalt  }
0x58: {  	_ =	shalt  }
0x59: {  	_ =	shalt  }
0x5a: {  	_ =	shalt  }
0x5b: {  	_ =	shalt  }
0x5c: {  	_ =	shalt  }
0x5d: {  	_ =	shalt  }
0x5e: {  	_ =	shalt  }
0x5f: {  	_ =	shalt  }
0x60: {  	_ =	shalt  }
0x61: {  	_ =	shalt  }
0x62: {  	_ =	shalt  }
0x63: {  	_ =	shalt  }
0x64: {  	_ =	shalt  }
0x65: {  	_ =	shalt  }
0x66: {  	_ =	shalt  }
0x67: {  	_ =	shalt  }
0x68: {  	_ =	shalt  }
0x69: {  	_ =	shalt  }
0x6a: {  	_ =	shalt  }
0x6b: {  	_ =	shalt  }
0x6c: {  	_ =	shalt  }
0x6d: {  	_ =	shalt  }
0x6e: {  	_ =	shalt  }
0x6f: {  	_ =	shalt  }
0x70: {  	_ =	shalt  }
0x71: {  	_ =	shalt  }
0x72: {  	_ =	shalt  }
0x73: {  	_ =	shalt  }
0x74: {  	_ =	shalt  }
0x75: {  	_ =	shalt  }
0x76: {  	_ =	shalt  }
0x77: {  	_ =	shalt  }
0x78: {  	_ =	shalt  }
0x79: {  	_ =	shalt  }
0x7a: {  	_ =	shalt  }
0x7b: {  	_ =	shalt  }
0x7c: {  	_ =	shalt  }
0x7d: {  	_ =	shalt  }
0x7e: {  	_ =	shalt  }
0x7f: {  	_ =	shalt  }
0x80: {  	_ =	shalt  }
0x81: {  	_ =	shalt  }
0x82: {  	_ =	shalt  }
0x83: {  	_ =	shalt  }
0x84: {  	_ =	shalt  }
0x85: {  	_ =	shalt  }
0x86: {  	_ =	shalt  }
0x87: {  	_ =	shalt  }
.Lfunc_end0:
.L_simem_size_0:
called_computation_lowered:
.L_overlay_start_0:
0x88: {  	s2 =	sld [smem:$0x3FD9]  }
0x89: {  	s3 =	sld [smem:$0x3FFE];
	_ =	sdelay $0x1  }
0x8a: {  	s1 =	srdreg.scid  }
0x8b: {  	s0 =	sand.u32 $0x1, s1  }
0x8c: {  	s17 =	sshll.u32 s0, $0xA;
	s2 =	sadd.s32 s3, s2  }
0x8d: {  	s2 =	sadd.s32 s2, s17  }
0x8e: {  	[smem:$0x3FBE] =	sst s2  }
0x8f: {  	_ = 	snop  }
0x90: {  	s2 =	sld [smem:$0x3FC9]  }
0x91: {  	s18 =	sld [smem:$0x3FC8]  }
0x92: {  	s4 =	sld [smem:$0x3FC7]  }
0x93: {  	s5 =	sld [smem:$0x3FC6]  }
0x94: {  	s6 =	sld [smem:$0x3FC5]  }
0x95: {  	s7 =	sld [smem:$0x3FC4]  }
0x96: {  	s8 =	sld [smem:$0x3FC3]  }
0x97: {  	s9 =	sld [smem:$0x3FC2]  }
0x98: {  	s10 =	sld [smem:$0x3FC1];
	(tm) =	ssettm $0x1  }
0x99: {  	s11 =	sld [smem:$0x3FFB];
	_ =	sdelay $0x3  }
0x9a: {  	_ =	strace s11  }
0x9b: {  	s11 =	sld [smem:$0x3FFC];
	_ =	sdelay $0x3  }
0x9c: {  	_ =	strace s11  }
0x9d: {  	s11 =	sld [smem:$0x3FFD];
	_ =	sdelay $0x3  }
0x9e: {  	_ =	strace s11  }
0x9f: {  	_ =	strace $0x8FFFFFFF  }
0xa0: {  	s19 =	sld [smem:$0x3FDB];
	_ =	sdelay $0x1  }
0xa1: {  	s12 =	simm.s32 $_scs_section_size  }
0xa2: {  	s13 =	simm.s32 $_size__tile_overlayer_lowered;
	s14 =	simm.s32 $_tile_overlayer_lowered  }
0xa3: {  	s22 =	simm.s32 $0x1BFF;
	s21 =	sshll.u32 s14, $0x1;
	s11 =	sadd.s32 s12, s19  }
0xa4: {  	s15 =	simm.s32 $0x0;
	s20 =	sshll.u32 s13, $0x1;
	s13 =	sadd.s32 s21, s11  }
0xa5: {  	[timem:s15], [sflag:s22] =	dma.local [hbm:s13], s20  }
0xa6: {  	_ =	swait.ge [sflag:s22], s20  }
0xa7: {  	s12 =	ssub.s32 $0x0, s20;
	[sflag:s22] =	ssyncset.done $0x0  }
0xa8: {  	[sflag:s22] =	ssyncadd.s32 s12;
	_ =	sdelay $0x1  }
0xa9: {  	s23 =	simm.s32 $0x1B8B  }
0xaa: {  	_ =	swait.ge [sflag:s23], $0x1  }
0xab: {  	[sflag:s23] =	ssyncset.done $0x0  }
0xac: {  	s25 =	simm.s32 $0x1B8E;
	s24 =	sld [smem:$0x3FFE];
	[sflag:s23] =	ssyncadd.s32 $0xFFFFFFFF  }
0xad: {  	s26 =	simm.s32 $execute0_lowered;
	[smem:$0x3FD2] =	sst s25  }
0xae: {  	s13 =	sshll.u32 s26, $0x1;
	_ =	strace $0x80000046;
	[dreg:$0x1] =	wrdreg $0xFFFFFFFF  }
0xaf: {  	s28 =	simm.s32 $_size_execute0_lowered;
	s11 =	sadd.s32 s11, s13;
	[dreg:$0x0] =	wrdreg $0x0  }
0xb0: {  	s13 =	sshll.u32 s28, $0x1;
	[dreg:$0x2] =	wrdreg s11  }
0xb1: {  	[dreg:$0x3] =	wrdreg s13  }
0xb2: {  	[dreg:$0x4] =	wrdreg $0xC0  }
0xb3: {  	_ =	task [dreg:s15], $0x5FFFF  }
0xb4: {  	[dreg:$0x1] =	wrdreg $0xFFFFFFFF  }
0xb5: {  	[dreg:$0x0] =	wrdreg $0x60  }
0xb6: {  	[dreg:$0x2] =	wrdreg s9  }
0xb7: {  	[dreg:$0x3] =	wrdreg s10  }
0xb8: {  	[dreg:$0x4] =	wrdreg s2  }
0xb9: {  	[dreg:$0x5] =	wrdreg s5  }
0xba: {  	[dreg:$0x6] =	wrdreg s6  }
0xbb: {  	[dreg:$0x7] =	wrdreg s18  }
0xbc: {  	[dreg:$0x8] =	wrdreg s4  }
0xbd: {  	[dreg:$0x9] =	wrdreg s7  }
0xbe: {  	[dreg:$0xa] =	wrdreg s8  }
0xbf: {  	[dreg:$0xb] =	wrdreg s24  }
0xc0: {  	[dreg:$0xc] =	wrdreg $0x9  }
0xc1: {  	_ =	task.clear_ibuf [dreg:s15], $0xDFFFF;
	_ =	strace $0x90000046  }
0xc2: {  	s29 =	simm.s32 $0x9;
	_ =	strace $0x80000048  }
0xc3: {  	_ =	swait.ge [sflag:s29], $0x1  }
0xc4: {  	[sflag:s29] =	ssyncadd.s32 $0xFFFFFFFF  }
0xc5: {  	_ =	strace $0x90000048  }
0xc6: {  	_ =	sfence  }
0xc7: {  	s30 =	sld [smem:$0x0];
	_ =	sdelay $0x2  }
0xc8: {  	s31 =	sshll.u32 s1, $0xD;
	s1 =	sshrl.u32 s1, $0x2  }
0xc9: {  	s3 =	sand.u32 $0x4000, s31;
	s1 =	sadd.s32 s1, s30  }
0xca: {  	s0 =	sor.u32 s3, s0;
	s1 =	sshll.u32 s1, $0x11  }
0xcb: {  	s0 =	sor.u32 s1, s0  }
0xcc: {  	s0 =	sadd.s32 $0x8F2B, s0  }
0xcd: {  	[sflag:s0] =	ssyncadd.remote.s32 $0x1  }
0xce: {  	_ =	sfence.sel $0xFFFF  }
0xcf: {  	[dreg:$0x0] =	wrdreg $0xFFFFFFFF;
	(pc) =	sbr.abs _section_cstart, $3  }
0xd0: {  	[dreg:$0x1] =	wrdreg $0xFFFFFFFF  }
0xd1: {  	_ =	task.clear_ibuf [dreg:s15], $0x2FFFF;
	_ =	strace $0x9FFFFFFF  }
0xd2: {  	(tm) =	ssettm $0x7FFFFFFF  }
0xd3: {  	_ =	shalt  }
tec
execute0_lowered:
.L_overlay_start_1:
0x0: {  	(tag) =	ssettag $0x1  }
0x1: {  	s0 =	rddreg [dreg:$0x0]  }
0x2: {  	s1 =	rddreg [dreg:$0x1]  }
0x3: {  	s3 =	rddreg [dreg:$0x2]  }
0x4: {  	s5 =	rddreg [dreg:$0x3]  }
0x5: {  	s6 =	rddreg [dreg:$0x4]  }
0x6: {  	s7 =	rddreg [dreg:$0x5];
	s2 =	srdreg.scid  }
0x7: {  	s8 =	rddreg [dreg:$0x6];
	s4 =	stileid.u32;
	s2 =	sand.u32 $0x1, s2  }
0x8: {  	s9 =	rddreg [dreg:$0x7];
	s12 =	sshll.u32 s4, $0xA;
	s13 =	sshll.u32 s2, $0x9  }
0x9: {  	s10 =	rddreg [dreg:$0x8];
	s12 =	sor.u32 s13, s12  }
0xa: {  	s11 =	rddreg [dreg:$0x9];
	s4 =	simm.s32 $0x0;
	s13 =	sshrl.u32 s12, $0x3  }
0xb: {  	[smem:$0x7FF] =	sst s4;
	s3 =	sadd.s32 s3, s13  }
0xc: {  	_ =	strace $0x80000047;
	s26 =	sadd.s32 s5, s13;
	[dreg:$0xb] =	wrdreg s3  }
0xd: {  	s28 =	sadd.s32 s6, s13;
	[dreg:$0xc] =	wrdreg s26  }
0xe: {  	s29 =	sadd.s32 s7, s13;
	[dreg:$0xd] =	wrdreg s28  }
0xf: {  	s30 =	sadd.s32 s8, s13;
	[dreg:$0xe] =	wrdreg s29  }
0x10: {  	s31 =	sadd.s32 $0xA00, s11;
	s7 =	sadd.s32 s9, s13;
	[dreg:$0xf] =	wrdreg s30  }
0x11: {  	s8 =	sadd.s32 s10, s13;
	s6 =	sshll.u32 s12, $0x5;
	[dreg:$0x10] =	wrdreg s7  }
0x12: {  	[dreg:$0x11] =	wrdreg s8;
	s9 =	sadd.s32 s31, s6;
	s10 =	sor.u32 $0x1000, s6  }
0x13: {  	s13 =	sor.u32 $0x2000, s6;
	[dreg:$0x12] =	wrdreg s9;
	s12 =	sadd.s32 s31, s10  }
0x14: {  	s19 =	sor.u32 $0x3000, s6;
	s18 =	sadd.s32 s31, s13;
	[dreg:$0x13] =	wrdreg s12  }
0x15: {  	s21 =	sor.u32 $0x80000, s6;
	s20 =	sadd.s32 s31, s19;
	[dreg:$0x14] =	wrdreg s18  }
0x16: {  	s24 =	sor.u32 $0x82000, s6;
	s22 =	sadd.s32 s31, s21;
	[dreg:$0x15] =	wrdreg s20  }
0x17: {  	s14 =	sor.u32 $0x83000, s6;
	s25 =	sadd.s32 s31, s24;
	[dreg:$0x16] =	wrdreg s22  }
0x18: {  	s15 =	sor.u32 $0x100000, s6;
	s26 =	sadd.s32 s31, s14;
	[dreg:$0x18] =	wrdreg s25  }
0x19: {  	s16 =	sor.u32 $0x101000, s6;
	s28 =	sadd.s32 s31, s15;
	[dreg:$0x19] =	wrdreg s26  }
0x1a: {  	s17 =	sor.u32 $0x102000, s6;
	s29 =	sadd.s32 s31, s16;
	[dreg:$0x1a] =	wrdreg s28  }
0x1b: {  	s11 =	sadd.s32 $0x180A00, s11;
	s30 =	sadd.s32 s31, s17;
	[dreg:$0x1b] =	wrdreg s29  }
0x1c: {  	s5 =	sadd.s32 s11, s10;
	[dreg:$0x1c] =	wrdreg s30  }
0x1d: {  	s7 =	sadd.s32 s11, s13;
	[dreg:$0x1e] =	wrdreg s5  }
0x1e: {  	s8 =	sadd.s32 s11, s19;
	[dreg:$0x1f] =	wrdreg s7  }
0x1f: {  	s9 =	sadd.s32 s11, s21;
	[smem:$0x7EA] =	sst s8  }
0x20: {  	s13 =	sadd.s32 s11, s14;
	[smem:$0x7EB] =	sst s9  }
0x21: {  	s14 =	sadd.s32 s11, s15;
	[smem:$0x7EE] =	sst s13  }
0x22: {  	s15 =	sadd.s32 s11, s16;
	[smem:$0x7EF] =	sst s14  }
0x23: {  	s16 =	sadd.s32 s11, s17;
	[smem:$0x7F0] =	sst s15  }
0x24: {  	s17 =	sadd.s32 s11, s6;
	[smem:$0x7F1] =	sst s16  }
0x25: {  	s20 =	sadd.s32 $0x180000, s17;
	[smem:$0x7F6] =	sst s17  }
0x26: {  	s21 =	sadd.s32 $0x181000, s17;
	[smem:$0x7F3] =	sst s20  }
0x27: {  	s22 =	sadd.s32 $0x182000, s17;
	[smem:$0x7F4] =	sst s21  }
0x28: {  	s25 =	simm.s32 $0x400;
	[smem:$0x7F5] =	sst s22  }
0x29: {  	s26 =	simm.s32 $0x600;
	[smem:$0x7F9] =	sst s25  }
0x2a: {  	s28 =	simm.s32 $0x800;
	[smem:$0x7FA] =	sst s26  }
0x2b: {  	s12 =	sor.u32 $0x81000, s6;
	s30 =	simm.s32 $0xA00;
	[smem:$0x7FB] =	sst s28  }
0x2c: {  	s18 =	sor.u32 $0x103000, s6;
	s23 =	sadd.s32 s31, s12;
	[smem:$0x7FC] =	sst s30  }
0x2d: {  	s31 =	sadd.s32 s31, s18;
	[dreg:$0x17] =	wrdreg s23  }
0x2e: {  	s10 =	sadd.s32 s11, s12;
	[dreg:$0x1d] =	wrdreg s31  }
0x2f: {  	s12 =	sadd.s32 s11, s24;
	[smem:$0x7EC] =	sst s10  }
0x30: {  	s2 =	ssub.s32 $0x2, s2;
	s19 =	sadd.s32 s11, s18;
	[smem:$0x7ED] =	sst s12  }
0x31: {  	s3 =	simm.s32 $0x1;
	s24 =	simm.s32 $0x200;
	[smem:$0x7F2] =	sst s19  }
0x32: {  	v2 =	vlaneseq.u32;
	s29 =	sshrl.u32 s2, $0x1;
	s23 =	sadd.s32 $0x183000, s17;
	[smem:$0x7F8] =	sst s24  }
0x33: {  	vm0 =	vmmov $0xffff;
	v1 =	vshrl.u32 v2, $0x3;
	s2 =	ssub.s32 s2, s29;
	s31 =	simm.s32 $0xC00;
	[smem:$0x7F7] =	sst s23  }
0x34: {  	v0 =	vand.u32 $0x7, v2;
	v2 =	vor.u32 $0x8, v2;
	v1 =	vmul.u32 $0x8, v1;
	s25 =	simm.s32 $0x2;
	s5 =	smax.u32 s2, $0x1;
	[smem:$0x7FD] =	sst s31  }
.LBB2_1:
0x35: {  	[smem:$0x7E9] =	sst s5  }
0x36: {  	s26 =	rddreg [dreg:$0xb]  }
0x37: {  	s10 =	rddreg [dreg:$0xc]  }
0x38: {  	s28 =	sld [smem:$0x7F8]  }
0x39: {  	s29 =	rddreg [dreg:$0xd]  }
0x3a: {  	s30 =	sld [smem:$0x7F9]  }
0x3b: {  	s11 =	rddreg [dreg:$0xe]  }
0x3c: {  	s12 =	sld [smem:$0x7FA]  }
0x3d: {  	[tilespmem:s4], [sflag:$0x3] =	stream.linear.gather [hbm4b:s26+s4], $0x200, $0x38;
	[tilespmem:$0x18E00] =	vst v63  }
0x3e: {  	s13 =	rddreg [dreg:$0xf]  }
0x3f: {  	[tilespmem:s28], [sflag:$0x3] =	stream.linear.gather [hbm4b:s10+s4], $0x200, $0x38;
	[tilespmem:$0x18E00] =	vst v63  }
0x40: {  	s14 =	sld [smem:$0x7FB]  }
0x41: {  	[tilespmem:s30], [sflag:$0x3] =	stream.linear.gather [hbm4b:s29+s4], $0x200, $0x38;
	[tilespmem:$0x18E00] =	vst v63  }
0x42: {  	s15 =	rddreg [dreg:$0x10]  }
0x43: {  	[tilespmem:s12], [sflag:$0x3] =	stream.linear.gather [hbm4b:s11+s4], $0x200, $0x38;
	[tilespmem:$0x18E00] =	vst v63  }
0x44: {  	s16 =	sld [smem:$0x7FC]  }
0x45: {  	[tilespmem:s14], [sflag:$0x3] =	stream.linear.gather [hbm4b:s13+s4], $0x200, $0x38;
	[tilespmem:$0x18E00] =	vst v63  }
0x46: {  	s18 =	sld [smem:$0x7FD]  }
0x47: {  	[tilespmem:s16], [sflag:$0x3] =	stream.linear.gather [hbm4b:s15+s4], $0x200, $0x38;
	[tilespmem:$0x18E00] =	vst v63  }
0x48: {  	s17 =	rddreg [dreg:$0x11];
	s7 =	simm.s32 $0x3  }
0x49: {  	[tilespmem:s18], [sflag:$0x3] =	stream.linear.gather [hbm4b:s17+s4], $0x200, $0x38;
	[tilespmem:$0x18E00] =	vst v63  }
0x4a: {  	_ =	swait.ge [sflag:s7], $0x200  }
0x4b: {  	[sflag:s7] =	ssyncset.done $0x0  }
0x4c: {  	[sflag:s7] =	ssyncadd.s32 $0xFFFFFE00  }
0x4d: {  	_ =	swait.ge [sflag:s7], $0x200  }
0x4e: {  	[sflag:s7] =	ssyncset.done $0x0  }
0x4f: {  	[sflag:s7] =	ssyncadd.s32 $0xFFFFFE00  }
0x50: {  	_ =	swait.ge [sflag:s7], $0x200  }
0x51: {  	[sflag:s7] =	ssyncset.done $0x0  }
0x52: {  	[sflag:s7] =	ssyncadd.s32 $0xFFFFFE00  }
0x53: {  	v3 =	vld [tilespmem:$0x0];
	_ =	sdelay $0x4  }
0x54: {  	v4 =	vshll.u32 v3, $0x1  }
0x55: {  	v3 =	vand.u32 $0x7, v3;
	v4 =	vand.u32 $0xFFFFFFF0, v4  }
0x56: {  	v3 =	vor.u32 v3, v4  }
0x57: {  	v4 =	vperm.xlane v3, v0;
	_ =	sdelay $0x1  }
0x58: {  	v3 =	vperm.xlane v3, v2;
	v4 =	vadd.s32 v1, v4;
	_ =	sdelay $0x1  }
0x59: {  	v3 =	vadd.s32 v1, v3;
	_ =	sdelay $0x1  }
0x5a: {  	s19 =	simm.s32 $0xE00  }
0x5b: {  	[tilespmem:s19], [sflag:$0x1] =	stream.indirect_vreg.gather [hbm4b:s0+s4], $0x80, v4, vm0, $0xb8;
	[tilespmem:$0x18E00] =	vst v63  }
0x5c: {  	s20 =	simm.s32 $0x1600  }
0x5d: {  	[tilespmem:s20], [sflag:$0x1] =	stream.indirect_vreg.gather [hbm4b:s0+s4], $0x80, v3, vm0, $0xb8;
	[tilespmem:$0x18E00] =	vst v63  }
0x5e: {  	v3 =	vld [tilespmem:$0x10];
	_ =	sdelay $0x4  }
0x5f: {  	v9 =	vshll.u32 v3, $0x1  }
0x60: {  	v3 =	vand.u32 $0x7, v3;
	v4 =	vand.u32 $0xFFFFFFF0, v9  }
0x61: {  	v3 =	vor.u32 v3, v4  }
0x62: {  	v4 =	vperm.xlane v3, v0;
	_ =	sdelay $0x1  }
0x63: {  	v3 =	vperm.xlane v3, v2;
	v4 =	vadd.s32 v1, v4;
	_ =	sdelay $0x1  }
0x64: {  	v3 =	vadd.s32 v1, v3;
	_ =	sdelay $0x1  }
0x65: {  	s21 =	simm.s32 $0x1E00  }
0x66: {  	[tilespmem:s21], [sflag:$0x1] =	stream.indirect_vreg.gather [hbm4b:s0+s4], $0x80, v4, vm0, $0xb8;
	[tilespmem:$0x18E00] =	vst v63  }
0x67: {  	s22 =	simm.s32 $0x2600  }
0x68: {  	[tilespmem:s22], [sflag:$0x1] =	stream.indirect_vreg.gather [hbm4b:s0+s4], $0x80, v3, vm0, $0xb8;
	[tilespmem:$0x18E00] =	vst v63  }
0x69: {  	v3 =	vld [tilespmem:$0x20];
	_ =	sdelay $0x4  }
0x6a: {  	v10 =	vshll.u32 v3, $0x1  }
0x6b: {  	v3 =	vand.u32 $0x7, v3;
	v4 =	vand.u32 $0xFFFFFFF0, v10  }
0x6c: {  	v3 =	vor.u32 v3, v4  }
0x6d: {  	v4 =	vperm.xlane v3, v0;
	_ =	sdelay $0x1  }
0x6e: {  	v3 =	vperm.xlane v3, v2;
	v4 =	vadd.s32 v1, v4;
	_ =	sdelay $0x1  }
0x6f: {  	v3 =	vadd.s32 v1, v3;
	_ =	sdelay $0x1  }
0x70: {  	s23 =	simm.s32 $0x2E00  }
0x71: {  	[tilespmem:s23], [sflag:$0x1] =	stream.indirect_vreg.gather [hbm4b:s0+s4], $0x80, v4, vm0, $0xb8;
	[tilespmem:$0x18E00] =	vst v63  }
0x72: {  	s24 =	simm.s32 $0x3600  }
0x73: {  	[tilespmem:s24], [sflag:$0x1] =	stream.indirect_vreg.gather [hbm4b:s0+s4], $0x80, v3, vm0, $0xb8;
	[tilespmem:$0x18E00] =	vst v63  }
0x74: {  	v3 =	vld [tilespmem:$0x30];
	_ =	sdelay $0x4  }
0x75: {  	v11 =	vshll.u32 v3, $0x1  }
0x76: {  	v3 =	vand.u32 $0x7, v3;
	v4 =	vand.u32 $0xFFFFFFF0, v11  }
0x77: {  	v3 =	vor.u32 v3, v4  }
0x78: {  	v4 =	vperm.xlane v3, v0;
	_ =	sdelay $0x1  }
0x79: {  	v3 =	vperm.xlane v3, v2;
	v4 =	vadd.s32 v1, v4;
	_ =	sdelay $0x1  }
0x7a: {  	v3 =	vadd.s32 v1, v3;
	_ =	sdelay $0x1  }
0x7b: {  	s26 =	simm.s32 $0x3E00  }
0x7c: {  	[tilespmem:s26], [sflag:$0x1] =	stream.indirect_vreg.gather [hbm4b:s0+s4], $0x80, v4, vm0, $0xb8;
	[tilespmem:$0x18E00] =	vst v63  }
0x7d: {  	s28 =	simm.s32 $0x4600  }
0x7e: {  	[tilespmem:s28], [sflag:$0x1] =	stream.indirect_vreg.gather [hbm4b:s0+s4], $0x80, v3, vm0, $0xb8;
	[tilespmem:$0x18E00] =	vst v63  }
0x7f: {  	v3 =	vld [tilespmem:$0x40];
	_ =	sdelay $0x4  }
0x80: {  	v12 =	vshll.u32 v3, $0x1  }
0x81: {  	v3 =	vand.u32 $0x7, v3;
	v4 =	vand.u32 $0xFFFFFFF0, v12  }
0x82: {  	v3 =	vor.u32 v3, v4  }
0x83: {  	v4 =	vperm.xlane v3, v0;
	_ =	sdelay $0x1  }
0x84: {  	v3 =	vperm.xlane v3, v2;
	v4 =	vadd.s32 v1, v4;
	_ =	sdelay $0x1  }
0x85: {  	v3 =	vadd.s32 v1, v3;
	_ =	sdelay $0x1  }
0x86: {  	s29 =	simm.s32 $0x4E00  }
0x87: {  	[tilespmem:s29], [sflag:$0x1] =	stream.indirect_vreg.gather [hbm4b:s0+s4], $0x80, v4, vm0, $0xb8;
	[tilespmem:$0x18E00] =	vst v63  }
0x88: {  	s30 =	simm.s32 $0x5600  }
0x89: {  	[tilespmem:s30], [sflag:$0x1] =	stream.indirect_vreg.gather [hbm4b:s0+s4], $0x80, v3, vm0, $0xb8;
	[tilespmem:$0x18E00] =	vst v63  }
0x8a: {  	v3 =	vld [tilespmem:$0x50];
	_ =	sdelay $0x4  }
0x8b: {  	v13 =	vshll.u32 v3, $0x1  }
0x8c: {  	v3 =	vand.u32 $0x7, v3;
	v4 =	vand.u32 $0xFFFFFFF0, v13  }
0x8d: {  	v3 =	vor.u32 v3, v4  }
0x8e: {  	v4 =	vperm.xlane v3, v0;
	_ =	sdelay $0x1  }
0x8f: {  	v3 =	vperm.xlane v3, v2;
	v4 =	vadd.s32 v1, v4;
	_ =	sdelay $0x1  }
0x90: {  	v3 =	vadd.s32 v1, v3;
	_ =	sdelay $0x1  }
0x91: {  	s31 =	simm.s32 $0x5E00  }
0x92: {  	[tilespmem:s31], [sflag:$0x1] =	stream.indirect_vreg.gather [hbm4b:s0+s4], $0x80, v4, vm0, $0xb8;
	[tilespmem:$0x18E00] =	vst v63  }
0x93: {  	s2 =	simm.s32 $0x6600  }
0x94: {  	[tilespmem:s2], [sflag:$0x1] =	stream.indirect_vreg.gather [hbm4b:s0+s4], $0x80, v3, vm0, $0xb8;
	[tilespmem:$0x18E00] =	vst v63  }
0x95: {  	v3 =	vld [tilespmem:$0x60];
	_ =	sdelay $0x4  }
0x96: {  	v14 =	vshll.u32 v3, $0x1  }
0x97: {  	v3 =	vand.u32 $0x7, v3;
	v4 =	vand.u32 $0xFFFFFFF0, v14  }
0x98: {  	v3 =	vor.u32 v3, v4  }
0x99: {  	v4 =	vperm.xlane v3, v0;
	_ =	sdelay $0x1  }
0x9a: {  	v3 =	vperm.xlane v3, v2;
	v4 =	vadd.s32 v1, v4;
	_ =	sdelay $0x1  }
0x9b: {  	v3 =	vadd.s32 v1, v3;
	_ =	sdelay $0x1  }
0x9c: {  	s8 =	simm.s32 $0x6E00  }
0x9d: {  	[tilespmem:s8], [sflag:$0x1] =	stream.indirect_vreg.gather [hbm4b:s0+s4], $0x80, v4, vm0, $0xb8;
	[tilespmem:$0x18E00] =	vst v63  }
0x9e: {  	s9 =	simm.s32 $0x7600  }
0x9f: {  	[tilespmem:s9], [sflag:$0x1] =	stream.indirect_vreg.gather [hbm4b:s0+s4], $0x80, v3, vm0, $0xb8;
	[tilespmem:$0x18E00] =	vst v63  }
0xa0: {  	v3 =	vld [tilespmem:$0x70];
	_ =	sdelay $0x4  }
0xa1: {  	v15 =	vshll.u32 v3, $0x1  }
0xa2: {  	v3 =	vand.u32 $0x7, v3;
	v4 =	vand.u32 $0xFFFFFFF0, v15  }
0xa3: {  	v3 =	vor.u32 v3, v4  }
0xa4: {  	v4 =	vperm.xlane v3, v0;
	_ =	sdelay $0x1  }
0xa5: {  	v3 =	vperm.xlane v3, v2;
	v4 =	vadd.s32 v1, v4;
	_ =	sdelay $0x1  }
0xa6: {  	v3 =	vadd.s32 v1, v3;
	_ =	sdelay $0x1  }
0xa7: {  	s10 =	simm.s32 $0x7E00  }
0xa8: {  	[tilespmem:s10], [sflag:$0x1] =	stream.indirect_vreg.gather [hbm4b:s0+s4], $0x80, v4, vm0, $0xb8;
	[tilespmem:$0x18E00] =	vst v63  }
0xa9: {  	s11 =	simm.s32 $0x8600  }
0xaa: {  	[tilespmem:s11], [sflag:$0x1] =	stream.indirect_vreg.gather [hbm4b:s0+s4], $0x80, v3, vm0, $0xb8;
	[tilespmem:$0x18E00] =	vst v63  }
0xab: {  	v3 =	vld [tilespmem:$0x80];
	_ =	sdelay $0x4  }
0xac: {  	v16 =	vshll.u32 v3, $0x1  }
0xad: {  	v3 =	vand.u32 $0x7, v3;
	v4 =	vand.u32 $0xFFFFFFF0, v16  }
0xae: {  	v3 =	vor.u32 v3, v4  }
0xaf: {  	v4 =	vperm.xlane v3, v0;
	_ =	sdelay $0x1  }
0xb0: {  	v3 =	vperm.xlane v3, v2;
	v4 =	vadd.s32 v1, v4;
	_ =	sdelay $0x1  }
0xb1: {  	v3 =	vadd.s32 v1, v3;
	_ =	sdelay $0x1  }
0xb2: {  	s12 =	simm.s32 $0x8E00  }
0xb3: {  	[tilespmem:s12], [sflag:$0x1] =	stream.indirect_vreg.gather [hbm4b:s0+s4], $0x80, v4, vm0, $0xb8;
	[tilespmem:$0x18E00] =	vst v63  }
0xb4: {  	s13 =	simm.s32 $0x9600  }
0xb5: {  	[tilespmem:s13], [sflag:$0x1] =	stream.indirect_vreg.gather [hbm4b:s0+s4], $0x80, v3, vm0, $0xb8;
	[tilespmem:$0x18E00] =	vst v63  }
0xb6: {  	v3 =	vld [tilespmem:$0x90];
	_ =	sdelay $0x4  }
0xb7: {  	v17 =	vshll.u32 v3, $0x1  }
0xb8: {  	v3 =	vand.u32 $0x7, v3;
	v4 =	vand.u32 $0xFFFFFFF0, v17  }
0xb9: {  	v3 =	vor.u32 v3, v4  }
0xba: {  	v4 =	vperm.xlane v3, v0;
	_ =	sdelay $0x1  }
0xbb: {  	v3 =	vperm.xlane v3, v2;
	v4 =	vadd.s32 v1, v4;
	_ =	sdelay $0x1  }
0xbc: {  	v3 =	vadd.s32 v1, v3;
	_ =	sdelay $0x1  }
0xbd: {  	s14 =	simm.s32 $0x9E00  }
0xbe: {  	[tilespmem:s14], [sflag:$0x1] =	stream.indirect_vreg.gather [hbm4b:s0+s4], $0x80, v4, vm0, $0xb8;
	[tilespmem:$0x18E00] =	vst v63  }
0xbf: {  	s15 =	simm.s32 $0xA600  }
0xc0: {  	[tilespmem:s15], [sflag:$0x1] =	stream.indirect_vreg.gather [hbm4b:s0+s4], $0x80, v3, vm0, $0xb8;
	[tilespmem:$0x18E00] =	vst v63  }
0xc1: {  	v3 =	vld [tilespmem:$0xA0];
	_ =	sdelay $0x4  }
0xc2: {  	v18 =	vshll.u32 v3, $0x1  }
0xc3: {  	v3 =	vand.u32 $0x7, v3;
	v4 =	vand.u32 $0xFFFFFFF0, v18  }
0xc4: {  	v3 =	vor.u32 v3, v4  }
0xc5: {  	v4 =	vperm.xlane v3, v0;
	_ =	sdelay $0x1  }
0xc6: {  	v3 =	vperm.xlane v3, v2;
	v4 =	vadd.s32 v1, v4;
	_ =	sdelay $0x1  }
0xc7: {  	v3 =	vadd.s32 v1, v3;
	_ =	sdelay $0x1  }
0xc8: {  	s16 =	simm.s32 $0xAE00  }
0xc9: {  	[tilespmem:s16], [sflag:$0x1] =	stream.indirect_vreg.gather [hbm4b:s0+s4], $0x80, v4, vm0, $0xb8;
	[tilespmem:$0x18E00] =	vst v63  }
0xca: {  	s18 =	simm.s32 $0xB600  }
0xcb: {  	[tilespmem:s18], [sflag:$0x1] =	stream.indirect_vreg.gather [hbm4b:s0+s4], $0x80, v3, vm0, $0xb8;
	[tilespmem:$0x18E00] =	vst v63  }
0xcc: {  	v3 =	vld [tilespmem:$0xB0];
	_ =	sdelay $0x4  }
0xcd: {  	v19 =	vshll.u32 v3, $0x1  }
0xce: {  	v3 =	vand.u32 $0x7, v3;
	v4 =	vand.u32 $0xFFFFFFF0, v19  }
0xcf: {  	v3 =	vor.u32 v3, v4  }
0xd0: {  	v4 =	vperm.xlane v3, v0;
	_ =	sdelay $0x1  }
0xd1: {  	v3 =	vperm.xlane v3, v2;
	v4 =	vadd.s32 v1, v4;
	_ =	sdelay $0x1  }
0xd2: {  	v3 =	vadd.s32 v1, v3;
	_ =	sdelay $0x1  }
0xd3: {  	s19 =	simm.s32 $0xBE00  }
0xd4: {  	[tilespmem:s19], [sflag:$0x1] =	stream.indirect_vreg.gather [hbm4b:s0+s4], $0x80, v4, vm0, $0xb8;
	[tilespmem:$0x18E00] =	vst v63  }
0xd5: {  	s20 =	simm.s32 $0xC600  }
0xd6: {  	[tilespmem:s20], [sflag:$0x1] =	stream.indirect_vreg.gather [hbm4b:s0+s4], $0x80, v3, vm0, $0xb8;
	[tilespmem:$0x18E00] =	vst v63  }
0xd7: {  	v3 =	vld [tilespmem:$0xC0];
	_ =	sdelay $0x4  }
0xd8: {  	v20 =	vshll.u32 v3, $0x1  }
0xd9: {  	v3 =	vand.u32 $0x7, v3;
	v4 =	vand.u32 $0xFFFFFFF0, v20  }
0xda: {  	v3 =	vor.u32 v3, v4  }
0xdb: {  	v4 =	vperm.xlane v3, v0;
	_ =	sdelay $0x1  }
0xdc: {  	v3 =	vperm.xlane v3, v2;
	v4 =	vadd.s32 v1, v4;
	_ =	sdelay $0x1  }
0xdd: {  	v3 =	vadd.s32 v1, v3;
	_ =	sdelay $0x1  }
0xde: {  	s21 =	simm.s32 $0xCE00  }
0xdf: {  	[tilespmem:s21], [sflag:$0x1] =	stream.indirect_vreg.gather [hbm4b:s0+s4], $0x80, v4, vm0, $0xb8;
	[tilespmem:$0x18E00] =	vst v63  }
0xe0: {  	s22 =	simm.s32 $0xD600  }
0xe1: {  	[tilespmem:s22], [sflag:$0x1] =	stream.indirect_vreg.gather [hbm4b:s0+s4], $0x80, v3, vm0, $0xb8;
	[tilespmem:$0x18E00] =	vst v63  }
0xe2: {  	v3 =	vld [tilespmem:$0xD0];
	_ =	sdelay $0x4  }
0xe3: {  	v21 =	vshll.u32 v3, $0x1  }
0xe4: {  	v3 =	vand.u32 $0x7, v3;
	v4 =	vand.u32 $0xFFFFFFF0, v21  }
0xe5: {  	v3 =	vor.u32 v3, v4  }
0xe6: {  	v4 =	vperm.xlane v3, v0;
	_ =	sdelay $0x1  }
0xe7: {  	v3 =	vperm.xlane v3, v2;
	v4 =	vadd.s32 v1, v4;
	_ =	sdelay $0x1  }
0xe8: {  	v3 =	vadd.s32 v1, v3;
	_ =	sdelay $0x1  }
0xe9: {  	s23 =	simm.s32 $0xDE00  }
0xea: {  	[tilespmem:s23], [sflag:$0x1] =	stream.indirect_vreg.gather [hbm4b:s0+s4], $0x80, v4, vm0, $0xb8;
	[tilespmem:$0x18E00] =	vst v63  }
0xeb: {  	s24 =	simm.s32 $0xE600  }
0xec: {  	[tilespmem:s24], [sflag:$0x1] =	stream.indirect_vreg.gather [hbm4b:s0+s4], $0x80, v3, vm0, $0xb8;
	[tilespmem:$0x18E00] =	vst v63  }
0xed: {  	v3 =	vld [tilespmem:$0xE0];
	_ =	sdelay $0x4  }
0xee: {  	v22 =	vshll.u32 v3, $0x1  }
0xef: {  	v3 =	vand.u32 $0x7, v3;
	v4 =	vand.u32 $0xFFFFFFF0, v22  }
0xf0: {  	v3 =	vor.u32 v3, v4  }
0xf1: {  	v4 =	vperm.xlane v3, v0;
	_ =	sdelay $0x1  }
0xf2: {  	v3 =	vperm.xlane v3, v2;
	v4 =	vadd.s32 v1, v4;
	_ =	sdelay $0x1  }
0xf3: {  	v3 =	vadd.s32 v1, v3;
	_ =	sdelay $0x1  }
0xf4: {  	s26 =	simm.s32 $0xEE00  }
0xf5: {  	[tilespmem:s26], [sflag:$0x1] =	stream.indirect_vreg.gather [hbm4b:s0+s4], $0x80, v4, vm0, $0xb8;
	[tilespmem:$0x18E00] =	vst v63  }
0xf6: {  	s28 =	simm.s32 $0xF600  }
0xf7: {  	[tilespmem:s28], [sflag:$0x1] =	stream.indirect_vreg.gather [hbm4b:s0+s4], $0x80, v3, vm0, $0xb8;
	[tilespmem:$0x18E00] =	vst v63  }
0xf8: {  	v3 =	vld [tilespmem:$0xF0];
	_ =	sdelay $0x4  }
0xf9: {  	v23 =	vshll.u32 v3, $0x1  }
0xfa: {  	v3 =	vand.u32 $0x7, v3;
	v4 =	vand.u32 $0xFFFFFFF0, v23  }
0xfb: {  	v3 =	vor.u32 v3, v4  }
0xfc: {  	v4 =	vperm.xlane v3, v0;
	_ =	sdelay $0x1  }
0xfd: {  	v3 =	vperm.xlane v3, v2;
	v4 =	vadd.s32 v1, v4;
	_ =	sdelay $0x1  }
0xfe: {  	v3 =	vadd.s32 v1, v3;
	_ =	sdelay $0x1  }
0xff: {  	s2 =	simm.s32 $0xFE00  }
0x100: {  	[tilespmem:s2], [sflag:$0x1] =	stream.indirect_vreg.gather [hbm4b:s0+s4], $0x80, v4, vm0, $0xb8;
	[tilespmem:$0x18E00] =	vst v63  }
0x101: {  	s8 =	simm.s32 $0x10600  }
0x102: {  	[tilespmem:s8], [sflag:$0x1] =	stream.indirect_vreg.gather [hbm4b:s0+s4], $0x80, v3, vm0, $0xb8;
	[tilespmem:$0x18E00] =	vst v63  }
0x103: {  	_ =	swait.ge [sflag:s3], $0x8000  }
0x104: {  	[sflag:s3] =	ssyncset.done $0x0  }
0x105: {  	s6 =	simm.s32 $0xE00;
	s9 =	rddreg [dreg:$0x12];
	[sflag:s3] =	ssyncadd.s32 $0xFFFF8000  }
0x106: {  	[hbm4b:s9+s4] =	stream.linear.scatter [tilespmem:s6], [sflag:$0x2], $0x8000, $0x38;
	[tilespmem:$0x18E00] =	vst v63  }
0x107: {  	v3 =	vld [tilespmem:$0x100];
	_ =	sdelay $0x4  }
0x108: {  	v24 =	vshll.u32 v3, $0x1  }
0x109: {  	v3 =	vand.u32 $0x7, v3;
	v4 =	vand.u32 $0xFFFFFFF0, v24  }
0x10a: {  	v3 =	vor.u32 v3, v4  }
0x10b: {  	v4 =	vperm.xlane v3, v0;
	_ =	sdelay $0x1  }
0x10c: {  	v3 =	vperm.xlane v3, v2;
	v4 =	vadd.s32 v1, v4;
	_ =	sdelay $0x1  }
0x10d: {  	v3 =	vadd.s32 v1, v3;
	_ =	sdelay $0x1  }
0x10e: {  	s10 =	simm.s32 $0x10E00  }
0x10f: {  	[tilespmem:s10], [sflag:$0x1] =	stream.indirect_vreg.gather [hbm4b:s0+s4], $0x80, v4, vm0, $0xb8;
	[tilespmem:$0x18E00] =	vst v63  }
0x110: {  	s11 =	simm.s32 $0x11600  }
0x111: {  	[tilespmem:s11], [sflag:$0x1] =	stream.indirect_vreg.gather [hbm4b:s0+s4], $0x80, v3, vm0, $0xb8;
	[tilespmem:$0x18E00] =	vst v63  }
0x112: {  	v3 =	vld [tilespmem:$0x110];
	_ =	sdelay $0x4  }
0x113: {  	v25 =	vshll.u32 v3, $0x1  }
0x114: {  	v3 =	vand.u32 $0x7, v3;
	v4 =	vand.u32 $0xFFFFFFF0, v25  }
0x115: {  	v3 =	vor.u32 v3, v4  }
0x116: {  	v4 =	vperm.xlane v3, v0;
	_ =	sdelay $0x1  }
0x117: {  	v3 =	vperm.xlane v3, v2;
	v4 =	vadd.s32 v1, v4;
	_ =	sdelay $0x1  }
0x118: {  	v3 =	vadd.s32 v1, v3;
	_ =	sdelay $0x1  }
0x119: {  	s12 =	simm.s32 $0x11E00  }
0x11a: {  	[tilespmem:s12], [sflag:$0x1] =	stream.indirect_vreg.gather [hbm4b:s0+s4], $0x80, v4, vm0, $0xb8;
	[tilespmem:$0x18E00] =	vst v63  }
0x11b: {  	s13 =	simm.s32 $0x12600  }
0x11c: {  	[tilespmem:s13], [sflag:$0x1] =	stream.indirect_vreg.gather [hbm4b:s0+s4], $0x80, v3, vm0, $0xb8;
	[tilespmem:$0x18E00] =	vst v63  }
0x11d: {  	v3 =	vld [tilespmem:$0x120];
	_ =	sdelay $0x4  }
0x11e: {  	v26 =	vshll.u32 v3, $0x1  }
0x11f: {  	v3 =	vand.u32 $0x7, v3;
	v4 =	vand.u32 $0xFFFFFFF0, v26  }
0x120: {  	v3 =	vor.u32 v3, v4  }
0x121: {  	v4 =	vperm.xlane v3, v0;
	_ =	sdelay $0x1  }
0x122: {  	v3 =	vperm.xlane v3, v2;
	v4 =	vadd.s32 v1, v4;
	_ =	sdelay $0x1  }
0x123: {  	v3 =	vadd.s32 v1, v3;
	_ =	sdelay $0x1  }
0x124: {  	s14 =	simm.s32 $0x12E00  }
0x125: {  	[tilespmem:s14], [sflag:$0x1] =	stream.indirect_vreg.gather [hbm4b:s0+s4], $0x80, v4, vm0, $0xb8;
	[tilespmem:$0x18E00] =	vst v63  }
0x126: {  	s15 =	simm.s32 $0x13600  }
0x127: {  	[tilespmem:s15], [sflag:$0x1] =	stream.indirect_vreg.gather [hbm4b:s0+s4], $0x80, v3, vm0, $0xb8;
	[tilespmem:$0x18E00] =	vst v63  }
0x128: {  	v3 =	vld [tilespmem:$0x130];
	_ =	sdelay $0x4  }
0x129: {  	v27 =	vshll.u32 v3, $0x1  }
0x12a: {  	v3 =	vand.u32 $0x7, v3;
	v4 =	vand.u32 $0xFFFFFFF0, v27  }
0x12b: {  	v3 =	vor.u32 v3, v4  }
0x12c: {  	v4 =	vperm.xlane v3, v0;
	_ =	sdelay $0x1  }
0x12d: {  	v3 =	vperm.xlane v3, v2;
	v4 =	vadd.s32 v1, v4;
	_ =	sdelay $0x1  }
0x12e: {  	v3 =	vadd.s32 v1, v3;
	_ =	sdelay $0x1  }
0x12f: {  	s16 =	simm.s32 $0x13E00  }
0x130: {  	[tilespmem:s16], [sflag:$0x1] =	stream.indirect_vreg.gather [hbm4b:s0+s4], $0x80, v4, vm0, $0xb8;
	[tilespmem:$0x18E00] =	vst v63  }
0x131: {  	s18 =	simm.s32 $0x14600  }
0x132: {  	[tilespmem:s18], [sflag:$0x1] =	stream.indirect_vreg.gather [hbm4b:s0+s4], $0x80, v3, vm0, $0xb8;
	[tilespmem:$0x18E00] =	vst v63  }
0x133: {  	v3 =	vld [tilespmem:$0x140];
	_ =	sdelay $0x4  }
0x134: {  	v28 =	vshll.u32 v3, $0x1  }
0x135: {  	v3 =	vand.u32 $0x7, v3;
	v4 =	vand.u32 $0xFFFFFFF0, v28  }
0x136: {  	v3 =	vor.u32 v3, v4  }
0x137: {  	v4 =	vperm.xlane v3, v0;
	_ =	sdelay $0x1  }
0x138: {  	v3 =	vperm.xlane v3, v2;
	v4 =	vadd.s32 v1, v4;
	_ =	sdelay $0x1  }
0x139: {  	v3 =	vadd.s32 v1, v3;
	_ =	sdelay $0x1  }
0x13a: {  	s19 =	simm.s32 $0x14E00  }
0x13b: {  	[tilespmem:s19], [sflag:$0x1] =	stream.indirect_vreg.gather [hbm4b:s0+s4], $0x80, v4, vm0, $0xb8;
	[tilespmem:$0x18E00] =	vst v63  }
0x13c: {  	s20 =	simm.s32 $0x15600  }
0x13d: {  	[tilespmem:s20], [sflag:$0x1] =	stream.indirect_vreg.gather [hbm4b:s0+s4], $0x80, v3, vm0, $0xb8;
	[tilespmem:$0x18E00] =	vst v63  }
0x13e: {  	v3 =	vld [tilespmem:$0x150];
	_ =	sdelay $0x4  }
0x13f: {  	v29 =	vshll.u32 v3, $0x1  }
0x140: {  	v3 =	vand.u32 $0x7, v3;
	v4 =	vand.u32 $0xFFFFFFF0, v29  }
0x141: {  	v3 =	vor.u32 v3, v4  }
0x142: {  	v4 =	vperm.xlane v3, v0;
	_ =	sdelay $0x1  }
0x143: {  	v3 =	vperm.xlane v3, v2;
	v4 =	vadd.s32 v1, v4;
	_ =	sdelay $0x1  }
0x144: {  	v3 =	vadd.s32 v1, v3;
	_ =	sdelay $0x1  }
0x145: {  	s21 =	simm.s32 $0x15E00  }
0x146: {  	[tilespmem:s21], [sflag:$0x1] =	stream.indirect_vreg.gather [hbm4b:s0+s4], $0x80, v4, vm0, $0xb8;
	[tilespmem:$0x18E00] =	vst v63  }
0x147: {  	s22 =	simm.s32 $0x16600  }
0x148: {  	[tilespmem:s22], [sflag:$0x1] =	stream.indirect_vreg.gather [hbm4b:s0+s4], $0x80, v3, vm0, $0xb8;
	[tilespmem:$0x18E00] =	vst v63  }
0x149: {  	v3 =	vld [tilespmem:$0x160];
	_ =	sdelay $0x4  }
0x14a: {  	v30 =	vshll.u32 v3, $0x1  }
0x14b: {  	v3 =	vand.u32 $0x7, v3;
	v4 =	vand.u32 $0xFFFFFFF0, v30  }
0x14c: {  	v3 =	vor.u32 v3, v4  }
0x14d: {  	v4 =	vperm.xlane v3, v0;
	_ =	sdelay $0x1  }
0x14e: {  	v3 =	vperm.xlane v3, v2;
	v4 =	vadd.s32 v1, v4;
	_ =	sdelay $0x1  }
0x14f: {  	v3 =	vadd.s32 v1, v3;
	_ =	sdelay $0x1  }
0x150: {  	s23 =	simm.s32 $0x16E00  }
0x151: {  	[tilespmem:s23], [sflag:$0x1] =	stream.indirect_vreg.gather [hbm4b:s0+s4], $0x80, v4, vm0, $0xb8;
	[tilespmem:$0x18E00] =	vst v63  }
0x152: {  	s26 =	simm.s32 $0x17600  }
0x153: {  	[tilespmem:s26], [sflag:$0x1] =	stream.indirect_vreg.gather [hbm4b:s0+s4], $0x80, v3, vm0, $0xb8;
	[tilespmem:$0x18E00] =	vst v63  }
0x154: {  	v3 =	vld [tilespmem:$0x170];
	_ =	sdelay $0x4  }
0x155: {  	v31 =	vshll.u32 v3, $0x1  }
0x156: {  	v3 =	vand.u32 $0x7, v3;
	v4 =	vand.u32 $0xFFFFFFF0, v31  }
0x157: {  	v3 =	vor.u32 v3, v4  }
0x158: {  	v4 =	vperm.xlane v3, v0;
	_ =	sdelay $0x1  }
0x159: {  	v3 =	vperm.xlane v3, v2;
	v4 =	vadd.s32 v1, v4;
	_ =	sdelay $0x1  }
0x15a: {  	v3 =	vadd.s32 v1, v3;
	_ =	sdelay $0x1  }
0x15b: {  	s28 =	simm.s32 $0x17E00  }
0x15c: {  	[tilespmem:s28], [sflag:$0x1] =	stream.indirect_vreg.gather [hbm4b:s0+s4], $0x80, v4, vm0, $0xb8;
	[tilespmem:$0x18E00] =	vst v63  }
0x15d: {  	s5 =	simm.s32 $0x18600  }
0x15e: {  	[tilespmem:s5], [sflag:$0x1] =	stream.indirect_vreg.gather [hbm4b:s0+s4], $0x80, v3, vm0, $0xb8;
	[tilespmem:$0x18E00] =	vst v63  }
0x15f: {  	_ =	swait.ge [sflag:s3], $0x8000  }
0x160: {  	[sflag:s3] =	ssyncset.done $0x0  }
0x161: {  	s18 =	simm.s32 $0x8E00;
	s6 =	rddreg [dreg:$0x13];
	[sflag:s3] =	ssyncadd.s32 $0xFFFF8000  }
0x162: {  	[hbm4b:s6+s4] =	stream.linear.scatter [tilespmem:s18], [sflag:$0x2], $0x8000, $0x38;
	[tilespmem:$0x18E00] =	vst v63  }
0x163: {  	_ =	swait.ge [sflag:s25], $0x8000  }
0x164: {  	[sflag:s25] =	ssyncset.done $0x0  }
0x165: {  	[sflag:s25] =	ssyncadd.s32 $0xFFFF8000  }
0x166: {  	v3 =	vld [tilespmem:$0x180];
	_ =	sdelay $0x4  }
0x167: {  	v32 =	vshll.u32 v3, $0x1  }
0x168: {  	v3 =	vand.u32 $0x7, v3;
	v4 =	vand.u32 $0xFFFFFFF0, v32  }
0x169: {  	v3 =	vor.u32 v3, v4  }
0x16a: {  	v4 =	vperm.xlane v3, v0;
	_ =	sdelay $0x1  }
0x16b: {  	v3 =	vperm.xlane v3, v2;
	v4 =	vadd.s32 v1, v4;
	_ =	sdelay $0x1  }
0x16c: {  	v3 =	vadd.s32 v1, v3;
	_ =	sdelay $0x1  }
0x16d: {  	s28 =	simm.s32 $0xE00  }
0x16e: {  	[tilespmem:s28], [sflag:$0x1] =	stream.indirect_vreg.gather [hbm4b:s0+s4], $0x80, v4, vm0, $0xb8;
	[tilespmem:$0x18E00] =	vst v63  }
0x16f: {  	s8 =	simm.s32 $0x1600  }
0x170: {  	[tilespmem:s8], [sflag:$0x1] =	stream.indirect_vreg.gather [hbm4b:s0+s4], $0x80, v3, vm0, $0xb8;
	[tilespmem:$0x18E00] =	vst v63  }
0x171: {  	v3 =	vld [tilespmem:$0x190];
	_ =	sdelay $0x4  }
0x172: {  	v33 =	vshll.u32 v3, $0x1  }
0x173: {  	v3 =	vand.u32 $0x7, v3;
	v4 =	vand.u32 $0xFFFFFFF0, v33  }
0x174: {  	v3 =	vor.u32 v3, v4  }
0x175: {  	v4 =	vperm.xlane v3, v0;
	_ =	sdelay $0x1  }
0x176: {  	v3 =	vperm.xlane v3, v2;
	v4 =	vadd.s32 v1, v4;
	_ =	sdelay $0x1  }
0x177: {  	v3 =	vadd.s32 v1, v3;
	_ =	sdelay $0x1  }
0x178: {  	s9 =	simm.s32 $0x1E00  }
0x179: {  	[tilespmem:s9], [sflag:$0x1] =	stream.indirect_vreg.gather [hbm4b:s0+s4], $0x80, v4, vm0, $0xb8;
	[tilespmem:$0x18E00] =	vst v63  }
0x17a: {  	s10 =	simm.s32 $0x2600  }
0x17b: {  	[tilespmem:s10], [sflag:$0x1] =	stream.indirect_vreg.gather [hbm4b:s0+s4], $0x80, v3, vm0, $0xb8;
	[tilespmem:$0x18E00] =	vst v63  }
0x17c: {  	v3 =	vld [tilespmem:$0x1A0];
	_ =	sdelay $0x4  }
0x17d: {  	v34 =	vshll.u32 v3, $0x1  }
0x17e: {  	v3 =	vand.u32 $0x7, v3;
	v4 =	vand.u32 $0xFFFFFFF0, v34  }
0x17f: {  	v3 =	vor.u32 v3, v4  }
0x180: {  	v4 =	vperm.xlane v3, v0;
	_ =	sdelay $0x1  }
0x181: {  	v3 =	vperm.xlane v3, v2;
	v4 =	vadd.s32 v1, v4;
	_ =	sdelay $0x1  }
0x182: {  	v3 =	vadd.s32 v1, v3;
	_ =	sdelay $0x1  }
0x183: {  	s19 =	simm.s32 $0x2E00  }
0x184: {  	[tilespmem:s19], [sflag:$0x1] =	stream.indirect_vreg.gather [hbm4b:s0+s4], $0x80, v4, vm0, $0xb8;
	[tilespmem:$0x18E00] =	vst v63  }
0x185: {  	s12 =	simm.s32 $0x3600  }
0x186: {  	[tilespmem:s12], [sflag:$0x1] =	stream.indirect_vreg.gather [hbm4b:s0+s4], $0x80, v3, vm0, $0xb8;
	[tilespmem:$0x18E00] =	vst v63  }
0x187: {  	v3 =	vld [tilespmem:$0x1B0];
	_ =	sdelay $0x4  }
0x188: {  	v35 =	vshll.u32 v3, $0x1  }
0x189: {  	v3 =	vand.u32 $0x7, v3;
	v4 =	vand.u32 $0xFFFFFFF0, v35  }
0x18a: {  	v3 =	vor.u32 v3, v4  }
0x18b: {  	v4 =	vperm.xlane v3, v0;
	_ =	sdelay $0x1  }
0x18c: {  	v3 =	vperm.xlane v3, v2;
	v4 =	vadd.s32 v1, v4;
	_ =	sdelay $0x1  }
0x18d: {  	v3 =	vadd.s32 v1, v3;
	_ =	sdelay $0x1  }
0x18e: {  	s20 =	simm.s32 $0x3E00  }
0x18f: {  	[tilespmem:s20], [sflag:$0x1] =	stream.indirect_vreg.gather [hbm4b:s0+s4], $0x80, v4, vm0, $0xb8;
	[tilespmem:$0x18E00] =	vst v63  }
0x190: {  	s13 =	simm.s32 $0x4600  }
0x191: {  	[tilespmem:s13], [sflag:$0x1] =	stream.indirect_vreg.gather [hbm4b:s0+s4], $0x80, v3, vm0, $0xb8;
	[tilespmem:$0x18E00] =	vst v63  }
0x192: {  	v3 =	vld [tilespmem:$0x1C0];
	_ =	sdelay $0x4  }
0x193: {  	v36 =	vshll.u32 v3, $0x1  }
0x194: {  	v3 =	vand.u32 $0x7, v3;
	v4 =	vand.u32 $0xFFFFFFF0, v36  }
0x195: {  	v3 =	vor.u32 v3, v4  }
0x196: {  	v4 =	vperm.xlane v3, v0;
	_ =	sdelay $0x1  }
0x197: {  	v3 =	vperm.xlane v3, v2;
	v4 =	vadd.s32 v1, v4;
	_ =	sdelay $0x1  }
0x198: {  	v3 =	vadd.s32 v1, v3;
	_ =	sdelay $0x1  }
0x199: {  	s21 =	simm.s32 $0x4E00  }
0x19a: {  	[tilespmem:s21], [sflag:$0x1] =	stream.indirect_vreg.gather [hbm4b:s0+s4], $0x80, v4, vm0, $0xb8;
	[tilespmem:$0x18E00] =	vst v63  }
0x19b: {  	s14 =	simm.s32 $0x5600  }
0x19c: {  	[tilespmem:s14], [sflag:$0x1] =	stream.indirect_vreg.gather [hbm4b:s0+s4], $0x80, v3, vm0, $0xb8;
	[tilespmem:$0x18E00] =	vst v63  }
0x19d: {  	v3 =	vld [tilespmem:$0x1D0];
	_ =	sdelay $0x4  }
0x19e: {  	v37 =	vshll.u32 v3, $0x1  }
0x19f: {  	v3 =	vand.u32 $0x7, v3;
	v4 =	vand.u32 $0xFFFFFFF0, v37  }
0x1a0: {  	v3 =	vor.u32 v3, v4  }
0x1a1: {  	v4 =	vperm.xlane v3, v0;
	_ =	sdelay $0x1  }
0x1a2: {  	v3 =	vperm.xlane v3, v2;
	v4 =	vadd.s32 v1, v4;
	_ =	sdelay $0x1  }
0x1a3: {  	v3 =	vadd.s32 v1, v3;
	_ =	sdelay $0x1  }
0x1a4: {  	s22 =	simm.s32 $0x5E00  }
0x1a5: {  	[tilespmem:s22], [sflag:$0x1] =	stream.indirect_vreg.gather [hbm4b:s0+s4], $0x80, v4, vm0, $0xb8;
	[tilespmem:$0x18E00] =	vst v63  }
0x1a6: {  	s15 =	simm.s32 $0x6600  }
0x1a7: {  	[tilespmem:s15], [sflag:$0x1] =	stream.indirect_vreg.gather [hbm4b:s0+s4], $0x80, v3, vm0, $0xb8;
	[tilespmem:$0x18E00] =	vst v63  }
0x1a8: {  	v3 =	vld [tilespmem:$0x1E0];
	_ =	sdelay $0x4  }
0x1a9: {  	v38 =	vshll.u32 v3, $0x1  }
0x1aa: {  	v3 =	vand.u32 $0x7, v3;
	v4 =	vand.u32 $0xFFFFFFF0, v38  }
0x1ab: {  	v3 =	vor.u32 v3, v4  }
0x1ac: {  	v4 =	vperm.xlane v3, v0;
	_ =	sdelay $0x1  }
0x1ad: {  	v3 =	vperm.xlane v3, v2;
	v4 =	vadd.s32 v1, v4;
	_ =	sdelay $0x1  }
0x1ae: {  	v3 =	vadd.s32 v1, v3;
	_ =	sdelay $0x1  }
0x1af: {  	s23 =	simm.s32 $0x6E00  }
0x1b0: {  	[tilespmem:s23], [sflag:$0x1] =	stream.indirect_vreg.gather [hbm4b:s0+s4], $0x80, v4, vm0, $0xb8;
	[tilespmem:$0x18E00] =	vst v63  }
0x1b1: {  	s16 =	simm.s32 $0x7600  }
0x1b2: {  	[tilespmem:s16], [sflag:$0x1] =	stream.indirect_vreg.gather [hbm4b:s0+s4], $0x80, v3, vm0, $0xb8;
	[tilespmem:$0x18E00] =	vst v63  }
0x1b3: {  	v3 =	vld [tilespmem:$0x1F0];
	_ =	sdelay $0x4  }
0x1b4: {  	v39 =	vshll.u32 v3, $0x1  }
0x1b5: {  	v3 =	vand.u32 $0x7, v3;
	v4 =	vand.u32 $0xFFFFFFF0, v39  }
0x1b6: {  	v3 =	vor.u32 v3, v4  }
0x1b7: {  	v4 =	vperm.xlane v3, v0;
	_ =	sdelay $0x1  }
0x1b8: {  	v3 =	vperm.xlane v3, v2;
	v4 =	vadd.s32 v1, v4;
	_ =	sdelay $0x1  }
0x1b9: {  	v3 =	vadd.s32 v1, v3;
	_ =	sdelay $0x1  }
0x1ba: {  	s11 =	simm.s32 $0x7E00  }
0x1bb: {  	[tilespmem:s11], [sflag:$0x1] =	stream.indirect_vreg.gather [hbm4b:s0+s4], $0x80, v4, vm0, $0xb8;
	[tilespmem:$0x18E00] =	vst v63  }
0x1bc: {  	s17 =	simm.s32 $0x8600  }
0x1bd: {  	[tilespmem:s17], [sflag:$0x1] =	stream.indirect_vreg.gather [hbm4b:s0+s4], $0x80, v3, vm0, $0xb8;
	[tilespmem:$0x18E00] =	vst v63  }
0x1be: {  	_ =	swait.ge [sflag:s3], $0x8000  }
0x1bf: {  	[sflag:s3] =	ssyncset.done $0x0  }
0x1c0: {  	s8 =	simm.s32 $0x10E00;
	s17 =	rddreg [dreg:$0x14];
	[sflag:s3] =	ssyncadd.s32 $0xFFFF8000  }
0x1c1: {  	[hbm4b:s17+s4] =	stream.linear.scatter [tilespmem:s8], [sflag:$0x2], $0x8000, $0x38;
	[tilespmem:$0x18E00] =	vst v63  }
0x1c2: {  	_ =	swait.ge [sflag:s25], $0x8000  }
0x1c3: {  	[sflag:s25] =	ssyncset.done $0x0  }
0x1c4: {  	[sflag:s25] =	ssyncadd.s32 $0xFFFF8000  }
0x1c5: {  	v3 =	vld [tilespmem:$0x200];
	_ =	sdelay $0x4  }
0x1c6: {  	v40 =	vshll.u32 v3, $0x1  }
0x1c7: {  	v3 =	vand.u32 $0x7, v3;
	v4 =	vand.u32 $0xFFFFFFF0, v40  }
0x1c8: {  	v3 =	vor.u32 v3, v4  }
0x1c9: {  	v4 =	vperm.xlane v3, v0;
	_ =	sdelay $0x1  }
0x1ca: {  	v3 =	vperm.xlane v3, v2;
	v4 =	vadd.s32 v1, v4;
	_ =	sdelay $0x1  }
0x1cb: {  	v3 =	vadd.s32 v1, v3;
	_ =	sdelay $0x2  }
0x1cc: {  	[tilespmem:s18], [sflag:$0x1] =	stream.indirect_vreg.gather [hbm4b:s0+s4], $0x80, v4, vm0, $0xb8;
	[tilespmem:$0x18E00] =	vst v63  }
0x1cd: {  	s10 =	simm.s32 $0x9600  }
0x1ce: {  	[tilespmem:s10], [sflag:$0x1] =	stream.indirect_vreg.gather [hbm4b:s0+s4], $0x80, v3, vm0, $0xb8;
	[tilespmem:$0x18E00] =	vst v63  }
0x1cf: {  	v3 =	vld [tilespmem:$0x210];
	_ =	sdelay $0x4  }
0x1d0: {  	v41 =	vshll.u32 v3, $0x1  }
0x1d1: {  	v3 =	vand.u32 $0x7, v3;
	v4 =	vand.u32 $0xFFFFFFF0, v41  }
0x1d2: {  	v3 =	vor.u32 v3, v4  }
0x1d3: {  	v4 =	vperm.xlane v3, v0;
	_ =	sdelay $0x1  }
0x1d4: {  	v3 =	vperm.xlane v3, v2;
	v4 =	vadd.s32 v1, v4;
	_ =	sdelay $0x1  }
0x1d5: {  	v3 =	vadd.s32 v1, v3;
	_ =	sdelay $0x1  }
0x1d6: {  	s29 =	simm.s32 $0x9E00  }
0x1d7: {  	[tilespmem:s29], [sflag:$0x1] =	stream.indirect_vreg.gather [hbm4b:s0+s4], $0x80, v4, vm0, $0xb8;
	[tilespmem:$0x18E00] =	vst v63  }
0x1d8: {  	s6 =	simm.s32 $0xA600  }
0x1d9: {  	[tilespmem:s6], [sflag:$0x1] =	stream.indirect_vreg.gather [hbm4b:s0+s4], $0x80, v3, vm0, $0xb8;
	[tilespmem:$0x18E00] =	vst v63  }
0x1da: {  	v3 =	vld [tilespmem:$0x220];
	_ =	sdelay $0x4  }
0x1db: {  	v42 =	vshll.u32 v3, $0x1  }
0x1dc: {  	v3 =	vand.u32 $0x7, v3;
	v4 =	vand.u32 $0xFFFFFFF0, v42  }
0x1dd: {  	v3 =	vor.u32 v3, v4  }
0x1de: {  	v4 =	vperm.xlane v3, v0;
	_ =	sdelay $0x1  }
0x1df: {  	v3 =	vperm.xlane v3, v2;
	v4 =	vadd.s32 v1, v4;
	_ =	sdelay $0x1  }
0x1e0: {  	v3 =	vadd.s32 v1, v3;
	_ =	sdelay $0x1  }
0x1e1: {  	s30 =	simm.s32 $0xAE00  }
0x1e2: {  	[tilespmem:s30], [sflag:$0x1] =	stream.indirect_vreg.gather [hbm4b:s0+s4], $0x80, v4, vm0, $0xb8;
	[tilespmem:$0x18E00] =	vst v63  }
0x1e3: {  	s11 =	simm.s32 $0xB600  }
0x1e4: {  	[tilespmem:s11], [sflag:$0x1] =	stream.indirect_vreg.gather [hbm4b:s0+s4], $0x80, v3, vm0, $0xb8;
	[tilespmem:$0x18E00] =	vst v63  }
0x1e5: {  	v3 =	vld [tilespmem:$0x230];
	_ =	sdelay $0x4  }
0x1e6: {  	v43 =	vshll.u32 v3, $0x1  }
0x1e7: {  	v3 =	vand.u32 $0x7, v3;
	v4 =	vand.u32 $0xFFFFFFF0, v43  }
0x1e8: {  	v3 =	vor.u32 v3, v4  }
0x1e9: {  	v4 =	vperm.xlane v3, v0;
	_ =	sdelay $0x1  }
0x1ea: {  	v3 =	vperm.xlane v3, v2;
	v4 =	vadd.s32 v1, v4;
	_ =	sdelay $0x1  }
0x1eb: {  	v3 =	vadd.s32 v1, v3;
	_ =	sdelay $0x1  }
0x1ec: {  	s31 =	simm.s32 $0xBE00  }
0x1ed: {  	[tilespmem:s31], [sflag:$0x1] =	stream.indirect_vreg.gather [hbm4b:s0+s4], $0x80, v4, vm0, $0xb8;
	[tilespmem:$0x18E00] =	vst v63  }
0x1ee: {  	s9 =	simm.s32 $0xC600  }
0x1ef: {  	[tilespmem:s9], [sflag:$0x1] =	stream.indirect_vreg.gather [hbm4b:s0+s4], $0x80, v3, vm0, $0xb8;
	[tilespmem:$0x18E00] =	vst v63  }
0x1f0: {  	v3 =	vld [tilespmem:$0x240];
	_ =	sdelay $0x4  }
0x1f1: {  	v44 =	vshll.u32 v3, $0x1  }
0x1f2: {  	v3 =	vand.u32 $0x7, v3;
	v4 =	vand.u32 $0xFFFFFFF0, v44  }
0x1f3: {  	v3 =	vor.u32 v3, v4  }
0x1f4: {  	v4 =	vperm.xlane v3, v0;
	_ =	sdelay $0x1  }
0x1f5: {  	v3 =	vperm.xlane v3, v2;
	v4 =	vadd.s32 v1, v4;
	_ =	sdelay $0x1  }
0x1f6: {  	v3 =	vadd.s32 v1, v3;
	_ =	sdelay $0x1  }
0x1f7: {  	s31 =	simm.s32 $0xCE00  }
0x1f8: {  	[tilespmem:s31], [sflag:$0x1] =	stream.indirect_vreg.gather [hbm4b:s0+s4], $0x80, v4, vm0, $0xb8;
	[tilespmem:$0x18E00] =	vst v63  }
0x1f9: {  	s17 =	simm.s32 $0xD600  }
0x1fa: {  	[tilespmem:s17], [sflag:$0x1] =	stream.indirect_vreg.gather [hbm4b:s0+s4], $0x80, v3, vm0, $0xb8;
	[tilespmem:$0x18E00] =	vst v63  }
0x1fb: {  	v3 =	vld [tilespmem:$0x250];
	_ =	sdelay $0x4  }
0x1fc: {  	v45 =	vshll.u32 v3, $0x1  }
0x1fd: {  	v3 =	vand.u32 $0x7, v3;
	v4 =	vand.u32 $0xFFFFFFF0, v45  }
0x1fe: {  	v3 =	vor.u32 v3, v4  }
0x1ff: {  	v4 =	vperm.xlane v3, v0;
	_ =	sdelay $0x1  }
0x200: {  	v3 =	vperm.xlane v3, v2;
	v4 =	vadd.s32 v1, v4;
	_ =	sdelay $0x1  }
0x201: {  	v3 =	vadd.s32 v1, v3;
	_ =	sdelay $0x1  }
0x202: {  	s18 =	simm.s32 $0xDE00  }
0x203: {  	[tilespmem:s18], [sflag:$0x1] =	stream.indirect_vreg.gather [hbm4b:s0+s4], $0x80, v4, vm0, $0xb8;
	[tilespmem:$0x18E00] =	vst v63  }
0x204: {  	s26 =	simm.s32 $0xE600  }
0x205: {  	[tilespmem:s26], [sflag:$0x1] =	stream.indirect_vreg.gather [hbm4b:s0+s4], $0x80, v3, vm0, $0xb8;
	[tilespmem:$0x18E00] =	vst v63  }
0x206: {  	v3 =	vld [tilespmem:$0x260];
	_ =	sdelay $0x4  }
0x207: {  	v46 =	vshll.u32 v3, $0x1  }
0x208: {  	v3 =	vand.u32 $0x7, v3;
	v4 =	vand.u32 $0xFFFFFFF0, v46  }
0x209: {  	v3 =	vor.u32 v3, v4  }
0x20a: {  	v4 =	vperm.xlane v3, v0;
	_ =	sdelay $0x1  }
0x20b: {  	v3 =	vperm.xlane v3, v2;
	v4 =	vadd.s32 v1, v4;
	_ =	sdelay $0x1  }
0x20c: {  	v3 =	vadd.s32 v1, v3;
	_ =	sdelay $0x1  }
0x20d: {  	s29 =	simm.s32 $0xEE00  }
0x20e: {  	[tilespmem:s29], [sflag:$0x1] =	stream.indirect_vreg.gather [hbm4b:s0+s4], $0x80, v4, vm0, $0xb8;
	[tilespmem:$0x18E00] =	vst v63  }
0x20f: {  	s30 =	simm.s32 $0xF600  }
0x210: {  	[tilespmem:s30], [sflag:$0x1] =	stream.indirect_vreg.gather [hbm4b:s0+s4], $0x80, v3, vm0, $0xb8;
	[tilespmem:$0x18E00] =	vst v63  }
0x211: {  	v3 =	vld [tilespmem:$0x270];
	_ =	sdelay $0x4  }
0x212: {  	v47 =	vshll.u32 v3, $0x1  }
0x213: {  	v3 =	vand.u32 $0x7, v3;
	v4 =	vand.u32 $0xFFFFFFF0, v47  }
0x214: {  	v3 =	vor.u32 v3, v4  }
0x215: {  	v4 =	vperm.xlane v3, v0;
	_ =	sdelay $0x1  }
0x216: {  	v3 =	vperm.xlane v3, v2;
	v4 =	vadd.s32 v1, v4;
	_ =	sdelay $0x1  }
0x217: {  	v3 =	vadd.s32 v1, v3;
	_ =	sdelay $0x1  }
0x218: {  	s31 =	simm.s32 $0xFE00  }
0x219: {  	[tilespmem:s31], [sflag:$0x1] =	stream.indirect_vreg.gather [hbm4b:s0+s4], $0x80, v4, vm0, $0xb8;
	[tilespmem:$0x18E00] =	vst v63  }
0x21a: {  	s17 =	simm.s32 $0x10600  }
0x21b: {  	[tilespmem:s17], [sflag:$0x1] =	stream.indirect_vreg.gather [hbm4b:s0+s4], $0x80, v3, vm0, $0xb8;
	[tilespmem:$0x18E00] =	vst v63  }
0x21c: {  	_ =	swait.ge [sflag:s3], $0x8000  }
0x21d: {  	[sflag:s3] =	ssyncset.done $0x0  }
0x21e: {  	s18 =	rddreg [dreg:$0x15];
	[sflag:s3] =	ssyncadd.s32 $0xFFFF8000  }
0x21f: {  	[hbm4b:s18+s4] =	stream.linear.scatter [tilespmem:s28], [sflag:$0x2], $0x8000, $0x38;
	[tilespmem:$0x18E00] =	vst v63  }
0x220: {  	_ =	swait.ge [sflag:s25], $0x8000  }
0x221: {  	[sflag:s25] =	ssyncset.done $0x0  }
0x222: {  	[sflag:s25] =	ssyncadd.s32 $0xFFFF8000  }
0x223: {  	v3 =	vld [tilespmem:$0x280];
	_ =	sdelay $0x4  }
0x224: {  	v48 =	vshll.u32 v3, $0x1  }
0x225: {  	v3 =	vand.u32 $0x7, v3;
	v4 =	vand.u32 $0xFFFFFFF0, v48  }
0x226: {  	v3 =	vor.u32 v3, v4  }
0x227: {  	v4 =	vperm.xlane v3, v0;
	_ =	sdelay $0x1  }
0x228: {  	v3 =	vperm.xlane v3, v2;
	v4 =	vadd.s32 v1, v4;
	_ =	sdelay $0x1  }
0x229: {  	v3 =	vadd.s32 v1, v3;
	_ =	sdelay $0x2  }
0x22a: {  	[tilespmem:s8], [sflag:$0x1] =	stream.indirect_vreg.gather [hbm4b:s0+s4], $0x80, v4, vm0, $0xb8;
	[tilespmem:$0x18E00] =	vst v63  }
0x22b: {  	s28 =	simm.s32 $0x11600  }
0x22c: {  	[tilespmem:s28], [sflag:$0x1] =	stream.indirect_vreg.gather [hbm4b:s0+s4], $0x80, v3, vm0, $0xb8;
	[tilespmem:$0x18E00] =	vst v63  }
0x22d: {  	v3 =	vld [tilespmem:$0x290];
	_ =	sdelay $0x4  }
0x22e: {  	v49 =	vshll.u32 v3, $0x1  }
0x22f: {  	v3 =	vand.u32 $0x7, v3;
	v4 =	vand.u32 $0xFFFFFFF0, v49  }
0x230: {  	v3 =	vor.u32 v3, v4  }
0x231: {  	v4 =	vperm.xlane v3, v0;
	_ =	sdelay $0x1  }
0x232: {  	v3 =	vperm.xlane v3, v2;
	v4 =	vadd.s32 v1, v4;
	_ =	sdelay $0x1  }
0x233: {  	v3 =	vadd.s32 v1, v3;
	_ =	sdelay $0x1  }
0x234: {  	s17 =	simm.s32 $0x11E00  }
0x235: {  	[tilespmem:s17], [sflag:$0x1] =	stream.indirect_vreg.gather [hbm4b:s0+s4], $0x80, v4, vm0, $0xb8;
	[tilespmem:$0x18E00] =	vst v63  }
0x236: {  	s29 =	simm.s32 $0x12600  }
0x237: {  	[tilespmem:s29], [sflag:$0x1] =	stream.indirect_vreg.gather [hbm4b:s0+s4], $0x80, v3, vm0, $0xb8;
	[tilespmem:$0x18E00] =	vst v63  }
0x238: {  	v3 =	vld [tilespmem:$0x2A0];
	_ =	sdelay $0x4  }
0x239: {  	v50 =	vshll.u32 v3, $0x1  }
0x23a: {  	v3 =	vand.u32 $0x7, v3;
	v4 =	vand.u32 $0xFFFFFFF0, v50  }
0x23b: {  	v3 =	vor.u32 v3, v4  }
0x23c: {  	v4 =	vperm.xlane v3, v0;
	_ =	sdelay $0x1  }
0x23d: {  	v3 =	vperm.xlane v3, v2;
	v4 =	vadd.s32 v1, v4;
	_ =	sdelay $0x1  }
0x23e: {  	v3 =	vadd.s32 v1, v3;
	_ =	sdelay $0x1  }
0x23f: {  	s18 =	simm.s32 $0x12E00  }
0x240: {  	[tilespmem:s18], [sflag:$0x1] =	stream.indirect_vreg.gather [hbm4b:s0+s4], $0x80, v4, vm0, $0xb8;
	[tilespmem:$0x18E00] =	vst v63  }
0x241: {  	s24 =	simm.s32 $0x13600  }
0x242: {  	[tilespmem:s24], [sflag:$0x1] =	stream.indirect_vreg.gather [hbm4b:s0+s4], $0x80, v3, vm0, $0xb8;
	[tilespmem:$0x18E00] =	vst v63  }
0x243: {  	v3 =	vld [tilespmem:$0x2B0];
	_ =	sdelay $0x4  }
0x244: {  	v51 =	vshll.u32 v3, $0x1  }
0x245: {  	v3 =	vand.u32 $0x7, v3;
	v4 =	vand.u32 $0xFFFFFFF0, v51  }
0x246: {  	v3 =	vor.u32 v3, v4  }
0x247: {  	v4 =	vperm.xlane v3, v0;
	_ =	sdelay $0x1  }
0x248: {  	v3 =	vperm.xlane v3, v2;
	v4 =	vadd.s32 v1, v4;
	_ =	sdelay $0x1  }
0x249: {  	v3 =	vadd.s32 v1, v3;
	_ =	sdelay $0x1  }
0x24a: {  	s31 =	simm.s32 $0x13E00  }
0x24b: {  	[tilespmem:s31], [sflag:$0x1] =	stream.indirect_vreg.gather [hbm4b:s0+s4], $0x80, v4, vm0, $0xb8;
	[tilespmem:$0x18E00] =	vst v63  }
0x24c: {  	s8 =	simm.s32 $0x14600  }
0x24d: {  	[tilespmem:s8], [sflag:$0x1] =	stream.indirect_vreg.gather [hbm4b:s0+s4], $0x80, v3, vm0, $0xb8;
	[tilespmem:$0x18E00] =	vst v63  }
0x24e: {  	v3 =	vld [tilespmem:$0x2C0];
	_ =	sdelay $0x4  }
0x24f: {  	v52 =	vshll.u32 v3, $0x1  }
0x250: {  	v3 =	vand.u32 $0x7, v3;
	v4 =	vand.u32 $0xFFFFFFF0, v52  }
0x251: {  	v3 =	vor.u32 v3, v4  }
0x252: {  	v4 =	vperm.xlane v3, v0;
	_ =	sdelay $0x1  }
0x253: {  	v3 =	vperm.xlane v3, v2;
	v4 =	vadd.s32 v1, v4;
	_ =	sdelay $0x1  }
0x254: {  	v3 =	vadd.s32 v1, v3;
	_ =	sdelay $0x1  }
0x255: {  	s24 =	simm.s32 $0x14E00  }
0x256: {  	[tilespmem:s24], [sflag:$0x1] =	stream.indirect_vreg.gather [hbm4b:s0+s4], $0x80, v4, vm0, $0xb8;
	[tilespmem:$0x18E00] =	vst v63  }
0x257: {  	s28 =	simm.s32 $0x15600  }
0x258: {  	[tilespmem:s28], [sflag:$0x1] =	stream.indirect_vreg.gather [hbm4b:s0+s4], $0x80, v3, vm0, $0xb8;
	[tilespmem:$0x18E00] =	vst v63  }
0x259: {  	v3 =	vld [tilespmem:$0x2D0];
	_ =	sdelay $0x4  }
0x25a: {  	v53 =	vshll.u32 v3, $0x1  }
0x25b: {  	v3 =	vand.u32 $0x7, v3;
	v4 =	vand.u32 $0xFFFFFFF0, v53  }
0x25c: {  	v3 =	vor.u32 v3, v4  }
0x25d: {  	v4 =	vperm.xlane v3, v0;
	_ =	sdelay $0x1  }
0x25e: {  	v3 =	vperm.xlane v3, v2;
	v4 =	vadd.s32 v1, v4;
	_ =	sdelay $0x1  }
0x25f: {  	v3 =	vadd.s32 v1, v3;
	_ =	sdelay $0x1  }
0x260: {  	s2 =	simm.s32 $0x15E00  }
0x261: {  	[tilespmem:s2], [sflag:$0x1] =	stream.indirect_vreg.gather [hbm4b:s0+s4], $0x80, v4, vm0, $0xb8;
	[tilespmem:$0x18E00] =	vst v63  }
0x262: {  	s29 =	simm.s32 $0x16600  }
0x263: {  	[tilespmem:s29], [sflag:$0x1] =	stream.indirect_vreg.gather [hbm4b:s0+s4], $0x80, v3, vm0, $0xb8;
	[tilespmem:$0x18E00] =	vst v63  }
0x264: {  	v3 =	vld [tilespmem:$0x2E0];
	_ =	sdelay $0x4  }
0x265: {  	v54 =	vshll.u32 v3, $0x1  }
0x266: {  	v3 =	vand.u32 $0x7, v3;
	v4 =	vand.u32 $0xFFFFFFF0, v54  }
0x267: {  	v3 =	vor.u32 v3, v4  }
0x268: {  	v4 =	vperm.xlane v3, v0;
	_ =	sdelay $0x1  }
0x269: {  	v3 =	vperm.xlane v3, v2;
	v4 =	vadd.s32 v1, v4;
	_ =	sdelay $0x1  }
0x26a: {  	v3 =	vadd.s32 v1, v3;
	_ =	sdelay $0x1  }
0x26b: {  	s30 =	simm.s32 $0x16E00  }
0x26c: {  	[tilespmem:s30], [sflag:$0x1] =	stream.indirect_vreg.gather [hbm4b:s0+s4], $0x80, v4, vm0, $0xb8;
	[tilespmem:$0x18E00] =	vst v63  }
0x26d: {  	s30 =	simm.s32 $0x17600  }
0x26e: {  	[tilespmem:s30], [sflag:$0x1] =	stream.indirect_vreg.gather [hbm4b:s0+s4], $0x80, v3, vm0, $0xb8;
	[tilespmem:$0x18E00] =	vst v63  }
0x26f: {  	v3 =	vld [tilespmem:$0x2F0];
	_ =	sdelay $0x4  }
0x270: {  	v55 =	vshll.u32 v3, $0x1  }
0x271: {  	v3 =	vand.u32 $0x7, v3;
	v4 =	vand.u32 $0xFFFFFFF0, v55  }
0x272: {  	v3 =	vor.u32 v3, v4  }
0x273: {  	v4 =	vperm.xlane v3, v0;
	_ =	sdelay $0x1  }
0x274: {  	v3 =	vperm.xlane v3, v2;
	v4 =	vadd.s32 v1, v4;
	_ =	sdelay $0x1  }
0x275: {  	v3 =	vadd.s32 v1, v3;
	_ =	sdelay $0x1  }
0x276: {  	s26 =	simm.s32 $0x17E00  }
0x277: {  	[tilespmem:s26], [sflag:$0x1] =	stream.indirect_vreg.gather [hbm4b:s0+s4], $0x80, v4, vm0, $0xb8;
	[tilespmem:$0x18E00] =	vst v63  }
0x278: {  	s26 =	simm.s32 $0x18600  }
0x279: {  	[tilespmem:s26], [sflag:$0x1] =	stream.indirect_vreg.gather [hbm4b:s0+s4], $0x80, v3, vm0, $0xb8;
	[tilespmem:$0x18E00] =	vst v63  }
0x27a: {  	_ =	swait.ge [sflag:s3], $0x8000  }
0x27b: {  	[sflag:s3] =	ssyncset.done $0x0  }
0x27c: {  	s2 =	simm.s32 $0x8E00;
	s26 =	rddreg [dreg:$0x16];
	[sflag:s3] =	ssyncadd.s32 $0xFFFF8000  }
0x27d: {  	[hbm4b:s26+s4] =	stream.linear.scatter [tilespmem:s2], [sflag:$0x2], $0x8000, $0x38;
	[tilespmem:$0x18E00] =	vst v63  }
0x27e: {  	_ =	swait.ge [sflag:s25], $0x8000  }
0x27f: {  	[sflag:s25] =	ssyncset.done $0x0  }
0x280: {  	[sflag:s25] =	ssyncadd.s32 $0xFFFF8000  }
0x281: {  	v3 =	vld [tilespmem:$0x300];
	_ =	sdelay $0x4  }
0x282: {  	v56 =	vshll.u32 v3, $0x1  }
0x283: {  	v3 =	vand.u32 $0x7, v3;
	v4 =	vand.u32 $0xFFFFFFF0, v56  }
0x284: {  	v3 =	vor.u32 v3, v4  }
0x285: {  	v4 =	vperm.xlane v3, v0;
	_ =	sdelay $0x1  }
0x286: {  	v3 =	vperm.xlane v3, v2;
	v4 =	vadd.s32 v1, v4;
	_ =	sdelay $0x1  }
0x287: {  	v3 =	vadd.s32 v1, v3;
	_ =	sdelay $0x1  }
0x288: {  	s5 =	simm.s32 $0xE00  }
0x289: {  	[tilespmem:s5], [sflag:$0x1] =	stream.indirect_vreg.gather [hbm4b:s0+s4], $0x80, v4, vm0, $0xb8;
	[tilespmem:$0x18E00] =	vst v63  }
0x28a: {  	s26 =	simm.s32 $0x1600  }
0x28b: {  	[tilespmem:s26], [sflag:$0x1] =	stream.indirect_vreg.gather [hbm4b:s0+s4], $0x80, v3, vm0, $0xb8;
	[tilespmem:$0x18E00] =	vst v63  }
0x28c: {  	v3 =	vld [tilespmem:$0x310];
	_ =	sdelay $0x4  }
0x28d: {  	v57 =	vshll.u32 v3, $0x1  }
0x28e: {  	v3 =	vand.u32 $0x7, v3;
	v4 =	vand.u32 $0xFFFFFFF0, v57  }
0x28f: {  	v3 =	vor.u32 v3, v4  }
0x290: {  	v4 =	vperm.xlane v3, v0;
	_ =	sdelay $0x1  }
0x291: {  	v3 =	vperm.xlane v3, v2;
	v4 =	vadd.s32 v1, v4;
	_ =	sdelay $0x1  }
0x292: {  	v3 =	vadd.s32 v1, v3;
	_ =	sdelay $0x1  }
0x293: {  	s26 =	simm.s32 $0x1E00  }
0x294: {  	[tilespmem:s26], [sflag:$0x1] =	stream.indirect_vreg.gather [hbm4b:s0+s4], $0x80, v4, vm0, $0xb8;
	[tilespmem:$0x18E00] =	vst v63  }
0x295: {  	s26 =	simm.s32 $0x2600  }
0x296: {  	[tilespmem:s26], [sflag:$0x1] =	stream.indirect_vreg.gather [hbm4b:s0+s4], $0x80, v3, vm0, $0xb8;
	[tilespmem:$0x18E00] =	vst v63  }
0x297: {  	v3 =	vld [tilespmem:$0x320];
	_ =	sdelay $0x4  }
0x298: {  	v58 =	vshll.u32 v3, $0x1  }
0x299: {  	v3 =	vand.u32 $0x7, v3;
	v4 =	vand.u32 $0xFFFFFFF0, v58  }
0x29a: {  	v3 =	vor.u32 v3, v4  }
0x29b: {  	v4 =	vperm.xlane v3, v0;
	_ =	sdelay $0x1  }
0x29c: {  	v3 =	vperm.xlane v3, v2;
	v4 =	vadd.s32 v1, v4;
	_ =	sdelay $0x1  }
0x29d: {  	v3 =	vadd.s32 v1, v3;
	_ =	sdelay $0x2  }
0x29e: {  	[tilespmem:s19], [sflag:$0x1] =	stream.indirect_vreg.gather [hbm4b:s0+s4], $0x80, v4, vm0, $0xb8;
	[tilespmem:$0x18E00] =	vst v63  }
0x29f: {  	_ = 	snop  }
0x2a0: {  	[tilespmem:s12], [sflag:$0x1] =	stream.indirect_vreg.gather [hbm4b:s0+s4], $0x80, v3, vm0, $0xb8;
	[tilespmem:$0x18E00] =	vst v63  }
0x2a1: {  	v3 =	vld [tilespmem:$0x330];
	_ =	sdelay $0x4  }
0x2a2: {  	v59 =	vshll.u32 v3, $0x1  }
0x2a3: {  	v3 =	vand.u32 $0x7, v3;
	v4 =	vand.u32 $0xFFFFFFF0, v59  }
0x2a4: {  	v3 =	vor.u32 v3, v4  }
0x2a5: {  	v4 =	vperm.xlane v3, v0;
	_ =	sdelay $0x1  }
0x2a6: {  	v3 =	vperm.xlane v3, v2;
	v4 =	vadd.s32 v1, v4;
	_ =	sdelay $0x1  }
0x2a7: {  	v3 =	vadd.s32 v1, v3;
	_ =	sdelay $0x2  }
0x2a8: {  	[tilespmem:s20], [sflag:$0x1] =	stream.indirect_vreg.gather [hbm4b:s0+s4], $0x80, v4, vm0, $0xb8;
	[tilespmem:$0x18E00] =	vst v63  }
0x2a9: {  	_ = 	snop  }
0x2aa: {  	[tilespmem:s13], [sflag:$0x1] =	stream.indirect_vreg.gather [hbm4b:s0+s4], $0x80, v3, vm0, $0xb8;
	[tilespmem:$0x18E00] =	vst v63  }
0x2ab: {  	v3 =	vld [tilespmem:$0x340];
	_ =	sdelay $0x4  }
0x2ac: {  	v60 =	vshll.u32 v3, $0x1  }
0x2ad: {  	v3 =	vand.u32 $0x7, v3;
	v4 =	vand.u32 $0xFFFFFFF0, v60  }
0x2ae: {  	v3 =	vor.u32 v3, v4  }
0x2af: {  	v4 =	vperm.xlane v3, v0;
	_ =	sdelay $0x1  }
0x2b0: {  	v3 =	vperm.xlane v3, v2;
	v4 =	vadd.s32 v1, v4;
	_ =	sdelay $0x1  }
0x2b1: {  	v3 =	vadd.s32 v1, v3;
	_ =	sdelay $0x2  }
0x2b2: {  	[tilespmem:s21], [sflag:$0x1] =	stream.indirect_vreg.gather [hbm4b:s0+s4], $0x80, v4, vm0, $0xb8;
	[tilespmem:$0x18E00] =	vst v63  }
0x2b3: {  	_ = 	snop  }
0x2b4: {  	[tilespmem:s14], [sflag:$0x1] =	stream.indirect_vreg.gather [hbm4b:s0+s4], $0x80, v3, vm0, $0xb8;
	[tilespmem:$0x18E00] =	vst v63  }
0x2b5: {  	v3 =	vld [tilespmem:$0x350];
	_ =	sdelay $0x4  }
0x2b6: {  	v61 =	vshll.u32 v3, $0x1  }
0x2b7: {  	v3 =	vand.u32 $0x7, v3;
	v4 =	vand.u32 $0xFFFFFFF0, v61  }
0x2b8: {  	v3 =	vor.u32 v3, v4  }
0x2b9: {  	v4 =	vperm.xlane v3, v0;
	_ =	sdelay $0x1  }
0x2ba: {  	v3 =	vperm.xlane v3, v2;
	v4 =	vadd.s32 v1, v4;
	_ =	sdelay $0x1  }
0x2bb: {  	v3 =	vadd.s32 v1, v3;
	_ =	sdelay $0x2  }
0x2bc: {  	[tilespmem:s22], [sflag:$0x1] =	stream.indirect_vreg.gather [hbm4b:s0+s4], $0x80, v4, vm0, $0xb8;
	[tilespmem:$0x18E00] =	vst v63  }
0x2bd: {  	_ = 	snop  }
0x2be: {  	[tilespmem:s15], [sflag:$0x1] =	stream.indirect_vreg.gather [hbm4b:s0+s4], $0x80, v3, vm0, $0xb8;
	[tilespmem:$0x18E00] =	vst v63  }
0x2bf: {  	v3 =	vld [tilespmem:$0x360];
	_ =	sdelay $0x4  }
0x2c0: {  	v62 =	vshll.u32 v3, $0x1  }
0x2c1: {  	v3 =	vand.u32 $0x7, v3;
	v4 =	vand.u32 $0xFFFFFFF0, v62  }
0x2c2: {  	v3 =	vor.u32 v3, v4  }
0x2c3: {  	v4 =	vperm.xlane v3, v0;
	_ =	sdelay $0x1  }
0x2c4: {  	v3 =	vperm.xlane v3, v2;
	v4 =	vadd.s32 v1, v4;
	_ =	sdelay $0x1  }
0x2c5: {  	v3 =	vadd.s32 v1, v3;
	_ =	sdelay $0x2  }
0x2c6: {  	[tilespmem:s23], [sflag:$0x1] =	stream.indirect_vreg.gather [hbm4b:s0+s4], $0x80, v4, vm0, $0xb8;
	[tilespmem:$0x18E00] =	vst v63  }
0x2c7: {  	_ = 	snop  }
0x2c8: {  	[tilespmem:s16], [sflag:$0x1] =	stream.indirect_vreg.gather [hbm4b:s0+s4], $0x80, v3, vm0, $0xb8;
	[tilespmem:$0x18E00] =	vst v63  }
0x2c9: {  	v3 =	vld [tilespmem:$0x370];
	_ =	sdelay $0x4  }
0x2ca: {  	v63 =	vshll.u32 v3, $0x1  }
0x2cb: {  	v3 =	vand.u32 $0x7, v3;
	v4 =	vand.u32 $0xFFFFFFF0, v63  }
0x2cc: {  	v3 =	vor.u32 v3, v4  }
0x2cd: {  	v4 =	vperm.xlane v3, v0;
	_ =	sdelay $0x1  }
0x2ce: {  	v3 =	vperm.xlane v3, v2;
	v4 =	vadd.s32 v1, v4;
	_ =	sdelay $0x1  }
0x2cf: {  	v3 =	vadd.s32 v1, v3;
	_ =	sdelay $0x1  }
0x2d0: {  	s26 =	simm.s32 $0x7E00  }
0x2d1: {  	[tilespmem:s26], [sflag:$0x1] =	stream.indirect_vreg.gather [hbm4b:s0+s4], $0x80, v4, vm0, $0xb8;
	[tilespmem:$0x18E00] =	vst v63  }
0x2d2: {  	s13 =	simm.s32 $0x8600  }
0x2d3: {  	[tilespmem:s13], [sflag:$0x1] =	stream.indirect_vreg.gather [hbm4b:s0+s4], $0x80, v3, vm0, $0xb8;
	[tilespmem:$0x18E00] =	vst v63  }
0x2d4: {  	_ =	swait.ge [sflag:s3], $0x8000  }
0x2d5: {  	[sflag:s3] =	ssyncset.done $0x0  }
0x2d6: {  	s5 =	simm.s32 $0x10E00;
	s20 =	rddreg [dreg:$0x17];
	[sflag:s3] =	ssyncadd.s32 $0xFFFF8000  }
0x2d7: {  	[hbm4b:s20+s4] =	stream.linear.scatter [tilespmem:s5], [sflag:$0x2], $0x8000, $0x38;
	[tilespmem:$0x18E00] =	vst v63  }
0x2d8: {  	_ =	swait.ge [sflag:s25], $0x8000  }
0x2d9: {  	[sflag:s25] =	ssyncset.done $0x0  }
0x2da: {  	[sflag:s25] =	ssyncadd.s32 $0xFFFF8000  }
0x2db: {  	v3 =	vld [tilespmem:$0x380];
	_ =	sdelay $0x4  }
0x2dc: {  	v8 =	vshll.u32 v3, $0x1  }
0x2dd: {  	v3 =	vand.u32 $0x7, v3;
	v4 =	vand.u32 $0xFFFFFFF0, v8  }
0x2de: {  	v3 =	vor.u32 v3, v4  }
0x2df: {  	v4 =	vperm.xlane v3, v0;
	_ =	sdelay $0x1  }
0x2e0: {  	v3 =	vperm.xlane v3, v2;
	v4 =	vadd.s32 v1, v4;
	_ =	sdelay $0x1  }
0x2e1: {  	v3 =	vadd.s32 v1, v3;
	_ =	sdelay $0x2  }
0x2e2: {  	[tilespmem:s2], [sflag:$0x1] =	stream.indirect_vreg.gather [hbm4b:s0+s4], $0x80, v4, vm0, $0xb8;
	[tilespmem:$0x18E00] =	vst v63  }
0x2e3: {  	_ = 	snop  }
0x2e4: {  	[tilespmem:s10], [sflag:$0x1] =	stream.indirect_vreg.gather [hbm4b:s0+s4], $0x80, v3, vm0, $0xb8;
	[tilespmem:$0x18E00] =	vst v63  }
0x2e5: {  	v3 =	vld [tilespmem:$0x390];
	_ =	sdelay $0x4  }
0x2e6: {  	v9 =	vshll.u32 v3, $0x1  }
0x2e7: {  	v3 =	vand.u32 $0x7, v3;
	v4 =	vand.u32 $0xFFFFFFF0, v9  }
0x2e8: {  	v3 =	vor.u32 v3, v4  }
0x2e9: {  	v4 =	vperm.xlane v3, v0;
	_ =	sdelay $0x1  }
0x2ea: {  	v3 =	vperm.xlane v3, v2;
	v4 =	vadd.s32 v1, v4;
	_ =	sdelay $0x1  }
0x2eb: {  	v3 =	vadd.s32 v1, v3;
	_ =	sdelay $0x1  }
0x2ec: {  	s13 =	simm.s32 $0x9E00  }
0x2ed: {  	[tilespmem:s13], [sflag:$0x1] =	stream.indirect_vreg.gather [hbm4b:s0+s4], $0x80, v4, vm0, $0xb8;
	[tilespmem:$0x18E00] =	vst v63  }
0x2ee: {  	_ = 	snop  }
0x2ef: {  	[tilespmem:s6], [sflag:$0x1] =	stream.indirect_vreg.gather [hbm4b:s0+s4], $0x80, v3, vm0, $0xb8;
	[tilespmem:$0x18E00] =	vst v63  }
0x2f0: {  	v3 =	vld [tilespmem:$0x3A0];
	_ =	sdelay $0x4  }
0x2f1: {  	v10 =	vshll.u32 v3, $0x1  }
0x2f2: {  	v3 =	vand.u32 $0x7, v3;
	v4 =	vand.u32 $0xFFFFFFF0, v10  }
0x2f3: {  	v3 =	vor.u32 v3, v4  }
0x2f4: {  	v4 =	vperm.xlane v3, v0;
	_ =	sdelay $0x1  }
0x2f5: {  	v3 =	vperm.xlane v3, v2;
	v4 =	vadd.s32 v1, v4;
	_ =	sdelay $0x1  }
0x2f6: {  	v3 =	vadd.s32 v1, v3;
	_ =	sdelay $0x1  }
0x2f7: {  	s10 =	simm.s32 $0xAE00  }
0x2f8: {  	[tilespmem:s10], [sflag:$0x1] =	stream.indirect_vreg.gather [hbm4b:s0+s4], $0x80, v4, vm0, $0xb8;
	[tilespmem:$0x18E00] =	vst v63  }
0x2f9: {  	_ = 	snop  }
0x2fa: {  	[tilespmem:s11], [sflag:$0x1] =	stream.indirect_vreg.gather [hbm4b:s0+s4], $0x80, v3, vm0, $0xb8;
	[tilespmem:$0x18E00] =	vst v63  }
0x2fb: {  	v3 =	vld [tilespmem:$0x3B0];
	_ =	sdelay $0x4  }
0x2fc: {  	v11 =	vshll.u32 v3, $0x1  }
0x2fd: {  	v3 =	vand.u32 $0x7, v3;
	v4 =	vand.u32 $0xFFFFFFF0, v11  }
0x2fe: {  	v3 =	vor.u32 v3, v4  }
0x2ff: {  	v4 =	vperm.xlane v3, v0;
	_ =	sdelay $0x1  }
0x300: {  	v3 =	vperm.xlane v3, v2;
	v4 =	vadd.s32 v1, v4;
	_ =	sdelay $0x1  }
0x301: {  	v3 =	vadd.s32 v1, v3;
	_ =	sdelay $0x1  }
0x302: {  	s26 =	simm.s32 $0xBE00  }
0x303: {  	[tilespmem:s26], [sflag:$0x1] =	stream.indirect_vreg.gather [hbm4b:s0+s4], $0x80, v4, vm0, $0xb8;
	[tilespmem:$0x18E00] =	vst v63  }
0x304: {  	_ = 	snop  }
0x305: {  	[tilespmem:s9], [sflag:$0x1] =	stream.indirect_vreg.gather [hbm4b:s0+s4], $0x80, v3, vm0, $0xb8;
	[tilespmem:$0x18E00] =	vst v63  }
0x306: {  	v3 =	vld [tilespmem:$0x3C0];
	_ =	sdelay $0x4  }
0x307: {  	v12 =	vshll.u32 v3, $0x1  }
0x308: {  	v3 =	vand.u32 $0x7, v3;
	v4 =	vand.u32 $0xFFFFFFF0, v12  }
0x309: {  	v3 =	vor.u32 v3, v4  }
0x30a: {  	v4 =	vperm.xlane v3, v0;
	_ =	sdelay $0x1  }
0x30b: {  	v3 =	vperm.xlane v3, v2;
	v4 =	vadd.s32 v1, v4;
	_ =	sdelay $0x1  }
0x30c: {  	v3 =	vadd.s32 v1, v3;
	_ =	sdelay $0x1  }
0x30d: {  	s6 =	simm.s32 $0xCE00  }
0x30e: {  	[tilespmem:s6], [sflag:$0x1] =	stream.indirect_vreg.gather [hbm4b:s0+s4], $0x80, v4, vm0, $0xb8;
	[tilespmem:$0x18E00] =	vst v63  }
0x30f: {  	s9 =	simm.s32 $0xD600  }
0x310: {  	[tilespmem:s9], [sflag:$0x1] =	stream.indirect_vreg.gather [hbm4b:s0+s4], $0x80, v3, vm0, $0xb8;
	[tilespmem:$0x18E00] =	vst v63  }
0x311: {  	v3 =	vld [tilespmem:$0x3D0];
	_ =	sdelay $0x4  }
0x312: {  	v13 =	vshll.u32 v3, $0x1  }
0x313: {  	v3 =	vand.u32 $0x7, v3;
	v4 =	vand.u32 $0xFFFFFFF0, v13  }
0x314: {  	v3 =	vor.u32 v3, v4  }
0x315: {  	v4 =	vperm.xlane v3, v0;
	_ =	sdelay $0x1  }
0x316: {  	v3 =	vperm.xlane v3, v2;
	v4 =	vadd.s32 v1, v4;
	_ =	sdelay $0x1  }
0x317: {  	v3 =	vadd.s32 v1, v3;
	_ =	sdelay $0x1  }
0x318: {  	s10 =	simm.s32 $0xDE00  }
0x319: {  	[tilespmem:s10], [sflag:$0x1] =	stream.indirect_vreg.gather [hbm4b:s0+s4], $0x80, v4, vm0, $0xb8;
	[tilespmem:$0x18E00] =	vst v63  }
0x31a: {  	s11 =	simm.s32 $0xE600  }
0x31b: {  	[tilespmem:s11], [sflag:$0x1] =	stream.indirect_vreg.gather [hbm4b:s0+s4], $0x80, v3, vm0, $0xb8;
	[tilespmem:$0x18E00] =	vst v63  }
0x31c: {  	v3 =	vld [tilespmem:$0x3E0];
	_ =	sdelay $0x4  }
0x31d: {  	v14 =	vshll.u32 v3, $0x1  }
0x31e: {  	v3 =	vand.u32 $0x7, v3;
	v4 =	vand.u32 $0xFFFFFFF0, v14  }
0x31f: {  	v3 =	vor.u32 v3, v4  }
0x320: {  	v4 =	vperm.xlane v3, v0;
	_ =	sdelay $0x1  }
0x321: {  	v3 =	vperm.xlane v3, v2;
	v4 =	vadd.s32 v1, v4;
	_ =	sdelay $0x1  }
0x322: {  	v3 =	vadd.s32 v1, v3;
	_ =	sdelay $0x1  }
0x323: {  	s26 =	simm.s32 $0xEE00  }
0x324: {  	[tilespmem:s26], [sflag:$0x1] =	stream.indirect_vreg.gather [hbm4b:s0+s4], $0x80, v4, vm0, $0xb8;
	[tilespmem:$0x18E00] =	vst v63  }
0x325: {  	s6 =	simm.s32 $0xF600  }
0x326: {  	[tilespmem:s6], [sflag:$0x1] =	stream.indirect_vreg.gather [hbm4b:s0+s4], $0x80, v3, vm0, $0xb8;
	[tilespmem:$0x18E00] =	vst v63  }
0x327: {  	v3 =	vld [tilespmem:$0x3F0];
	_ =	sdelay $0x4  }
0x328: {  	v15 =	vshll.u32 v3, $0x1  }
0x329: {  	v3 =	vand.u32 $0x7, v3;
	v4 =	vand.u32 $0xFFFFFFF0, v15  }
0x32a: {  	v3 =	vor.u32 v3, v4  }
0x32b: {  	v4 =	vperm.xlane v3, v0;
	_ =	sdelay $0x1  }
0x32c: {  	v3 =	vperm.xlane v3, v2;
	v4 =	vadd.s32 v1, v4;
	_ =	sdelay $0x1  }
0x32d: {  	v3 =	vadd.s32 v1, v3;
	_ =	sdelay $0x1  }
0x32e: {  	s9 =	simm.s32 $0xFE00  }
0x32f: {  	[tilespmem:s9], [sflag:$0x1] =	stream.indirect_vreg.gather [hbm4b:s0+s4], $0x80, v4, vm0, $0xb8;
	[tilespmem:$0x18E00] =	vst v63  }
0x330: {  	s10 =	simm.s32 $0x10600  }
0x331: {  	[tilespmem:s10], [sflag:$0x1] =	stream.indirect_vreg.gather [hbm4b:s0+s4], $0x80, v3, vm0, $0xb8;
	[tilespmem:$0x18E00] =	vst v63  }
0x332: {  	_ =	swait.ge [sflag:s3], $0x8000  }
0x333: {  	[sflag:s3] =	ssyncset.done $0x0  }
0x334: {  	s2 =	simm.s32 $0xE00;
	s11 =	rddreg [dreg:$0x18];
	[sflag:s3] =	ssyncadd.s32 $0xFFFF8000  }
0x335: {  	[hbm4b:s11+s4] =	stream.linear.scatter [tilespmem:s2], [sflag:$0x2], $0x8000, $0x38;
	[tilespmem:$0x18E00] =	vst v63  }
0x336: {  	_ =	swait.ge [sflag:s25], $0x8000  }
0x337: {  	[sflag:s25] =	ssyncset.done $0x0  }
0x338: {  	[sflag:s25] =	ssyncadd.s32 $0xFFFF8000  }
0x339: {  	v3 =	vld [tilespmem:$0x400];
	_ =	sdelay $0x4  }
0x33a: {  	v16 =	vshll.u32 v3, $0x1  }
0x33b: {  	v3 =	vand.u32 $0x7, v3;
	v4 =	vand.u32 $0xFFFFFFF0, v16  }
0x33c: {  	v3 =	vor.u32 v3, v4  }
0x33d: {  	v4 =	vperm.xlane v3, v0;
	_ =	sdelay $0x1  }
0x33e: {  	v3 =	vperm.xlane v3, v2;
	v4 =	vadd.s32 v1, v4;
	_ =	sdelay $0x1  }
0x33f: {  	v3 =	vadd.s32 v1, v3;
	_ =	sdelay $0x2  }
0x340: {  	[tilespmem:s5], [sflag:$0x1] =	stream.indirect_vreg.gather [hbm4b:s0+s4], $0x80, v4, vm0, $0xb8;
	[tilespmem:$0x18E00] =	vst v63  }
0x341: {  	s9 =	simm.s32 $0x11600  }
0x342: {  	[tilespmem:s9], [sflag:$0x1] =	stream.indirect_vreg.gather [hbm4b:s0+s4], $0x80, v3, vm0, $0xb8;
	[tilespmem:$0x18E00] =	vst v63  }
0x343: {  	v3 =	vld [tilespmem:$0x410];
	_ =	sdelay $0x4  }
0x344: {  	v17 =	vshll.u32 v3, $0x1  }
0x345: {  	v3 =	vand.u32 $0x7, v3;
	v4 =	vand.u32 $0xFFFFFFF0, v17  }
0x346: {  	v3 =	vor.u32 v3, v4  }
0x347: {  	v4 =	vperm.xlane v3, v0;
	_ =	sdelay $0x1  }
0x348: {  	v3 =	vperm.xlane v3, v2;
	v4 =	vadd.s32 v1, v4;
	_ =	sdelay $0x1  }
0x349: {  	v3 =	vadd.s32 v1, v3;
	_ =	sdelay $0x2  }
0x34a: {  	[tilespmem:s17], [sflag:$0x1] =	stream.indirect_vreg.gather [hbm4b:s0+s4], $0x80, v4, vm0, $0xb8;
	[tilespmem:$0x18E00] =	vst v63  }
0x34b: {  	s10 =	simm.s32 $0x12600  }
0x34c: {  	[tilespmem:s10], [sflag:$0x1] =	stream.indirect_vreg.gather [hbm4b:s0+s4], $0x80, v3, vm0, $0xb8;
	[tilespmem:$0x18E00] =	vst v63  }
0x34d: {  	v3 =	vld [tilespmem:$0x420];
	_ =	sdelay $0x4  }
0x34e: {  	v18 =	vshll.u32 v3, $0x1  }
0x34f: {  	v3 =	vand.u32 $0x7, v3;
	v4 =	vand.u32 $0xFFFFFFF0, v18  }
0x350: {  	v3 =	vor.u32 v3, v4  }
0x351: {  	v4 =	vperm.xlane v3, v0;
	_ =	sdelay $0x1  }
0x352: {  	v3 =	vperm.xlane v3, v2;
	v4 =	vadd.s32 v1, v4;
	_ =	sdelay $0x1  }
0x353: {  	v3 =	vadd.s32 v1, v3;
	_ =	sdelay $0x2  }
0x354: {  	[tilespmem:s18], [sflag:$0x1] =	stream.indirect_vreg.gather [hbm4b:s0+s4], $0x80, v4, vm0, $0xb8;
	[tilespmem:$0x18E00] =	vst v63  }
0x355: {  	s11 =	simm.s32 $0x13600  }
0x356: {  	[tilespmem:s11], [sflag:$0x1] =	stream.indirect_vreg.gather [hbm4b:s0+s4], $0x80, v3, vm0, $0xb8;
	[tilespmem:$0x18E00] =	vst v63  }
0x357: {  	v3 =	vld [tilespmem:$0x430];
	_ =	sdelay $0x4  }
0x358: {  	v19 =	vshll.u32 v3, $0x1  }
0x359: {  	v3 =	vand.u32 $0x7, v3;
	v4 =	vand.u32 $0xFFFFFFF0, v19  }
0x35a: {  	v3 =	vor.u32 v3, v4  }
0x35b: {  	v4 =	vperm.xlane v3, v0;
	_ =	sdelay $0x1  }
0x35c: {  	v3 =	vperm.xlane v3, v2;
	v4 =	vadd.s32 v1, v4;
	_ =	sdelay $0x1  }
0x35d: {  	v3 =	vadd.s32 v1, v3;
	_ =	sdelay $0x2  }
0x35e: {  	[tilespmem:s31], [sflag:$0x1] =	stream.indirect_vreg.gather [hbm4b:s0+s4], $0x80, v4, vm0, $0xb8;
	[tilespmem:$0x18E00] =	vst v63  }
0x35f: {  	_ = 	snop  }
0x360: {  	[tilespmem:s8], [sflag:$0x1] =	stream.indirect_vreg.gather [hbm4b:s0+s4], $0x80, v3, vm0, $0xb8;
	[tilespmem:$0x18E00] =	vst v63  }
0x361: {  	v3 =	vld [tilespmem:$0x440];
	_ =	sdelay $0x4  }
0x362: {  	v20 =	vshll.u32 v3, $0x1  }
0x363: {  	v3 =	vand.u32 $0x7, v3;
	v4 =	vand.u32 $0xFFFFFFF0, v20  }
0x364: {  	v3 =	vor.u32 v3, v4  }
0x365: {  	v4 =	vperm.xlane v3, v0;
	_ =	sdelay $0x1  }
0x366: {  	v3 =	vperm.xlane v3, v2;
	v4 =	vadd.s32 v1, v4;
	_ =	sdelay $0x1  }
0x367: {  	v3 =	vadd.s32 v1, v3;
	_ =	sdelay $0x2  }
0x368: {  	[tilespmem:s24], [sflag:$0x1] =	stream.indirect_vreg.gather [hbm4b:s0+s4], $0x80, v4, vm0, $0xb8;
	[tilespmem:$0x18E00] =	vst v63  }
0x369: {  	_ = 	snop  }
0x36a: {  	[tilespmem:s28], [sflag:$0x1] =	stream.indirect_vreg.gather [hbm4b:s0+s4], $0x80, v3, vm0, $0xb8;
	[tilespmem:$0x18E00] =	vst v63  }
0x36b: {  	v3 =	vld [tilespmem:$0x450];
	_ =	sdelay $0x4  }
0x36c: {  	v21 =	vshll.u32 v3, $0x1  }
0x36d: {  	v3 =	vand.u32 $0x7, v3;
	v4 =	vand.u32 $0xFFFFFFF0, v21  }
0x36e: {  	v3 =	vor.u32 v3, v4  }
0x36f: {  	v4 =	vperm.xlane v3, v0;
	_ =	sdelay $0x1  }
0x370: {  	v3 =	vperm.xlane v3, v2;
	v4 =	vadd.s32 v1, v4;
	_ =	sdelay $0x1  }
0x371: {  	v3 =	vadd.s32 v1, v3;
	_ =	sdelay $0x1  }
0x372: {  	s28 =	simm.s32 $0x15E00  }
0x373: {  	[tilespmem:s28], [sflag:$0x1] =	stream.indirect_vreg.gather [hbm4b:s0+s4], $0x80, v4, vm0, $0xb8;
	[tilespmem:$0x18E00] =	vst v63  }
0x374: {  	_ = 	snop  }
0x375: {  	[tilespmem:s29], [sflag:$0x1] =	stream.indirect_vreg.gather [hbm4b:s0+s4], $0x80, v3, vm0, $0xb8;
	[tilespmem:$0x18E00] =	vst v63  }
0x376: {  	v3 =	vld [tilespmem:$0x460];
	_ =	sdelay $0x4  }
0x377: {  	v22 =	vshll.u32 v3, $0x1  }
0x378: {  	v3 =	vand.u32 $0x7, v3;
	v4 =	vand.u32 $0xFFFFFFF0, v22  }
0x379: {  	v3 =	vor.u32 v3, v4  }
0x37a: {  	v4 =	vperm.xlane v3, v0;
	_ =	sdelay $0x1  }
0x37b: {  	v3 =	vperm.xlane v3, v2;
	v4 =	vadd.s32 v1, v4;
	_ =	sdelay $0x1  }
0x37c: {  	v3 =	vadd.s32 v1, v3;
	_ =	sdelay $0x1  }
0x37d: {  	s29 =	simm.s32 $0x16E00  }
0x37e: {  	[tilespmem:s29], [sflag:$0x1] =	stream.indirect_vreg.gather [hbm4b:s0+s4], $0x80, v4, vm0, $0xb8;
	[tilespmem:$0x18E00] =	vst v63  }
0x37f: {  	_ = 	snop  }
0x380: {  	[tilespmem:s30], [sflag:$0x1] =	stream.indirect_vreg.gather [hbm4b:s0+s4], $0x80, v3, vm0, $0xb8;
	[tilespmem:$0x18E00] =	vst v63  }
0x381: {  	v3 =	vld [tilespmem:$0x470];
	_ =	sdelay $0x4  }
0x382: {  	v23 =	vshll.u32 v3, $0x1  }
0x383: {  	v3 =	vand.u32 $0x7, v3;
	v4 =	vand.u32 $0xFFFFFFF0, v23  }
0x384: {  	v3 =	vor.u32 v3, v4  }
0x385: {  	v4 =	vperm.xlane v3, v0;
	_ =	sdelay $0x1  }
0x386: {  	v3 =	vperm.xlane v3, v2;
	v4 =	vadd.s32 v1, v4;
	_ =	sdelay $0x1  }
0x387: {  	v3 =	vadd.s32 v1, v3;
	_ =	sdelay $0x1  }
0x388: {  	s30 =	simm.s32 $0x17E00  }
0x389: {  	[tilespmem:s30], [sflag:$0x1] =	stream.indirect_vreg.gather [hbm4b:s0+s4], $0x80, v4, vm0, $0xb8;
	[tilespmem:$0x18E00] =	vst v63  }
0x38a: {  	s26 =	simm.s32 $0x18600  }
0x38b: {  	[tilespmem:s26], [sflag:$0x1] =	stream.indirect_vreg.gather [hbm4b:s0+s4], $0x80, v3, vm0, $0xb8;
	[tilespmem:$0x18E00] =	vst v63  }
0x38c: {  	_ =	swait.ge [sflag:s3], $0x8000  }
0x38d: {  	[sflag:s3] =	ssyncset.done $0x0  }
0x38e: {  	s24 =	simm.s32 $0x8E00;
	s30 =	rddreg [dreg:$0x19];
	[sflag:s3] =	ssyncadd.s32 $0xFFFF8000  }
0x38f: {  	[hbm4b:s30+s4] =	stream.linear.scatter [tilespmem:s24], [sflag:$0x2], $0x8000, $0x38;
	[tilespmem:$0x18E00] =	vst v63  }
0x390: {  	_ =	swait.ge [sflag:s25], $0x8000  }
0x391: {  	[sflag:s25] =	ssyncset.done $0x0  }
0x392: {  	[sflag:s25] =	ssyncadd.s32 $0xFFFF8000  }
0x393: {  	v3 =	vld [tilespmem:$0x480];
	_ =	sdelay $0x4  }
0x394: {  	v24 =	vshll.u32 v3, $0x1  }
0x395: {  	v3 =	vand.u32 $0x7, v3;
	v4 =	vand.u32 $0xFFFFFFF0, v24  }
0x396: {  	v3 =	vor.u32 v3, v4  }
0x397: {  	v4 =	vperm.xlane v3, v0;
	_ =	sdelay $0x1  }
0x398: {  	v3 =	vperm.xlane v3, v2;
	v4 =	vadd.s32 v1, v4;
	_ =	sdelay $0x1  }
0x399: {  	v3 =	vadd.s32 v1, v3;
	_ =	sdelay $0x2  }
0x39a: {  	[tilespmem:s2], [sflag:$0x1] =	stream.indirect_vreg.gather [hbm4b:s0+s4], $0x80, v4, vm0, $0xb8;
	[tilespmem:$0x18E00] =	vst v63  }
0x39b: {  	s30 =	simm.s32 $0x1600  }
0x39c: {  	[tilespmem:s30], [sflag:$0x1] =	stream.indirect_vreg.gather [hbm4b:s0+s4], $0x80, v3, vm0, $0xb8;
	[tilespmem:$0x18E00] =	vst v63  }
0x39d: {  	v3 =	vld [tilespmem:$0x490];
	_ =	sdelay $0x4  }
0x39e: {  	v25 =	vshll.u32 v3, $0x1  }
0x39f: {  	v3 =	vand.u32 $0x7, v3;
	v4 =	vand.u32 $0xFFFFFFF0, v25  }
0x3a0: {  	v3 =	vor.u32 v3, v4  }
0x3a1: {  	v4 =	vperm.xlane v3, v0;
	_ =	sdelay $0x1  }
0x3a2: {  	v3 =	vperm.xlane v3, v2;
	v4 =	vadd.s32 v1, v4;
	_ =	sdelay $0x1  }
0x3a3: {  	v3 =	vadd.s32 v1, v3;
	_ =	sdelay $0x1  }
0x3a4: {  	s30 =	simm.s32 $0x1E00  }
0x3a5: {  	[tilespmem:s30], [sflag:$0x1] =	stream.indirect_vreg.gather [hbm4b:s0+s4], $0x80, v4, vm0, $0xb8;
	[tilespmem:$0x18E00] =	vst v63  }
0x3a6: {  	s26 =	simm.s32 $0x2600  }
0x3a7: {  	[tilespmem:s26], [sflag:$0x1] =	stream.indirect_vreg.gather [hbm4b:s0+s4], $0x80, v3, vm0, $0xb8;
	[tilespmem:$0x18E00] =	vst v63  }
0x3a8: {  	v3 =	vld [tilespmem:$0x4A0];
	_ =	sdelay $0x4  }
0x3a9: {  	v26 =	vshll.u32 v3, $0x1  }
0x3aa: {  	v3 =	vand.u32 $0x7, v3;
	v4 =	vand.u32 $0xFFFFFFF0, v26  }
0x3ab: {  	v3 =	vor.u32 v3, v4  }
0x3ac: {  	v4 =	vperm.xlane v3, v0;
	_ =	sdelay $0x1  }
0x3ad: {  	v3 =	vperm.xlane v3, v2;
	v4 =	vadd.s32 v1, v4;
	_ =	sdelay $0x1  }
0x3ae: {  	v3 =	vadd.s32 v1, v3;
	_ =	sdelay $0x1  }
0x3af: {  	s19 =	simm.s32 $0x2E00  }
0x3b0: {  	[tilespmem:s19], [sflag:$0x1] =	stream.indirect_vreg.gather [hbm4b:s0+s4], $0x80, v4, vm0, $0xb8;
	[tilespmem:$0x18E00] =	vst v63  }
0x3b1: {  	s26 =	simm.s32 $0x3600  }
0x3b2: {  	[tilespmem:s26], [sflag:$0x1] =	stream.indirect_vreg.gather [hbm4b:s0+s4], $0x80, v3, vm0, $0xb8;
	[tilespmem:$0x18E00] =	vst v63  }
0x3b3: {  	v3 =	vld [tilespmem:$0x4B0];
	_ =	sdelay $0x4  }
0x3b4: {  	v27 =	vshll.u32 v3, $0x1  }
0x3b5: {  	v3 =	vand.u32 $0x7, v3;
	v4 =	vand.u32 $0xFFFFFFF0, v27  }
0x3b6: {  	v3 =	vor.u32 v3, v4  }
0x3b7: {  	v4 =	vperm.xlane v3, v0;
	_ =	sdelay $0x1  }
0x3b8: {  	v3 =	vperm.xlane v3, v2;
	v4 =	vadd.s32 v1, v4;
	_ =	sdelay $0x1  }
0x3b9: {  	v3 =	vadd.s32 v1, v3;
	_ =	sdelay $0x1  }
0x3ba: {  	s12 =	simm.s32 $0x3E00  }
0x3bb: {  	[tilespmem:s12], [sflag:$0x1] =	stream.indirect_vreg.gather [hbm4b:s0+s4], $0x80, v4, vm0, $0xb8;
	[tilespmem:$0x18E00] =	vst v63  }
0x3bc: {  	s19 =	simm.s32 $0x4600  }
0x3bd: {  	[tilespmem:s19], [sflag:$0x1] =	stream.indirect_vreg.gather [hbm4b:s0+s4], $0x80, v3, vm0, $0xb8;
	[tilespmem:$0x18E00] =	vst v63  }
0x3be: {  	v3 =	vld [tilespmem:$0x4C0];
	_ =	sdelay $0x4  }
0x3bf: {  	v28 =	vshll.u32 v3, $0x1  }
0x3c0: {  	v3 =	vand.u32 $0x7, v3;
	v4 =	vand.u32 $0xFFFFFFF0, v28  }
0x3c1: {  	v3 =	vor.u32 v3, v4  }
0x3c2: {  	v4 =	vperm.xlane v3, v0;
	_ =	sdelay $0x1  }
0x3c3: {  	v3 =	vperm.xlane v3, v2;
	v4 =	vadd.s32 v1, v4;
	_ =	sdelay $0x1  }
0x3c4: {  	v3 =	vadd.s32 v1, v3;
	_ =	sdelay $0x1  }
0x3c5: {  	s26 =	simm.s32 $0x4E00  }
0x3c6: {  	[tilespmem:s26], [sflag:$0x1] =	stream.indirect_vreg.gather [hbm4b:s0+s4], $0x80, v4, vm0, $0xb8;
	[tilespmem:$0x18E00] =	vst v63  }
0x3c7: {  	s21 =	simm.s32 $0x5600  }
0x3c8: {  	[tilespmem:s21], [sflag:$0x1] =	stream.indirect_vreg.gather [hbm4b:s0+s4], $0x80, v3, vm0, $0xb8;
	[tilespmem:$0x18E00] =	vst v63  }
0x3c9: {  	v3 =	vld [tilespmem:$0x4D0];
	_ =	sdelay $0x4  }
0x3ca: {  	v29 =	vshll.u32 v3, $0x1  }
0x3cb: {  	v3 =	vand.u32 $0x7, v3;
	v4 =	vand.u32 $0xFFFFFFF0, v29  }
0x3cc: {  	v3 =	vor.u32 v3, v4  }
0x3cd: {  	v4 =	vperm.xlane v3, v0;
	_ =	sdelay $0x1  }
0x3ce: {  	v3 =	vperm.xlane v3, v2;
	v4 =	vadd.s32 v1, v4;
	_ =	sdelay $0x1  }
0x3cf: {  	v3 =	vadd.s32 v1, v3;
	_ =	sdelay $0x1  }
0x3d0: {  	s14 =	simm.s32 $0x5E00  }
0x3d1: {  	[tilespmem:s14], [sflag:$0x1] =	stream.indirect_vreg.gather [hbm4b:s0+s4], $0x80, v4, vm0, $0xb8;
	[tilespmem:$0x18E00] =	vst v63  }
0x3d2: {  	s22 =	simm.s32 $0x6600  }
0x3d3: {  	[tilespmem:s22], [sflag:$0x1] =	stream.indirect_vreg.gather [hbm4b:s0+s4], $0x80, v3, vm0, $0xb8;
	[tilespmem:$0x18E00] =	vst v63  }
0x3d4: {  	v3 =	vld [tilespmem:$0x4E0];
	_ =	sdelay $0x4  }
0x3d5: {  	v30 =	vshll.u32 v3, $0x1  }
0x3d6: {  	v3 =	vand.u32 $0x7, v3;
	v4 =	vand.u32 $0xFFFFFFF0, v30  }
0x3d7: {  	v3 =	vor.u32 v3, v4  }
0x3d8: {  	v4 =	vperm.xlane v3, v0;
	_ =	sdelay $0x1  }
0x3d9: {  	v3 =	vperm.xlane v3, v2;
	v4 =	vadd.s32 v1, v4;
	_ =	sdelay $0x1  }
0x3da: {  	v3 =	vadd.s32 v1, v3;
	_ =	sdelay $0x1  }
0x3db: {  	s15 =	simm.s32 $0x6E00  }
0x3dc: {  	[tilespmem:s15], [sflag:$0x1] =	stream.indirect_vreg.gather [hbm4b:s0+s4], $0x80, v4, vm0, $0xb8;
	[tilespmem:$0x18E00] =	vst v63  }
0x3dd: {  	s23 =	simm.s32 $0x7600  }
0x3de: {  	[tilespmem:s23], [sflag:$0x1] =	stream.indirect_vreg.gather [hbm4b:s0+s4], $0x80, v3, vm0, $0xb8;
	[tilespmem:$0x18E00] =	vst v63  }
0x3df: {  	v3 =	vld [tilespmem:$0x4F0];
	_ =	sdelay $0x4  }
0x3e0: {  	v31 =	vshll.u32 v3, $0x1  }
0x3e1: {  	v3 =	vand.u32 $0x7, v3;
	v4 =	vand.u32 $0xFFFFFFF0, v31  }
0x3e2: {  	v3 =	vor.u32 v3, v4  }
0x3e3: {  	v4 =	vperm.xlane v3, v0;
	_ =	sdelay $0x1  }
0x3e4: {  	v3 =	vperm.xlane v3, v2;
	v4 =	vadd.s32 v1, v4;
	_ =	sdelay $0x1  }
0x3e5: {  	v3 =	vadd.s32 v1, v3;
	_ =	sdelay $0x1  }
0x3e6: {  	s16 =	simm.s32 $0x7E00  }
0x3e7: {  	[tilespmem:s16], [sflag:$0x1] =	stream.indirect_vreg.gather [hbm4b:s0+s4], $0x80, v4, vm0, $0xb8;
	[tilespmem:$0x18E00] =	vst v63  }
0x3e8: {  	s14 =	simm.s32 $0x8600  }
0x3e9: {  	[tilespmem:s14], [sflag:$0x1] =	stream.indirect_vreg.gather [hbm4b:s0+s4], $0x80, v3, vm0, $0xb8;
	[tilespmem:$0x18E00] =	vst v63  }
0x3ea: {  	_ =	swait.ge [sflag:s3], $0x8000  }
0x3eb: {  	[sflag:s3] =	ssyncset.done $0x0  }
0x3ec: {  	s5 =	simm.s32 $0x10E00;
	s15 =	rddreg [dreg:$0x1a];
	[sflag:s3] =	ssyncadd.s32 $0xFFFF8000  }
0x3ed: {  	[hbm4b:s15+s4] =	stream.linear.scatter [tilespmem:s5], [sflag:$0x2], $0x8000, $0x38;
	[tilespmem:$0x18E00] =	vst v63  }
0x3ee: {  	_ =	swait.ge [sflag:s25], $0x8000  }
0x3ef: {  	[sflag:s25] =	ssyncset.done $0x0  }
0x3f0: {  	[sflag:s25] =	ssyncadd.s32 $0xFFFF8000  }
0x3f1: {  	v3 =	vld [tilespmem:$0x500];
	_ =	sdelay $0x4  }
0x3f2: {  	v32 =	vshll.u32 v3, $0x1  }
0x3f3: {  	v3 =	vand.u32 $0x7, v3;
	v4 =	vand.u32 $0xFFFFFFF0, v32  }
0x3f4: {  	v3 =	vor.u32 v3, v4  }
0x3f5: {  	v4 =	vperm.xlane v3, v0;
	_ =	sdelay $0x1  }
0x3f6: {  	v3 =	vperm.xlane v3, v2;
	v4 =	vadd.s32 v1, v4;
	_ =	sdelay $0x1  }
0x3f7: {  	v3 =	vadd.s32 v1, v3;
	_ =	sdelay $0x2  }
0x3f8: {  	[tilespmem:s24], [sflag:$0x1] =	stream.indirect_vreg.gather [hbm4b:s0+s4], $0x80, v4, vm0, $0xb8;
	[tilespmem:$0x18E00] =	vst v63  }
0x3f9: {  	s20 =	simm.s32 $0x9600  }
0x3fa: {  	[tilespmem:s20], [sflag:$0x1] =	stream.indirect_vreg.gather [hbm4b:s0+s4], $0x80, v3, vm0, $0xb8;
	[tilespmem:$0x18E00] =	vst v63  }
0x3fb: {  	v3 =	vld [tilespmem:$0x510];
	_ =	sdelay $0x4  }
0x3fc: {  	v33 =	vshll.u32 v3, $0x1  }
0x3fd: {  	v3 =	vand.u32 $0x7, v3;
	v4 =	vand.u32 $0xFFFFFFF0, v33  }
0x3fe: {  	v3 =	vor.u32 v3, v4  }
0x3ff: {  	v4 =	vperm.xlane v3, v0;
	_ =	sdelay $0x1  }
0x400: {  	v3 =	vperm.xlane v3, v2;
	v4 =	vadd.s32 v1, v4;
	_ =	sdelay $0x1  }
0x401: {  	v3 =	vadd.s32 v1, v3;
	_ =	sdelay $0x2  }
0x402: {  	[tilespmem:s13], [sflag:$0x1] =	stream.indirect_vreg.gather [hbm4b:s0+s4], $0x80, v4, vm0, $0xb8;
	[tilespmem:$0x18E00] =	vst v63  }
0x403: {  	s16 =	simm.s32 $0xA600  }
0x404: {  	[tilespmem:s16], [sflag:$0x1] =	stream.indirect_vreg.gather [hbm4b:s0+s4], $0x80, v3, vm0, $0xb8;
	[tilespmem:$0x18E00] =	vst v63  }
0x405: {  	v3 =	vld [tilespmem:$0x520];
	_ =	sdelay $0x4  }
0x406: {  	v34 =	vshll.u32 v3, $0x1  }
0x407: {  	v3 =	vand.u32 $0x7, v3;
	v4 =	vand.u32 $0xFFFFFFF0, v34  }
0x408: {  	v3 =	vor.u32 v3, v4  }
0x409: {  	v4 =	vperm.xlane v3, v0;
	_ =	sdelay $0x1  }
0x40a: {  	v3 =	vperm.xlane v3, v2;
	v4 =	vadd.s32 v1, v4;
	_ =	sdelay $0x1  }
0x40b: {  	v3 =	vadd.s32 v1, v3;
	_ =	sdelay $0x1  }
0x40c: {  	s19 =	simm.s32 $0xAE00  }
0x40d: {  	[tilespmem:s19], [sflag:$0x1] =	stream.indirect_vreg.gather [hbm4b:s0+s4], $0x80, v4, vm0, $0xb8;
	[tilespmem:$0x18E00] =	vst v63  }
0x40e: {  	s21 =	simm.s32 $0xB600  }
0x40f: {  	[tilespmem:s21], [sflag:$0x1] =	stream.indirect_vreg.gather [hbm4b:s0+s4], $0x80, v3, vm0, $0xb8;
	[tilespmem:$0x18E00] =	vst v63  }
0x410: {  	v3 =	vld [tilespmem:$0x530];
	_ =	sdelay $0x4  }
0x411: {  	v35 =	vshll.u32 v3, $0x1  }
0x412: {  	v3 =	vand.u32 $0x7, v3;
	v4 =	vand.u32 $0xFFFFFFF0, v35  }
0x413: {  	v3 =	vor.u32 v3, v4  }
0x414: {  	v4 =	vperm.xlane v3, v0;
	_ =	sdelay $0x1  }
0x415: {  	v3 =	vperm.xlane v3, v2;
	v4 =	vadd.s32 v1, v4;
	_ =	sdelay $0x1  }
0x416: {  	v3 =	vadd.s32 v1, v3;
	_ =	sdelay $0x1  }
0x417: {  	s22 =	simm.s32 $0xBE00  }
0x418: {  	[tilespmem:s22], [sflag:$0x1] =	stream.indirect_vreg.gather [hbm4b:s0+s4], $0x80, v4, vm0, $0xb8;
	[tilespmem:$0x18E00] =	vst v63  }
0x419: {  	s23 =	simm.s32 $0xC600  }
0x41a: {  	[tilespmem:s23], [sflag:$0x1] =	stream.indirect_vreg.gather [hbm4b:s0+s4], $0x80, v3, vm0, $0xb8;
	[tilespmem:$0x18E00] =	vst v63  }
0x41b: {  	v3 =	vld [tilespmem:$0x540];
	_ =	sdelay $0x4  }
0x41c: {  	v36 =	vshll.u32 v3, $0x1  }
0x41d: {  	v3 =	vand.u32 $0x7, v3;
	v4 =	vand.u32 $0xFFFFFFF0, v36  }
0x41e: {  	v3 =	vor.u32 v3, v4  }
0x41f: {  	v4 =	vperm.xlane v3, v0;
	_ =	sdelay $0x1  }
0x420: {  	v3 =	vperm.xlane v3, v2;
	v4 =	vadd.s32 v1, v4;
	_ =	sdelay $0x1  }
0x421: {  	v3 =	vadd.s32 v1, v3;
	_ =	sdelay $0x1  }
0x422: {  	s24 =	simm.s32 $0xCE00  }
0x423: {  	[tilespmem:s24], [sflag:$0x1] =	stream.indirect_vreg.gather [hbm4b:s0+s4], $0x80, v4, vm0, $0xb8;
	[tilespmem:$0x18E00] =	vst v63  }
0x424: {  	s26 =	simm.s32 $0xD600  }
0x425: {  	[tilespmem:s26], [sflag:$0x1] =	stream.indirect_vreg.gather [hbm4b:s0+s4], $0x80, v3, vm0, $0xb8;
	[tilespmem:$0x18E00] =	vst v63  }
0x426: {  	v3 =	vld [tilespmem:$0x550];
	_ =	sdelay $0x4  }
0x427: {  	v37 =	vshll.u32 v3, $0x1  }
0x428: {  	v3 =	vand.u32 $0x7, v3;
	v4 =	vand.u32 $0xFFFFFFF0, v37  }
0x429: {  	v3 =	vor.u32 v3, v4  }
0x42a: {  	v4 =	vperm.xlane v3, v0;
	_ =	sdelay $0x1  }
0x42b: {  	v3 =	vperm.xlane v3, v2;
	v4 =	vadd.s32 v1, v4;
	_ =	sdelay $0x1  }
0x42c: {  	v3 =	vadd.s32 v1, v3;
	_ =	sdelay $0x1  }
0x42d: {  	s14 =	simm.s32 $0xDE00  }
0x42e: {  	[tilespmem:s14], [sflag:$0x1] =	stream.indirect_vreg.gather [hbm4b:s0+s4], $0x80, v4, vm0, $0xb8;
	[tilespmem:$0x18E00] =	vst v63  }
0x42f: {  	s15 =	simm.s32 $0xE600  }
0x430: {  	[tilespmem:s15], [sflag:$0x1] =	stream.indirect_vreg.gather [hbm4b:s0+s4], $0x80, v3, vm0, $0xb8;
	[tilespmem:$0x18E00] =	vst v63  }
0x431: {  	v3 =	vld [tilespmem:$0x560];
	_ =	sdelay $0x4  }
0x432: {  	v38 =	vshll.u32 v3, $0x1  }
0x433: {  	v3 =	vand.u32 $0x7, v3;
	v4 =	vand.u32 $0xFFFFFFF0, v38  }
0x434: {  	v3 =	vor.u32 v3, v4  }
0x435: {  	v4 =	vperm.xlane v3, v0;
	_ =	sdelay $0x1  }
0x436: {  	v3 =	vperm.xlane v3, v2;
	v4 =	vadd.s32 v1, v4;
	_ =	sdelay $0x1  }
0x437: {  	v3 =	vadd.s32 v1, v3;
	_ =	sdelay $0x1  }
0x438: {  	s24 =	simm.s32 $0xEE00  }
0x439: {  	[tilespmem:s24], [sflag:$0x1] =	stream.indirect_vreg.gather [hbm4b:s0+s4], $0x80, v4, vm0, $0xb8;
	[tilespmem:$0x18E00] =	vst v63  }
0x43a: {  	s16 =	simm.s32 $0xF600  }
0x43b: {  	[tilespmem:s16], [sflag:$0x1] =	stream.indirect_vreg.gather [hbm4b:s0+s4], $0x80, v3, vm0, $0xb8;
	[tilespmem:$0x18E00] =	vst v63  }
0x43c: {  	v3 =	vld [tilespmem:$0x570];
	_ =	sdelay $0x4  }
0x43d: {  	v39 =	vshll.u32 v3, $0x1  }
0x43e: {  	v3 =	vand.u32 $0x7, v3;
	v4 =	vand.u32 $0xFFFFFFF0, v39  }
0x43f: {  	v3 =	vor.u32 v3, v4  }
0x440: {  	v4 =	vperm.xlane v3, v0;
	_ =	sdelay $0x1  }
0x441: {  	v3 =	vperm.xlane v3, v2;
	v4 =	vadd.s32 v1, v4;
	_ =	sdelay $0x1  }
0x442: {  	v3 =	vadd.s32 v1, v3;
	_ =	sdelay $0x1  }
0x443: {  	s19 =	simm.s32 $0xFE00  }
0x444: {  	[tilespmem:s19], [sflag:$0x1] =	stream.indirect_vreg.gather [hbm4b:s0+s4], $0x80, v4, vm0, $0xb8;
	[tilespmem:$0x18E00] =	vst v63  }
0x445: {  	s21 =	simm.s32 $0x10600  }
0x446: {  	[tilespmem:s21], [sflag:$0x1] =	stream.indirect_vreg.gather [hbm4b:s0+s4], $0x80, v3, vm0, $0xb8;
	[tilespmem:$0x18E00] =	vst v63  }
0x447: {  	_ =	swait.ge [sflag:s3], $0x8000  }
0x448: {  	[sflag:s3] =	ssyncset.done $0x0  }
0x449: {  	s22 =	rddreg [dreg:$0x1b];
	[sflag:s3] =	ssyncadd.s32 $0xFFFF8000  }
0x44a: {  	[hbm4b:s22+s4] =	stream.linear.scatter [tilespmem:s2], [sflag:$0x2], $0x8000, $0x38;
	[tilespmem:$0x18E00] =	vst v63  }
0x44b: {  	_ =	swait.ge [sflag:s25], $0x8000  }
0x44c: {  	[sflag:s25] =	ssyncset.done $0x0  }
0x44d: {  	[sflag:s25] =	ssyncadd.s32 $0xFFFF8000  }
0x44e: {  	v3 =	vld [tilespmem:$0x580];
	_ =	sdelay $0x4  }
0x44f: {  	v40 =	vshll.u32 v3, $0x1  }
0x450: {  	v3 =	vand.u32 $0x7, v3;
	v4 =	vand.u32 $0xFFFFFFF0, v40  }
0x451: {  	v3 =	vor.u32 v3, v4  }
0x452: {  	v4 =	vperm.xlane v3, v0;
	_ =	sdelay $0x1  }
0x453: {  	v3 =	vperm.xlane v3, v2;
	v4 =	vadd.s32 v1, v4;
	_ =	sdelay $0x1  }
0x454: {  	v3 =	vadd.s32 v1, v3;
	_ =	sdelay $0x2  }
0x455: {  	[tilespmem:s5], [sflag:$0x1] =	stream.indirect_vreg.gather [hbm4b:s0+s4], $0x80, v4, vm0, $0xb8;
	[tilespmem:$0x18E00] =	vst v63  }
0x456: {  	_ = 	snop  }
0x457: {  	[tilespmem:s9], [sflag:$0x1] =	stream.indirect_vreg.gather [hbm4b:s0+s4], $0x80, v3, vm0, $0xb8;
	[tilespmem:$0x18E00] =	vst v63  }
0x458: {  	v3 =	vld [tilespmem:$0x590];
	_ =	sdelay $0x4  }
0x459: {  	v41 =	vshll.u32 v3, $0x1  }
0x45a: {  	v3 =	vand.u32 $0x7, v3;
	v4 =	vand.u32 $0xFFFFFFF0, v41  }
0x45b: {  	v3 =	vor.u32 v3, v4  }
0x45c: {  	v4 =	vperm.xlane v3, v0;
	_ =	sdelay $0x1  }
0x45d: {  	v3 =	vperm.xlane v3, v2;
	v4 =	vadd.s32 v1, v4;
	_ =	sdelay $0x1  }
0x45e: {  	v3 =	vadd.s32 v1, v3;
	_ =	sdelay $0x1  }
0x45f: {  	s6 =	simm.s32 $0x11E00  }
0x460: {  	[tilespmem:s6], [sflag:$0x1] =	stream.indirect_vreg.gather [hbm4b:s0+s4], $0x80, v4, vm0, $0xb8;
	[tilespmem:$0x18E00] =	vst v63  }
0x461: {  	_ = 	snop  }
0x462: {  	[tilespmem:s10], [sflag:$0x1] =	stream.indirect_vreg.gather [hbm4b:s0+s4], $0x80, v3, vm0, $0xb8;
	[tilespmem:$0x18E00] =	vst v63  }
0x463: {  	v3 =	vld [tilespmem:$0x5A0];
	_ =	sdelay $0x4  }
0x464: {  	v42 =	vshll.u32 v3, $0x1  }
0x465: {  	v3 =	vand.u32 $0x7, v3;
	v4 =	vand.u32 $0xFFFFFFF0, v42  }
0x466: {  	v3 =	vor.u32 v3, v4  }
0x467: {  	v4 =	vperm.xlane v3, v0;
	_ =	sdelay $0x1  }
0x468: {  	v3 =	vperm.xlane v3, v2;
	v4 =	vadd.s32 v1, v4;
	_ =	sdelay $0x1  }
0x469: {  	v3 =	vadd.s32 v1, v3;
	_ =	sdelay $0x1  }
0x46a: {  	s17 =	simm.s32 $0x12E00  }
0x46b: {  	[tilespmem:s17], [sflag:$0x1] =	stream.indirect_vreg.gather [hbm4b:s0+s4], $0x80, v4, vm0, $0xb8;
	[tilespmem:$0x18E00] =	vst v63  }
0x46c: {  	_ = 	snop  }
0x46d: {  	[tilespmem:s11], [sflag:$0x1] =	stream.indirect_vreg.gather [hbm4b:s0+s4], $0x80, v3, vm0, $0xb8;
	[tilespmem:$0x18E00] =	vst v63  }
0x46e: {  	v3 =	vld [tilespmem:$0x5B0];
	_ =	sdelay $0x4  }
0x46f: {  	v43 =	vshll.u32 v3, $0x1  }
0x470: {  	v3 =	vand.u32 $0x7, v3;
	v4 =	vand.u32 $0xFFFFFFF0, v43  }
0x471: {  	v3 =	vor.u32 v3, v4  }
0x472: {  	v4 =	vperm.xlane v3, v0;
	_ =	sdelay $0x1  }
0x473: {  	v3 =	vperm.xlane v3, v2;
	v4 =	vadd.s32 v1, v4;
	_ =	sdelay $0x1  }
0x474: {  	v3 =	vadd.s32 v1, v3;
	_ =	sdelay $0x1  }
0x475: {  	s18 =	simm.s32 $0x13E00  }
0x476: {  	[tilespmem:s18], [sflag:$0x1] =	stream.indirect_vreg.gather [hbm4b:s0+s4], $0x80, v4, vm0, $0xb8;
	[tilespmem:$0x18E00] =	vst v63  }
0x477: {  	s31 =	simm.s32 $0x14600  }
0x478: {  	[tilespmem:s31], [sflag:$0x1] =	stream.indirect_vreg.gather [hbm4b:s0+s4], $0x80, v3, vm0, $0xb8;
	[tilespmem:$0x18E00] =	vst v63  }
0x479: {  	v3 =	vld [tilespmem:$0x5C0];
	_ =	sdelay $0x4  }
0x47a: {  	v44 =	vshll.u32 v3, $0x1  }
0x47b: {  	v3 =	vand.u32 $0x7, v3;
	v4 =	vand.u32 $0xFFFFFFF0, v44  }
0x47c: {  	v3 =	vor.u32 v3, v4  }
0x47d: {  	v4 =	vperm.xlane v3, v0;
	_ =	sdelay $0x1  }
0x47e: {  	v3 =	vperm.xlane v3, v2;
	v4 =	vadd.s32 v1, v4;
	_ =	sdelay $0x1  }
0x47f: {  	v3 =	vadd.s32 v1, v3;
	_ =	sdelay $0x1  }
0x480: {  	s8 =	simm.s32 $0x14E00  }
0x481: {  	[tilespmem:s8], [sflag:$0x1] =	stream.indirect_vreg.gather [hbm4b:s0+s4], $0x80, v4, vm0, $0xb8;
	[tilespmem:$0x18E00] =	vst v63  }
0x482: {  	s31 =	simm.s32 $0x15600  }
0x483: {  	[tilespmem:s31], [sflag:$0x1] =	stream.indirect_vreg.gather [hbm4b:s0+s4], $0x80, v3, vm0, $0xb8;
	[tilespmem:$0x18E00] =	vst v63  }
0x484: {  	v3 =	vld [tilespmem:$0x5D0];
	_ =	sdelay $0x4  }
0x485: {  	v45 =	vshll.u32 v3, $0x1  }
0x486: {  	v3 =	vand.u32 $0x7, v3;
	v4 =	vand.u32 $0xFFFFFFF0, v45  }
0x487: {  	v3 =	vor.u32 v3, v4  }
0x488: {  	v4 =	vperm.xlane v3, v0;
	_ =	sdelay $0x1  }
0x489: {  	v3 =	vperm.xlane v3, v2;
	v4 =	vadd.s32 v1, v4;
	_ =	sdelay $0x1  }
0x48a: {  	v3 =	vadd.s32 v1, v3;
	_ =	sdelay $0x1  }
0x48b: {  	s6 =	simm.s32 $0x15E00  }
0x48c: {  	[tilespmem:s6], [sflag:$0x1] =	stream.indirect_vreg.gather [hbm4b:s0+s4], $0x80, v4, vm0, $0xb8;
	[tilespmem:$0x18E00] =	vst v63  }
0x48d: {  	s8 =	simm.s32 $0x16600  }
0x48e: {  	[tilespmem:s8], [sflag:$0x1] =	stream.indirect_vreg.gather [hbm4b:s0+s4], $0x80, v3, vm0, $0xb8;
	[tilespmem:$0x18E00] =	vst v63  }
0x48f: {  	v3 =	vld [tilespmem:$0x5E0];
	_ =	sdelay $0x4  }
0x490: {  	v46 =	vshll.u32 v3, $0x1  }
0x491: {  	v3 =	vand.u32 $0x7, v3;
	v4 =	vand.u32 $0xFFFFFFF0, v46  }
0x492: {  	v3 =	vor.u32 v3, v4  }
0x493: {  	v4 =	vperm.xlane v3, v0;
	_ =	sdelay $0x1  }
0x494: {  	v3 =	vperm.xlane v3, v2;
	v4 =	vadd.s32 v1, v4;
	_ =	sdelay $0x1  }
0x495: {  	v3 =	vadd.s32 v1, v3;
	_ =	sdelay $0x1  }
0x496: {  	s29 =	simm.s32 $0x16E00  }
0x497: {  	[tilespmem:s29], [sflag:$0x1] =	stream.indirect_vreg.gather [hbm4b:s0+s4], $0x80, v4, vm0, $0xb8;
	[tilespmem:$0x18E00] =	vst v63  }
0x498: {  	s9 =	simm.s32 $0x17600  }
0x499: {  	[tilespmem:s9], [sflag:$0x1] =	stream.indirect_vreg.gather [hbm4b:s0+s4], $0x80, v3, vm0, $0xb8;
	[tilespmem:$0x18E00] =	vst v63  }
0x49a: {  	v3 =	vld [tilespmem:$0x5F0];
	_ =	sdelay $0x4  }
0x49b: {  	v47 =	vshll.u32 v3, $0x1  }
0x49c: {  	v3 =	vand.u32 $0x7, v3;
	v4 =	vand.u32 $0xFFFFFFF0, v47  }
0x49d: {  	v3 =	vor.u32 v3, v4  }
0x49e: {  	v4 =	vperm.xlane v3, v0;
	_ =	sdelay $0x1  }
0x49f: {  	v3 =	vperm.xlane v3, v2;
	v4 =	vadd.s32 v1, v4;
	_ =	sdelay $0x1  }
0x4a0: {  	v3 =	vadd.s32 v1, v3;
	_ =	sdelay $0x1  }
0x4a1: {  	s28 =	simm.s32 $0x17E00  }
0x4a2: {  	[tilespmem:s28], [sflag:$0x1] =	stream.indirect_vreg.gather [hbm4b:s0+s4], $0x80, v4, vm0, $0xb8;
	[tilespmem:$0x18E00] =	vst v63  }
0x4a3: {  	s10 =	simm.s32 $0x18600  }
0x4a4: {  	[tilespmem:s10], [sflag:$0x1] =	stream.indirect_vreg.gather [hbm4b:s0+s4], $0x80, v3, vm0, $0xb8;
	[tilespmem:$0x18E00] =	vst v63  }
0x4a5: {  	_ =	swait.ge [sflag:s3], $0x8000  }
0x4a6: {  	[sflag:s3] =	ssyncset.done $0x0  }
0x4a7: {  	s12 =	simm.s32 $0x8E00;
	s11 =	rddreg [dreg:$0x1c];
	[sflag:s3] =	ssyncadd.s32 $0xFFFF8000  }
0x4a8: {  	[hbm4b:s11+s4] =	stream.linear.scatter [tilespmem:s12], [sflag:$0x2], $0x8000, $0x38;
	[tilespmem:$0x18E00] =	vst v63  }
0x4a9: {  	_ =	swait.ge [sflag:s7], $0x200  }
0x4aa: {  	[sflag:s7] =	ssyncset.done $0x0  }
0x4ab: {  	[sflag:s7] =	ssyncadd.s32 $0xFFFFFE00  }
0x4ac: {  	_ =	swait.ge [sflag:s7], $0x200  }
0x4ad: {  	[sflag:s7] =	ssyncset.done $0x0  }
0x4ae: {  	[sflag:s7] =	ssyncadd.s32 $0xFFFFFE00  }
0x4af: {  	_ =	swait.ge [sflag:s7], $0x200  }
0x4b0: {  	[sflag:s7] =	ssyncset.done $0x0  }
0x4b1: {  	[sflag:s7] =	ssyncadd.s32 $0xFFFFFE00  }
0x4b2: {  	_ =	swait.ge [sflag:s7], $0x200  }
0x4b3: {  	[sflag:s7] =	ssyncset.done $0x0  }
0x4b4: {  	[sflag:s7] =	ssyncadd.s32 $0xFFFFFE00  }
0x4b5: {  	_ =	swait.ge [sflag:s25], $0x8000  }
0x4b6: {  	[sflag:s25] =	ssyncset.done $0x0  }
0x4b7: {  	[sflag:s25] =	ssyncadd.s32 $0xFFFF8000  }
0x4b8: {  	v3 =	vld [tilespmem:$0x600];
	_ =	sdelay $0x4  }
0x4b9: {  	v48 =	vshll.u32 v3, $0x1  }
0x4ba: {  	v3 =	vand.u32 $0x7, v3;
	v4 =	vand.u32 $0xFFFFFFF0, v48  }
0x4bb: {  	v3 =	vor.u32 v3, v4  }
0x4bc: {  	v4 =	vperm.xlane v3, v0;
	_ =	sdelay $0x1  }
0x4bd: {  	v3 =	vperm.xlane v3, v2;
	v4 =	vadd.s32 v1, v4;
	_ =	sdelay $0x1  }
0x4be: {  	v3 =	vadd.s32 v1, v3;
	_ =	sdelay $0x1  }
0x4bf: {  	s23 =	simm.s32 $0xE00  }
0x4c0: {  	[tilespmem:s23], [sflag:$0x1] =	stream.indirect_vreg.gather [hbm4b:s1+s4], $0x80, v4, vm0, $0xb8;
	[tilespmem:$0x18E00] =	vst v63  }
0x4c1: {  	s9 =	simm.s32 $0x1600  }
0x4c2: {  	[tilespmem:s9], [sflag:$0x1] =	stream.indirect_vreg.gather [hbm4b:s1+s4], $0x80, v3, vm0, $0xb8;
	[tilespmem:$0x18E00] =	vst v63  }
0x4c3: {  	v3 =	vld [tilespmem:$0x610];
	_ =	sdelay $0x4  }
0x4c4: {  	v49 =	vshll.u32 v3, $0x1  }
0x4c5: {  	v3 =	vand.u32 $0x7, v3;
	v4 =	vand.u32 $0xFFFFFFF0, v49  }
0x4c6: {  	v3 =	vor.u32 v3, v4  }
0x4c7: {  	v4 =	vperm.xlane v3, v0;
	_ =	sdelay $0x1  }
0x4c8: {  	v3 =	vperm.xlane v3, v2;
	v4 =	vadd.s32 v1, v4;
	_ =	sdelay $0x1  }
0x4c9: {  	v3 =	vadd.s32 v1, v3;
	_ =	sdelay $0x1  }
0x4ca: {  	s30 =	simm.s32 $0x1E00  }
0x4cb: {  	[tilespmem:s30], [sflag:$0x1] =	stream.indirect_vreg.gather [hbm4b:s1+s4], $0x80, v4, vm0, $0xb8;
	[tilespmem:$0x18E00] =	vst v63  }
0x4cc: {  	s11 =	simm.s32 $0x2600  }
0x4cd: {  	[tilespmem:s11], [sflag:$0x1] =	stream.indirect_vreg.gather [hbm4b:s1+s4], $0x80, v3, vm0, $0xb8;
	[tilespmem:$0x18E00] =	vst v63  }
0x4ce: {  	v3 =	vld [tilespmem:$0x620];
	_ =	sdelay $0x4  }
0x4cf: {  	v50 =	vshll.u32 v3, $0x1  }
0x4d0: {  	v3 =	vand.u32 $0x7, v3;
	v4 =	vand.u32 $0xFFFFFFF0, v50  }
0x4d1: {  	v3 =	vor.u32 v3, v4  }
0x4d2: {  	v4 =	vperm.xlane v3, v0;
	_ =	sdelay $0x1  }
0x4d3: {  	v3 =	vperm.xlane v3, v2;
	v4 =	vadd.s32 v1, v4;
	_ =	sdelay $0x1  }
0x4d4: {  	v3 =	vadd.s32 v1, v3;
	_ =	sdelay $0x1  }
0x4d5: {  	s29 =	simm.s32 $0x2E00  }
0x4d6: {  	[tilespmem:s29], [sflag:$0x1] =	stream.indirect_vreg.gather [hbm4b:s1+s4], $0x80, v4, vm0, $0xb8;
	[tilespmem:$0x18E00] =	vst v63  }
0x4d7: {  	s17 =	simm.s32 $0x3600  }
0x4d8: {  	[tilespmem:s17], [sflag:$0x1] =	stream.indirect_vreg.gather [hbm4b:s1+s4], $0x80, v3, vm0, $0xb8;
	[tilespmem:$0x18E00] =	vst v63  }
0x4d9: {  	v3 =	vld [tilespmem:$0x630];
	_ =	sdelay $0x4  }
0x4da: {  	v51 =	vshll.u32 v3, $0x1  }
0x4db: {  	v3 =	vand.u32 $0x7, v3;
	v4 =	vand.u32 $0xFFFFFFF0, v51  }
0x4dc: {  	v3 =	vor.u32 v3, v4  }
0x4dd: {  	v4 =	vperm.xlane v3, v0;
	_ =	sdelay $0x1  }
0x4de: {  	v3 =	vperm.xlane v3, v2;
	v4 =	vadd.s32 v1, v4;
	_ =	sdelay $0x1  }
0x4df: {  	v3 =	vadd.s32 v1, v3;
	_ =	sdelay $0x1  }
0x4e0: {  	s19 =	simm.s32 $0x3E00  }
0x4e1: {  	[tilespmem:s19], [sflag:$0x1] =	stream.indirect_vreg.gather [hbm4b:s1+s4], $0x80, v4, vm0, $0xb8;
	[tilespmem:$0x18E00] =	vst v63  }
0x4e2: {  	s18 =	simm.s32 $0x4600  }
0x4e3: {  	[tilespmem:s18], [sflag:$0x1] =	stream.indirect_vreg.gather [hbm4b:s1+s4], $0x80, v3, vm0, $0xb8;
	[tilespmem:$0x18E00] =	vst v63  }
0x4e4: {  	v3 =	vld [tilespmem:$0x640];
	_ =	sdelay $0x4  }
0x4e5: {  	v52 =	vshll.u32 v3, $0x1  }
0x4e6: {  	v3 =	vand.u32 $0x7, v3;
	v4 =	vand.u32 $0xFFFFFFF0, v52  }
0x4e7: {  	v3 =	vor.u32 v3, v4  }
0x4e8: {  	v4 =	vperm.xlane v3, v0;
	_ =	sdelay $0x1  }
0x4e9: {  	v3 =	vperm.xlane v3, v2;
	v4 =	vadd.s32 v1, v4;
	_ =	sdelay $0x1  }
0x4ea: {  	v3 =	vadd.s32 v1, v3;
	_ =	sdelay $0x1  }
0x4eb: {  	s13 =	simm.s32 $0x4E00  }
0x4ec: {  	[tilespmem:s13], [sflag:$0x1] =	stream.indirect_vreg.gather [hbm4b:s1+s4], $0x80, v4, vm0, $0xb8;
	[tilespmem:$0x18E00] =	vst v63  }
0x4ed: {  	s21 =	simm.s32 $0x5600  }
0x4ee: {  	[tilespmem:s21], [sflag:$0x1] =	stream.indirect_vreg.gather [hbm4b:s1+s4], $0x80, v3, vm0, $0xb8;
	[tilespmem:$0x18E00] =	vst v63  }
0x4ef: {  	v3 =	vld [tilespmem:$0x650];
	_ =	sdelay $0x4  }
0x4f0: {  	v53 =	vshll.u32 v3, $0x1  }
0x4f1: {  	v3 =	vand.u32 $0x7, v3;
	v4 =	vand.u32 $0xFFFFFFF0, v53  }
0x4f2: {  	v3 =	vor.u32 v3, v4  }
0x4f3: {  	v4 =	vperm.xlane v3, v0;
	_ =	sdelay $0x1  }
0x4f4: {  	v3 =	vperm.xlane v3, v2;
	v4 =	vadd.s32 v1, v4;
	_ =	sdelay $0x1  }
0x4f5: {  	v3 =	vadd.s32 v1, v3;
	_ =	sdelay $0x1  }
0x4f6: {  	s14 =	simm.s32 $0x5E00  }
0x4f7: {  	[tilespmem:s14], [sflag:$0x1] =	stream.indirect_vreg.gather [hbm4b:s1+s4], $0x80, v4, vm0, $0xb8;
	[tilespmem:$0x18E00] =	vst v63  }
0x4f8: {  	s22 =	simm.s32 $0x6600  }
0x4f9: {  	[tilespmem:s22], [sflag:$0x1] =	stream.indirect_vreg.gather [hbm4b:s1+s4], $0x80, v3, vm0, $0xb8;
	[tilespmem:$0x18E00] =	vst v63  }
0x4fa: {  	v3 =	vld [tilespmem:$0x660];
	_ =	sdelay $0x4  }
0x4fb: {  	v54 =	vshll.u32 v3, $0x1  }
0x4fc: {  	v3 =	vand.u32 $0x7, v3;
	v4 =	vand.u32 $0xFFFFFFF0, v54  }
0x4fd: {  	v3 =	vor.u32 v3, v4  }
0x4fe: {  	v4 =	vperm.xlane v3, v0;
	_ =	sdelay $0x1  }
0x4ff: {  	v3 =	vperm.xlane v3, v2;
	v4 =	vadd.s32 v1, v4;
	_ =	sdelay $0x1  }
0x500: {  	v3 =	vadd.s32 v1, v3;
	_ =	sdelay $0x1  }
0x501: {  	s15 =	simm.s32 $0x6E00  }
0x502: {  	[tilespmem:s15], [sflag:$0x1] =	stream.indirect_vreg.gather [hbm4b:s1+s4], $0x80, v4, vm0, $0xb8;
	[tilespmem:$0x18E00] =	vst v63  }
0x503: {  	s23 =	simm.s32 $0x7600  }
0x504: {  	[tilespmem:s23], [sflag:$0x1] =	stream.indirect_vreg.gather [hbm4b:s1+s4], $0x80, v3, vm0, $0xb8;
	[tilespmem:$0x18E00] =	vst v63  }
0x505: {  	v3 =	vld [tilespmem:$0x670];
	_ =	sdelay $0x4  }
0x506: {  	v55 =	vshll.u32 v3, $0x1  }
0x507: {  	v3 =	vand.u32 $0x7, v3;
	v4 =	vand.u32 $0xFFFFFFF0, v55  }
0x508: {  	v3 =	vor.u32 v3, v4  }
0x509: {  	v4 =	vperm.xlane v3, v0;
	_ =	sdelay $0x1  }
0x50a: {  	v3 =	vperm.xlane v3, v2;
	v4 =	vadd.s32 v1, v4;
	_ =	sdelay $0x1  }
0x50b: {  	v3 =	vadd.s32 v1, v3;
	_ =	sdelay $0x1  }
0x50c: {  	s16 =	simm.s32 $0x7E00  }
0x50d: {  	[tilespmem:s16], [sflag:$0x1] =	stream.indirect_vreg.gather [hbm4b:s1+s4], $0x80, v4, vm0, $0xb8;
	[tilespmem:$0x18E00] =	vst v63  }
0x50e: {  	s28 =	simm.s32 $0x8600  }
0x50f: {  	[tilespmem:s28], [sflag:$0x1] =	stream.indirect_vreg.gather [hbm4b:s1+s4], $0x80, v3, vm0, $0xb8;
	[tilespmem:$0x18E00] =	vst v63  }
0x510: {  	_ =	swait.ge [sflag:s3], $0x8000  }
0x511: {  	[sflag:s3] =	ssyncset.done $0x0  }
0x512: {  	s2 =	simm.s32 $0x10E00;
	s30 =	rddreg [dreg:$0x1d];
	[sflag:s3] =	ssyncadd.s32 $0xFFFF8000  }
0x513: {  	[hbm4b:s30+s4] =	stream.linear.scatter [tilespmem:s2], [sflag:$0x2], $0x8000, $0x38;
	[tilespmem:$0x18E00] =	vst v63  }
0x514: {  	_ =	swait.ge [sflag:s25], $0x8000  }
0x515: {  	[sflag:s25] =	ssyncset.done $0x0  }
0x516: {  	[sflag:s25] =	ssyncadd.s32 $0xFFFF8000  }
0x517: {  	v3 =	vld [tilespmem:$0x680];
	_ =	sdelay $0x4  }
0x518: {  	v56 =	vshll.u32 v3, $0x1  }
0x519: {  	v3 =	vand.u32 $0x7, v3;
	v4 =	vand.u32 $0xFFFFFFF0, v56  }
0x51a: {  	v3 =	vor.u32 v3, v4  }
0x51b: {  	v4 =	vperm.xlane v3, v0;
	_ =	sdelay $0x1  }
0x51c: {  	v3 =	vperm.xlane v3, v2;
	v4 =	vadd.s32 v1, v4;
	_ =	sdelay $0x1  }
0x51d: {  	v3 =	vadd.s32 v1, v3;
	_ =	sdelay $0x1  }
0x51e: {  	s12 =	simm.s32 $0x8E00  }
0x51f: {  	[tilespmem:s12], [sflag:$0x1] =	stream.indirect_vreg.gather [hbm4b:s1+s4], $0x80, v4, vm0, $0xb8;
	[tilespmem:$0x18E00] =	vst v63  }
0x520: {  	s20 =	simm.s32 $0x9600  }
0x521: {  	[tilespmem:s20], [sflag:$0x1] =	stream.indirect_vreg.gather [hbm4b:s1+s4], $0x80, v3, vm0, $0xb8;
	[tilespmem:$0x18E00] =	vst v63  }
0x522: {  	v3 =	vld [tilespmem:$0x690];
	_ =	sdelay $0x4  }
0x523: {  	v57 =	vshll.u32 v3, $0x1  }
0x524: {  	v3 =	vand.u32 $0x7, v3;
	v4 =	vand.u32 $0xFFFFFFF0, v57  }
0x525: {  	v3 =	vor.u32 v3, v4  }
0x526: {  	v4 =	vperm.xlane v3, v0;
	_ =	sdelay $0x1  }
0x527: {  	v3 =	vperm.xlane v3, v2;
	v4 =	vadd.s32 v1, v4;
	_ =	sdelay $0x1  }
0x528: {  	v3 =	vadd.s32 v1, v3;
	_ =	sdelay $0x1  }
0x529: {  	s31 =	simm.s32 $0x9E00  }
0x52a: {  	[tilespmem:s31], [sflag:$0x1] =	stream.indirect_vreg.gather [hbm4b:s1+s4], $0x80, v4, vm0, $0xb8;
	[tilespmem:$0x18E00] =	vst v63  }
0x52b: {  	s10 =	simm.s32 $0xA600  }
0x52c: {  	[tilespmem:s10], [sflag:$0x1] =	stream.indirect_vreg.gather [hbm4b:s1+s4], $0x80, v3, vm0, $0xb8;
	[tilespmem:$0x18E00] =	vst v63  }
0x52d: {  	v3 =	vld [tilespmem:$0x6A0];
	_ =	sdelay $0x4  }
0x52e: {  	v58 =	vshll.u32 v3, $0x1  }
0x52f: {  	v3 =	vand.u32 $0x7, v3;
	v4 =	vand.u32 $0xFFFFFFF0, v58  }
0x530: {  	v3 =	vor.u32 v3, v4  }
0x531: {  	v4 =	vperm.xlane v3, v0;
	_ =	sdelay $0x1  }
0x532: {  	v3 =	vperm.xlane v3, v2;
	v4 =	vadd.s32 v1, v4;
	_ =	sdelay $0x1  }
0x533: {  	v3 =	vadd.s32 v1, v3;
	_ =	sdelay $0x1  }
0x534: {  	s29 =	simm.s32 $0xAE00  }
0x535: {  	[tilespmem:s29], [sflag:$0x1] =	stream.indirect_vreg.gather [hbm4b:s1+s4], $0x80, v4, vm0, $0xb8;
	[tilespmem:$0x18E00] =	vst v63  }
0x536: {  	s12 =	simm.s32 $0xB600  }
0x537: {  	[tilespmem:s12], [sflag:$0x1] =	stream.indirect_vreg.gather [hbm4b:s1+s4], $0x80, v3, vm0, $0xb8;
	[tilespmem:$0x18E00] =	vst v63  }
0x538: {  	v3 =	vld [tilespmem:$0x6B0];
	_ =	sdelay $0x4  }
0x539: {  	v59 =	vshll.u32 v3, $0x1  }
0x53a: {  	v3 =	vand.u32 $0x7, v3;
	v4 =	vand.u32 $0xFFFFFFF0, v59  }
0x53b: {  	v3 =	vor.u32 v3, v4  }
0x53c: {  	v4 =	vperm.xlane v3, v0;
	_ =	sdelay $0x1  }
0x53d: {  	v3 =	vperm.xlane v3, v2;
	v4 =	vadd.s32 v1, v4;
	_ =	sdelay $0x1  }
0x53e: {  	v3 =	vadd.s32 v1, v3;
	_ =	sdelay $0x1  }
0x53f: {  	s30 =	simm.s32 $0xBE00  }
0x540: {  	[tilespmem:s30], [sflag:$0x1] =	stream.indirect_vreg.gather [hbm4b:s1+s4], $0x80, v4, vm0, $0xb8;
	[tilespmem:$0x18E00] =	vst v63  }
0x541: {  	s20 =	simm.s32 $0xC600  }
0x542: {  	[tilespmem:s20], [sflag:$0x1] =	stream.indirect_vreg.gather [hbm4b:s1+s4], $0x80, v3, vm0, $0xb8;
	[tilespmem:$0x18E00] =	vst v63  }
0x543: {  	v3 =	vld [tilespmem:$0x6C0];
	_ =	sdelay $0x4  }
0x544: {  	v60 =	vshll.u32 v3, $0x1  }
0x545: {  	v3 =	vand.u32 $0x7, v3;
	v4 =	vand.u32 $0xFFFFFFF0, v60  }
0x546: {  	v3 =	vor.u32 v3, v4  }
0x547: {  	v4 =	vperm.xlane v3, v0;
	_ =	sdelay $0x1  }
0x548: {  	v3 =	vperm.xlane v3, v2;
	v4 =	vadd.s32 v1, v4;
	_ =	sdelay $0x1  }
0x549: {  	v3 =	vadd.s32 v1, v3;
	_ =	sdelay $0x1  }
0x54a: {  	s6 =	simm.s32 $0xCE00  }
0x54b: {  	[tilespmem:s6], [sflag:$0x1] =	stream.indirect_vreg.gather [hbm4b:s1+s4], $0x80, v4, vm0, $0xb8;
	[tilespmem:$0x18E00] =	vst v63  }
0x54c: {  	s8 =	simm.s32 $0xD600  }
0x54d: {  	[tilespmem:s8], [sflag:$0x1] =	stream.indirect_vreg.gather [hbm4b:s1+s4], $0x80, v3, vm0, $0xb8;
	[tilespmem:$0x18E00] =	vst v63  }
0x54e: {  	v3 =	vld [tilespmem:$0x6D0];
	_ =	sdelay $0x4  }
0x54f: {  	v61 =	vshll.u32 v3, $0x1  }
0x550: {  	v3 =	vand.u32 $0x7, v3;
	v4 =	vand.u32 $0xFFFFFFF0, v61  }
0x551: {  	v3 =	vor.u32 v3, v4  }
0x552: {  	v4 =	vperm.xlane v3, v0;
	_ =	sdelay $0x1  }
0x553: {  	v3 =	vperm.xlane v3, v2;
	v4 =	vadd.s32 v1, v4;
	_ =	sdelay $0x1  }
0x554: {  	v3 =	vadd.s32 v1, v3;
	_ =	sdelay $0x1  }
0x555: {  	s7 =	simm.s32 $0xDE00  }
0x556: {  	[tilespmem:s7], [sflag:$0x1] =	stream.indirect_vreg.gather [hbm4b:s1+s4], $0x80, v4, vm0, $0xb8;
	[tilespmem:$0x18E00] =	vst v63  }
0x557: {  	s6 =	simm.s32 $0xE600  }
0x558: {  	[tilespmem:s6], [sflag:$0x1] =	stream.indirect_vreg.gather [hbm4b:s1+s4], $0x80, v3, vm0, $0xb8;
	[tilespmem:$0x18E00] =	vst v63  }
0x559: {  	v3 =	vld [tilespmem:$0x6E0];
	_ =	sdelay $0x4  }
0x55a: {  	v62 =	vshll.u32 v3, $0x1  }
0x55b: {  	v3 =	vand.u32 $0x7, v3;
	v4 =	vand.u32 $0xFFFFFFF0, v62  }
0x55c: {  	v3 =	vor.u32 v3, v4  }
0x55d: {  	v4 =	vperm.xlane v3, v0;
	_ =	sdelay $0x1  }
0x55e: {  	v3 =	vperm.xlane v3, v2;
	v4 =	vadd.s32 v1, v4;
	_ =	sdelay $0x1  }
0x55f: {  	v3 =	vadd.s32 v1, v3;
	_ =	sdelay $0x2  }
0x560: {  	[tilespmem:s24], [sflag:$0x1] =	stream.indirect_vreg.gather [hbm4b:s1+s4], $0x80, v4, vm0, $0xb8;
	[tilespmem:$0x18E00] =	vst v63  }
0x561: {  	s7 =	simm.s32 $0xF600  }
0x562: {  	[tilespmem:s7], [sflag:$0x1] =	stream.indirect_vreg.gather [hbm4b:s1+s4], $0x80, v3, vm0, $0xb8;
	[tilespmem:$0x18E00] =	vst v63  }
0x563: {  	v3 =	vld [tilespmem:$0x6F0];
	_ =	sdelay $0x4  }
0x564: {  	v63 =	vshll.u32 v3, $0x1  }
0x565: {  	v3 =	vand.u32 $0x7, v3;
	v4 =	vand.u32 $0xFFFFFFF0, v63  }
0x566: {  	v3 =	vor.u32 v3, v4  }
0x567: {  	v4 =	vperm.xlane v3, v0;
	_ =	sdelay $0x1  }
0x568: {  	v3 =	vperm.xlane v3, v2;
	v4 =	vadd.s32 v1, v4;
	_ =	sdelay $0x1  }
0x569: {  	v3 =	vadd.s32 v1, v3;
	_ =	sdelay $0x1  }
0x56a: {  	s24 =	simm.s32 $0xFE00  }
0x56b: {  	[tilespmem:s24], [sflag:$0x1] =	stream.indirect_vreg.gather [hbm4b:s1+s4], $0x80, v4, vm0, $0xb8;
	[tilespmem:$0x18E00] =	vst v63  }
0x56c: {  	s31 =	simm.s32 $0x10600  }
0x56d: {  	[tilespmem:s31], [sflag:$0x1] =	stream.indirect_vreg.gather [hbm4b:s1+s4], $0x80, v3, vm0, $0xb8;
	[tilespmem:$0x18E00] =	vst v63  }
0x56e: {  	_ =	swait.ge [sflag:s3], $0x8000  }
0x56f: {  	s26 =	sld [smem:$0x7F6]  }
0x570: {  	[sflag:s3] =	ssyncset.done $0x0  }
0x571: {  	s5 =	simm.s32 $0xE00;
	[sflag:s3] =	ssyncadd.s32 $0xFFFF8000  }
0x572: {  	[hbm4b:s26+s4] =	stream.linear.scatter [tilespmem:s5], [sflag:$0x2], $0x8000, $0x38;
	[tilespmem:$0x18E00] =	vst v63  }
0x573: {  	_ =	swait.ge [sflag:s25], $0x8000  }
0x574: {  	[sflag:s25] =	ssyncset.done $0x0  }
0x575: {  	[sflag:s25] =	ssyncadd.s32 $0xFFFF8000  }
0x576: {  	v3 =	vld [tilespmem:$0x700];
	_ =	sdelay $0x4  }
0x577: {  	v8 =	vshll.u32 v3, $0x1  }
0x578: {  	v3 =	vand.u32 $0x7, v3;
	v4 =	vand.u32 $0xFFFFFFF0, v8  }
0x579: {  	v3 =	vor.u32 v3, v4  }
0x57a: {  	v4 =	vperm.xlane v3, v0;
	_ =	sdelay $0x1  }
0x57b: {  	v3 =	vperm.xlane v3, v2;
	v4 =	vadd.s32 v1, v4;
	_ =	sdelay $0x1  }
0x57c: {  	v3 =	vadd.s32 v1, v3;
	_ =	sdelay $0x2  }
0x57d: {  	[tilespmem:s2], [sflag:$0x1] =	stream.indirect_vreg.gather [hbm4b:s1+s4], $0x80, v4, vm0, $0xb8;
	[tilespmem:$0x18E00] =	vst v63  }
0x57e: {  	s26 =	simm.s32 $0x11600  }
0x57f: {  	[tilespmem:s26], [sflag:$0x1] =	stream.indirect_vreg.gather [hbm4b:s1+s4], $0x80, v3, vm0, $0xb8;
	[tilespmem:$0x18E00] =	vst v63  }
0x580: {  	v3 =	vld [tilespmem:$0x710];
	_ =	sdelay $0x4  }
0x581: {  	v9 =	vshll.u32 v3, $0x1  }
0x582: {  	v3 =	vand.u32 $0x7, v3;
	v4 =	vand.u32 $0xFFFFFFF0, v9  }
0x583: {  	v3 =	vor.u32 v3, v4  }
0x584: {  	v4 =	vperm.xlane v3, v0;
	_ =	sdelay $0x1  }
0x585: {  	v3 =	vperm.xlane v3, v2;
	v4 =	vadd.s32 v1, v4;
	_ =	sdelay $0x1  }
0x586: {  	v3 =	vadd.s32 v1, v3;
	_ =	sdelay $0x1  }
0x587: {  	s26 =	simm.s32 $0x11E00  }
0x588: {  	[tilespmem:s26], [sflag:$0x1] =	stream.indirect_vreg.gather [hbm4b:s1+s4], $0x80, v4, vm0, $0xb8;
	[tilespmem:$0x18E00] =	vst v63  }
0x589: {  	s26 =	simm.s32 $0x12600  }
0x58a: {  	[tilespmem:s26], [sflag:$0x1] =	stream.indirect_vreg.gather [hbm4b:s1+s4], $0x80, v3, vm0, $0xb8;
	[tilespmem:$0x18E00] =	vst v63  }
0x58b: {  	v3 =	vld [tilespmem:$0x720];
	_ =	sdelay $0x4  }
0x58c: {  	v10 =	vshll.u32 v3, $0x1  }
0x58d: {  	v3 =	vand.u32 $0x7, v3;
	v4 =	vand.u32 $0xFFFFFFF0, v10  }
0x58e: {  	v3 =	vor.u32 v3, v4  }
0x58f: {  	v4 =	vperm.xlane v3, v0;
	_ =	sdelay $0x1  }
0x590: {  	v3 =	vperm.xlane v3, v2;
	v4 =	vadd.s32 v1, v4;
	_ =	sdelay $0x1  }
0x591: {  	v3 =	vadd.s32 v1, v3;
	_ =	sdelay $0x1  }
0x592: {  	s26 =	simm.s32 $0x12E00  }
0x593: {  	[tilespmem:s26], [sflag:$0x1] =	stream.indirect_vreg.gather [hbm4b:s1+s4], $0x80, v4, vm0, $0xb8;
	[tilespmem:$0x18E00] =	vst v63  }
0x594: {  	s26 =	simm.s32 $0x13600  }
0x595: {  	[tilespmem:s26], [sflag:$0x1] =	stream.indirect_vreg.gather [hbm4b:s1+s4], $0x80, v3, vm0, $0xb8;
	[tilespmem:$0x18E00] =	vst v63  }
0x596: {  	v3 =	vld [tilespmem:$0x730];
	_ =	sdelay $0x4  }
0x597: {  	v11 =	vshll.u32 v3, $0x1  }
0x598: {  	v3 =	vand.u32 $0x7, v3;
	v4 =	vand.u32 $0xFFFFFFF0, v11  }
0x599: {  	v3 =	vor.u32 v3, v4  }
0x59a: {  	v4 =	vperm.xlane v3, v0;
	_ =	sdelay $0x1  }
0x59b: {  	v3 =	vperm.xlane v3, v2;
	v4 =	vadd.s32 v1, v4;
	_ =	sdelay $0x1  }
0x59c: {  	v3 =	vadd.s32 v1, v3;
	_ =	sdelay $0x1  }
0x59d: {  	s26 =	simm.s32 $0x13E00  }
0x59e: {  	[tilespmem:s26], [sflag:$0x1] =	stream.indirect_vreg.gather [hbm4b:s1+s4], $0x80, v4, vm0, $0xb8;
	[tilespmem:$0x18E00] =	vst v63  }
0x59f: {  	s26 =	simm.s32 $0x14600  }
0x5a0: {  	[tilespmem:s26], [sflag:$0x1] =	stream.indirect_vreg.gather [hbm4b:s1+s4], $0x80, v3, vm0, $0xb8;
	[tilespmem:$0x18E00] =	vst v63  }
0x5a1: {  	v3 =	vld [tilespmem:$0x740];
	_ =	sdelay $0x4  }
0x5a2: {  	v12 =	vshll.u32 v3, $0x1  }
0x5a3: {  	v3 =	vand.u32 $0x7, v3;
	v4 =	vand.u32 $0xFFFFFFF0, v12  }
0x5a4: {  	v3 =	vor.u32 v3, v4  }
0x5a5: {  	v4 =	vperm.xlane v3, v0;
	_ =	sdelay $0x1  }
0x5a6: {  	v3 =	vperm.xlane v3, v2;
	v4 =	vadd.s32 v1, v4;
	_ =	sdelay $0x1  }
0x5a7: {  	v3 =	vadd.s32 v1, v3;
	_ =	sdelay $0x1  }
0x5a8: {  	s26 =	simm.s32 $0x14E00  }
0x5a9: {  	[tilespmem:s26], [sflag:$0x1] =	stream.indirect_vreg.gather [hbm4b:s1+s4], $0x80, v4, vm0, $0xb8;
	[tilespmem:$0x18E00] =	vst v63  }
0x5aa: {  	s26 =	simm.s32 $0x15600  }
0x5ab: {  	[tilespmem:s26], [sflag:$0x1] =	stream.indirect_vreg.gather [hbm4b:s1+s4], $0x80, v3, vm0, $0xb8;
	[tilespmem:$0x18E00] =	vst v63  }
0x5ac: {  	v3 =	vld [tilespmem:$0x750];
	_ =	sdelay $0x4  }
0x5ad: {  	v13 =	vshll.u32 v3, $0x1  }
0x5ae: {  	v3 =	vand.u32 $0x7, v3;
	v4 =	vand.u32 $0xFFFFFFF0, v13  }
0x5af: {  	v3 =	vor.u32 v3, v4  }
0x5b0: {  	v4 =	vperm.xlane v3, v0;
	_ =	sdelay $0x1  }
0x5b1: {  	v3 =	vperm.xlane v3, v2;
	v4 =	vadd.s32 v1, v4;
	_ =	sdelay $0x1  }
0x5b2: {  	v3 =	vadd.s32 v1, v3;
	_ =	sdelay $0x1  }
0x5b3: {  	s26 =	simm.s32 $0x15E00  }
0x5b4: {  	[tilespmem:s26], [sflag:$0x1] =	stream.indirect_vreg.gather [hbm4b:s1+s4], $0x80, v4, vm0, $0xb8;
	[tilespmem:$0x18E00] =	vst v63  }
0x5b5: {  	s26 =	simm.s32 $0x16600  }
0x5b6: {  	[tilespmem:s26], [sflag:$0x1] =	stream.indirect_vreg.gather [hbm4b:s1+s4], $0x80, v3, vm0, $0xb8;
	[tilespmem:$0x18E00] =	vst v63  }
0x5b7: {  	v3 =	vld [tilespmem:$0x760];
	_ =	sdelay $0x4  }
0x5b8: {  	v14 =	vshll.u32 v3, $0x1  }
0x5b9: {  	v3 =	vand.u32 $0x7, v3;
	v4 =	vand.u32 $0xFFFFFFF0, v14  }
0x5ba: {  	v3 =	vor.u32 v3, v4  }
0x5bb: {  	v4 =	vperm.xlane v3, v0;
	_ =	sdelay $0x1  }
0x5bc: {  	v3 =	vperm.xlane v3, v2;
	v4 =	vadd.s32 v1, v4;
	_ =	sdelay $0x1  }
0x5bd: {  	v3 =	vadd.s32 v1, v3;
	_ =	sdelay $0x1  }
0x5be: {  	s26 =	simm.s32 $0x16E00  }
0x5bf: {  	[tilespmem:s26], [sflag:$0x1] =	stream.indirect_vreg.gather [hbm4b:s1+s4], $0x80, v4, vm0, $0xb8;
	[tilespmem:$0x18E00] =	vst v63  }
0x5c0: {  	s26 =	simm.s32 $0x17600  }
0x5c1: {  	[tilespmem:s26], [sflag:$0x1] =	stream.indirect_vreg.gather [hbm4b:s1+s4], $0x80, v3, vm0, $0xb8;
	[tilespmem:$0x18E00] =	vst v63  }
0x5c2: {  	v3 =	vld [tilespmem:$0x770];
	_ =	sdelay $0x4  }
0x5c3: {  	v15 =	vshll.u32 v3, $0x1  }
0x5c4: {  	v3 =	vand.u32 $0x7, v3;
	v4 =	vand.u32 $0xFFFFFFF0, v15  }
0x5c5: {  	v3 =	vor.u32 v3, v4  }
0x5c6: {  	v4 =	vperm.xlane v3, v0;
	_ =	sdelay $0x1  }
0x5c7: {  	v3 =	vperm.xlane v3, v2;
	v4 =	vadd.s32 v1, v4;
	_ =	sdelay $0x1  }
0x5c8: {  	v3 =	vadd.s32 v1, v3;
	_ =	sdelay $0x1  }
0x5c9: {  	s26 =	simm.s32 $0x17E00  }
0x5ca: {  	[tilespmem:s26], [sflag:$0x1] =	stream.indirect_vreg.gather [hbm4b:s1+s4], $0x80, v4, vm0, $0xb8;
	[tilespmem:$0x18E00] =	vst v63  }
0x5cb: {  	s26 =	simm.s32 $0x18600  }
0x5cc: {  	[tilespmem:s26], [sflag:$0x1] =	stream.indirect_vreg.gather [hbm4b:s1+s4], $0x80, v3, vm0, $0xb8;
	[tilespmem:$0x18E00] =	vst v63  }
0x5cd: {  	_ =	swait.ge [sflag:s3], $0x8000  }
0x5ce: {  	[sflag:s3] =	ssyncset.done $0x0  }
0x5cf: {  	s2 =	simm.s32 $0x8E00;
	s26 =	rddreg [dreg:$0x1e];
	[sflag:s3] =	ssyncadd.s32 $0xFFFF8000  }
0x5d0: {  	[hbm4b:s26+s4] =	stream.linear.scatter [tilespmem:s2], [sflag:$0x2], $0x8000, $0x38;
	[tilespmem:$0x18E00] =	vst v63  }
0x5d1: {  	_ =	swait.ge [sflag:s25], $0x8000  }
0x5d2: {  	[sflag:s25] =	ssyncset.done $0x0  }
0x5d3: {  	[sflag:s25] =	ssyncadd.s32 $0xFFFF8000  }
0x5d4: {  	v3 =	vld [tilespmem:$0x780];
	_ =	sdelay $0x4  }
0x5d5: {  	v16 =	vshll.u32 v3, $0x1  }
0x5d6: {  	v3 =	vand.u32 $0x7, v3;
	v4 =	vand.u32 $0xFFFFFFF0, v16  }
0x5d7: {  	v3 =	vor.u32 v3, v4  }
0x5d8: {  	v4 =	vperm.xlane v3, v0;
	_ =	sdelay $0x1  }
0x5d9: {  	v3 =	vperm.xlane v3, v2;
	v4 =	vadd.s32 v1, v4;
	_ =	sdelay $0x1  }
0x5da: {  	v3 =	vadd.s32 v1, v3;
	_ =	sdelay $0x2  }
0x5db: {  	[tilespmem:s5], [sflag:$0x1] =	stream.indirect_vreg.gather [hbm4b:s1+s4], $0x80, v4, vm0, $0xb8;
	[tilespmem:$0x18E00] =	vst v63  }
0x5dc: {  	_ = 	snop  }
0x5dd: {  	[tilespmem:s9], [sflag:$0x1] =	stream.indirect_vreg.gather [hbm4b:s1+s4], $0x80, v3, vm0, $0xb8;
	[tilespmem:$0x18E00] =	vst v63  }
0x5de: {  	v3 =	vld [tilespmem:$0x790];
	_ =	sdelay $0x4  }
0x5df: {  	v17 =	vshll.u32 v3, $0x1  }
0x5e0: {  	v3 =	vand.u32 $0x7, v3;
	v4 =	vand.u32 $0xFFFFFFF0, v17  }
0x5e1: {  	v3 =	vor.u32 v3, v4  }
0x5e2: {  	v4 =	vperm.xlane v3, v0;
	_ =	sdelay $0x1  }
0x5e3: {  	v3 =	vperm.xlane v3, v2;
	v4 =	vadd.s32 v1, v4;
	_ =	sdelay $0x1  }
0x5e4: {  	v3 =	vadd.s32 v1, v3;
	_ =	sdelay $0x1  }
0x5e5: {  	s5 =	simm.s32 $0x1E00  }
0x5e6: {  	[tilespmem:s5], [sflag:$0x1] =	stream.indirect_vreg.gather [hbm4b:s1+s4], $0x80, v4, vm0, $0xb8;
	[tilespmem:$0x18E00] =	vst v63  }
0x5e7: {  	_ = 	snop  }
0x5e8: {  	[tilespmem:s11], [sflag:$0x1] =	stream.indirect_vreg.gather [hbm4b:s1+s4], $0x80, v3, vm0, $0xb8;
	[tilespmem:$0x18E00] =	vst v63  }
0x5e9: {  	v3 =	vld [tilespmem:$0x7A0];
	_ =	sdelay $0x4  }
0x5ea: {  	v18 =	vshll.u32 v3, $0x1  }
0x5eb: {  	v3 =	vand.u32 $0x7, v3;
	v4 =	vand.u32 $0xFFFFFFF0, v18  }
0x5ec: {  	v3 =	vor.u32 v3, v4  }
0x5ed: {  	v4 =	vperm.xlane v3, v0;
	_ =	sdelay $0x1  }
0x5ee: {  	v3 =	vperm.xlane v3, v2;
	v4 =	vadd.s32 v1, v4;
	_ =	sdelay $0x1  }
0x5ef: {  	v3 =	vadd.s32 v1, v3;
	_ =	sdelay $0x1  }
0x5f0: {  	s11 =	simm.s32 $0x2E00  }
0x5f1: {  	[tilespmem:s11], [sflag:$0x1] =	stream.indirect_vreg.gather [hbm4b:s1+s4], $0x80, v4, vm0, $0xb8;
	[tilespmem:$0x18E00] =	vst v63  }
0x5f2: {  	_ = 	snop  }
0x5f3: {  	[tilespmem:s17], [sflag:$0x1] =	stream.indirect_vreg.gather [hbm4b:s1+s4], $0x80, v3, vm0, $0xb8;
	[tilespmem:$0x18E00] =	vst v63  }
0x5f4: {  	v3 =	vld [tilespmem:$0x7B0];
	_ =	sdelay $0x4  }
0x5f5: {  	v19 =	vshll.u32 v3, $0x1  }
0x5f6: {  	v3 =	vand.u32 $0x7, v3;
	v4 =	vand.u32 $0xFFFFFFF0, v19  }
0x5f7: {  	v3 =	vor.u32 v3, v4  }
0x5f8: {  	v4 =	vperm.xlane v3, v0;
	_ =	sdelay $0x1  }
0x5f9: {  	v3 =	vperm.xlane v3, v2;
	v4 =	vadd.s32 v1, v4;
	_ =	sdelay $0x1  }
0x5fa: {  	v3 =	vadd.s32 v1, v3;
	_ =	sdelay $0x2  }
0x5fb: {  	[tilespmem:s19], [sflag:$0x1] =	stream.indirect_vreg.gather [hbm4b:s1+s4], $0x80, v4, vm0, $0xb8;
	[tilespmem:$0x18E00] =	vst v63  }
0x5fc: {  	_ = 	snop  }
0x5fd: {  	[tilespmem:s18], [sflag:$0x1] =	stream.indirect_vreg.gather [hbm4b:s1+s4], $0x80, v3, vm0, $0xb8;
	[tilespmem:$0x18E00] =	vst v63  }
0x5fe: {  	v3 =	vld [tilespmem:$0x7C0];
	_ =	sdelay $0x4  }
0x5ff: {  	v20 =	vshll.u32 v3, $0x1  }
0x600: {  	v3 =	vand.u32 $0x7, v3;
	v4 =	vand.u32 $0xFFFFFFF0, v20  }
0x601: {  	v3 =	vor.u32 v3, v4  }
0x602: {  	v4 =	vperm.xlane v3, v0;
	_ =	sdelay $0x1  }
0x603: {  	v3 =	vperm.xlane v3, v2;
	v4 =	vadd.s32 v1, v4;
	_ =	sdelay $0x1  }
0x604: {  	v3 =	vadd.s32 v1, v3;
	_ =	sdelay $0x2  }
0x605: {  	[tilespmem:s13], [sflag:$0x1] =	stream.indirect_vreg.gather [hbm4b:s1+s4], $0x80, v4, vm0, $0xb8;
	[tilespmem:$0x18E00] =	vst v63  }
0x606: {  	_ = 	snop  }
0x607: {  	[tilespmem:s21], [sflag:$0x1] =	stream.indirect_vreg.gather [hbm4b:s1+s4], $0x80, v3, vm0, $0xb8;
	[tilespmem:$0x18E00] =	vst v63  }
0x608: {  	v3 =	vld [tilespmem:$0x7D0];
	_ =	sdelay $0x4  }
0x609: {  	v21 =	vshll.u32 v3, $0x1  }
0x60a: {  	v3 =	vand.u32 $0x7, v3;
	v4 =	vand.u32 $0xFFFFFFF0, v21  }
0x60b: {  	v3 =	vor.u32 v3, v4  }
0x60c: {  	v4 =	vperm.xlane v3, v0;
	_ =	sdelay $0x1  }
0x60d: {  	v3 =	vperm.xlane v3, v2;
	v4 =	vadd.s32 v1, v4;
	_ =	sdelay $0x1  }
0x60e: {  	v3 =	vadd.s32 v1, v3;
	_ =	sdelay $0x2  }
0x60f: {  	[tilespmem:s14], [sflag:$0x1] =	stream.indirect_vreg.gather [hbm4b:s1+s4], $0x80, v4, vm0, $0xb8;
	[tilespmem:$0x18E00] =	vst v63  }
0x610: {  	_ = 	snop  }
0x611: {  	[tilespmem:s22], [sflag:$0x1] =	stream.indirect_vreg.gather [hbm4b:s1+s4], $0x80, v3, vm0, $0xb8;
	[tilespmem:$0x18E00] =	vst v63  }
0x612: {  	v3 =	vld [tilespmem:$0x7E0];
	_ =	sdelay $0x4  }
0x613: {  	v22 =	vshll.u32 v3, $0x1  }
0x614: {  	v3 =	vand.u32 $0x7, v3;
	v4 =	vand.u32 $0xFFFFFFF0, v22  }
0x615: {  	v3 =	vor.u32 v3, v4  }
0x616: {  	v4 =	vperm.xlane v3, v0;
	_ =	sdelay $0x1  }
0x617: {  	v3 =	vperm.xlane v3, v2;
	v4 =	vadd.s32 v1, v4;
	_ =	sdelay $0x1  }
0x618: {  	v3 =	vadd.s32 v1, v3;
	_ =	sdelay $0x2  }
0x619: {  	[tilespmem:s15], [sflag:$0x1] =	stream.indirect_vreg.gather [hbm4b:s1+s4], $0x80, v4, vm0, $0xb8;
	[tilespmem:$0x18E00] =	vst v63  }
0x61a: {  	_ = 	snop  }
0x61b: {  	[tilespmem:s23], [sflag:$0x1] =	stream.indirect_vreg.gather [hbm4b:s1+s4], $0x80, v3, vm0, $0xb8;
	[tilespmem:$0x18E00] =	vst v63  }
0x61c: {  	v3 =	vld [tilespmem:$0x7F0];
	_ =	sdelay $0x4  }
0x61d: {  	v23 =	vshll.u32 v3, $0x1  }
0x61e: {  	v3 =	vand.u32 $0x7, v3;
	v4 =	vand.u32 $0xFFFFFFF0, v23  }
0x61f: {  	v3 =	vor.u32 v3, v4  }
0x620: {  	v4 =	vperm.xlane v3, v0;
	_ =	sdelay $0x1  }
0x621: {  	v3 =	vperm.xlane v3, v2;
	v4 =	vadd.s32 v1, v4;
	_ =	sdelay $0x1  }
0x622: {  	v3 =	vadd.s32 v1, v3;
	_ =	sdelay $0x2  }
0x623: {  	[tilespmem:s16], [sflag:$0x1] =	stream.indirect_vreg.gather [hbm4b:s1+s4], $0x80, v4, vm0, $0xb8;
	[tilespmem:$0x18E00] =	vst v63  }
0x624: {  	_ = 	snop  }
0x625: {  	[tilespmem:s28], [sflag:$0x1] =	stream.indirect_vreg.gather [hbm4b:s1+s4], $0x80, v3, vm0, $0xb8;
	[tilespmem:$0x18E00] =	vst v63  }
0x626: {  	_ =	swait.ge [sflag:s3], $0x8000  }
0x627: {  	[sflag:s3] =	ssyncset.done $0x0  }
0x628: {  	s28 =	simm.s32 $0x10E00;
	s23 =	rddreg [dreg:$0x1f];
	[sflag:s3] =	ssyncadd.s32 $0xFFFF8000  }
0x629: {  	[hbm4b:s23+s4] =	stream.linear.scatter [tilespmem:s28], [sflag:$0x2], $0x8000, $0x38;
	[tilespmem:$0x18E00] =	vst v63  }
0x62a: {  	_ =	swait.ge [sflag:s25], $0x8000  }
0x62b: {  	[sflag:s25] =	ssyncset.done $0x0  }
0x62c: {  	[sflag:s25] =	ssyncadd.s32 $0xFFFF8000  }
0x62d: {  	v3 =	vld [tilespmem:$0x800];
	_ =	sdelay $0x4  }
0x62e: {  	v24 =	vshll.u32 v3, $0x1  }
0x62f: {  	v3 =	vand.u32 $0x7, v3;
	v4 =	vand.u32 $0xFFFFFFF0, v24  }
0x630: {  	v3 =	vor.u32 v3, v4  }
0x631: {  	v4 =	vperm.xlane v3, v0;
	_ =	sdelay $0x1  }
0x632: {  	v3 =	vperm.xlane v3, v2;
	v4 =	vadd.s32 v1, v4;
	_ =	sdelay $0x1  }
0x633: {  	v3 =	vadd.s32 v1, v3;
	_ =	sdelay $0x2  }
0x634: {  	[tilespmem:s2], [sflag:$0x1] =	stream.indirect_vreg.gather [hbm4b:s1+s4], $0x80, v4, vm0, $0xb8;
	[tilespmem:$0x18E00] =	vst v63  }
0x635: {  	s9 =	simm.s32 $0x9600  }
0x636: {  	[tilespmem:s9], [sflag:$0x1] =	stream.indirect_vreg.gather [hbm4b:s1+s4], $0x80, v3, vm0, $0xb8;
	[tilespmem:$0x18E00] =	vst v63  }
0x637: {  	v3 =	vld [tilespmem:$0x810];
	_ =	sdelay $0x4  }
0x638: {  	v25 =	vshll.u32 v3, $0x1  }
0x639: {  	v3 =	vand.u32 $0x7, v3;
	v4 =	vand.u32 $0xFFFFFFF0, v25  }
0x63a: {  	v3 =	vor.u32 v3, v4  }
0x63b: {  	v4 =	vperm.xlane v3, v0;
	_ =	sdelay $0x1  }
0x63c: {  	v3 =	vperm.xlane v3, v2;
	v4 =	vadd.s32 v1, v4;
	_ =	sdelay $0x1  }
0x63d: {  	v3 =	vadd.s32 v1, v3;
	_ =	sdelay $0x1  }
0x63e: {  	s13 =	simm.s32 $0x9E00  }
0x63f: {  	[tilespmem:s13], [sflag:$0x1] =	stream.indirect_vreg.gather [hbm4b:s1+s4], $0x80, v4, vm0, $0xb8;
	[tilespmem:$0x18E00] =	vst v63  }
0x640: {  	_ = 	snop  }
0x641: {  	[tilespmem:s10], [sflag:$0x1] =	stream.indirect_vreg.gather [hbm4b:s1+s4], $0x80, v3, vm0, $0xb8;
	[tilespmem:$0x18E00] =	vst v63  }
0x642: {  	v3 =	vld [tilespmem:$0x820];
	_ =	sdelay $0x4  }
0x643: {  	v26 =	vshll.u32 v3, $0x1  }
0x644: {  	v3 =	vand.u32 $0x7, v3;
	v4 =	vand.u32 $0xFFFFFFF0, v26  }
0x645: {  	v3 =	vor.u32 v3, v4  }
0x646: {  	v4 =	vperm.xlane v3, v0;
	_ =	sdelay $0x1  }
0x647: {  	v3 =	vperm.xlane v3, v2;
	v4 =	vadd.s32 v1, v4;
	_ =	sdelay $0x1  }
0x648: {  	v3 =	vadd.s32 v1, v3;
	_ =	sdelay $0x2  }
0x649: {  	[tilespmem:s29], [sflag:$0x1] =	stream.indirect_vreg.gather [hbm4b:s1+s4], $0x80, v4, vm0, $0xb8;
	[tilespmem:$0x18E00] =	vst v63  }
0x64a: {  	_ = 	snop  }
0x64b: {  	[tilespmem:s12], [sflag:$0x1] =	stream.indirect_vreg.gather [hbm4b:s1+s4], $0x80, v3, vm0, $0xb8;
	[tilespmem:$0x18E00] =	vst v63  }
0x64c: {  	v3 =	vld [tilespmem:$0x830];
	_ =	sdelay $0x4  }
0x64d: {  	v27 =	vshll.u32 v3, $0x1  }
0x64e: {  	v3 =	vand.u32 $0x7, v3;
	v4 =	vand.u32 $0xFFFFFFF0, v27  }
0x64f: {  	v3 =	vor.u32 v3, v4  }
0x650: {  	v4 =	vperm.xlane v3, v0;
	_ =	sdelay $0x1  }
0x651: {  	v3 =	vperm.xlane v3, v2;
	v4 =	vadd.s32 v1, v4;
	_ =	sdelay $0x1  }
0x652: {  	v3 =	vadd.s32 v1, v3;
	_ =	sdelay $0x2  }
0x653: {  	[tilespmem:s30], [sflag:$0x1] =	stream.indirect_vreg.gather [hbm4b:s1+s4], $0x80, v4, vm0, $0xb8;
	[tilespmem:$0x18E00] =	vst v63  }
0x654: {  	_ = 	snop  }
0x655: {  	[tilespmem:s20], [sflag:$0x1] =	stream.indirect_vreg.gather [hbm4b:s1+s4], $0x80, v3, vm0, $0xb8;
	[tilespmem:$0x18E00] =	vst v63  }
0x656: {  	v3 =	vld [tilespmem:$0x840];
	_ =	sdelay $0x4  }
0x657: {  	v28 =	vshll.u32 v3, $0x1  }
0x658: {  	v3 =	vand.u32 $0x7, v3;
	v4 =	vand.u32 $0xFFFFFFF0, v28  }
0x659: {  	v3 =	vor.u32 v3, v4  }
0x65a: {  	v4 =	vperm.xlane v3, v0;
	_ =	sdelay $0x1  }
0x65b: {  	v3 =	vperm.xlane v3, v2;
	v4 =	vadd.s32 v1, v4;
	_ =	sdelay $0x1  }
0x65c: {  	v3 =	vadd.s32 v1, v3;
	_ =	sdelay $0x1  }
0x65d: {  	s10 =	simm.s32 $0xCE00  }
0x65e: {  	[tilespmem:s10], [sflag:$0x1] =	stream.indirect_vreg.gather [hbm4b:s1+s4], $0x80, v4, vm0, $0xb8;
	[tilespmem:$0x18E00] =	vst v63  }
0x65f: {  	_ = 	snop  }
0x660: {  	[tilespmem:s8], [sflag:$0x1] =	stream.indirect_vreg.gather [hbm4b:s1+s4], $0x80, v3, vm0, $0xb8;
	[tilespmem:$0x18E00] =	vst v63  }
0x661: {  	v3 =	vld [tilespmem:$0x850];
	_ =	sdelay $0x4  }
0x662: {  	v29 =	vshll.u32 v3, $0x1  }
0x663: {  	v3 =	vand.u32 $0x7, v3;
	v4 =	vand.u32 $0xFFFFFFF0, v29  }
0x664: {  	v3 =	vor.u32 v3, v4  }
0x665: {  	v4 =	vperm.xlane v3, v0;
	_ =	sdelay $0x1  }
0x666: {  	v3 =	vperm.xlane v3, v2;
	v4 =	vadd.s32 v1, v4;
	_ =	sdelay $0x1  }
0x667: {  	v3 =	vadd.s32 v1, v3;
	_ =	sdelay $0x1  }
0x668: {  	s12 =	simm.s32 $0xDE00  }
0x669: {  	[tilespmem:s12], [sflag:$0x1] =	stream.indirect_vreg.gather [hbm4b:s1+s4], $0x80, v4, vm0, $0xb8;
	[tilespmem:$0x18E00] =	vst v63  }
0x66a: {  	_ = 	snop  }
0x66b: {  	[tilespmem:s6], [sflag:$0x1] =	stream.indirect_vreg.gather [hbm4b:s1+s4], $0x80, v3, vm0, $0xb8;
	[tilespmem:$0x18E00] =	vst v63  }
0x66c: {  	v3 =	vld [tilespmem:$0x860];
	_ =	sdelay $0x4  }
0x66d: {  	v30 =	vshll.u32 v3, $0x1  }
0x66e: {  	v3 =	vand.u32 $0x7, v3;
	v4 =	vand.u32 $0xFFFFFFF0, v30  }
0x66f: {  	v3 =	vor.u32 v3, v4  }
0x670: {  	v4 =	vperm.xlane v3, v0;
	_ =	sdelay $0x1  }
0x671: {  	v3 =	vperm.xlane v3, v2;
	v4 =	vadd.s32 v1, v4;
	_ =	sdelay $0x1  }
0x672: {  	v3 =	vadd.s32 v1, v3;
	_ =	sdelay $0x1  }
0x673: {  	s15 =	simm.s32 $0xEE00  }
0x674: {  	[tilespmem:s15], [sflag:$0x1] =	stream.indirect_vreg.gather [hbm4b:s1+s4], $0x80, v4, vm0, $0xb8;
	[tilespmem:$0x18E00] =	vst v63  }
0x675: {  	_ = 	snop  }
0x676: {  	[tilespmem:s7], [sflag:$0x1] =	stream.indirect_vreg.gather [hbm4b:s1+s4], $0x80, v3, vm0, $0xb8;
	[tilespmem:$0x18E00] =	vst v63  }
0x677: {  	v3 =	vld [tilespmem:$0x870];
	_ =	sdelay $0x4  }
0x678: {  	v31 =	vshll.u32 v3, $0x1  }
0x679: {  	v3 =	vand.u32 $0x7, v3;
	v4 =	vand.u32 $0xFFFFFFF0, v31  }
0x67a: {  	v3 =	vor.u32 v3, v4  }
0x67b: {  	v4 =	vperm.xlane v3, v0;
	_ =	sdelay $0x1  }
0x67c: {  	v3 =	vperm.xlane v3, v2;
	v4 =	vadd.s32 v1, v4;
	_ =	sdelay $0x1  }
0x67d: {  	v3 =	vadd.s32 v1, v3;
	_ =	sdelay $0x2  }
0x67e: {  	[tilespmem:s24], [sflag:$0x1] =	stream.indirect_vreg.gather [hbm4b:s1+s4], $0x80, v4, vm0, $0xb8;
	[tilespmem:$0x18E00] =	vst v63  }
0x67f: {  	_ = 	snop  }
0x680: {  	[tilespmem:s31], [sflag:$0x1] =	stream.indirect_vreg.gather [hbm4b:s1+s4], $0x80, v3, vm0, $0xb8;
	[tilespmem:$0x18E00] =	vst v63  }
0x681: {  	_ =	swait.ge [sflag:s3], $0x8000  }
0x682: {  	s16 =	sld [smem:$0x7EA]  }
0x683: {  	[sflag:s3] =	ssyncset.done $0x0  }
0x684: {  	s17 =	simm.s32 $0xE00;
	[sflag:s3] =	ssyncadd.s32 $0xFFFF8000  }
0x685: {  	[hbm4b:s16+s4] =	stream.linear.scatter [tilespmem:s17], [sflag:$0x2], $0x8000, $0x38;
	[tilespmem:$0x18E00] =	vst v63  }
0x686: {  	_ =	swait.ge [sflag:s25], $0x8000  }
0x687: {  	[sflag:s25] =	ssyncset.done $0x0  }
0x688: {  	[sflag:s25] =	ssyncadd.s32 $0xFFFF8000  }
0x689: {  	v3 =	vld [tilespmem:$0x880];
	_ =	sdelay $0x4  }
0x68a: {  	v32 =	vshll.u32 v3, $0x1  }
0x68b: {  	v3 =	vand.u32 $0x7, v3;
	v4 =	vand.u32 $0xFFFFFFF0, v32  }
0x68c: {  	v3 =	vor.u32 v3, v4  }
0x68d: {  	v4 =	vperm.xlane v3, v0;
	_ =	sdelay $0x1  }
0x68e: {  	v3 =	vperm.xlane v3, v2;
	v4 =	vadd.s32 v1, v4;
	_ =	sdelay $0x1  }
0x68f: {  	v3 =	vadd.s32 v1, v3;
	_ =	sdelay $0x2  }
0x690: {  	[tilespmem:s28], [sflag:$0x1] =	stream.indirect_vreg.gather [hbm4b:s1+s4], $0x80, v4, vm0, $0xb8;
	[tilespmem:$0x18E00] =	vst v63  }
0x691: {  	s18 =	simm.s32 $0x11600  }
0x692: {  	[tilespmem:s18], [sflag:$0x1] =	stream.indirect_vreg.gather [hbm4b:s1+s4], $0x80, v3, vm0, $0xb8;
	[tilespmem:$0x18E00] =	vst v63  }
0x693: {  	v3 =	vld [tilespmem:$0x890];
	_ =	sdelay $0x4  }
0x694: {  	v33 =	vshll.u32 v3, $0x1  }
0x695: {  	v3 =	vand.u32 $0x7, v3;
	v4 =	vand.u32 $0xFFFFFFF0, v33  }
0x696: {  	v3 =	vor.u32 v3, v4  }
0x697: {  	v4 =	vperm.xlane v3, v0;
	_ =	sdelay $0x1  }
0x698: {  	v3 =	vperm.xlane v3, v2;
	v4 =	vadd.s32 v1, v4;
	_ =	sdelay $0x1  }
0x699: {  	v3 =	vadd.s32 v1, v3;
	_ =	sdelay $0x1  }
0x69a: {  	s20 =	simm.s32 $0x11E00  }
0x69b: {  	[tilespmem:s20], [sflag:$0x1] =	stream.indirect_vreg.gather [hbm4b:s1+s4], $0x80, v4, vm0, $0xb8;
	[tilespmem:$0x18E00] =	vst v63  }
0x69c: {  	s30 =	simm.s32 $0x12600  }
0x69d: {  	[tilespmem:s30], [sflag:$0x1] =	stream.indirect_vreg.gather [hbm4b:s1+s4], $0x80, v3, vm0, $0xb8;
	[tilespmem:$0x18E00] =	vst v63  }
0x69e: {  	v3 =	vld [tilespmem:$0x8A0];
	_ =	sdelay $0x4  }
0x69f: {  	v34 =	vshll.u32 v3, $0x1  }
0x6a0: {  	v3 =	vand.u32 $0x7, v3;
	v4 =	vand.u32 $0xFFFFFFF0, v34  }
0x6a1: {  	v3 =	vor.u32 v3, v4  }
0x6a2: {  	v4 =	vperm.xlane v3, v0;
	_ =	sdelay $0x1  }
0x6a3: {  	v3 =	vperm.xlane v3, v2;
	v4 =	vadd.s32 v1, v4;
	_ =	sdelay $0x1  }
0x6a4: {  	v3 =	vadd.s32 v1, v3;
	_ =	sdelay $0x1  }
0x6a5: {  	s21 =	simm.s32 $0x12E00  }
0x6a6: {  	[tilespmem:s21], [sflag:$0x1] =	stream.indirect_vreg.gather [hbm4b:s1+s4], $0x80, v4, vm0, $0xb8;
	[tilespmem:$0x18E00] =	vst v63  }
0x6a7: {  	s31 =	simm.s32 $0x13600  }
0x6a8: {  	[tilespmem:s31], [sflag:$0x1] =	stream.indirect_vreg.gather [hbm4b:s1+s4], $0x80, v3, vm0, $0xb8;
	[tilespmem:$0x18E00] =	vst v63  }
0x6a9: {  	v3 =	vld [tilespmem:$0x8B0];
	_ =	sdelay $0x4  }
0x6aa: {  	v35 =	vshll.u32 v3, $0x1  }
0x6ab: {  	v3 =	vand.u32 $0x7, v3;
	v4 =	vand.u32 $0xFFFFFFF0, v35  }
0x6ac: {  	v3 =	vor.u32 v3, v4  }
0x6ad: {  	v4 =	vperm.xlane v3, v0;
	_ =	sdelay $0x1  }
0x6ae: {  	v3 =	vperm.xlane v3, v2;
	v4 =	vadd.s32 v1, v4;
	_ =	sdelay $0x1  }
0x6af: {  	v3 =	vadd.s32 v1, v3;
	_ =	sdelay $0x1  }
0x6b0: {  	s22 =	simm.s32 $0x13E00  }
0x6b1: {  	[tilespmem:s22], [sflag:$0x1] =	stream.indirect_vreg.gather [hbm4b:s1+s4], $0x80, v4, vm0, $0xb8;
	[tilespmem:$0x18E00] =	vst v63  }
0x6b2: {  	s23 =	simm.s32 $0x14600  }
0x6b3: {  	[tilespmem:s23], [sflag:$0x1] =	stream.indirect_vreg.gather [hbm4b:s1+s4], $0x80, v3, vm0, $0xb8;
	[tilespmem:$0x18E00] =	vst v63  }
0x6b4: {  	v3 =	vld [tilespmem:$0x8C0];
	_ =	sdelay $0x4  }
0x6b5: {  	v36 =	vshll.u32 v3, $0x1  }
0x6b6: {  	v3 =	vand.u32 $0x7, v3;
	v4 =	vand.u32 $0xFFFFFFF0, v36  }
0x6b7: {  	v3 =	vor.u32 v3, v4  }
0x6b8: {  	v4 =	vperm.xlane v3, v0;
	_ =	sdelay $0x1  }
0x6b9: {  	v3 =	vperm.xlane v3, v2;
	v4 =	vadd.s32 v1, v4;
	_ =	sdelay $0x1  }
0x6ba: {  	v3 =	vadd.s32 v1, v3;
	_ =	sdelay $0x1  }
0x6bb: {  	s24 =	simm.s32 $0x14E00  }
0x6bc: {  	[tilespmem:s24], [sflag:$0x1] =	stream.indirect_vreg.gather [hbm4b:s1+s4], $0x80, v4, vm0, $0xb8;
	[tilespmem:$0x18E00] =	vst v63  }
0x6bd: {  	s26 =	simm.s32 $0x15600  }
0x6be: {  	[tilespmem:s26], [sflag:$0x1] =	stream.indirect_vreg.gather [hbm4b:s1+s4], $0x80, v3, vm0, $0xb8;
	[tilespmem:$0x18E00] =	vst v63  }
0x6bf: {  	v3 =	vld [tilespmem:$0x8D0];
	_ =	sdelay $0x4  }
0x6c0: {  	v37 =	vshll.u32 v3, $0x1  }
0x6c1: {  	v3 =	vand.u32 $0x7, v3;
	v4 =	vand.u32 $0xFFFFFFF0, v37  }
0x6c2: {  	v3 =	vor.u32 v3, v4  }
0x6c3: {  	v4 =	vperm.xlane v3, v0;
	_ =	sdelay $0x1  }
0x6c4: {  	v3 =	vperm.xlane v3, v2;
	v4 =	vadd.s32 v1, v4;
	_ =	sdelay $0x1  }
0x6c5: {  	v3 =	vadd.s32 v1, v3;
	_ =	sdelay $0x1  }
0x6c6: {  	s28 =	simm.s32 $0x15E00  }
0x6c7: {  	[tilespmem:s28], [sflag:$0x1] =	stream.indirect_vreg.gather [hbm4b:s1+s4], $0x80, v4, vm0, $0xb8;
	[tilespmem:$0x18E00] =	vst v63  }
0x6c8: {  	s29 =	simm.s32 $0x16600  }
0x6c9: {  	[tilespmem:s29], [sflag:$0x1] =	stream.indirect_vreg.gather [hbm4b:s1+s4], $0x80, v3, vm0, $0xb8;
	[tilespmem:$0x18E00] =	vst v63  }
0x6ca: {  	v3 =	vld [tilespmem:$0x8E0];
	_ =	sdelay $0x4  }
0x6cb: {  	v38 =	vshll.u32 v3, $0x1  }
0x6cc: {  	v3 =	vand.u32 $0x7, v3;
	v4 =	vand.u32 $0xFFFFFFF0, v38  }
0x6cd: {  	v3 =	vor.u32 v3, v4  }
0x6ce: {  	v4 =	vperm.xlane v3, v0;
	_ =	sdelay $0x1  }
0x6cf: {  	v3 =	vperm.xlane v3, v2;
	v4 =	vadd.s32 v1, v4;
	_ =	sdelay $0x1  }
0x6d0: {  	v3 =	vadd.s32 v1, v3;
	_ =	sdelay $0x1  }
0x6d1: {  	s8 =	simm.s32 $0x16E00  }
0x6d2: {  	[tilespmem:s8], [sflag:$0x1] =	stream.indirect_vreg.gather [hbm4b:s1+s4], $0x80, v4, vm0, $0xb8;
	[tilespmem:$0x18E00] =	vst v63  }
0x6d3: {  	s28 =	simm.s32 $0x17600  }
0x6d4: {  	[tilespmem:s28], [sflag:$0x1] =	stream.indirect_vreg.gather [hbm4b:s1+s4], $0x80, v3, vm0, $0xb8;
	[tilespmem:$0x18E00] =	vst v63  }
0x6d5: {  	v3 =	vld [tilespmem:$0x8F0];
	_ =	sdelay $0x4  }
0x6d6: {  	v39 =	vshll.u32 v3, $0x1  }
0x6d7: {  	v3 =	vand.u32 $0x7, v3;
	v4 =	vand.u32 $0xFFFFFFF0, v39  }
0x6d8: {  	v3 =	vor.u32 v3, v4  }
0x6d9: {  	v4 =	vperm.xlane v3, v0;
	_ =	sdelay $0x1  }
0x6da: {  	v3 =	vperm.xlane v3, v2;
	v4 =	vadd.s32 v1, v4;
	_ =	sdelay $0x1  }
0x6db: {  	v3 =	vadd.s32 v1, v3;
	_ =	sdelay $0x1  }
0x6dc: {  	s9 =	simm.s32 $0x17E00  }
0x6dd: {  	[tilespmem:s9], [sflag:$0x1] =	stream.indirect_vreg.gather [hbm4b:s1+s4], $0x80, v4, vm0, $0xb8;
	[tilespmem:$0x18E00] =	vst v63  }
0x6de: {  	s9 =	simm.s32 $0x18600  }
0x6df: {  	[tilespmem:s9], [sflag:$0x1] =	stream.indirect_vreg.gather [hbm4b:s1+s4], $0x80, v3, vm0, $0xb8;
	[tilespmem:$0x18E00] =	vst v63  }
0x6e0: {  	_ =	swait.ge [sflag:s3], $0x8000  }
0x6e1: {  	s10 =	sld [smem:$0x7EB]  }
0x6e2: {  	[sflag:s3] =	ssyncset.done $0x0  }
0x6e3: {  	s14 =	simm.s32 $0x8E00;
	[sflag:s3] =	ssyncadd.s32 $0xFFFF8000  }
0x6e4: {  	[hbm4b:s10+s4] =	stream.linear.scatter [tilespmem:s14], [sflag:$0x2], $0x8000, $0x38;
	[tilespmem:$0x18E00] =	vst v63  }
0x6e5: {  	_ =	swait.ge [sflag:s25], $0x8000  }
0x6e6: {  	[sflag:s25] =	ssyncset.done $0x0  }
0x6e7: {  	[sflag:s25] =	ssyncadd.s32 $0xFFFF8000  }
0x6e8: {  	v3 =	vld [tilespmem:$0x900];
	_ =	sdelay $0x4  }
0x6e9: {  	v40 =	vshll.u32 v3, $0x1  }
0x6ea: {  	v3 =	vand.u32 $0x7, v3;
	v4 =	vand.u32 $0xFFFFFFF0, v40  }
0x6eb: {  	v3 =	vor.u32 v3, v4  }
0x6ec: {  	v4 =	vperm.xlane v3, v0;
	_ =	sdelay $0x1  }
0x6ed: {  	v3 =	vperm.xlane v3, v2;
	v4 =	vadd.s32 v1, v4;
	_ =	sdelay $0x1  }
0x6ee: {  	v3 =	vadd.s32 v1, v3;
	_ =	sdelay $0x2  }
0x6ef: {  	[tilespmem:s17], [sflag:$0x1] =	stream.indirect_vreg.gather [hbm4b:s1+s4], $0x80, v4, vm0, $0xb8;
	[tilespmem:$0x18E00] =	vst v63  }
0x6f0: {  	s16 =	simm.s32 $0x1600  }
0x6f1: {  	[tilespmem:s16], [sflag:$0x1] =	stream.indirect_vreg.gather [hbm4b:s1+s4], $0x80, v3, vm0, $0xb8;
	[tilespmem:$0x18E00] =	vst v63  }
0x6f2: {  	v3 =	vld [tilespmem:$0x910];
	_ =	sdelay $0x4  }
0x6f3: {  	v41 =	vshll.u32 v3, $0x1  }
0x6f4: {  	v3 =	vand.u32 $0x7, v3;
	v4 =	vand.u32 $0xFFFFFFF0, v41  }
0x6f5: {  	v3 =	vor.u32 v3, v4  }
0x6f6: {  	v4 =	vperm.xlane v3, v0;
	_ =	sdelay $0x1  }
0x6f7: {  	v3 =	vperm.xlane v3, v2;
	v4 =	vadd.s32 v1, v4;
	_ =	sdelay $0x1  }
0x6f8: {  	v3 =	vadd.s32 v1, v3;
	_ =	sdelay $0x2  }
0x6f9: {  	[tilespmem:s5], [sflag:$0x1] =	stream.indirect_vreg.gather [hbm4b:s1+s4], $0x80, v4, vm0, $0xb8;
	[tilespmem:$0x18E00] =	vst v63  }
0x6fa: {  	s17 =	simm.s32 $0x2600  }
0x6fb: {  	[tilespmem:s17], [sflag:$0x1] =	stream.indirect_vreg.gather [hbm4b:s1+s4], $0x80, v3, vm0, $0xb8;
	[tilespmem:$0x18E00] =	vst v63  }
0x6fc: {  	v3 =	vld [tilespmem:$0x920];
	_ =	sdelay $0x4  }
0x6fd: {  	v42 =	vshll.u32 v3, $0x1  }
0x6fe: {  	v3 =	vand.u32 $0x7, v3;
	v4 =	vand.u32 $0xFFFFFFF0, v42  }
0x6ff: {  	v3 =	vor.u32 v3, v4  }
0x700: {  	v4 =	vperm.xlane v3, v0;
	_ =	sdelay $0x1  }
0x701: {  	v3 =	vperm.xlane v3, v2;
	v4 =	vadd.s32 v1, v4;
	_ =	sdelay $0x1  }
0x702: {  	v3 =	vadd.s32 v1, v3;
	_ =	sdelay $0x1  }
0x703: {  	s22 =	simm.s32 $0x2E00  }
0x704: {  	[tilespmem:s22], [sflag:$0x1] =	stream.indirect_vreg.gather [hbm4b:s1+s4], $0x80, v4, vm0, $0xb8;
	[tilespmem:$0x18E00] =	vst v63  }
0x705: {  	s18 =	simm.s32 $0x3600  }
0x706: {  	[tilespmem:s18], [sflag:$0x1] =	stream.indirect_vreg.gather [hbm4b:s1+s4], $0x80, v3, vm0, $0xb8;
	[tilespmem:$0x18E00] =	vst v63  }
0x707: {  	v3 =	vld [tilespmem:$0x930];
	_ =	sdelay $0x4  }
0x708: {  	v43 =	vshll.u32 v3, $0x1  }
0x709: {  	v3 =	vand.u32 $0x7, v3;
	v4 =	vand.u32 $0xFFFFFFF0, v43  }
0x70a: {  	v3 =	vor.u32 v3, v4  }
0x70b: {  	v4 =	vperm.xlane v3, v0;
	_ =	sdelay $0x1  }
0x70c: {  	v3 =	vperm.xlane v3, v2;
	v4 =	vadd.s32 v1, v4;
	_ =	sdelay $0x1  }
0x70d: {  	v3 =	vadd.s32 v1, v3;
	_ =	sdelay $0x1  }
0x70e: {  	s23 =	simm.s32 $0x3E00  }
0x70f: {  	[tilespmem:s23], [sflag:$0x1] =	stream.indirect_vreg.gather [hbm4b:s1+s4], $0x80, v4, vm0, $0xb8;
	[tilespmem:$0x18E00] =	vst v63  }
0x710: {  	s20 =	simm.s32 $0x4600  }
0x711: {  	[tilespmem:s20], [sflag:$0x1] =	stream.indirect_vreg.gather [hbm4b:s1+s4], $0x80, v3, vm0, $0xb8;
	[tilespmem:$0x18E00] =	vst v63  }
0x712: {  	v3 =	vld [tilespmem:$0x940];
	_ =	sdelay $0x4  }
0x713: {  	v44 =	vshll.u32 v3, $0x1  }
0x714: {  	v3 =	vand.u32 $0x7, v3;
	v4 =	vand.u32 $0xFFFFFFF0, v44  }
0x715: {  	v3 =	vor.u32 v3, v4  }
0x716: {  	v4 =	vperm.xlane v3, v0;
	_ =	sdelay $0x1  }
0x717: {  	v3 =	vperm.xlane v3, v2;
	v4 =	vadd.s32 v1, v4;
	_ =	sdelay $0x1  }
0x718: {  	v3 =	vadd.s32 v1, v3;
	_ =	sdelay $0x1  }
0x719: {  	s24 =	simm.s32 $0x4E00  }
0x71a: {  	[tilespmem:s24], [sflag:$0x1] =	stream.indirect_vreg.gather [hbm4b:s1+s4], $0x80, v4, vm0, $0xb8;
	[tilespmem:$0x18E00] =	vst v63  }
0x71b: {  	s21 =	simm.s32 $0x5600  }
0x71c: {  	[tilespmem:s21], [sflag:$0x1] =	stream.indirect_vreg.gather [hbm4b:s1+s4], $0x80, v3, vm0, $0xb8;
	[tilespmem:$0x18E00] =	vst v63  }
0x71d: {  	v3 =	vld [tilespmem:$0x950];
	_ =	sdelay $0x4  }
0x71e: {  	v45 =	vshll.u32 v3, $0x1  }
0x71f: {  	v3 =	vand.u32 $0x7, v3;
	v4 =	vand.u32 $0xFFFFFFF0, v45  }
0x720: {  	v3 =	vor.u32 v3, v4  }
0x721: {  	v4 =	vperm.xlane v3, v0;
	_ =	sdelay $0x1  }
0x722: {  	v3 =	vperm.xlane v3, v2;
	v4 =	vadd.s32 v1, v4;
	_ =	sdelay $0x1  }
0x723: {  	v3 =	vadd.s32 v1, v3;
	_ =	sdelay $0x1  }
0x724: {  	s12 =	simm.s32 $0x5E00  }
0x725: {  	[tilespmem:s12], [sflag:$0x1] =	stream.indirect_vreg.gather [hbm4b:s1+s4], $0x80, v4, vm0, $0xb8;
	[tilespmem:$0x18E00] =	vst v63  }
0x726: {  	s22 =	simm.s32 $0x6600  }
0x727: {  	[tilespmem:s22], [sflag:$0x1] =	stream.indirect_vreg.gather [hbm4b:s1+s4], $0x80, v3, vm0, $0xb8;
	[tilespmem:$0x18E00] =	vst v63  }
0x728: {  	v3 =	vld [tilespmem:$0x960];
	_ =	sdelay $0x4  }
0x729: {  	v46 =	vshll.u32 v3, $0x1  }
0x72a: {  	v3 =	vand.u32 $0x7, v3;
	v4 =	vand.u32 $0xFFFFFFF0, v46  }
0x72b: {  	v3 =	vor.u32 v3, v4  }
0x72c: {  	v4 =	vperm.xlane v3, v0;
	_ =	sdelay $0x1  }
0x72d: {  	v3 =	vperm.xlane v3, v2;
	v4 =	vadd.s32 v1, v4;
	_ =	sdelay $0x1  }
0x72e: {  	v3 =	vadd.s32 v1, v3;
	_ =	sdelay $0x1  }
0x72f: {  	s14 =	simm.s32 $0x6E00  }
0x730: {  	[tilespmem:s14], [sflag:$0x1] =	stream.indirect_vreg.gather [hbm4b:s1+s4], $0x80, v4, vm0, $0xb8;
	[tilespmem:$0x18E00] =	vst v63  }
0x731: {  	s23 =	simm.s32 $0x7600  }
0x732: {  	[tilespmem:s23], [sflag:$0x1] =	stream.indirect_vreg.gather [hbm4b:s1+s4], $0x80, v3, vm0, $0xb8;
	[tilespmem:$0x18E00] =	vst v63  }
0x733: {  	v3 =	vld [tilespmem:$0x970];
	_ =	sdelay $0x4  }
0x734: {  	v47 =	vshll.u32 v3, $0x1  }
0x735: {  	v3 =	vand.u32 $0x7, v3;
	v4 =	vand.u32 $0xFFFFFFF0, v47  }
0x736: {  	v3 =	vor.u32 v3, v4  }
0x737: {  	v4 =	vperm.xlane v3, v0;
	_ =	sdelay $0x1  }
0x738: {  	v3 =	vperm.xlane v3, v2;
	v4 =	vadd.s32 v1, v4;
	_ =	sdelay $0x1  }
0x739: {  	v3 =	vadd.s32 v1, v3;
	_ =	sdelay $0x1  }
0x73a: {  	s15 =	simm.s32 $0x7E00  }
0x73b: {  	[tilespmem:s15], [sflag:$0x1] =	stream.indirect_vreg.gather [hbm4b:s1+s4], $0x80, v4, vm0, $0xb8;
	[tilespmem:$0x18E00] =	vst v63  }
0x73c: {  	s26 =	simm.s32 $0x8600  }
0x73d: {  	[tilespmem:s26], [sflag:$0x1] =	stream.indirect_vreg.gather [hbm4b:s1+s4], $0x80, v3, vm0, $0xb8;
	[tilespmem:$0x18E00] =	vst v63  }
0x73e: {  	_ =	swait.ge [sflag:s3], $0x8000  }
0x73f: {  	s29 =	sld [smem:$0x7EC]  }
0x740: {  	[sflag:s3] =	ssyncset.done $0x0  }
0x741: {  	s6 =	simm.s32 $0x10E00;
	[sflag:s3] =	ssyncadd.s32 $0xFFFF8000  }
0x742: {  	[hbm4b:s29+s4] =	stream.linear.scatter [tilespmem:s6], [sflag:$0x2], $0x8000, $0x38;
	[tilespmem:$0x18E00] =	vst v63  }
0x743: {  	_ =	swait.ge [sflag:s25], $0x8000  }
0x744: {  	[sflag:s25] =	ssyncset.done $0x0  }
0x745: {  	[sflag:s25] =	ssyncadd.s32 $0xFFFF8000  }
0x746: {  	v3 =	vld [tilespmem:$0x980];
	_ =	sdelay $0x4  }
0x747: {  	v48 =	vshll.u32 v3, $0x1  }
0x748: {  	v3 =	vand.u32 $0x7, v3;
	v4 =	vand.u32 $0xFFFFFFF0, v48  }
0x749: {  	v3 =	vor.u32 v3, v4  }
0x74a: {  	v4 =	vperm.xlane v3, v0;
	_ =	sdelay $0x1  }
0x74b: {  	v3 =	vperm.xlane v3, v2;
	v4 =	vadd.s32 v1, v4;
	_ =	sdelay $0x1  }
0x74c: {  	v3 =	vadd.s32 v1, v3;
	_ =	sdelay $0x1  }
0x74d: {  	s11 =	simm.s32 $0x8E00  }
0x74e: {  	[tilespmem:s11], [sflag:$0x1] =	stream.indirect_vreg.gather [hbm4b:s1+s4], $0x80, v4, vm0, $0xb8;
	[tilespmem:$0x18E00] =	vst v63  }
0x74f: {  	s29 =	simm.s32 $0x9600  }
0x750: {  	[tilespmem:s29], [sflag:$0x1] =	stream.indirect_vreg.gather [hbm4b:s1+s4], $0x80, v3, vm0, $0xb8;
	[tilespmem:$0x18E00] =	vst v63  }
0x751: {  	v3 =	vld [tilespmem:$0x990];
	_ =	sdelay $0x4  }
0x752: {  	v49 =	vshll.u32 v3, $0x1  }
0x753: {  	v3 =	vand.u32 $0x7, v3;
	v4 =	vand.u32 $0xFFFFFFF0, v49  }
0x754: {  	v3 =	vor.u32 v3, v4  }
0x755: {  	v4 =	vperm.xlane v3, v0;
	_ =	sdelay $0x1  }
0x756: {  	v3 =	vperm.xlane v3, v2;
	v4 =	vadd.s32 v1, v4;
	_ =	sdelay $0x1  }
0x757: {  	v3 =	vadd.s32 v1, v3;
	_ =	sdelay $0x2  }
0x758: {  	[tilespmem:s13], [sflag:$0x1] =	stream.indirect_vreg.gather [hbm4b:s1+s4], $0x80, v4, vm0, $0xb8;
	[tilespmem:$0x18E00] =	vst v63  }
0x759: {  	s11 =	simm.s32 $0xA600  }
0x75a: {  	[tilespmem:s11], [sflag:$0x1] =	stream.indirect_vreg.gather [hbm4b:s1+s4], $0x80, v3, vm0, $0xb8;
	[tilespmem:$0x18E00] =	vst v63  }
0x75b: {  	v3 =	vld [tilespmem:$0x9A0];
	_ =	sdelay $0x4  }
0x75c: {  	v50 =	vshll.u32 v3, $0x1  }
0x75d: {  	v3 =	vand.u32 $0x7, v3;
	v4 =	vand.u32 $0xFFFFFFF0, v50  }
0x75e: {  	v3 =	vor.u32 v3, v4  }
0x75f: {  	v4 =	vperm.xlane v3, v0;
	_ =	sdelay $0x1  }
0x760: {  	v3 =	vperm.xlane v3, v2;
	v4 =	vadd.s32 v1, v4;
	_ =	sdelay $0x1  }
0x761: {  	v3 =	vadd.s32 v1, v3;
	_ =	sdelay $0x1  }
0x762: {  	s19 =	simm.s32 $0xAE00  }
0x763: {  	[tilespmem:s19], [sflag:$0x1] =	stream.indirect_vreg.gather [hbm4b:s1+s4], $0x80, v4, vm0, $0xb8;
	[tilespmem:$0x18E00] =	vst v63  }
0x764: {  	s10 =	simm.s32 $0xB600  }
0x765: {  	[tilespmem:s10], [sflag:$0x1] =	stream.indirect_vreg.gather [hbm4b:s1+s4], $0x80, v3, vm0, $0xb8;
	[tilespmem:$0x18E00] =	vst v63  }
0x766: {  	v3 =	vld [tilespmem:$0x9B0];
	_ =	sdelay $0x4  }
0x767: {  	v51 =	vshll.u32 v3, $0x1  }
0x768: {  	v3 =	vand.u32 $0x7, v3;
	v4 =	vand.u32 $0xFFFFFFF0, v51  }
0x769: {  	v3 =	vor.u32 v3, v4  }
0x76a: {  	v4 =	vperm.xlane v3, v0;
	_ =	sdelay $0x1  }
0x76b: {  	v3 =	vperm.xlane v3, v2;
	v4 =	vadd.s32 v1, v4;
	_ =	sdelay $0x1  }
0x76c: {  	v3 =	vadd.s32 v1, v3;
	_ =	sdelay $0x1  }
0x76d: {  	s5 =	simm.s32 $0xBE00  }
0x76e: {  	[tilespmem:s5], [sflag:$0x1] =	stream.indirect_vreg.gather [hbm4b:s1+s4], $0x80, v4, vm0, $0xb8;
	[tilespmem:$0x18E00] =	vst v63  }
0x76f: {  	s13 =	simm.s32 $0xC600  }
0x770: {  	[tilespmem:s13], [sflag:$0x1] =	stream.indirect_vreg.gather [hbm4b:s1+s4], $0x80, v3, vm0, $0xb8;
	[tilespmem:$0x18E00] =	vst v63  }
0x771: {  	v3 =	vld [tilespmem:$0x9C0];
	_ =	sdelay $0x4  }
0x772: {  	v52 =	vshll.u32 v3, $0x1  }
0x773: {  	v3 =	vand.u32 $0x7, v3;
	v4 =	vand.u32 $0xFFFFFFF0, v52  }
0x774: {  	v3 =	vor.u32 v3, v4  }
0x775: {  	v4 =	vperm.xlane v3, v0;
	_ =	sdelay $0x1  }
0x776: {  	v3 =	vperm.xlane v3, v2;
	v4 =	vadd.s32 v1, v4;
	_ =	sdelay $0x1  }
0x777: {  	v3 =	vadd.s32 v1, v3;
	_ =	sdelay $0x1  }
0x778: {  	s6 =	simm.s32 $0xCE00  }
0x779: {  	[tilespmem:s6], [sflag:$0x1] =	stream.indirect_vreg.gather [hbm4b:s1+s4], $0x80, v4, vm0, $0xb8;
	[tilespmem:$0x18E00] =	vst v63  }
0x77a: {  	s19 =	simm.s32 $0xD600  }
0x77b: {  	[tilespmem:s19], [sflag:$0x1] =	stream.indirect_vreg.gather [hbm4b:s1+s4], $0x80, v3, vm0, $0xb8;
	[tilespmem:$0x18E00] =	vst v63  }
0x77c: {  	v3 =	vld [tilespmem:$0x9D0];
	_ =	sdelay $0x4  }
0x77d: {  	v53 =	vshll.u32 v3, $0x1  }
0x77e: {  	v3 =	vand.u32 $0x7, v3;
	v4 =	vand.u32 $0xFFFFFFF0, v53  }
0x77f: {  	v3 =	vor.u32 v3, v4  }
0x780: {  	v4 =	vperm.xlane v3, v0;
	_ =	sdelay $0x1  }
0x781: {  	v3 =	vperm.xlane v3, v2;
	v4 =	vadd.s32 v1, v4;
	_ =	sdelay $0x1  }
0x782: {  	v3 =	vadd.s32 v1, v3;
	_ =	sdelay $0x1  }
0x783: {  	s19 =	simm.s32 $0xDE00  }
0x784: {  	[tilespmem:s19], [sflag:$0x1] =	stream.indirect_vreg.gather [hbm4b:s1+s4], $0x80, v4, vm0, $0xb8;
	[tilespmem:$0x18E00] =	vst v63  }
0x785: {  	s24 =	simm.s32 $0xE600  }
0x786: {  	[tilespmem:s24], [sflag:$0x1] =	stream.indirect_vreg.gather [hbm4b:s1+s4], $0x80, v3, vm0, $0xb8;
	[tilespmem:$0x18E00] =	vst v63  }
0x787: {  	v3 =	vld [tilespmem:$0x9E0];
	_ =	sdelay $0x4  }
0x788: {  	v54 =	vshll.u32 v3, $0x1  }
0x789: {  	v3 =	vand.u32 $0x7, v3;
	v4 =	vand.u32 $0xFFFFFFF0, v54  }
0x78a: {  	v3 =	vor.u32 v3, v4  }
0x78b: {  	v4 =	vperm.xlane v3, v0;
	_ =	sdelay $0x1  }
0x78c: {  	v3 =	vperm.xlane v3, v2;
	v4 =	vadd.s32 v1, v4;
	_ =	sdelay $0x1  }
0x78d: {  	v3 =	vadd.s32 v1, v3;
	_ =	sdelay $0x1  }
0x78e: {  	s24 =	simm.s32 $0xEE00  }
0x78f: {  	[tilespmem:s24], [sflag:$0x1] =	stream.indirect_vreg.gather [hbm4b:s1+s4], $0x80, v4, vm0, $0xb8;
	[tilespmem:$0x18E00] =	vst v63  }
0x790: {  	s26 =	simm.s32 $0xF600  }
0x791: {  	[tilespmem:s26], [sflag:$0x1] =	stream.indirect_vreg.gather [hbm4b:s1+s4], $0x80, v3, vm0, $0xb8;
	[tilespmem:$0x18E00] =	vst v63  }
0x792: {  	v3 =	vld [tilespmem:$0x9F0];
	_ =	sdelay $0x4  }
0x793: {  	v55 =	vshll.u32 v3, $0x1  }
0x794: {  	v3 =	vand.u32 $0x7, v3;
	v4 =	vand.u32 $0xFFFFFFF0, v55  }
0x795: {  	v3 =	vor.u32 v3, v4  }
0x796: {  	v4 =	vperm.xlane v3, v0;
	_ =	sdelay $0x1  }
0x797: {  	v3 =	vperm.xlane v3, v2;
	v4 =	vadd.s32 v1, v4;
	_ =	sdelay $0x1  }
0x798: {  	v3 =	vadd.s32 v1, v3;
	_ =	sdelay $0x1  }
0x799: {  	s5 =	simm.s32 $0xFE00  }
0x79a: {  	[tilespmem:s5], [sflag:$0x1] =	stream.indirect_vreg.gather [hbm4b:s1+s4], $0x80, v4, vm0, $0xb8;
	[tilespmem:$0x18E00] =	vst v63  }
0x79b: {  	s26 =	simm.s32 $0x10600  }
0x79c: {  	[tilespmem:s26], [sflag:$0x1] =	stream.indirect_vreg.gather [hbm4b:s1+s4], $0x80, v3, vm0, $0xb8;
	[tilespmem:$0x18E00] =	vst v63  }
0x79d: {  	_ =	swait.ge [sflag:s3], $0x8000  }
0x79e: {  	s5 =	sld [smem:$0x7ED]  }
0x79f: {  	[sflag:s3] =	ssyncset.done $0x0  }
0x7a0: {  	s2 =	simm.s32 $0xE00;
	[sflag:s3] =	ssyncadd.s32 $0xFFFF8000  }
0x7a1: {  	[hbm4b:s5+s4] =	stream.linear.scatter [tilespmem:s2], [sflag:$0x2], $0x8000, $0x38;
	[tilespmem:$0x18E00] =	vst v63  }
0x7a2: {  	_ =	swait.ge [sflag:s25], $0x8000  }
0x7a3: {  	[sflag:s25] =	ssyncset.done $0x0  }
0x7a4: {  	[sflag:s25] =	ssyncadd.s32 $0xFFFF8000  }
0x7a5: {  	v3 =	vld [tilespmem:$0xA00];
	_ =	sdelay $0x4  }
0x7a6: {  	v56 =	vshll.u32 v3, $0x1  }
0x7a7: {  	v3 =	vand.u32 $0x7, v3;
	v4 =	vand.u32 $0xFFFFFFF0, v56  }
0x7a8: {  	v3 =	vor.u32 v3, v4  }
0x7a9: {  	v4 =	vperm.xlane v3, v0;
	_ =	sdelay $0x1  }
0x7aa: {  	v3 =	vperm.xlane v3, v2;
	v4 =	vadd.s32 v1, v4;
	_ =	sdelay $0x1  }
0x7ab: {  	v3 =	vadd.s32 v1, v3;
	_ =	sdelay $0x1  }
0x7ac: {  	s8 =	simm.s32 $0x10E00  }
0x7ad: {  	[tilespmem:s8], [sflag:$0x1] =	stream.indirect_vreg.gather [hbm4b:s1+s4], $0x80, v4, vm0, $0xb8;
	[tilespmem:$0x18E00] =	vst v63  }
0x7ae: {  	s13 =	simm.s32 $0x11600  }
0x7af: {  	[tilespmem:s13], [sflag:$0x1] =	stream.indirect_vreg.gather [hbm4b:s1+s4], $0x80, v3, vm0, $0xb8;
	[tilespmem:$0x18E00] =	vst v63  }
0x7b0: {  	v3 =	vld [tilespmem:$0xA10];
	_ =	sdelay $0x4  }
0x7b1: {  	v57 =	vshll.u32 v3, $0x1  }
0x7b2: {  	v3 =	vand.u32 $0x7, v3;
	v4 =	vand.u32 $0xFFFFFFF0, v57  }
0x7b3: {  	v3 =	vor.u32 v3, v4  }
0x7b4: {  	v4 =	vperm.xlane v3, v0;
	_ =	sdelay $0x1  }
0x7b5: {  	v3 =	vperm.xlane v3, v2;
	v4 =	vadd.s32 v1, v4;
	_ =	sdelay $0x1  }
0x7b6: {  	v3 =	vadd.s32 v1, v3;
	_ =	sdelay $0x1  }
0x7b7: {  	s26 =	simm.s32 $0x11E00  }
0x7b8: {  	[tilespmem:s26], [sflag:$0x1] =	stream.indirect_vreg.gather [hbm4b:s1+s4], $0x80, v4, vm0, $0xb8;
	[tilespmem:$0x18E00] =	vst v63  }
0x7b9: {  	_ = 	snop  }
0x7ba: {  	[tilespmem:s30], [sflag:$0x1] =	stream.indirect_vreg.gather [hbm4b:s1+s4], $0x80, v3, vm0, $0xb8;
	[tilespmem:$0x18E00] =	vst v63  }
0x7bb: {  	v3 =	vld [tilespmem:$0xA20];
	_ =	sdelay $0x4  }
0x7bc: {  	v58 =	vshll.u32 v3, $0x1  }
0x7bd: {  	v3 =	vand.u32 $0x7, v3;
	v4 =	vand.u32 $0xFFFFFFF0, v58  }
0x7be: {  	v3 =	vor.u32 v3, v4  }
0x7bf: {  	v4 =	vperm.xlane v3, v0;
	_ =	sdelay $0x1  }
0x7c0: {  	v3 =	vperm.xlane v3, v2;
	v4 =	vadd.s32 v1, v4;
	_ =	sdelay $0x1  }
0x7c1: {  	v3 =	vadd.s32 v1, v3;
	_ =	sdelay $0x1  }
0x7c2: {  	s30 =	simm.s32 $0x12E00  }
0x7c3: {  	[tilespmem:s30], [sflag:$0x1] =	stream.indirect_vreg.gather [hbm4b:s1+s4], $0x80, v4, vm0, $0xb8;
	[tilespmem:$0x18E00] =	vst v63  }
0x7c4: {  	_ = 	snop  }
0x7c5: {  	[tilespmem:s31], [sflag:$0x1] =	stream.indirect_vreg.gather [hbm4b:s1+s4], $0x80, v3, vm0, $0xb8;
	[tilespmem:$0x18E00] =	vst v63  }
0x7c6: {  	v3 =	vld [tilespmem:$0xA30];
	_ =	sdelay $0x4  }
0x7c7: {  	v59 =	vshll.u32 v3, $0x1  }
0x7c8: {  	v3 =	vand.u32 $0x7, v3;
	v4 =	vand.u32 $0xFFFFFFF0, v59  }
0x7c9: {  	v3 =	vor.u32 v3, v4  }
0x7ca: {  	v4 =	vperm.xlane v3, v0;
	_ =	sdelay $0x1  }
0x7cb: {  	v3 =	vperm.xlane v3, v2;
	v4 =	vadd.s32 v1, v4;
	_ =	sdelay $0x1  }
0x7cc: {  	v3 =	vadd.s32 v1, v3;
	_ =	sdelay $0x1  }
0x7cd: {  	s13 =	simm.s32 $0x13E00  }
0x7ce: {  	[tilespmem:s13], [sflag:$0x1] =	stream.indirect_vreg.gather [hbm4b:s1+s4], $0x80, v4, vm0, $0xb8;
	[tilespmem:$0x18E00] =	vst v63  }
0x7cf: {  	s26 =	simm.s32 $0x14600  }
0x7d0: {  	[tilespmem:s26], [sflag:$0x1] =	stream.indirect_vreg.gather [hbm4b:s1+s4], $0x80, v3, vm0, $0xb8;
	[tilespmem:$0x18E00] =	vst v63  }
0x7d1: {  	v3 =	vld [tilespmem:$0xA40];
	_ =	sdelay $0x4  }
0x7d2: {  	v60 =	vshll.u32 v3, $0x1  }
0x7d3: {  	v3 =	vand.u32 $0x7, v3;
	v4 =	vand.u32 $0xFFFFFFF0, v60  }
0x7d4: {  	v3 =	vor.u32 v3, v4  }
0x7d5: {  	v4 =	vperm.xlane v3, v0;
	_ =	sdelay $0x1  }
0x7d6: {  	v3 =	vperm.xlane v3, v2;
	v4 =	vadd.s32 v1, v4;
	_ =	sdelay $0x1  }
0x7d7: {  	v3 =	vadd.s32 v1, v3;
	_ =	sdelay $0x1  }
0x7d8: {  	s31 =	simm.s32 $0x14E00  }
0x7d9: {  	[tilespmem:s31], [sflag:$0x1] =	stream.indirect_vreg.gather [hbm4b:s1+s4], $0x80, v4, vm0, $0xb8;
	[tilespmem:$0x18E00] =	vst v63  }
0x7da: {  	s13 =	simm.s32 $0x15600  }
0x7db: {  	[tilespmem:s13], [sflag:$0x1] =	stream.indirect_vreg.gather [hbm4b:s1+s4], $0x80, v3, vm0, $0xb8;
	[tilespmem:$0x18E00] =	vst v63  }
0x7dc: {  	v3 =	vld [tilespmem:$0xA50];
	_ =	sdelay $0x4  }
0x7dd: {  	v61 =	vshll.u32 v3, $0x1  }
0x7de: {  	v3 =	vand.u32 $0x7, v3;
	v4 =	vand.u32 $0xFFFFFFF0, v61  }
0x7df: {  	v3 =	vor.u32 v3, v4  }
0x7e0: {  	v4 =	vperm.xlane v3, v0;
	_ =	sdelay $0x1  }
0x7e1: {  	v3 =	vperm.xlane v3, v2;
	v4 =	vadd.s32 v1, v4;
	_ =	sdelay $0x1  }
0x7e2: {  	v3 =	vadd.s32 v1, v3;
	_ =	sdelay $0x1  }
0x7e3: {  	s31 =	simm.s32 $0x15E00  }
0x7e4: {  	[tilespmem:s31], [sflag:$0x1] =	stream.indirect_vreg.gather [hbm4b:s1+s4], $0x80, v4, vm0, $0xb8;
	[tilespmem:$0x18E00] =	vst v63  }
0x7e5: {  	s2 =	simm.s32 $0x16600  }
0x7e6: {  	[tilespmem:s2], [sflag:$0x1] =	stream.indirect_vreg.gather [hbm4b:s1+s4], $0x80, v3, vm0, $0xb8;
	[tilespmem:$0x18E00] =	vst v63  }
0x7e7: {  	v3 =	vld [tilespmem:$0xA60];
	_ =	sdelay $0x4  }
0x7e8: {  	v62 =	vshll.u32 v3, $0x1  }
0x7e9: {  	v3 =	vand.u32 $0x7, v3;
	v4 =	vand.u32 $0xFFFFFFF0, v62  }
0x7ea: {  	v3 =	vor.u32 v3, v4  }
0x7eb: {  	v4 =	vperm.xlane v3, v0;
	_ =	sdelay $0x1  }
0x7ec: {  	v3 =	vperm.xlane v3, v2;
	v4 =	vadd.s32 v1, v4;
	_ =	sdelay $0x1  }
0x7ed: {  	v3 =	vadd.s32 v1, v3;
	_ =	sdelay $0x1  }
0x7ee: {  	s26 =	simm.s32 $0x16E00  }
0x7ef: {  	[tilespmem:s26], [sflag:$0x1] =	stream.indirect_vreg.gather [hbm4b:s1+s4], $0x80, v4, vm0, $0xb8;
	[tilespmem:$0x18E00] =	vst v63  }
0x7f0: {  	_ = 	snop  }
0x7f1: {  	[tilespmem:s28], [sflag:$0x1] =	stream.indirect_vreg.gather [hbm4b:s1+s4], $0x80, v3, vm0, $0xb8;
	[tilespmem:$0x18E00] =	vst v63  }
0x7f2: {  	v3 =	vld [tilespmem:$0xA70];
	_ =	sdelay $0x4  }
0x7f3: {  	v63 =	vshll.u32 v3, $0x1  }
0x7f4: {  	v3 =	vand.u32 $0x7, v3;
	v4 =	vand.u32 $0xFFFFFFF0, v63  }
0x7f5: {  	v3 =	vor.u32 v3, v4  }
0x7f6: {  	v4 =	vperm.xlane v3, v0;
	_ =	sdelay $0x1  }
0x7f7: {  	v3 =	vperm.xlane v3, v2;
	v4 =	vadd.s32 v1, v4;
	_ =	sdelay $0x1  }
0x7f8: {  	v3 =	vadd.s32 v1, v3;
	_ =	sdelay $0x1  }
0x7f9: {  	s28 =	simm.s32 $0x17E00  }
0x7fa: {  	[tilespmem:s28], [sflag:$0x1] =	stream.indirect_vreg.gather [hbm4b:s1+s4], $0x80, v4, vm0, $0xb8;
	[tilespmem:$0x18E00] =	vst v63  }
0x7fb: {  	_ = 	snop  }
0x7fc: {  	[tilespmem:s9], [sflag:$0x1] =	stream.indirect_vreg.gather [hbm4b:s1+s4], $0x80, v3, vm0, $0xb8;
	[tilespmem:$0x18E00] =	vst v63  }
0x7fd: {  	_ =	swait.ge [sflag:s3], $0x8000  }
0x7fe: {  	s9 =	sld [smem:$0x7EE]  }
0x7ff: {  	[sflag:s3] =	ssyncset.done $0x0  }
0x800: {  	s7 =	simm.s32 $0x8E00;
	[sflag:s3] =	ssyncadd.s32 $0xFFFF8000  }
0x801: {  	[hbm4b:s9+s4] =	stream.linear.scatter [tilespmem:s7], [sflag:$0x2], $0x8000, $0x38;
	[tilespmem:$0x18E00] =	vst v63  }
0x802: {  	_ =	swait.ge [sflag:s25], $0x8000  }
0x803: {  	[sflag:s25] =	ssyncset.done $0x0  }
0x804: {  	[sflag:s25] =	ssyncadd.s32 $0xFFFF8000  }
0x805: {  	v3 =	vld [tilespmem:$0xA80];
	_ =	sdelay $0x4  }
0x806: {  	v8 =	vshll.u32 v3, $0x1  }
0x807: {  	v3 =	vand.u32 $0x7, v3;
	v4 =	vand.u32 $0xFFFFFFF0, v8  }
0x808: {  	v3 =	vor.u32 v3, v4  }
0x809: {  	v4 =	vperm.xlane v3, v0;
	_ =	sdelay $0x1  }
0x80a: {  	v3 =	vperm.xlane v3, v2;
	v4 =	vadd.s32 v1, v4;
	_ =	sdelay $0x1  }
0x80b: {  	v3 =	vadd.s32 v1, v3;
	_ =	sdelay $0x1  }
0x80c: {  	s5 =	simm.s32 $0xE00  }
0x80d: {  	[tilespmem:s5], [sflag:$0x1] =	stream.indirect_vreg.gather [hbm4b:s1+s4], $0x80, v4, vm0, $0xb8;
	[tilespmem:$0x18E00] =	vst v63  }
0x80e: {  	_ = 	snop  }
0x80f: {  	[tilespmem:s16], [sflag:$0x1] =	stream.indirect_vreg.gather [hbm4b:s1+s4], $0x80, v3, vm0, $0xb8;
	[tilespmem:$0x18E00] =	vst v63  }
0x810: {  	v3 =	vld [tilespmem:$0xA90];
	_ =	sdelay $0x4  }
0x811: {  	v9 =	vshll.u32 v3, $0x1  }
0x812: {  	v3 =	vand.u32 $0x7, v3;
	v4 =	vand.u32 $0xFFFFFFF0, v9  }
0x813: {  	v3 =	vor.u32 v3, v4  }
0x814: {  	v4 =	vperm.xlane v3, v0;
	_ =	sdelay $0x1  }
0x815: {  	v3 =	vperm.xlane v3, v2;
	v4 =	vadd.s32 v1, v4;
	_ =	sdelay $0x1  }
0x816: {  	v3 =	vadd.s32 v1, v3;
	_ =	sdelay $0x1  }
0x817: {  	s5 =	simm.s32 $0x1E00  }
0x818: {  	[tilespmem:s5], [sflag:$0x1] =	stream.indirect_vreg.gather [hbm4b:s1+s4], $0x80, v4, vm0, $0xb8;
	[tilespmem:$0x18E00] =	vst v63  }
0x819: {  	_ = 	snop  }
0x81a: {  	[tilespmem:s17], [sflag:$0x1] =	stream.indirect_vreg.gather [hbm4b:s1+s4], $0x80, v3, vm0, $0xb8;
	[tilespmem:$0x18E00] =	vst v63  }
0x81b: {  	v3 =	vld [tilespmem:$0xAA0];
	_ =	sdelay $0x4  }
0x81c: {  	v10 =	vshll.u32 v3, $0x1  }
0x81d: {  	v3 =	vand.u32 $0x7, v3;
	v4 =	vand.u32 $0xFFFFFFF0, v10  }
0x81e: {  	v3 =	vor.u32 v3, v4  }
0x81f: {  	v4 =	vperm.xlane v3, v0;
	_ =	sdelay $0x1  }
0x820: {  	v3 =	vperm.xlane v3, v2;
	v4 =	vadd.s32 v1, v4;
	_ =	sdelay $0x1  }
0x821: {  	v3 =	vadd.s32 v1, v3;
	_ =	sdelay $0x1  }
0x822: {  	s17 =	simm.s32 $0x2E00  }
0x823: {  	[tilespmem:s17], [sflag:$0x1] =	stream.indirect_vreg.gather [hbm4b:s1+s4], $0x80, v4, vm0, $0xb8;
	[tilespmem:$0x18E00] =	vst v63  }
0x824: {  	_ = 	snop  }
0x825: {  	[tilespmem:s18], [sflag:$0x1] =	stream.indirect_vreg.gather [hbm4b:s1+s4], $0x80, v3, vm0, $0xb8;
	[tilespmem:$0x18E00] =	vst v63  }
0x826: {  	v3 =	vld [tilespmem:$0xAB0];
	_ =	sdelay $0x4  }
0x827: {  	v11 =	vshll.u32 v3, $0x1  }
0x828: {  	v3 =	vand.u32 $0x7, v3;
	v4 =	vand.u32 $0xFFFFFFF0, v11  }
0x829: {  	v3 =	vor.u32 v3, v4  }
0x82a: {  	v4 =	vperm.xlane v3, v0;
	_ =	sdelay $0x1  }
0x82b: {  	v3 =	vperm.xlane v3, v2;
	v4 =	vadd.s32 v1, v4;
	_ =	sdelay $0x1  }
0x82c: {  	v3 =	vadd.s32 v1, v3;
	_ =	sdelay $0x1  }
0x82d: {  	s18 =	simm.s32 $0x3E00  }
0x82e: {  	[tilespmem:s18], [sflag:$0x1] =	stream.indirect_vreg.gather [hbm4b:s1+s4], $0x80, v4, vm0, $0xb8;
	[tilespmem:$0x18E00] =	vst v63  }
0x82f: {  	_ = 	snop  }
0x830: {  	[tilespmem:s20], [sflag:$0x1] =	stream.indirect_vreg.gather [hbm4b:s1+s4], $0x80, v3, vm0, $0xb8;
	[tilespmem:$0x18E00] =	vst v63  }
0x831: {  	v3 =	vld [tilespmem:$0xAC0];
	_ =	sdelay $0x4  }
0x832: {  	v12 =	vshll.u32 v3, $0x1  }
0x833: {  	v3 =	vand.u32 $0x7, v3;
	v4 =	vand.u32 $0xFFFFFFF0, v12  }
0x834: {  	v3 =	vor.u32 v3, v4  }
0x835: {  	v4 =	vperm.xlane v3, v0;
	_ =	sdelay $0x1  }
0x836: {  	v3 =	vperm.xlane v3, v2;
	v4 =	vadd.s32 v1, v4;
	_ =	sdelay $0x1  }
0x837: {  	v3 =	vadd.s32 v1, v3;
	_ =	sdelay $0x1  }
0x838: {  	s20 =	simm.s32 $0x4E00  }
0x839: {  	[tilespmem:s20], [sflag:$0x1] =	stream.indirect_vreg.gather [hbm4b:s1+s4], $0x80, v4, vm0, $0xb8;
	[tilespmem:$0x18E00] =	vst v63  }
0x83a: {  	_ = 	snop  }
0x83b: {  	[tilespmem:s21], [sflag:$0x1] =	stream.indirect_vreg.gather [hbm4b:s1+s4], $0x80, v3, vm0, $0xb8;
	[tilespmem:$0x18E00] =	vst v63  }
0x83c: {  	v3 =	vld [tilespmem:$0xAD0];
	_ =	sdelay $0x4  }
0x83d: {  	v13 =	vshll.u32 v3, $0x1  }
0x83e: {  	v3 =	vand.u32 $0x7, v3;
	v4 =	vand.u32 $0xFFFFFFF0, v13  }
0x83f: {  	v3 =	vor.u32 v3, v4  }
0x840: {  	v4 =	vperm.xlane v3, v0;
	_ =	sdelay $0x1  }
0x841: {  	v3 =	vperm.xlane v3, v2;
	v4 =	vadd.s32 v1, v4;
	_ =	sdelay $0x1  }
0x842: {  	v3 =	vadd.s32 v1, v3;
	_ =	sdelay $0x2  }
0x843: {  	[tilespmem:s12], [sflag:$0x1] =	stream.indirect_vreg.gather [hbm4b:s1+s4], $0x80, v4, vm0, $0xb8;
	[tilespmem:$0x18E00] =	vst v63  }
0x844: {  	_ = 	snop  }
0x845: {  	[tilespmem:s22], [sflag:$0x1] =	stream.indirect_vreg.gather [hbm4b:s1+s4], $0x80, v3, vm0, $0xb8;
	[tilespmem:$0x18E00] =	vst v63  }
0x846: {  	v3 =	vld [tilespmem:$0xAE0];
	_ =	sdelay $0x4  }
0x847: {  	v14 =	vshll.u32 v3, $0x1  }
0x848: {  	v3 =	vand.u32 $0x7, v3;
	v4 =	vand.u32 $0xFFFFFFF0, v14  }
0x849: {  	v3 =	vor.u32 v3, v4  }
0x84a: {  	v4 =	vperm.xlane v3, v0;
	_ =	sdelay $0x1  }
0x84b: {  	v3 =	vperm.xlane v3, v2;
	v4 =	vadd.s32 v1, v4;
	_ =	sdelay $0x1  }
0x84c: {  	v3 =	vadd.s32 v1, v3;
	_ =	sdelay $0x2  }
0x84d: {  	[tilespmem:s14], [sflag:$0x1] =	stream.indirect_vreg.gather [hbm4b:s1+s4], $0x80, v4, vm0, $0xb8;
	[tilespmem:$0x18E00] =	vst v63  }
0x84e: {  	_ = 	snop  }
0x84f: {  	[tilespmem:s23], [sflag:$0x1] =	stream.indirect_vreg.gather [hbm4b:s1+s4], $0x80, v3, vm0, $0xb8;
	[tilespmem:$0x18E00] =	vst v63  }
0x850: {  	v3 =	vld [tilespmem:$0xAF0];
	_ =	sdelay $0x4  }
0x851: {  	v15 =	vshll.u32 v3, $0x1  }
0x852: {  	v3 =	vand.u32 $0x7, v3;
	v4 =	vand.u32 $0xFFFFFFF0, v15  }
0x853: {  	v3 =	vor.u32 v3, v4  }
0x854: {  	v4 =	vperm.xlane v3, v0;
	_ =	sdelay $0x1  }
0x855: {  	v3 =	vperm.xlane v3, v2;
	v4 =	vadd.s32 v1, v4;
	_ =	sdelay $0x1  }
0x856: {  	v3 =	vadd.s32 v1, v3;
	_ =	sdelay $0x2  }
0x857: {  	[tilespmem:s15], [sflag:$0x1] =	stream.indirect_vreg.gather [hbm4b:s1+s4], $0x80, v4, vm0, $0xb8;
	[tilespmem:$0x18E00] =	vst v63  }
0x858: {  	s22 =	simm.s32 $0x8600  }
0x859: {  	[tilespmem:s22], [sflag:$0x1] =	stream.indirect_vreg.gather [hbm4b:s1+s4], $0x80, v3, vm0, $0xb8;
	[tilespmem:$0x18E00] =	vst v63  }
0x85a: {  	_ =	swait.ge [sflag:s3], $0x8000  }
0x85b: {  	s23 =	sld [smem:$0x7EF]  }
0x85c: {  	[sflag:s3] =	ssyncset.done $0x0  }
0x85d: {  	s8 =	simm.s32 $0x10E00;
	[sflag:s3] =	ssyncadd.s32 $0xFFFF8000  }
0x85e: {  	[hbm4b:s23+s4] =	stream.linear.scatter [tilespmem:s8], [sflag:$0x2], $0x8000, $0x38;
	[tilespmem:$0x18E00] =	vst v63  }
0x85f: {  	_ =	swait.ge [sflag:s25], $0x8000  }
0x860: {  	[sflag:s25] =	ssyncset.done $0x0  }
0x861: {  	[sflag:s25] =	ssyncadd.s32 $0xFFFF8000  }
0x862: {  	v3 =	vld [tilespmem:$0xB00];
	_ =	sdelay $0x4  }
0x863: {  	v16 =	vshll.u32 v3, $0x1  }
0x864: {  	v3 =	vand.u32 $0x7, v3;
	v4 =	vand.u32 $0xFFFFFFF0, v16  }
0x865: {  	v3 =	vor.u32 v3, v4  }
0x866: {  	v4 =	vperm.xlane v3, v0;
	_ =	sdelay $0x1  }
0x867: {  	v3 =	vperm.xlane v3, v2;
	v4 =	vadd.s32 v1, v4;
	_ =	sdelay $0x1  }
0x868: {  	v3 =	vadd.s32 v1, v3;
	_ =	sdelay $0x2  }
0x869: {  	[tilespmem:s7], [sflag:$0x1] =	stream.indirect_vreg.gather [hbm4b:s1+s4], $0x80, v4, vm0, $0xb8;
	[tilespmem:$0x18E00] =	vst v63  }
0x86a: {  	_ = 	snop  }
0x86b: {  	[tilespmem:s29], [sflag:$0x1] =	stream.indirect_vreg.gather [hbm4b:s1+s4], $0x80, v3, vm0, $0xb8;
	[tilespmem:$0x18E00] =	vst v63  }
0x86c: {  	v3 =	vld [tilespmem:$0xB10];
	_ =	sdelay $0x4  }
0x86d: {  	v17 =	vshll.u32 v3, $0x1  }
0x86e: {  	v3 =	vand.u32 $0x7, v3;
	v4 =	vand.u32 $0xFFFFFFF0, v17  }
0x86f: {  	v3 =	vor.u32 v3, v4  }
0x870: {  	v4 =	vperm.xlane v3, v0;
	_ =	sdelay $0x1  }
0x871: {  	v3 =	vperm.xlane v3, v2;
	v4 =	vadd.s32 v1, v4;
	_ =	sdelay $0x1  }
0x872: {  	v3 =	vadd.s32 v1, v3;
	_ =	sdelay $0x1  }
0x873: {  	s7 =	simm.s32 $0x9E00  }
0x874: {  	[tilespmem:s7], [sflag:$0x1] =	stream.indirect_vreg.gather [hbm4b:s1+s4], $0x80, v4, vm0, $0xb8;
	[tilespmem:$0x18E00] =	vst v63  }
0x875: {  	_ = 	snop  }
0x876: {  	[tilespmem:s11], [sflag:$0x1] =	stream.indirect_vreg.gather [hbm4b:s1+s4], $0x80, v3, vm0, $0xb8;
	[tilespmem:$0x18E00] =	vst v63  }
0x877: {  	v3 =	vld [tilespmem:$0xB20];
	_ =	sdelay $0x4  }
0x878: {  	v18 =	vshll.u32 v3, $0x1  }
0x879: {  	v3 =	vand.u32 $0x7, v3;
	v4 =	vand.u32 $0xFFFFFFF0, v18  }
0x87a: {  	v3 =	vor.u32 v3, v4  }
0x87b: {  	v4 =	vperm.xlane v3, v0;
	_ =	sdelay $0x1  }
0x87c: {  	v3 =	vperm.xlane v3, v2;
	v4 =	vadd.s32 v1, v4;
	_ =	sdelay $0x1  }
0x87d: {  	v3 =	vadd.s32 v1, v3;
	_ =	sdelay $0x1  }
0x87e: {  	s12 =	simm.s32 $0xAE00  }
0x87f: {  	[tilespmem:s12], [sflag:$0x1] =	stream.indirect_vreg.gather [hbm4b:s1+s4], $0x80, v4, vm0, $0xb8;
	[tilespmem:$0x18E00] =	vst v63  }
0x880: {  	_ = 	snop  }
0x881: {  	[tilespmem:s10], [sflag:$0x1] =	stream.indirect_vreg.gather [hbm4b:s1+s4], $0x80, v3, vm0, $0xb8;
	[tilespmem:$0x18E00] =	vst v63  }
0x882: {  	v3 =	vld [tilespmem:$0xB30];
	_ =	sdelay $0x4  }
0x883: {  	v19 =	vshll.u32 v3, $0x1  }
0x884: {  	v3 =	vand.u32 $0x7, v3;
	v4 =	vand.u32 $0xFFFFFFF0, v19  }
0x885: {  	v3 =	vor.u32 v3, v4  }
0x886: {  	v4 =	vperm.xlane v3, v0;
	_ =	sdelay $0x1  }
0x887: {  	v3 =	vperm.xlane v3, v2;
	v4 =	vadd.s32 v1, v4;
	_ =	sdelay $0x1  }
0x888: {  	v3 =	vadd.s32 v1, v3;
	_ =	sdelay $0x1  }
0x889: {  	s14 =	simm.s32 $0xBE00  }
0x88a: {  	[tilespmem:s14], [sflag:$0x1] =	stream.indirect_vreg.gather [hbm4b:s1+s4], $0x80, v4, vm0, $0xb8;
	[tilespmem:$0x18E00] =	vst v63  }
0x88b: {  	s15 =	simm.s32 $0xC600  }
0x88c: {  	[tilespmem:s15], [sflag:$0x1] =	stream.indirect_vreg.gather [hbm4b:s1+s4], $0x80, v3, vm0, $0xb8;
	[tilespmem:$0x18E00] =	vst v63  }
0x88d: {  	v3 =	vld [tilespmem:$0xB40];
	_ =	sdelay $0x4  }
0x88e: {  	v20 =	vshll.u32 v3, $0x1  }
0x88f: {  	v3 =	vand.u32 $0x7, v3;
	v4 =	vand.u32 $0xFFFFFFF0, v20  }
0x890: {  	v3 =	vor.u32 v3, v4  }
0x891: {  	v4 =	vperm.xlane v3, v0;
	_ =	sdelay $0x1  }
0x892: {  	v3 =	vperm.xlane v3, v2;
	v4 =	vadd.s32 v1, v4;
	_ =	sdelay $0x1  }
0x893: {  	v3 =	vadd.s32 v1, v3;
	_ =	sdelay $0x2  }
0x894: {  	[tilespmem:s6], [sflag:$0x1] =	stream.indirect_vreg.gather [hbm4b:s1+s4], $0x80, v4, vm0, $0xb8;
	[tilespmem:$0x18E00] =	vst v63  }
0x895: {  	s16 =	simm.s32 $0xD600  }
0x896: {  	[tilespmem:s16], [sflag:$0x1] =	stream.indirect_vreg.gather [hbm4b:s1+s4], $0x80, v3, vm0, $0xb8;
	[tilespmem:$0x18E00] =	vst v63  }
0x897: {  	v3 =	vld [tilespmem:$0xB50];
	_ =	sdelay $0x4  }
0x898: {  	v21 =	vshll.u32 v3, $0x1  }
0x899: {  	v3 =	vand.u32 $0x7, v3;
	v4 =	vand.u32 $0xFFFFFFF0, v21  }
0x89a: {  	v3 =	vor.u32 v3, v4  }
0x89b: {  	v4 =	vperm.xlane v3, v0;
	_ =	sdelay $0x1  }
0x89c: {  	v3 =	vperm.xlane v3, v2;
	v4 =	vadd.s32 v1, v4;
	_ =	sdelay $0x1  }
0x89d: {  	v3 =	vadd.s32 v1, v3;
	_ =	sdelay $0x2  }
0x89e: {  	[tilespmem:s19], [sflag:$0x1] =	stream.indirect_vreg.gather [hbm4b:s1+s4], $0x80, v4, vm0, $0xb8;
	[tilespmem:$0x18E00] =	vst v63  }
0x89f: {  	s17 =	simm.s32 $0xE600  }
0x8a0: {  	[tilespmem:s17], [sflag:$0x1] =	stream.indirect_vreg.gather [hbm4b:s1+s4], $0x80, v3, vm0, $0xb8;
	[tilespmem:$0x18E00] =	vst v63  }
0x8a1: {  	v3 =	vld [tilespmem:$0xB60];
	_ =	sdelay $0x4  }
0x8a2: {  	v22 =	vshll.u32 v3, $0x1  }
0x8a3: {  	v3 =	vand.u32 $0x7, v3;
	v4 =	vand.u32 $0xFFFFFFF0, v22  }
0x8a4: {  	v3 =	vor.u32 v3, v4  }
0x8a5: {  	v4 =	vperm.xlane v3, v0;
	_ =	sdelay $0x1  }
0x8a6: {  	v3 =	vperm.xlane v3, v2;
	v4 =	vadd.s32 v1, v4;
	_ =	sdelay $0x1  }
0x8a7: {  	v3 =	vadd.s32 v1, v3;
	_ =	sdelay $0x2  }
0x8a8: {  	[tilespmem:s24], [sflag:$0x1] =	stream.indirect_vreg.gather [hbm4b:s1+s4], $0x80, v4, vm0, $0xb8;
	[tilespmem:$0x18E00] =	vst v63  }
0x8a9: {  	s18 =	simm.s32 $0xF600  }
0x8aa: {  	[tilespmem:s18], [sflag:$0x1] =	stream.indirect_vreg.gather [hbm4b:s1+s4], $0x80, v3, vm0, $0xb8;
	[tilespmem:$0x18E00] =	vst v63  }
0x8ab: {  	v3 =	vld [tilespmem:$0xB70];
	_ =	sdelay $0x4  }
0x8ac: {  	v23 =	vshll.u32 v3, $0x1  }
0x8ad: {  	v3 =	vand.u32 $0x7, v3;
	v4 =	vand.u32 $0xFFFFFFF0, v23  }
0x8ae: {  	v3 =	vor.u32 v3, v4  }
0x8af: {  	v4 =	vperm.xlane v3, v0;
	_ =	sdelay $0x1  }
0x8b0: {  	v3 =	vperm.xlane v3, v2;
	v4 =	vadd.s32 v1, v4;
	_ =	sdelay $0x1  }
0x8b1: {  	v3 =	vadd.s32 v1, v3;
	_ =	sdelay $0x1  }
0x8b2: {  	s20 =	simm.s32 $0xFE00  }
0x8b3: {  	[tilespmem:s20], [sflag:$0x1] =	stream.indirect_vreg.gather [hbm4b:s1+s4], $0x80, v4, vm0, $0xb8;
	[tilespmem:$0x18E00] =	vst v63  }
0x8b4: {  	s22 =	simm.s32 $0x10600  }
0x8b5: {  	[tilespmem:s22], [sflag:$0x1] =	stream.indirect_vreg.gather [hbm4b:s1+s4], $0x80, v3, vm0, $0xb8;
	[tilespmem:$0x18E00] =	vst v63  }
0x8b6: {  	_ =	swait.ge [sflag:s3], $0x8000  }
0x8b7: {  	s23 =	sld [smem:$0x7F0]  }
0x8b8: {  	[sflag:s3] =	ssyncset.done $0x0  }
0x8b9: {  	s6 =	simm.s32 $0xE00;
	[sflag:s3] =	ssyncadd.s32 $0xFFFF8000  }
0x8ba: {  	[hbm4b:s23+s4] =	stream.linear.scatter [tilespmem:s6], [sflag:$0x2], $0x8000, $0x38;
	[tilespmem:$0x18E00] =	vst v63  }
0x8bb: {  	_ =	swait.ge [sflag:s25], $0x8000  }
0x8bc: {  	[sflag:s25] =	ssyncset.done $0x0  }
0x8bd: {  	[sflag:s25] =	ssyncadd.s32 $0xFFFF8000  }
0x8be: {  	v3 =	vld [tilespmem:$0xB80];
	_ =	sdelay $0x4  }
0x8bf: {  	v24 =	vshll.u32 v3, $0x1  }
0x8c0: {  	v3 =	vand.u32 $0x7, v3;
	v4 =	vand.u32 $0xFFFFFFF0, v24  }
0x8c1: {  	v3 =	vor.u32 v3, v4  }
0x8c2: {  	v4 =	vperm.xlane v3, v0;
	_ =	sdelay $0x1  }
0x8c3: {  	v3 =	vperm.xlane v3, v2;
	v4 =	vadd.s32 v1, v4;
	_ =	sdelay $0x1  }
0x8c4: {  	v3 =	vadd.s32 v1, v3;
	_ =	sdelay $0x2  }
0x8c5: {  	[tilespmem:s8], [sflag:$0x1] =	stream.indirect_vreg.gather [hbm4b:s1+s4], $0x80, v4, vm0, $0xb8;
	[tilespmem:$0x18E00] =	vst v63  }
0x8c6: {  	s29 =	simm.s32 $0x11600  }
0x8c7: {  	[tilespmem:s29], [sflag:$0x1] =	stream.indirect_vreg.gather [hbm4b:s1+s4], $0x80, v3, vm0, $0xb8;
	[tilespmem:$0x18E00] =	vst v63  }
0x8c8: {  	v3 =	vld [tilespmem:$0xB90];
	_ =	sdelay $0x4  }
0x8c9: {  	v25 =	vshll.u32 v3, $0x1  }
0x8ca: {  	v3 =	vand.u32 $0x7, v3;
	v4 =	vand.u32 $0xFFFFFFF0, v25  }
0x8cb: {  	v3 =	vor.u32 v3, v4  }
0x8cc: {  	v4 =	vperm.xlane v3, v0;
	_ =	sdelay $0x1  }
0x8cd: {  	v3 =	vperm.xlane v3, v2;
	v4 =	vadd.s32 v1, v4;
	_ =	sdelay $0x1  }
0x8ce: {  	v3 =	vadd.s32 v1, v3;
	_ =	sdelay $0x1  }
0x8cf: {  	s8 =	simm.s32 $0x11E00  }
0x8d0: {  	[tilespmem:s8], [sflag:$0x1] =	stream.indirect_vreg.gather [hbm4b:s1+s4], $0x80, v4, vm0, $0xb8;
	[tilespmem:$0x18E00] =	vst v63  }
0x8d1: {  	s9 =	simm.s32 $0x12600  }
0x8d2: {  	[tilespmem:s9], [sflag:$0x1] =	stream.indirect_vreg.gather [hbm4b:s1+s4], $0x80, v3, vm0, $0xb8;
	[tilespmem:$0x18E00] =	vst v63  }
0x8d3: {  	v3 =	vld [tilespmem:$0xBA0];
	_ =	sdelay $0x4  }
0x8d4: {  	v26 =	vshll.u32 v3, $0x1  }
0x8d5: {  	v3 =	vand.u32 $0x7, v3;
	v4 =	vand.u32 $0xFFFFFFF0, v26  }
0x8d6: {  	v3 =	vor.u32 v3, v4  }
0x8d7: {  	v4 =	vperm.xlane v3, v0;
	_ =	sdelay $0x1  }
0x8d8: {  	v3 =	vperm.xlane v3, v2;
	v4 =	vadd.s32 v1, v4;
	_ =	sdelay $0x1  }
0x8d9: {  	v3 =	vadd.s32 v1, v3;
	_ =	sdelay $0x2  }
0x8da: {  	[tilespmem:s30], [sflag:$0x1] =	stream.indirect_vreg.gather [hbm4b:s1+s4], $0x80, v4, vm0, $0xb8;
	[tilespmem:$0x18E00] =	vst v63  }
0x8db: {  	s20 =	simm.s32 $0x13600  }
0x8dc: {  	[tilespmem:s20], [sflag:$0x1] =	stream.indirect_vreg.gather [hbm4b:s1+s4], $0x80, v3, vm0, $0xb8;
	[tilespmem:$0x18E00] =	vst v63  }
0x8dd: {  	v3 =	vld [tilespmem:$0xBB0];
	_ =	sdelay $0x4  }
0x8de: {  	v27 =	vshll.u32 v3, $0x1  }
0x8df: {  	v3 =	vand.u32 $0x7, v3;
	v4 =	vand.u32 $0xFFFFFFF0, v27  }
0x8e0: {  	v3 =	vor.u32 v3, v4  }
0x8e1: {  	v4 =	vperm.xlane v3, v0;
	_ =	sdelay $0x1  }
0x8e2: {  	v3 =	vperm.xlane v3, v2;
	v4 =	vadd.s32 v1, v4;
	_ =	sdelay $0x1  }
0x8e3: {  	v3 =	vadd.s32 v1, v3;
	_ =	sdelay $0x1  }
0x8e4: {  	s22 =	simm.s32 $0x13E00  }
0x8e5: {  	[tilespmem:s22], [sflag:$0x1] =	stream.indirect_vreg.gather [hbm4b:s1+s4], $0x80, v4, vm0, $0xb8;
	[tilespmem:$0x18E00] =	vst v63  }
0x8e6: {  	s23 =	simm.s32 $0x14600  }
0x8e7: {  	[tilespmem:s23], [sflag:$0x1] =	stream.indirect_vreg.gather [hbm4b:s1+s4], $0x80, v3, vm0, $0xb8;
	[tilespmem:$0x18E00] =	vst v63  }
0x8e8: {  	v3 =	vld [tilespmem:$0xBC0];
	_ =	sdelay $0x4  }
0x8e9: {  	v28 =	vshll.u32 v3, $0x1  }
0x8ea: {  	v3 =	vand.u32 $0x7, v3;
	v4 =	vand.u32 $0xFFFFFFF0, v28  }
0x8eb: {  	v3 =	vor.u32 v3, v4  }
0x8ec: {  	v4 =	vperm.xlane v3, v0;
	_ =	sdelay $0x1  }
0x8ed: {  	v3 =	vperm.xlane v3, v2;
	v4 =	vadd.s32 v1, v4;
	_ =	sdelay $0x1  }
0x8ee: {  	v3 =	vadd.s32 v1, v3;
	_ =	sdelay $0x1  }
0x8ef: {  	s26 =	simm.s32 $0x14E00  }
0x8f0: {  	[tilespmem:s26], [sflag:$0x1] =	stream.indirect_vreg.gather [hbm4b:s1+s4], $0x80, v4, vm0, $0xb8;
	[tilespmem:$0x18E00] =	vst v63  }
0x8f1: {  	_ = 	snop  }
0x8f2: {  	[tilespmem:s13], [sflag:$0x1] =	stream.indirect_vreg.gather [hbm4b:s1+s4], $0x80, v3, vm0, $0xb8;
	[tilespmem:$0x18E00] =	vst v63  }
0x8f3: {  	v3 =	vld [tilespmem:$0xBD0];
	_ =	sdelay $0x4  }
0x8f4: {  	v29 =	vshll.u32 v3, $0x1  }
0x8f5: {  	v3 =	vand.u32 $0x7, v3;
	v4 =	vand.u32 $0xFFFFFFF0, v29  }
0x8f6: {  	v3 =	vor.u32 v3, v4  }
0x8f7: {  	v4 =	vperm.xlane v3, v0;
	_ =	sdelay $0x1  }
0x8f8: {  	v3 =	vperm.xlane v3, v2;
	v4 =	vadd.s32 v1, v4;
	_ =	sdelay $0x1  }
0x8f9: {  	v3 =	vadd.s32 v1, v3;
	_ =	sdelay $0x2  }
0x8fa: {  	[tilespmem:s31], [sflag:$0x1] =	stream.indirect_vreg.gather [hbm4b:s1+s4], $0x80, v4, vm0, $0xb8;
	[tilespmem:$0x18E00] =	vst v63  }
0x8fb: {  	_ = 	snop  }
0x8fc: {  	[tilespmem:s2], [sflag:$0x1] =	stream.indirect_vreg.gather [hbm4b:s1+s4], $0x80, v3, vm0, $0xb8;
	[tilespmem:$0x18E00] =	vst v63  }
0x8fd: {  	v3 =	vld [tilespmem:$0xBE0];
	_ =	sdelay $0x4  }
0x8fe: {  	v30 =	vshll.u32 v3, $0x1  }
0x8ff: {  	v3 =	vand.u32 $0x7, v3;
	v4 =	vand.u32 $0xFFFFFFF0, v30  }
0x900: {  	v3 =	vor.u32 v3, v4  }
0x901: {  	v4 =	vperm.xlane v3, v0;
	_ =	sdelay $0x1  }
0x902: {  	v3 =	vperm.xlane v3, v2;
	v4 =	vadd.s32 v1, v4;
	_ =	sdelay $0x1  }
0x903: {  	v3 =	vadd.s32 v1, v3;
	_ =	sdelay $0x1  }
0x904: {  	s31 =	simm.s32 $0x16E00  }
0x905: {  	[tilespmem:s31], [sflag:$0x1] =	stream.indirect_vreg.gather [hbm4b:s1+s4], $0x80, v4, vm0, $0xb8;
	[tilespmem:$0x18E00] =	vst v63  }
0x906: {  	s8 =	simm.s32 $0x17600  }
0x907: {  	[tilespmem:s8], [sflag:$0x1] =	stream.indirect_vreg.gather [hbm4b:s1+s4], $0x80, v3, vm0, $0xb8;
	[tilespmem:$0x18E00] =	vst v63  }
0x908: {  	v3 =	vld [tilespmem:$0xBF0];
	_ =	sdelay $0x4  }
0x909: {  	v31 =	vshll.u32 v3, $0x1  }
0x90a: {  	v3 =	vand.u32 $0x7, v3;
	v4 =	vand.u32 $0xFFFFFFF0, v31  }
0x90b: {  	v3 =	vor.u32 v3, v4  }
0x90c: {  	v4 =	vperm.xlane v3, v0;
	_ =	sdelay $0x1  }
0x90d: {  	v3 =	vperm.xlane v3, v2;
	v4 =	vadd.s32 v1, v4;
	_ =	sdelay $0x1  }
0x90e: {  	v3 =	vadd.s32 v1, v3;
	_ =	sdelay $0x2  }
0x90f: {  	[tilespmem:s28], [sflag:$0x1] =	stream.indirect_vreg.gather [hbm4b:s1+s4], $0x80, v4, vm0, $0xb8;
	[tilespmem:$0x18E00] =	vst v63  }
0x910: {  	s9 =	simm.s32 $0x18600  }
0x911: {  	[tilespmem:s9], [sflag:$0x1] =	stream.indirect_vreg.gather [hbm4b:s1+s4], $0x80, v3, vm0, $0xb8;
	[tilespmem:$0x18E00] =	vst v63  }
0x912: {  	_ =	swait.ge [sflag:s3], $0x8000  }
0x913: {  	s2 =	sld [smem:$0x7F1]  }
0x914: {  	[sflag:s3] =	ssyncset.done $0x0  }
0x915: {  	s7 =	simm.s32 $0x8E00;
	[sflag:s3] =	ssyncadd.s32 $0xFFFF8000  }
0x916: {  	[hbm4b:s2+s4] =	stream.linear.scatter [tilespmem:s7], [sflag:$0x2], $0x8000, $0x38;
	[tilespmem:$0x18E00] =	vst v63  }
0x917: {  	_ =	swait.ge [sflag:s25], $0x8000  }
0x918: {  	[sflag:s25] =	ssyncset.done $0x0  }
0x919: {  	[sflag:s25] =	ssyncadd.s32 $0xFFFF8000  }
0x91a: {  	v3 =	vld [tilespmem:$0xC00];
	_ =	sdelay $0x4  }
0x91b: {  	v32 =	vshll.u32 v3, $0x1  }
0x91c: {  	v3 =	vand.u32 $0x7, v3;
	v4 =	vand.u32 $0xFFFFFFF0, v32  }
0x91d: {  	v3 =	vor.u32 v3, v4  }
0x91e: {  	v4 =	vperm.xlane v3, v0;
	_ =	sdelay $0x1  }
0x91f: {  	v3 =	vperm.xlane v3, v2;
	v4 =	vadd.s32 v1, v4;
	_ =	sdelay $0x1  }
0x920: {  	v3 =	vadd.s32 v1, v3;
	_ =	sdelay $0x2  }
0x921: {  	[tilespmem:s6], [sflag:$0x1] =	stream.indirect_vreg.gather [hbm4b:s1+s4], $0x80, v4, vm0, $0xb8;
	[tilespmem:$0x18E00] =	vst v63  }
0x922: {  	s22 =	simm.s32 $0x1600  }
0x923: {  	[tilespmem:s22], [sflag:$0x1] =	stream.indirect_vreg.gather [hbm4b:s1+s4], $0x80, v3, vm0, $0xb8;
	[tilespmem:$0x18E00] =	vst v63  }
0x924: {  	v3 =	vld [tilespmem:$0xC10];
	_ =	sdelay $0x4  }
0x925: {  	v33 =	vshll.u32 v3, $0x1  }
0x926: {  	v3 =	vand.u32 $0x7, v3;
	v4 =	vand.u32 $0xFFFFFFF0, v33  }
0x927: {  	v3 =	vor.u32 v3, v4  }
0x928: {  	v4 =	vperm.xlane v3, v0;
	_ =	sdelay $0x1  }
0x929: {  	v3 =	vperm.xlane v3, v2;
	v4 =	vadd.s32 v1, v4;
	_ =	sdelay $0x1  }
0x92a: {  	v3 =	vadd.s32 v1, v3;
	_ =	sdelay $0x2  }
0x92b: {  	[tilespmem:s5], [sflag:$0x1] =	stream.indirect_vreg.gather [hbm4b:s1+s4], $0x80, v4, vm0, $0xb8;
	[tilespmem:$0x18E00] =	vst v63  }
0x92c: {  	s26 =	simm.s32 $0x2600  }
0x92d: {  	[tilespmem:s26], [sflag:$0x1] =	stream.indirect_vreg.gather [hbm4b:s1+s4], $0x80, v3, vm0, $0xb8;
	[tilespmem:$0x18E00] =	vst v63  }
0x92e: {  	v3 =	vld [tilespmem:$0xC20];
	_ =	sdelay $0x4  }
0x92f: {  	v34 =	vshll.u32 v3, $0x1  }
0x930: {  	v3 =	vand.u32 $0x7, v3;
	v4 =	vand.u32 $0xFFFFFFF0, v34  }
0x931: {  	v3 =	vor.u32 v3, v4  }
0x932: {  	v4 =	vperm.xlane v3, v0;
	_ =	sdelay $0x1  }
0x933: {  	v3 =	vperm.xlane v3, v2;
	v4 =	vadd.s32 v1, v4;
	_ =	sdelay $0x1  }
0x934: {  	v3 =	vadd.s32 v1, v3;
	_ =	sdelay $0x1  }
0x935: {  	s5 =	simm.s32 $0x2E00  }
0x936: {  	[tilespmem:s5], [sflag:$0x1] =	stream.indirect_vreg.gather [hbm4b:s1+s4], $0x80, v4, vm0, $0xb8;
	[tilespmem:$0x18E00] =	vst v63  }
0x937: {  	s26 =	simm.s32 $0x3600  }
0x938: {  	[tilespmem:s26], [sflag:$0x1] =	stream.indirect_vreg.gather [hbm4b:s1+s4], $0x80, v3, vm0, $0xb8;
	[tilespmem:$0x18E00] =	vst v63  }
0x939: {  	v3 =	vld [tilespmem:$0xC30];
	_ =	sdelay $0x4  }
0x93a: {  	v35 =	vshll.u32 v3, $0x1  }
0x93b: {  	v3 =	vand.u32 $0x7, v3;
	v4 =	vand.u32 $0xFFFFFFF0, v35  }
0x93c: {  	v3 =	vor.u32 v3, v4  }
0x93d: {  	v4 =	vperm.xlane v3, v0;
	_ =	sdelay $0x1  }
0x93e: {  	v3 =	vperm.xlane v3, v2;
	v4 =	vadd.s32 v1, v4;
	_ =	sdelay $0x1  }
0x93f: {  	v3 =	vadd.s32 v1, v3;
	_ =	sdelay $0x1  }
0x940: {  	s5 =	simm.s32 $0x3E00  }
0x941: {  	[tilespmem:s5], [sflag:$0x1] =	stream.indirect_vreg.gather [hbm4b:s1+s4], $0x80, v4, vm0, $0xb8;
	[tilespmem:$0x18E00] =	vst v63  }
0x942: {  	s26 =	simm.s32 $0x4600  }
0x943: {  	[tilespmem:s26], [sflag:$0x1] =	stream.indirect_vreg.gather [hbm4b:s1+s4], $0x80, v3, vm0, $0xb8;
	[tilespmem:$0x18E00] =	vst v63  }
0x944: {  	v3 =	vld [tilespmem:$0xC40];
	_ =	sdelay $0x4  }
0x945: {  	v36 =	vshll.u32 v3, $0x1  }
0x946: {  	v3 =	vand.u32 $0x7, v3;
	v4 =	vand.u32 $0xFFFFFFF0, v36  }
0x947: {  	v3 =	vor.u32 v3, v4  }
0x948: {  	v4 =	vperm.xlane v3, v0;
	_ =	sdelay $0x1  }
0x949: {  	v3 =	vperm.xlane v3, v2;
	v4 =	vadd.s32 v1, v4;
	_ =	sdelay $0x1  }
0x94a: {  	v3 =	vadd.s32 v1, v3;
	_ =	sdelay $0x1  }
0x94b: {  	s5 =	simm.s32 $0x4E00  }
0x94c: {  	[tilespmem:s5], [sflag:$0x1] =	stream.indirect_vreg.gather [hbm4b:s1+s4], $0x80, v4, vm0, $0xb8;
	[tilespmem:$0x18E00] =	vst v63  }
0x94d: {  	s26 =	simm.s32 $0x5600  }
0x94e: {  	[tilespmem:s26], [sflag:$0x1] =	stream.indirect_vreg.gather [hbm4b:s1+s4], $0x80, v3, vm0, $0xb8;
	[tilespmem:$0x18E00] =	vst v63  }
0x94f: {  	v3 =	vld [tilespmem:$0xC50];
	_ =	sdelay $0x4  }
0x950: {  	v37 =	vshll.u32 v3, $0x1  }
0x951: {  	v3 =	vand.u32 $0x7, v3;
	v4 =	vand.u32 $0xFFFFFFF0, v37  }
0x952: {  	v3 =	vor.u32 v3, v4  }
0x953: {  	v4 =	vperm.xlane v3, v0;
	_ =	sdelay $0x1  }
0x954: {  	v3 =	vperm.xlane v3, v2;
	v4 =	vadd.s32 v1, v4;
	_ =	sdelay $0x1  }
0x955: {  	v3 =	vadd.s32 v1, v3;
	_ =	sdelay $0x1  }
0x956: {  	s5 =	simm.s32 $0x5E00  }
0x957: {  	[tilespmem:s5], [sflag:$0x1] =	stream.indirect_vreg.gather [hbm4b:s1+s4], $0x80, v4, vm0, $0xb8;
	[tilespmem:$0x18E00] =	vst v63  }
0x958: {  	s26 =	simm.s32 $0x6600  }
0x959: {  	[tilespmem:s26], [sflag:$0x1] =	stream.indirect_vreg.gather [hbm4b:s1+s4], $0x80, v3, vm0, $0xb8;
	[tilespmem:$0x18E00] =	vst v63  }
0x95a: {  	v3 =	vld [tilespmem:$0xC60];
	_ =	sdelay $0x4  }
0x95b: {  	v38 =	vshll.u32 v3, $0x1  }
0x95c: {  	v3 =	vand.u32 $0x7, v3;
	v4 =	vand.u32 $0xFFFFFFF0, v38  }
0x95d: {  	v3 =	vor.u32 v3, v4  }
0x95e: {  	v4 =	vperm.xlane v3, v0;
	_ =	sdelay $0x1  }
0x95f: {  	v3 =	vperm.xlane v3, v2;
	v4 =	vadd.s32 v1, v4;
	_ =	sdelay $0x1  }
0x960: {  	v3 =	vadd.s32 v1, v3;
	_ =	sdelay $0x1  }
0x961: {  	s5 =	simm.s32 $0x6E00  }
0x962: {  	[tilespmem:s5], [sflag:$0x1] =	stream.indirect_vreg.gather [hbm4b:s1+s4], $0x80, v4, vm0, $0xb8;
	[tilespmem:$0x18E00] =	vst v63  }
0x963: {  	s26 =	simm.s32 $0x7600  }
0x964: {  	[tilespmem:s26], [sflag:$0x1] =	stream.indirect_vreg.gather [hbm4b:s1+s4], $0x80, v3, vm0, $0xb8;
	[tilespmem:$0x18E00] =	vst v63  }
0x965: {  	v3 =	vld [tilespmem:$0xC70];
	_ =	sdelay $0x4  }
0x966: {  	v39 =	vshll.u32 v3, $0x1  }
0x967: {  	v3 =	vand.u32 $0x7, v3;
	v4 =	vand.u32 $0xFFFFFFF0, v39  }
0x968: {  	v3 =	vor.u32 v3, v4  }
0x969: {  	v4 =	vperm.xlane v3, v0;
	_ =	sdelay $0x1  }
0x96a: {  	v3 =	vperm.xlane v3, v2;
	v4 =	vadd.s32 v1, v4;
	_ =	sdelay $0x1  }
0x96b: {  	v3 =	vadd.s32 v1, v3;
	_ =	sdelay $0x1  }
0x96c: {  	s5 =	simm.s32 $0x7E00  }
0x96d: {  	[tilespmem:s5], [sflag:$0x1] =	stream.indirect_vreg.gather [hbm4b:s1+s4], $0x80, v4, vm0, $0xb8;
	[tilespmem:$0x18E00] =	vst v63  }
0x96e: {  	s26 =	simm.s32 $0x8600  }
0x96f: {  	[tilespmem:s26], [sflag:$0x1] =	stream.indirect_vreg.gather [hbm4b:s1+s4], $0x80, v3, vm0, $0xb8;
	[tilespmem:$0x18E00] =	vst v63  }
0x970: {  	_ =	swait.ge [sflag:s3], $0x8000  }
0x971: {  	s5 =	sld [smem:$0x7F2]  }
0x972: {  	[sflag:s3] =	ssyncset.done $0x0  }
0x973: {  	s2 =	simm.s32 $0x10E00;
	[sflag:s3] =	ssyncadd.s32 $0xFFFF8000  }
0x974: {  	[hbm4b:s5+s4] =	stream.linear.scatter [tilespmem:s2], [sflag:$0x2], $0x8000, $0x38;
	[tilespmem:$0x18E00] =	vst v63  }
0x975: {  	_ =	swait.ge [sflag:s25], $0x8000  }
0x976: {  	[sflag:s25] =	ssyncset.done $0x0  }
0x977: {  	[sflag:s25] =	ssyncadd.s32 $0xFFFF8000  }
0x978: {  	v3 =	vld [tilespmem:$0xC80];
	_ =	sdelay $0x4  }
0x979: {  	v40 =	vshll.u32 v3, $0x1  }
0x97a: {  	v3 =	vand.u32 $0x7, v3;
	v4 =	vand.u32 $0xFFFFFFF0, v40  }
0x97b: {  	v3 =	vor.u32 v3, v4  }
0x97c: {  	v4 =	vperm.xlane v3, v0;
	_ =	sdelay $0x1  }
0x97d: {  	v3 =	vperm.xlane v3, v2;
	v4 =	vadd.s32 v1, v4;
	_ =	sdelay $0x1  }
0x97e: {  	v3 =	vadd.s32 v1, v3;
	_ =	sdelay $0x2  }
0x97f: {  	[tilespmem:s7], [sflag:$0x1] =	stream.indirect_vreg.gather [hbm4b:s1+s4], $0x80, v4, vm0, $0xb8;
	[tilespmem:$0x18E00] =	vst v63  }
0x980: {  	s21 =	simm.s32 $0x9600  }
0x981: {  	[tilespmem:s21], [sflag:$0x1] =	stream.indirect_vreg.gather [hbm4b:s1+s4], $0x80, v3, vm0, $0xb8;
	[tilespmem:$0x18E00] =	vst v63  }
0x982: {  	v3 =	vld [tilespmem:$0xC90];
	_ =	sdelay $0x4  }
0x983: {  	v41 =	vshll.u32 v3, $0x1  }
0x984: {  	v3 =	vand.u32 $0x7, v3;
	v4 =	vand.u32 $0xFFFFFFF0, v41  }
0x985: {  	v3 =	vor.u32 v3, v4  }
0x986: {  	v4 =	vperm.xlane v3, v0;
	_ =	sdelay $0x1  }
0x987: {  	v3 =	vperm.xlane v3, v2;
	v4 =	vadd.s32 v1, v4;
	_ =	sdelay $0x1  }
0x988: {  	v3 =	vadd.s32 v1, v3;
	_ =	sdelay $0x1  }
0x989: {  	s26 =	simm.s32 $0x9E00  }
0x98a: {  	[tilespmem:s26], [sflag:$0x1] =	stream.indirect_vreg.gather [hbm4b:s1+s4], $0x80, v4, vm0, $0xb8;
	[tilespmem:$0x18E00] =	vst v63  }
0x98b: {  	s11 =	simm.s32 $0xA600  }
0x98c: {  	[tilespmem:s11], [sflag:$0x1] =	stream.indirect_vreg.gather [hbm4b:s1+s4], $0x80, v3, vm0, $0xb8;
	[tilespmem:$0x18E00] =	vst v63  }
0x98d: {  	v3 =	vld [tilespmem:$0xCA0];
	_ =	sdelay $0x4  }
0x98e: {  	v42 =	vshll.u32 v3, $0x1  }
0x98f: {  	v3 =	vand.u32 $0x7, v3;
	v4 =	vand.u32 $0xFFFFFFF0, v42  }
0x990: {  	v3 =	vor.u32 v3, v4  }
0x991: {  	v4 =	vperm.xlane v3, v0;
	_ =	sdelay $0x1  }
0x992: {  	v3 =	vperm.xlane v3, v2;
	v4 =	vadd.s32 v1, v4;
	_ =	sdelay $0x1  }
0x993: {  	v3 =	vadd.s32 v1, v3;
	_ =	sdelay $0x1  }
0x994: {  	s11 =	simm.s32 $0xAE00  }
0x995: {  	[tilespmem:s11], [sflag:$0x1] =	stream.indirect_vreg.gather [hbm4b:s1+s4], $0x80, v4, vm0, $0xb8;
	[tilespmem:$0x18E00] =	vst v63  }
0x996: {  	s12 =	simm.s32 $0xB600  }
0x997: {  	[tilespmem:s12], [sflag:$0x1] =	stream.indirect_vreg.gather [hbm4b:s1+s4], $0x80, v3, vm0, $0xb8;
	[tilespmem:$0x18E00] =	vst v63  }
0x998: {  	v3 =	vld [tilespmem:$0xCB0];
	_ =	sdelay $0x4  }
0x999: {  	v43 =	vshll.u32 v3, $0x1  }
0x99a: {  	v3 =	vand.u32 $0x7, v3;
	v4 =	vand.u32 $0xFFFFFFF0, v43  }
0x99b: {  	v3 =	vor.u32 v3, v4  }
0x99c: {  	v4 =	vperm.xlane v3, v0;
	_ =	sdelay $0x1  }
0x99d: {  	v3 =	vperm.xlane v3, v2;
	v4 =	vadd.s32 v1, v4;
	_ =	sdelay $0x1  }
0x99e: {  	v3 =	vadd.s32 v1, v3;
	_ =	sdelay $0x1  }
0x99f: {  	s12 =	simm.s32 $0xBE00  }
0x9a0: {  	[tilespmem:s12], [sflag:$0x1] =	stream.indirect_vreg.gather [hbm4b:s1+s4], $0x80, v4, vm0, $0xb8;
	[tilespmem:$0x18E00] =	vst v63  }
0x9a1: {  	s14 =	simm.s32 $0xC600  }
0x9a2: {  	[tilespmem:s14], [sflag:$0x1] =	stream.indirect_vreg.gather [hbm4b:s1+s4], $0x80, v3, vm0, $0xb8;
	[tilespmem:$0x18E00] =	vst v63  }
0x9a3: {  	v3 =	vld [tilespmem:$0xCC0];
	_ =	sdelay $0x4  }
0x9a4: {  	v44 =	vshll.u32 v3, $0x1  }
0x9a5: {  	v3 =	vand.u32 $0x7, v3;
	v4 =	vand.u32 $0xFFFFFFF0, v44  }
0x9a6: {  	v3 =	vor.u32 v3, v4  }
0x9a7: {  	v4 =	vperm.xlane v3, v0;
	_ =	sdelay $0x1  }
0x9a8: {  	v3 =	vperm.xlane v3, v2;
	v4 =	vadd.s32 v1, v4;
	_ =	sdelay $0x1  }
0x9a9: {  	v3 =	vadd.s32 v1, v3;
	_ =	sdelay $0x1  }
0x9aa: {  	s14 =	simm.s32 $0xCE00  }
0x9ab: {  	[tilespmem:s14], [sflag:$0x1] =	stream.indirect_vreg.gather [hbm4b:s1+s4], $0x80, v4, vm0, $0xb8;
	[tilespmem:$0x18E00] =	vst v63  }
0x9ac: {  	s15 =	simm.s32 $0xD600  }
0x9ad: {  	[tilespmem:s15], [sflag:$0x1] =	stream.indirect_vreg.gather [hbm4b:s1+s4], $0x80, v3, vm0, $0xb8;
	[tilespmem:$0x18E00] =	vst v63  }
0x9ae: {  	v3 =	vld [tilespmem:$0xCD0];
	_ =	sdelay $0x4  }
0x9af: {  	v45 =	vshll.u32 v3, $0x1  }
0x9b0: {  	v3 =	vand.u32 $0x7, v3;
	v4 =	vand.u32 $0xFFFFFFF0, v45  }
0x9b1: {  	v3 =	vor.u32 v3, v4  }
0x9b2: {  	v4 =	vperm.xlane v3, v0;
	_ =	sdelay $0x1  }
0x9b3: {  	v3 =	vperm.xlane v3, v2;
	v4 =	vadd.s32 v1, v4;
	_ =	sdelay $0x1  }
0x9b4: {  	v3 =	vadd.s32 v1, v3;
	_ =	sdelay $0x1  }
0x9b5: {  	s19 =	simm.s32 $0xDE00  }
0x9b6: {  	[tilespmem:s19], [sflag:$0x1] =	stream.indirect_vreg.gather [hbm4b:s1+s4], $0x80, v4, vm0, $0xb8;
	[tilespmem:$0x18E00] =	vst v63  }
0x9b7: {  	s16 =	simm.s32 $0xE600  }
0x9b8: {  	[tilespmem:s16], [sflag:$0x1] =	stream.indirect_vreg.gather [hbm4b:s1+s4], $0x80, v3, vm0, $0xb8;
	[tilespmem:$0x18E00] =	vst v63  }
0x9b9: {  	v3 =	vld [tilespmem:$0xCE0];
	_ =	sdelay $0x4  }
0x9ba: {  	v46 =	vshll.u32 v3, $0x1  }
0x9bb: {  	v3 =	vand.u32 $0x7, v3;
	v4 =	vand.u32 $0xFFFFFFF0, v46  }
0x9bc: {  	v3 =	vor.u32 v3, v4  }
0x9bd: {  	v4 =	vperm.xlane v3, v0;
	_ =	sdelay $0x1  }
0x9be: {  	v3 =	vperm.xlane v3, v2;
	v4 =	vadd.s32 v1, v4;
	_ =	sdelay $0x1  }
0x9bf: {  	v3 =	vadd.s32 v1, v3;
	_ =	sdelay $0x1  }
0x9c0: {  	s24 =	simm.s32 $0xEE00  }
0x9c1: {  	[tilespmem:s24], [sflag:$0x1] =	stream.indirect_vreg.gather [hbm4b:s1+s4], $0x80, v4, vm0, $0xb8;
	[tilespmem:$0x18E00] =	vst v63  }
0x9c2: {  	s17 =	simm.s32 $0xF600  }
0x9c3: {  	[tilespmem:s17], [sflag:$0x1] =	stream.indirect_vreg.gather [hbm4b:s1+s4], $0x80, v3, vm0, $0xb8;
	[tilespmem:$0x18E00] =	vst v63  }
0x9c4: {  	v3 =	vld [tilespmem:$0xCF0];
	_ =	sdelay $0x4  }
0x9c5: {  	v47 =	vshll.u32 v3, $0x1  }
0x9c6: {  	v3 =	vand.u32 $0x7, v3;
	v4 =	vand.u32 $0xFFFFFFF0, v47  }
0x9c7: {  	v3 =	vor.u32 v3, v4  }
0x9c8: {  	v4 =	vperm.xlane v3, v0;
	_ =	sdelay $0x1  }
0x9c9: {  	v3 =	vperm.xlane v3, v2;
	v4 =	vadd.s32 v1, v4;
	_ =	sdelay $0x1  }
0x9ca: {  	v3 =	vadd.s32 v1, v3;
	_ =	sdelay $0x1  }
0x9cb: {  	s10 =	simm.s32 $0xFE00  }
0x9cc: {  	[tilespmem:s10], [sflag:$0x1] =	stream.indirect_vreg.gather [hbm4b:s1+s4], $0x80, v4, vm0, $0xb8;
	[tilespmem:$0x18E00] =	vst v63  }
0x9cd: {  	s18 =	simm.s32 $0x10600  }
0x9ce: {  	[tilespmem:s18], [sflag:$0x1] =	stream.indirect_vreg.gather [hbm4b:s1+s4], $0x80, v3, vm0, $0xb8;
	[tilespmem:$0x18E00] =	vst v63  }
0x9cf: {  	s5 =	sld [smem:$0x7E9];
	_ =	swait.ge [sflag:s3], $0x8000  }
0x9d0: {  	s19 =	sld [smem:$0x7F3]  }
0x9d1: {  	[sflag:s3] =	ssyncset.done $0x0  }
0x9d2: {  	s6 =	simm.s32 $0xE00;
	[sflag:s3] =	ssyncadd.s32 $0xFFFF8000  }
0x9d3: {  	[hbm4b:s19+s4] =	stream.linear.scatter [tilespmem:s6], [sflag:$0x2], $0x8000, $0x38;
	[tilespmem:$0x18E00] =	vst v63  }
0x9d4: {  	_ =	swait.ge [sflag:s25], $0x8000  }
0x9d5: {  	[sflag:s25] =	ssyncset.done $0x0  }
0x9d6: {  	[sflag:s25] =	ssyncadd.s32 $0xFFFF8000  }
0x9d7: {  	v3 =	vld [tilespmem:$0xD00];
	_ =	sdelay $0x4  }
0x9d8: {  	v48 =	vshll.u32 v3, $0x1  }
0x9d9: {  	v3 =	vand.u32 $0x7, v3;
	v4 =	vand.u32 $0xFFFFFFF0, v48  }
0x9da: {  	v3 =	vor.u32 v3, v4  }
0x9db: {  	v4 =	vperm.xlane v3, v0;
	_ =	sdelay $0x1  }
0x9dc: {  	v3 =	vperm.xlane v3, v2;
	v4 =	vadd.s32 v1, v4;
	_ =	sdelay $0x1  }
0x9dd: {  	v3 =	vadd.s32 v1, v3;
	_ =	sdelay $0x2  }
0x9de: {  	[tilespmem:s2], [sflag:$0x1] =	stream.indirect_vreg.gather [hbm4b:s1+s4], $0x80, v4, vm0, $0xb8;
	[tilespmem:$0x18E00] =	vst v63  }
0x9df: {  	s21 =	simm.s32 $0x11600  }
0x9e0: {  	[tilespmem:s21], [sflag:$0x1] =	stream.indirect_vreg.gather [hbm4b:s1+s4], $0x80, v3, vm0, $0xb8;
	[tilespmem:$0x18E00] =	vst v63  }
0x9e1: {  	v3 =	vld [tilespmem:$0xD10];
	_ =	sdelay $0x4  }
0x9e2: {  	v49 =	vshll.u32 v3, $0x1  }
0x9e3: {  	v3 =	vand.u32 $0x7, v3;
	v4 =	vand.u32 $0xFFFFFFF0, v49  }
0x9e4: {  	v3 =	vor.u32 v3, v4  }
0x9e5: {  	v4 =	vperm.xlane v3, v0;
	_ =	sdelay $0x1  }
0x9e6: {  	v3 =	vperm.xlane v3, v2;
	v4 =	vadd.s32 v1, v4;
	_ =	sdelay $0x1  }
0x9e7: {  	v3 =	vadd.s32 v1, v3;
	_ =	sdelay $0x1  }
0x9e8: {  	s24 =	simm.s32 $0x11E00  }
0x9e9: {  	[tilespmem:s24], [sflag:$0x1] =	stream.indirect_vreg.gather [hbm4b:s1+s4], $0x80, v4, vm0, $0xb8;
	[tilespmem:$0x18E00] =	vst v63  }
0x9ea: {  	s26 =	simm.s32 $0x12600  }
0x9eb: {  	[tilespmem:s26], [sflag:$0x1] =	stream.indirect_vreg.gather [hbm4b:s1+s4], $0x80, v3, vm0, $0xb8;
	[tilespmem:$0x18E00] =	vst v63  }
0x9ec: {  	v3 =	vld [tilespmem:$0xD20];
	_ =	sdelay $0x4  }
0x9ed: {  	v50 =	vshll.u32 v3, $0x1  }
0x9ee: {  	v3 =	vand.u32 $0x7, v3;
	v4 =	vand.u32 $0xFFFFFFF0, v50  }
0x9ef: {  	v3 =	vor.u32 v3, v4  }
0x9f0: {  	v4 =	vperm.xlane v3, v0;
	_ =	sdelay $0x1  }
0x9f1: {  	v3 =	vperm.xlane v3, v2;
	v4 =	vadd.s32 v1, v4;
	_ =	sdelay $0x1  }
0x9f2: {  	v3 =	vadd.s32 v1, v3;
	_ =	sdelay $0x1  }
0x9f3: {  	s29 =	simm.s32 $0x12E00  }
0x9f4: {  	[tilespmem:s29], [sflag:$0x1] =	stream.indirect_vreg.gather [hbm4b:s1+s4], $0x80, v4, vm0, $0xb8;
	[tilespmem:$0x18E00] =	vst v63  }
0x9f5: {  	s29 =	simm.s32 $0x13600  }
0x9f6: {  	[tilespmem:s29], [sflag:$0x1] =	stream.indirect_vreg.gather [hbm4b:s1+s4], $0x80, v3, vm0, $0xb8;
	[tilespmem:$0x18E00] =	vst v63  }
0x9f7: {  	v3 =	vld [tilespmem:$0xD30];
	_ =	sdelay $0x4  }
0x9f8: {  	v51 =	vshll.u32 v3, $0x1  }
0x9f9: {  	v3 =	vand.u32 $0x7, v3;
	v4 =	vand.u32 $0xFFFFFFF0, v51  }
0x9fa: {  	v3 =	vor.u32 v3, v4  }
0x9fb: {  	v4 =	vperm.xlane v3, v0;
	_ =	sdelay $0x1  }
0x9fc: {  	v3 =	vperm.xlane v3, v2;
	v4 =	vadd.s32 v1, v4;
	_ =	sdelay $0x1  }
0x9fd: {  	v3 =	vadd.s32 v1, v3;
	_ =	sdelay $0x1  }
0x9fe: {  	s11 =	simm.s32 $0x13E00  }
0x9ff: {  	[tilespmem:s11], [sflag:$0x1] =	stream.indirect_vreg.gather [hbm4b:s1+s4], $0x80, v4, vm0, $0xb8;
	[tilespmem:$0x18E00] =	vst v63  }
0xa00: {  	s30 =	simm.s32 $0x14600  }
0xa01: {  	[tilespmem:s30], [sflag:$0x1] =	stream.indirect_vreg.gather [hbm4b:s1+s4], $0x80, v3, vm0, $0xb8;
	[tilespmem:$0x18E00] =	vst v63  }
0xa02: {  	v3 =	vld [tilespmem:$0xD40];
	_ =	sdelay $0x4  }
0xa03: {  	v52 =	vshll.u32 v3, $0x1  }
0xa04: {  	v3 =	vand.u32 $0x7, v3;
	v4 =	vand.u32 $0xFFFFFFF0, v52  }
0xa05: {  	v3 =	vor.u32 v3, v4  }
0xa06: {  	v4 =	vperm.xlane v3, v0;
	_ =	sdelay $0x1  }
0xa07: {  	v3 =	vperm.xlane v3, v2;
	v4 =	vadd.s32 v1, v4;
	_ =	sdelay $0x1  }
0xa08: {  	v3 =	vadd.s32 v1, v3;
	_ =	sdelay $0x1  }
0xa09: {  	s20 =	simm.s32 $0x14E00  }
0xa0a: {  	[tilespmem:s20], [sflag:$0x1] =	stream.indirect_vreg.gather [hbm4b:s1+s4], $0x80, v4, vm0, $0xb8;
	[tilespmem:$0x18E00] =	vst v63  }
0xa0b: {  	s12 =	simm.s32 $0x15600  }
0xa0c: {  	[tilespmem:s12], [sflag:$0x1] =	stream.indirect_vreg.gather [hbm4b:s1+s4], $0x80, v3, vm0, $0xb8;
	[tilespmem:$0x18E00] =	vst v63  }
0xa0d: {  	v3 =	vld [tilespmem:$0xD50];
	_ =	sdelay $0x4  }
0xa0e: {  	v53 =	vshll.u32 v3, $0x1  }
0xa0f: {  	v3 =	vand.u32 $0x7, v3;
	v4 =	vand.u32 $0xFFFFFFF0, v53  }
0xa10: {  	v3 =	vor.u32 v3, v4  }
0xa11: {  	v4 =	vperm.xlane v3, v0;
	_ =	sdelay $0x1  }
0xa12: {  	v3 =	vperm.xlane v3, v2;
	v4 =	vadd.s32 v1, v4;
	_ =	sdelay $0x1  }
0xa13: {  	v3 =	vadd.s32 v1, v3;
	_ =	sdelay $0x1  }
0xa14: {  	s13 =	simm.s32 $0x15E00  }
0xa15: {  	[tilespmem:s13], [sflag:$0x1] =	stream.indirect_vreg.gather [hbm4b:s1+s4], $0x80, v4, vm0, $0xb8;
	[tilespmem:$0x18E00] =	vst v63  }
0xa16: {  	s23 =	simm.s32 $0x16600  }
0xa17: {  	[tilespmem:s23], [sflag:$0x1] =	stream.indirect_vreg.gather [hbm4b:s1+s4], $0x80, v3, vm0, $0xb8;
	[tilespmem:$0x18E00] =	vst v63  }
0xa18: {  	v3 =	vld [tilespmem:$0xD60];
	_ =	sdelay $0x4  }
0xa19: {  	v54 =	vshll.u32 v3, $0x1  }
0xa1a: {  	v3 =	vand.u32 $0x7, v3;
	v4 =	vand.u32 $0xFFFFFFF0, v54  }
0xa1b: {  	v3 =	vor.u32 v3, v4  }
0xa1c: {  	v4 =	vperm.xlane v3, v0;
	_ =	sdelay $0x1  }
0xa1d: {  	v3 =	vperm.xlane v3, v2;
	v4 =	vadd.s32 v1, v4;
	_ =	sdelay $0x1  }
0xa1e: {  	v3 =	vadd.s32 v1, v3;
	_ =	sdelay $0x1  }
0xa1f: {  	s31 =	simm.s32 $0x16E00  }
0xa20: {  	[tilespmem:s31], [sflag:$0x1] =	stream.indirect_vreg.gather [hbm4b:s1+s4], $0x80, v4, vm0, $0xb8;
	[tilespmem:$0x18E00] =	vst v63  }
0xa21: {  	_ = 	snop  }
0xa22: {  	[tilespmem:s8], [sflag:$0x1] =	stream.indirect_vreg.gather [hbm4b:s1+s4], $0x80, v3, vm0, $0xb8;
	[tilespmem:$0x18E00] =	vst v63  }
0xa23: {  	v3 =	vld [tilespmem:$0xD70];
	_ =	sdelay $0x4  }
0xa24: {  	v55 =	vshll.u32 v3, $0x1  }
0xa25: {  	v3 =	vand.u32 $0x7, v3;
	v4 =	vand.u32 $0xFFFFFFF0, v55  }
0xa26: {  	v3 =	vor.u32 v3, v4  }
0xa27: {  	v4 =	vperm.xlane v3, v0;
	_ =	sdelay $0x1  }
0xa28: {  	v3 =	vperm.xlane v3, v2;
	v4 =	vadd.s32 v1, v4;
	_ =	sdelay $0x1  }
0xa29: {  	v3 =	vadd.s32 v1, v3;
	_ =	sdelay $0x1  }
0xa2a: {  	s28 =	simm.s32 $0x17E00  }
0xa2b: {  	[tilespmem:s28], [sflag:$0x1] =	stream.indirect_vreg.gather [hbm4b:s1+s4], $0x80, v4, vm0, $0xb8;
	[tilespmem:$0x18E00] =	vst v63  }
0xa2c: {  	_ = 	snop  }
0xa2d: {  	[tilespmem:s9], [sflag:$0x1] =	stream.indirect_vreg.gather [hbm4b:s1+s4], $0x80, v3, vm0, $0xb8;
	[tilespmem:$0x18E00] =	vst v63  }
0xa2e: {  	_ =	swait.ge [sflag:s3], $0x8000  }
0xa2f: {  	s13 =	sld [smem:$0x7F4]  }
0xa30: {  	[sflag:s3] =	ssyncset.done $0x0  }
0xa31: {  	s7 =	simm.s32 $0x8E00;
	[sflag:s3] =	ssyncadd.s32 $0xFFFF8000  }
0xa32: {  	[hbm4b:s13+s4] =	stream.linear.scatter [tilespmem:s7], [sflag:$0x2], $0x8000, $0x38;
	[tilespmem:$0x18E00] =	vst v63  }
0xa33: {  	_ =	swait.ge [sflag:s25], $0x8000  }
0xa34: {  	[sflag:s25] =	ssyncset.done $0x0  }
0xa35: {  	[sflag:s25] =	ssyncadd.s32 $0xFFFF8000  }
0xa36: {  	v3 =	vld [tilespmem:$0xD80];
	_ =	sdelay $0x4  }
0xa37: {  	v56 =	vshll.u32 v3, $0x1  }
0xa38: {  	v3 =	vand.u32 $0x7, v3;
	v4 =	vand.u32 $0xFFFFFFF0, v56  }
0xa39: {  	v3 =	vor.u32 v3, v4  }
0xa3a: {  	v4 =	vperm.xlane v3, v0;
	_ =	sdelay $0x1  }
0xa3b: {  	v3 =	vperm.xlane v3, v2;
	v4 =	vadd.s32 v1, v4;
	_ =	sdelay $0x1  }
0xa3c: {  	v3 =	vadd.s32 v1, v3;
	_ =	sdelay $0x2  }
0xa3d: {  	[tilespmem:s6], [sflag:$0x1] =	stream.indirect_vreg.gather [hbm4b:s1+s4], $0x80, v4, vm0, $0xb8;
	[tilespmem:$0x18E00] =	vst v63  }
0xa3e: {  	s14 =	simm.s32 $0x1600  }
0xa3f: {  	[tilespmem:s14], [sflag:$0x1] =	stream.indirect_vreg.gather [hbm4b:s1+s4], $0x80, v3, vm0, $0xb8;
	[tilespmem:$0x18E00] =	vst v63  }
0xa40: {  	v3 =	vld [tilespmem:$0xD90];
	_ =	sdelay $0x4  }
0xa41: {  	v57 =	vshll.u32 v3, $0x1  }
0xa42: {  	v3 =	vand.u32 $0x7, v3;
	v4 =	vand.u32 $0xFFFFFFF0, v57  }
0xa43: {  	v3 =	vor.u32 v3, v4  }
0xa44: {  	v4 =	vperm.xlane v3, v0;
	_ =	sdelay $0x1  }
0xa45: {  	v3 =	vperm.xlane v3, v2;
	v4 =	vadd.s32 v1, v4;
	_ =	sdelay $0x1  }
0xa46: {  	v3 =	vadd.s32 v1, v3;
	_ =	sdelay $0x1  }
0xa47: {  	s22 =	simm.s32 $0x1E00  }
0xa48: {  	[tilespmem:s22], [sflag:$0x1] =	stream.indirect_vreg.gather [hbm4b:s1+s4], $0x80, v4, vm0, $0xb8;
	[tilespmem:$0x18E00] =	vst v63  }
0xa49: {  	s15 =	simm.s32 $0x2600  }
0xa4a: {  	[tilespmem:s15], [sflag:$0x1] =	stream.indirect_vreg.gather [hbm4b:s1+s4], $0x80, v3, vm0, $0xb8;
	[tilespmem:$0x18E00] =	vst v63  }
0xa4b: {  	v3 =	vld [tilespmem:$0xDA0];
	_ =	sdelay $0x4  }
0xa4c: {  	v58 =	vshll.u32 v3, $0x1  }
0xa4d: {  	v3 =	vand.u32 $0x7, v3;
	v4 =	vand.u32 $0xFFFFFFF0, v58  }
0xa4e: {  	v3 =	vor.u32 v3, v4  }
0xa4f: {  	v4 =	vperm.xlane v3, v0;
	_ =	sdelay $0x1  }
0xa50: {  	v3 =	vperm.xlane v3, v2;
	v4 =	vadd.s32 v1, v4;
	_ =	sdelay $0x1  }
0xa51: {  	v3 =	vadd.s32 v1, v3;
	_ =	sdelay $0x1  }
0xa52: {  	s16 =	simm.s32 $0x2E00  }
0xa53: {  	[tilespmem:s16], [sflag:$0x1] =	stream.indirect_vreg.gather [hbm4b:s1+s4], $0x80, v4, vm0, $0xb8;
	[tilespmem:$0x18E00] =	vst v63  }
0xa54: {  	s17 =	simm.s32 $0x3600  }
0xa55: {  	[tilespmem:s17], [sflag:$0x1] =	stream.indirect_vreg.gather [hbm4b:s1+s4], $0x80, v3, vm0, $0xb8;
	[tilespmem:$0x18E00] =	vst v63  }
0xa56: {  	v3 =	vld [tilespmem:$0xDB0];
	_ =	sdelay $0x4  }
0xa57: {  	v59 =	vshll.u32 v3, $0x1  }
0xa58: {  	v3 =	vand.u32 $0x7, v3;
	v4 =	vand.u32 $0xFFFFFFF0, v59  }
0xa59: {  	v3 =	vor.u32 v3, v4  }
0xa5a: {  	v4 =	vperm.xlane v3, v0;
	_ =	sdelay $0x1  }
0xa5b: {  	v3 =	vperm.xlane v3, v2;
	v4 =	vadd.s32 v1, v4;
	_ =	sdelay $0x1  }
0xa5c: {  	v3 =	vadd.s32 v1, v3;
	_ =	sdelay $0x1  }
0xa5d: {  	s18 =	simm.s32 $0x3E00  }
0xa5e: {  	[tilespmem:s18], [sflag:$0x1] =	stream.indirect_vreg.gather [hbm4b:s1+s4], $0x80, v4, vm0, $0xb8;
	[tilespmem:$0x18E00] =	vst v63  }
0xa5f: {  	s19 =	simm.s32 $0x4600  }
0xa60: {  	[tilespmem:s19], [sflag:$0x1] =	stream.indirect_vreg.gather [hbm4b:s1+s4], $0x80, v3, vm0, $0xb8;
	[tilespmem:$0x18E00] =	vst v63  }
0xa61: {  	v3 =	vld [tilespmem:$0xDC0];
	_ =	sdelay $0x4  }
0xa62: {  	v60 =	vshll.u32 v3, $0x1  }
0xa63: {  	v3 =	vand.u32 $0x7, v3;
	v4 =	vand.u32 $0xFFFFFFF0, v60  }
0xa64: {  	v3 =	vor.u32 v3, v4  }
0xa65: {  	v4 =	vperm.xlane v3, v0;
	_ =	sdelay $0x1  }
0xa66: {  	v3 =	vperm.xlane v3, v2;
	v4 =	vadd.s32 v1, v4;
	_ =	sdelay $0x1  }
0xa67: {  	v3 =	vadd.s32 v1, v3;
	_ =	sdelay $0x1  }
0xa68: {  	s20 =	simm.s32 $0x4E00  }
0xa69: {  	[tilespmem:s20], [sflag:$0x1] =	stream.indirect_vreg.gather [hbm4b:s1+s4], $0x80, v4, vm0, $0xb8;
	[tilespmem:$0x18E00] =	vst v63  }
0xa6a: {  	s21 =	simm.s32 $0x5600  }
0xa6b: {  	[tilespmem:s21], [sflag:$0x1] =	stream.indirect_vreg.gather [hbm4b:s1+s4], $0x80, v3, vm0, $0xb8;
	[tilespmem:$0x18E00] =	vst v63  }
0xa6c: {  	v3 =	vld [tilespmem:$0xDD0];
	_ =	sdelay $0x4  }
0xa6d: {  	v61 =	vshll.u32 v3, $0x1  }
0xa6e: {  	v3 =	vand.u32 $0x7, v3;
	v4 =	vand.u32 $0xFFFFFFF0, v61  }
0xa6f: {  	v3 =	vor.u32 v3, v4  }
0xa70: {  	v4 =	vperm.xlane v3, v0;
	_ =	sdelay $0x1  }
0xa71: {  	v3 =	vperm.xlane v3, v2;
	v4 =	vadd.s32 v1, v4;
	_ =	sdelay $0x1  }
0xa72: {  	v3 =	vadd.s32 v1, v3;
	_ =	sdelay $0x1  }
0xa73: {  	s22 =	simm.s32 $0x5E00  }
0xa74: {  	[tilespmem:s22], [sflag:$0x1] =	stream.indirect_vreg.gather [hbm4b:s1+s4], $0x80, v4, vm0, $0xb8;
	[tilespmem:$0x18E00] =	vst v63  }
0xa75: {  	s23 =	simm.s32 $0x6600  }
0xa76: {  	[tilespmem:s23], [sflag:$0x1] =	stream.indirect_vreg.gather [hbm4b:s1+s4], $0x80, v3, vm0, $0xb8;
	[tilespmem:$0x18E00] =	vst v63  }
0xa77: {  	v3 =	vld [tilespmem:$0xDE0];
	_ =	sdelay $0x4  }
0xa78: {  	v62 =	vshll.u32 v3, $0x1  }
0xa79: {  	v3 =	vand.u32 $0x7, v3;
	v4 =	vand.u32 $0xFFFFFFF0, v62  }
0xa7a: {  	v3 =	vor.u32 v3, v4  }
0xa7b: {  	v4 =	vperm.xlane v3, v0;
	_ =	sdelay $0x1  }
0xa7c: {  	v3 =	vperm.xlane v3, v2;
	v4 =	vadd.s32 v1, v4;
	_ =	sdelay $0x1  }
0xa7d: {  	v3 =	vadd.s32 v1, v3;
	_ =	sdelay $0x1  }
0xa7e: {  	s24 =	simm.s32 $0x6E00  }
0xa7f: {  	[tilespmem:s24], [sflag:$0x1] =	stream.indirect_vreg.gather [hbm4b:s1+s4], $0x80, v4, vm0, $0xb8;
	[tilespmem:$0x18E00] =	vst v63  }
0xa80: {  	s26 =	simm.s32 $0x7600  }
0xa81: {  	[tilespmem:s26], [sflag:$0x1] =	stream.indirect_vreg.gather [hbm4b:s1+s4], $0x80, v3, vm0, $0xb8;
	[tilespmem:$0x18E00] =	vst v63  }
0xa82: {  	v3 =	vld [tilespmem:$0xDF0];
	_ =	sdelay $0x4  }
0xa83: {  	v63 =	vshll.u32 v3, $0x1  }
0xa84: {  	v3 =	vand.u32 $0x7, v3;
	v4 =	vand.u32 $0xFFFFFFF0, v63  }
0xa85: {  	v3 =	vor.u32 v3, v4  }
0xa86: {  	v4 =	vperm.xlane v3, v0;
	_ =	sdelay $0x1  }
0xa87: {  	v3 =	vperm.xlane v3, v2;
	v4 =	vadd.s32 v1, v4;
	_ =	sdelay $0x1  }
0xa88: {  	v3 =	vadd.s32 v1, v3;
	_ =	sdelay $0x1  }
0xa89: {  	s28 =	simm.s32 $0x7E00  }
0xa8a: {  	[tilespmem:s28], [sflag:$0x1] =	stream.indirect_vreg.gather [hbm4b:s1+s4], $0x80, v4, vm0, $0xb8;
	[tilespmem:$0x18E00] =	vst v63  }
0xa8b: {  	s29 =	simm.s32 $0x8600  }
0xa8c: {  	[tilespmem:s29], [sflag:$0x1] =	stream.indirect_vreg.gather [hbm4b:s1+s4], $0x80, v3, vm0, $0xb8;
	[tilespmem:$0x18E00] =	vst v63  }
0xa8d: {  	_ =	swait.ge [sflag:s3], $0x8000  }
0xa8e: {  	s30 =	sld [smem:$0x7F5]  }
0xa8f: {  	[sflag:s3] =	ssyncset.done $0x0  }
0xa90: {  	s2 =	simm.s32 $0x10E00;
	[sflag:s3] =	ssyncadd.s32 $0xFFFF8000  }
0xa91: {  	[hbm4b:s30+s4] =	stream.linear.scatter [tilespmem:s2], [sflag:$0x2], $0x8000, $0x38;
	[tilespmem:$0x18E00] =	vst v63  }
0xa92: {  	_ =	swait.ge [sflag:s3], $0x8000  }
0xa93: {  	s31 =	sld [smem:$0x7F7]  }
0xa94: {  	[sflag:s3] =	ssyncset.done $0x0  }
0xa95: {  	[sflag:s3] =	ssyncadd.s32 $0xFFFF8000  }
0xa96: {  	[hbm4b:s31+s4] =	stream.linear.scatter [tilespmem:s6], [sflag:$0x2], $0x8000, $0x38;
	[tilespmem:$0x18E00] =	vst v63  }
0xa97: {  	_ =	swait.ge [sflag:s25], $0x8000  }
0xa98: {  	[sflag:s25] =	ssyncset.done $0x0  }
0xa99: {  	[sflag:s25] =	ssyncadd.s32 $0xFFFF8000  }
0xa9a: {  	p0 =	sne.s32 s5, $0x1;
	_ =	swait.ge [sflag:s25], $0x8000  }
.Ltmp0:
0xa9b: {  	[sflag:s25] =	ssyncset.done $0x0;
	(pc) =	sbr.rel @p0 .LBB2_1-.Ltmp0, $4  }
0xa9c: {  	[sflag:s25] =	ssyncadd.s32 $0xFFFF8000  }
0xa9d: {  	_ =	swait.ge [sflag:s25], $0x8000  }
0xa9e: {  	[sflag:s25] =	ssyncset.done $0x0  }
0xa9f: {  	s5 =	sadd.s32 $0xFFFFFFFF, s5;
	[sflag:s25] =	ssyncadd.s32 $0xFFFF8000  }
0xaa0: {  	_ =	sfence.sel $0x180000  }
0xaa1: {  	[bflag:$0x0] =	sbarrier.arrive $0xFFFF  }
0xaa2: {  	_ =	strace $0x90000047  }
0xaa3: {  	s0 =	stileid.u32;
	[bflag:$0x2] =	sbarrier.arrive $0xFFFF  }
0xaa4: {  	p0 =	sne.s32 s0, $0x0;
	s0 =	rddreg [dreg:$0xa]  }
0xaa5: {  	s0 =	sadd.s32 @!p0 $0x100000, s0  }
0xaa6: {  	[sflag:s0] =	ssyncadd.tile.s32 @!p0 $0x1;
	_ =	shalt  }
.Lfunc_end2:
_tile_overlayer_lowered:
.L_overlay_start_2:
0xaa7: {  	(tag) =	ssettag $0x2  }
0xaa8: {  	s0 =	rddreg [dreg:$0x0];
	s2 =	stileid.u32  }
0xaa9: {  	s1 =	rddreg [dreg:$0x1];
	p0 =	sne.s32 s2, $0x0  }
0xaaa: {  	s3 =	rddreg [dreg:$0x2];
	[bflag:$0x3] =	sbarrier.arrive $0xFFFF;
	s2 =	simm.s32 @!p0 $0x1C04  }
0xaab: {  	[timem:s3], [sflag:s2] =	dma.local @!p0 [hbm:s0], s1  }
0xaac: {  	s0 =	simm.s32 @!p0 $0x4  }
0xaad: {  	_ =	swait.ge @!p0 [sflag:s0], s1  }
0xaae: {  	s1 =	ssub.s32 @!p0 $0x0, s1;
	[sflag:s0] =	ssyncset.done @!p0 $0x0  }
0xaaf: {  	[sflag:s0] =	ssyncadd.s32 @!p0 s1  }
0xab0: {  	[bflag:$0x3] =	sbarrier.arrive $0xFFFF  }
0xab1: {  	_ =	shalt  }

</sc_bundles>
